<compile_context>
chip_gen: v7x
topology: tpu7x:2x2x1
jax: 0.10.2.dev20260603
libtpu: 0.0.44.dev20260713+nightly
codegen_flags: <defaults>
</compile_context>

<pallas_src>
import jax
import jax.numpy as jnp
from jax import lax
from jax.experimental import pallas as pl
from jax.experimental.pallas import tpu as pltpu
from jax.experimental.pallas import tpu_sc as plsc

N = 100000
E = 1600000
NP = 100096
NPAD = NP - N
EP = 1638400
BD = 2048
B4 = 512
NSC = 2
NT = 16
RPT = NP // NT
DROW = 6272
DLAST = NP - 15 * DROW
TL = 8 * NP - 7

_mesh = lambda: plsc.VectorSubcoreMesh(core_axis_name="c", subcore_axis_name="s")
_sc_params = lambda: pltpu.CompilerParams(use_tc_tiling_on_sc=False)


def _fill1d(ref, n16, value):
    def body(i, _):
        ref[pl.ds(i * 16, 16)] = jnp.full((16,), value, jnp.float32)
        return 0
    lax.fori_loop(0, n16, body, 0)


def _deg_body(dst_h, z1_h, out0_h, out1_h, dstb_v, ones_v, accum):
    c = lax.axis_index("c")
    s = lax.axis_index("s")
    row0 = s * DROW
    _fill1d(ones_v, BD // 16, 1.0)

    @pl.when(s < 15)
    def _():
        pltpu.sync_copy(z1_h.at[pl.ds(row0, DROW)], accum.at[pl.ds(row0, DROW)])

    @pl.when(s == 15)
    def _():
        pltpu.sync_copy(z1_h.at[pl.ds(row0, DLAST)], accum.at[pl.ds(row0, DLAST)])

    plsc.subcore_barrier()
    e0 = (c * NT + s) * (EP // (NSC * NT))
    nb = EP // (NSC * NT) // BD

    def body(j, _):
        base = pl.multiple_of(e0 + j * BD, 128)
        pltpu.sync_copy(dst_h.at[pl.ds(base, BD)], dstb_v)
        pltpu.sync_copy(ones_v, accum.at[dstb_v], add=True)
        return 0

    lax.fori_loop(0, nb, body, 0)
    plsc.subcore_barrier()
    for cc, out_h in ((0, out0_h), (1, out1_h)):
        @pl.when(c == cc)
        def _(out_h=out_h):
            @pl.when(s < 15)
            def _():
                pltpu.sync_copy(accum.at[pl.ds(row0, DROW)],
                                out_h.at[pl.ds(row0, DROW)])

            @pl.when(s == 15)
            def _():
                pltpu.sync_copy(accum.at[pl.ds(row0, DLAST)],
                                out_h.at[pl.ds(row0, DLAST)])


def _sc_degree(dst, z1):
    return pl.kernel(
        _deg_body,
        out_type=(jax.ShapeDtypeStruct((NP,), jnp.float32),
                  jax.ShapeDtypeStruct((NP,), jnp.float32)),
        mesh=_mesh(),
        compiler_params=_sc_params(),
        scratch_types=[
            pltpu.VMEM((BD,), jnp.int32),
            pltpu.VMEM((BD,), jnp.float32),
            pltpu.VMEM_SHARED((NP,), jnp.float32),
        ],
    )(dst, z1)


def _agg_pass(ed_h, tview, out_h, out_col, eb, rows, accum, sem_g, sem_s,
              e0, nb):
    s = lax.axis_index("s")
    row0 = s * RPT

    def zf(i, _):
        rows[2, i] = jnp.zeros((16,), jnp.float32)
        eb[2, 1, pl.ds((i % (B4 // 16)) * 16, 16)] = jnp.zeros((16,),
                                                              jnp.int32)
        return 0

    lax.fori_loop(0, B4, zf, 0)
    _NF = RPT // B4
    _TAIL = RPT - _NF * B4
    for r in range(_NF):
        pltpu.sync_copy(rows.at[2], accum.at[pl.ds(row0 + r * B4, B4)])
    if _TAIL:
        pltpu.sync_copy(rows.at[2].at[pl.ds(0, _TAIL)],
                        accum.at[pl.ds(row0 + _NF * B4, _TAIL)])
    plsc.subcore_barrier()

    def body(jj, _):
        p = jj % 3
        pm = (jj + 2) % 3

        @pl.when(jj >= 2)
        def _():
            pltpu.make_async_copy(rows.at[p], accum.at[eb.at[p, 1]],
                                  sem_s).wait()

        jc = jnp.minimum(jj, nb - 1)
        base = pl.multiple_of(e0 + jc * B4, 128)
        pltpu.sync_copy(ed_h.at[:, pl.ds(base, B4)], eb.at[p])
        gd = pltpu.async_copy(tview.at[eb.at[p, 0]], rows.at[p], sem_g)
        pltpu.async_copy(rows.at[pm], accum.at[eb.at[pm, 1]], sem_s,
                         add=True)
        gd.wait()
        return 0

    lax.fori_loop(0, nb + 1, body, 0)
    for _ in range(2):
        pltpu.make_async_copy(rows.at[0], accum.at[eb.at[0, 1]],
                              sem_s).wait()
    plsc.subcore_barrier()
    _NF = RPT // B4
    _TAIL = RPT - _NF * B4
    for r in range(_NF):
        pltpu.sync_copy(accum.at[pl.ds(row0 + r * B4, B4)], rows.at[0])
        pltpu.sync_copy(rows.at[0],
                        out_h.at[pl.ds(row0 + r * B4, B4),
                                 pl.ds(out_col, 16)])
    if _TAIL:
        pltpu.sync_copy(accum.at[pl.ds(row0 + _NF * B4, _TAIL)],
                        rows.at[0].at[pl.ds(0, _TAIL)])
        pltpu.sync_copy(rows.at[0].at[pl.ds(0, _TAIL)],
                        out_h.at[pl.ds(row0 + _NF * B4, _TAIL),
                                 pl.ds(out_col, 16)])


def _agg1_body(ed_h, tflat_h, out_h, eb, rows, accum, sem_g, sem_s):
    c = lax.axis_index("c")
    s = lax.axis_index("s")
    ept = EP // (NSC * NT)
    _agg_pass(ed_h, tflat_h.at[pl.ds(0, TL)], out_h, 16 * c, eb,
              rows, accum, sem_g, sem_s, (c * NT + s) * ept, ept // B4)


def _agg2_body(ed_h, tflat_h, out_h, eb, rows, accum, sem_g, sem_s):
    c = lax.axis_index("c")
    s = lax.axis_index("s")
    ept = EP // NT
    e0 = s * ept

    def chunk(k, _):
        p = 2 * c + k
        _agg_pass(ed_h, tflat_h.at[pl.ds(p, TL)], out_h, 16 * p,
                  eb, rows, accum, sem_g, sem_s, e0, ept // B4)
        return 0

    lax.fori_loop(0, 2, chunk, 0)


def _sc_agg(body, ed, tflat):
    return pl.kernel(
        body,
        out_type=jax.ShapeDtypeStruct((NP, 128), jnp.float32),
        mesh=_mesh(),
        compiler_params=_sc_params(),
        scratch_types=[
            pltpu.VMEM((3, 2, B4), jnp.int32),
            pltpu.VMEM((3, B4, 16), jnp.float32),
            pltpu.VMEM_SHARED((NP, 16), jnp.float32),
            pltpu.SemaphoreType.DMA,
            pltpu.SemaphoreType.DMA,
        ],
    )(ed, tflat)


_BN = 1088
_BNC = 1000


def _tcB_body(u1p, hs1p, gf, W1, b1, out_o):
    dinv = hs1p[:, 8:9]
    agg5 = dinv * (u1p[:, 0:5] + u1p[:, 16:21] + hs1p[:, 0:5])
    h1 = jax.nn.relu(
        jnp.dot(agg5, W1[...], preferred_element_type=jnp.float32) + b1[...])
    hs2 = dinv * h1
    i = pl.program_id(0)
    rows = i * _BN + lax.broadcasted_iota(jnp.int32, (_BN, 1), 0)
    hs2 = jnp.where(rows < N, hs2, 0.0)
    out_o[...] = jnp.concatenate(
        [hs2, dinv, gf[...], jnp.zeros((_BN, 60), jnp.float32)], axis=1)


def _tcB(u1p, hs1p, gfp, W1, b1):
    return pl.pallas_call(
        _tcB_body,
        grid=(NP // _BN,),
        in_specs=[
            pl.BlockSpec((_BN, 128), lambda i: (i, 0)),
            pl.BlockSpec((_BN, 128), lambda i: (i, 0)),
            pl.BlockSpec((_BN, 3), lambda i: (i, 0)),
            pl.BlockSpec((5, 64), lambda i: (0, 0)),
            pl.BlockSpec((64,), lambda i: (0,)),
        ],
        out_specs=pl.BlockSpec((_BN, 128), lambda i: (i, 0)),
        out_shape=jax.ShapeDtypeStruct((NP, 128), jnp.float32),
    )(u1p, hs1p, gfp, W1, b1)


def _tcC_body(u2p, hs2p, W2, b2, Wf1, bf1, Wf2, bf2, Wo, bo, out_o):
    dinv = hs2p[:, 64:65]
    gf = hs2p[:, 65:68]
    agg = dinv * (u2p[:, :64] + hs2p[:, :64])
    h2v = jax.nn.relu(
        jnp.dot(agg, W2[...], preferred_element_type=jnp.float32) + b2[...])
    t = jax.nn.relu(
        jnp.dot(h2v, Wf1[:64, :], preferred_element_type=jnp.float32)
        + jnp.dot(gf, Wf1[64:67, :], preferred_element_type=jnp.float32)
        + bf1[...])
    t = jax.nn.relu(
        jnp.dot(t, Wf2[...], preferred_element_type=jnp.float32) + bf2[...])
    out_o[...] = (
        jnp.dot(t, Wo[...], preferred_element_type=jnp.float32) + bo[...])


def _tcC(u2p, hs2p, W2, b2, Wf1, bf1, Wf2, bf2, Wo, bo):
    return pl.pallas_call(
        _tcC_body,
        grid=(N // _BNC,),
        in_specs=[
            pl.BlockSpec((_BNC, 128), lambda i: (i, 0)),
            pl.BlockSpec((_BNC, 128), lambda i: (i, 0)),
            pl.BlockSpec((64, 64), lambda i: (0, 0)),
            pl.BlockSpec((64,), lambda i: (0,)),
            pl.BlockSpec((67, 64), lambda i: (0, 0)),
            pl.BlockSpec((64,), lambda i: (0,)),
            pl.BlockSpec((64, 64), lambda i: (0, 0)),
            pl.BlockSpec((64,), lambda i: (0,)),
            pl.BlockSpec((64, 30), lambda i: (0, 0)),
            pl.BlockSpec((30,), lambda i: (0,)),
        ],
        out_specs=pl.BlockSpec((_BNC, 30), lambda i: (i, 0)),
        out_shape=jax.ShapeDtypeStruct((N, 30), jnp.float32),
    )(u2p, hs2p, W2, b2, Wf1, bf1, Wf2, bf2, Wo, bo)


def kernel(x, edge_index, globf, W1, b1, W2, b2, Wf1, bf1, Wf2, bf2, Wo, bo):
    ei = edge_index.astype(jnp.int32)
    pad_tgt = N + (jnp.arange(EP - E, dtype=jnp.int32) % NPAD)
    src = jnp.concatenate([ei[0], pad_tgt])
    dst = jnp.concatenate([ei[1], pad_tgt])
    ed = jnp.stack([src * 8, dst])
    z1 = jnp.zeros((NP,), jnp.float32)

    dg0, dg1 = _sc_degree(dst, z1)
    dinv = lax.rsqrt(dg0 + dg1 + 1.0)
    x5 = jnp.pad(x, ((0, NPAD), (0, 0)))
    hs1p = jnp.concatenate(
        [dinv[:, None] * x5, jnp.zeros((NP, 3), jnp.float32),
         dinv[:, None], jnp.zeros((NP, 119), jnp.float32)], axis=1)

    u1p = _sc_agg(_agg1_body, ed, hs1p.reshape(8 * NP, 16))
    gfp = jnp.pad(globf, ((0, NPAD), (0, 0)))
    hs2p = _tcB(u1p, hs1p, gfp, W1, b1)

    u2p = _sc_agg(_agg2_body, ed, hs2p.reshape(8 * NP, 16))
    return _tcC(u2p, hs2p, W2, b2, Wf1, bf1, Wf2, bf2, Wo, bo)

# --- scband reference (transcript-rebuilt; emitter-appended) ---
"""Pipeline reference for scband-net-88218628260670 (READ-ONLY COPY).

The authoritative reference and input builder live on the scoring server;
editing this copy changes nothing except your own understanding.
"""

import jax, jax.numpy as jnp
import numpy as np

N = 100000
E = 1600000


def gcn_conv(x, edge_index, W, b):
    # PyG GCNConv with add_self_loops=True, normalize=True, eval mode.
    src = edge_index[0]
    dst = edge_index[1]
    loop = jnp.arange(N, dtype=edge_index.dtype)
    src2 = jnp.concatenate([src, loop])
    dst2 = jnp.concatenate([dst, loop])
    deg = jnp.zeros((N,), dtype=x.dtype).at[dst2].add(1.0)
    d_inv_sqrt = jnp.where(deg > 0, deg ** -0.5, 0.0)
    norm = d_inv_sqrt[src2] * d_inv_sqrt[dst2]
    h = x @ W  # linear transform first (out_channels small)
    msg = norm[:, None] * jnp.take(h, src2, axis=0)
    out = jax.ops.segment_sum(msg, dst2, num_segments=N)
    return out + b


def setup_inputs(seed: int = 0) -> dict:
    key = jax.random.key(seed)
    ks = jax.random.split(key, 16)
    x = jax.random.normal(ks[0], (N, 5), dtype=jnp.float32)
    edge_index = jax.random.randint(ks[1], (2, E), 0, N, dtype=jnp.int64)
    globf = jax.random.normal(ks[2], (N, 3), dtype=jnp.float32)
    W1 = jax.random.normal(ks[3], (5, 64), dtype=jnp.float32) * 0.3
    b1 = jnp.zeros((64,), dtype=jnp.float32)
    W2 = jax.random.normal(ks[4], (64, 64), dtype=jnp.float32) * 0.1
    b2 = jnp.zeros((64,), dtype=jnp.float32)
    Wf1 = jax.random.normal(ks[5], (67, 64), dtype=jnp.float32) * 0.1
    bf1 = jnp.zeros((64,), dtype=jnp.float32)
    Wf2 = jax.random.normal(ks[6], (64, 64), dtype=jnp.float32) * 0.1
    bf2 = jnp.zeros((64,), dtype=jnp.float32)
    Wo = jax.random.normal(ks[7], (64, 30), dtype=jnp.float32) * 0.1
    bo = jnp.zeros((30,), dtype=jnp.float32)
    return {"x": x, "edge_index": edge_index, "globf": globf,
            "W1": W1, "b1": b1, "W2": W2, "b2": b2,
            "Wf1": Wf1, "bf1": bf1, "Wf2": Wf2, "bf2": bf2,
            "Wo": Wo, "bo": bo}


def reference(x, edge_index, globf, W1, b1, W2, b2, Wf1, bf1, Wf2, bf2, Wo, bo):
    h = jax.nn.relu(gcn_conv(x, edge_index, W1, b1))
    # dropout is identity in eval mode
    h = jax.nn.relu(gcn_conv(h, edge_index, W2, b2))
    h = jnp.concatenate([h, globf], axis=1)
    h = jax.nn.relu(h @ Wf1 + bf1)
    h = jax.nn.relu(h @ Wf2 + bf2)
    out = h @ Wo + bo
    return out

if __name__ == "__main__":
    import jax
    _d = setup_inputs()
    print(jax.jit(kernel)(*tuple(_d.values())))

</pallas_src>

<mosaic_0001>
#map = affine_map<(d0, d1) -> (0, 0)>
module attributes {stable_mosaic.version = 14 : i64} {
  func.func @_agg1_body(%arg0: i32, %arg1: i32, %arg2: memref<2x1638400xi32, #tpu.memory_space<hbm>>, %arg3: memref<800768x16xf32, #tpu.memory_space<hbm>>, %arg4: memref<100096x128xf32, #tpu.memory_space<hbm>>, %arg5: memref<3x2x512xi32, #tpu.memory_space<vmem>>, %arg6: memref<3x512x16xf32, #tpu.memory_space<vmem>>, %arg7: memref<100096x16xf32, #tpu.memory_space<vmem_shared>>, %arg8: memref<!tpu.dma_semaphore, #tpu.memory_space<semaphore_mem>>, %arg9: memref<!tpu.dma_semaphore, #tpu.memory_space<semaphore_mem>>) attributes {dimension_semantics = [#tpu.dimension_semantics<core_parallel>, #tpu.dimension_semantics<subcore_parallel>], iteration_bounds = array<i64: 2, 16>, scalar_prefetch = 0 : i64, scratch_operands = 5 : i64, tpu.core_type = #tpu.core_type<sc_vector_subcore>, window_params = [{transform_indices = #map}, {transform_indices = #map}, {transform_indices = #map}]} {
    %mul3A = arith.constant 16 : i32
    %mul3A_0 = arith.muli %mul3A, %arg0 : i32
    %mul3A_1 = arith.constant 16 : i32
    %mul3A_2 = arith.muli %arg0, %mul3A_1 : i32
    %add3A = arith.addi %mul3A_2, %arg1 : i32
    %mul3A_3 = arith.constant 51200 : i32
    %mul3A_4 = arith.muli %add3A, %mul3A_3 : i32
    %mul3A_5 = arith.constant 6256 : i32
    %mul3A_6 = arith.muli %arg1, %mul3A_5 : i32
    %scan3A = arith.constant 0 : i32
    %scan3A_7 = arith.constant 0 : i32
    %scan3A_8 = arith.constant 512 : i32
    %scan3A_9 = arith.addi %scan3A_7, %scan3A_8 : i32
    %scan3A_10 = arith.constant 1 : i32
    %scan3A_11 = scf.for %scan3A_162 = %scan3A_7 to %scan3A_9 step %scan3A_10 iter_args(%scan3A_163 = %scan3A) -> (i32)  : i32 {
      %broadcast_in_dim3A = arith.constant 0.000000e+00 : f32
      %broadcast_in_dim3A_164 = vector.broadcast %broadcast_in_dim3A : f32 to vector<16xf32>
      %swap3A = arith.constant 2 : i32
      %swap3A_165 = arith.index_cast %swap3A : i32 to index
      %swap3A_166 = arith.index_cast %scan3A_162 : i32 to index
      %swap3A_167 = arith.constant 0 : index
      %swap3A_168 = tpu.vector_load %arg6[%swap3A_165, %swap3A_166, %swap3A_167] {strides = array<i32>} : memref<3x512x16xf32, #tpu.memory_space<vmem>>, vector<1x1x16xf32>,
      %swap3A_169 = vector.shape_cast %swap3A_168 : vector<1x1x16xf32> to vector<16xf32>
      %swap3A_170 = vector.shape_cast %broadcast_in_dim3A_164 : vector<16xf32> to vector<1x1x16xf32>
      tpu.vector_store %arg6[%swap3A_165, %swap3A_166, %swap3A_167], %swap3A_170 {strides = array<i32>} : memref<3x512x16xf32, #tpu.memory_space<vmem>>, vector<1x1x16xf32>,
      %broadcast_in_dim3A_171 = arith.constant 0 : i32
      %broadcast_in_dim3A_172 = vector.broadcast %broadcast_in_dim3A_171 : i32 to vector<16xi32>
      %jit3A = arith.constant 32 : i32
      %eq3A = arith.constant 0 : i32
      %eq3A_173 = arith.cmpi eq, %jit3A, %eq3A : i32
      %jit3A_174 = arith.constant 1 : i32
      %select_n3A = arith.select %eq3A_173, %jit3A_174, %jit3A : i32
      %rem3A = arith.remsi %scan3A_162, %select_n3A : i32
      %ne3A = arith.constant 0 : i32
      %ne3A_175 = arith.cmpi ne, %rem3A, %ne3A : i32
      %lt3A = arith.constant 0 : i32
      %lt3A_176 = arith.cmpi slt, %rem3A, %lt3A : i32
      %lt3A_177 = arith.constant 0 : i32
      %lt3A_178 = arith.cmpi slt, %select_n3A, %lt3A_177 : i32
      %ne3A_179 = arith.xori %lt3A_176, %lt3A_178 : i1
      %and3A = arith.andi %ne3A_179, %ne3A_175 : i1
      %add3A_180 = arith.addi %rem3A, %select_n3A : i32
      %select_n3A_181 = arith.select %and3A, %add3A_180, %rem3A : i32
      %mul3A_182 = arith.constant 16 : i32
      %mul3A_183 = arith.muli %select_n3A_181, %mul3A_182 : i32
      %swap3A_184 = arith.constant 2 : i32
      %swap3A_185 = arith.constant 1 : i32
      %swap3A_186 = arith.index_cast %swap3A_184 : i32 to index
      %swap3A_187 = arith.index_cast %swap3A_185 : i32 to index
      %swap3A_188 = arith.index_cast %mul3A_183 : i32 to index
      %swap3A_189 = tpu.vector_load %arg5[%swap3A_186, %swap3A_187, %swap3A_188] {strides = array<i32>} : memref<3x2x512xi32, #tpu.memory_space<vmem>>, vector<1x1x16xi32>,
      %swap3A_190 = vector.shape_cast %swap3A_189 : vector<1x1x16xi32> to vector<16xi32>
      %swap3A_191 = vector.shape_cast %broadcast_in_dim3A_172 : vector<16xi32> to vector<1x1x16xi32>
      tpu.vector_store %arg5[%swap3A_186, %swap3A_187, %swap3A_188], %swap3A_191 {strides = array<i32>} : memref<3x2x512xi32, #tpu.memory_space<vmem>>, vector<1x1x16xi32>,
      %scan3A_192 = arith.constant 0 : i32
      scf.yield %scan3A_192 : i32
    }
    %scan3A_12 = arith.constant 512 : i32
    %add3A_13 = arith.constant 0 : i32
    %add3A_14 = arith.addi %mul3A_6, %add3A_13 : i32
    %run_scoped3A = arith.constant 2 : i32
    "tpu.region"() ({
      %run_scoped3A_162 = tpu.sem_alloc : memref<!tpu.dma_semaphore, #tpu.memory_space<semaphore_mem>>
      %dma_start3A = arith.constant 0 : i32
      %dma_start3A_163 = arith.constant 0 : i32
      %dma_start3A_164 = tpu.memref_slice %arg6[%run_scoped3A, %dma_start3A, %dma_start3A_163] : memref<3x512x16xf32, #tpu.memory_space<vmem>> -> memref<1x512x16xf32, #tpu.memory_space<vmem>>
      %dma_start3A_165 = tpu.memref_squeeze %dma_start3A_164 : memref<1x512x16xf32, #tpu.memory_space<vmem>> -> memref<512x16xf32, #tpu.memory_space<vmem>>
      %dma_start3A_166 = arith.constant 0 : i32
      %dma_start3A_167 = tpu.memref_slice %arg7[%add3A_14, %dma_start3A_166] : memref<100096x16xf32, #tpu.memory_space<vmem_shared>> -> memref<512x16xf32, #tpu.memory_space<vmem_shared>>
      %dma_start3A_168 = arith.constant 0 : i32
      %dma_start3A_169 = tpu.memref_slice %arg7[%add3A_14, %dma_start3A_168] : memref<100096x16xf32, #tpu.memory_space<vmem_shared>> -> memref<512x16xf32, #tpu.memory_space<vmem_shared>>
      %dma_start3A_170 = arith.constant 0 : i32
      %dma_start3A_171 = arith.constant 0 : i32
      %dma_start3A_172 = tpu.memref_slice %arg6[%run_scoped3A, %dma_start3A_170, %dma_start3A_171] : memref<3x512x16xf32, #tpu.memory_space<vmem>> -> memref<1x512x16xf32, #tpu.memory_space<vmem>>
      %dma_start3A_173 = tpu.memref_squeeze %dma_start3A_172 : memref<1x512x16xf32, #tpu.memory_space<vmem>> -> memref<512x16xf32, #tpu.memory_space<vmem>>
      tpu.enqueue_dma source(%dma_start3A_173 : memref<512x16xf32, #tpu.memory_space<vmem>>) target(%dma_start3A_169 : memref<512x16xf32, #tpu.memory_space<vmem_shared>>) target_semaphore(%run_scoped3A_162 : memref<!tpu.dma_semaphore, #tpu.memory_space<semaphore_mem>>)
      %dma_wait3A_174 = arith.constant 0 : i32
      %dma_wait3A_175 = arith.constant 0 : i32
      %dma_wait3A_176 = tpu.memref_slice %arg6[%run_scoped3A, %dma_wait3A_174, %dma_wait3A_175] : memref<3x512x16xf32, #tpu.memory_space<vmem>> -> memref<1x512x16xf32, #tpu.memory_space<vmem>>
      %dma_wait3A_177 = tpu.memref_squeeze %dma_wait3A_176 : memref<1x512x16xf32, #tpu.memory_space<vmem>> -> memref<512x16xf32, #tpu.memory_space<vmem>>
      %dma_wait3A_178 = arith.constant 0 : i32
      %dma_wait3A_179 = tpu.memref_slice %arg7[%add3A_14, %dma_wait3A_178] : memref<100096x16xf32, #tpu.memory_space<vmem_shared>> -> memref<512x16xf32, #tpu.memory_space<vmem_shared>>
      %dma_wait3A_180 = arith.constant 0 : i32
      %dma_wait3A_181 = tpu.memref_slice %arg7[%add3A_14, %dma_wait3A_180] : memref<100096x16xf32, #tpu.memory_space<vmem_shared>> -> memref<512x16xf32, #tpu.memory_space<vmem_shared>>
      %dma_wait3A_182 = arith.constant 0 : i32
      %dma_wait3A_183 = arith.constant 0 : i32
      %dma_wait3A_184 = tpu.memref_slice %arg6[%run_scoped3A, %dma_wait3A_182, %dma_wait3A_183] : memref<3x512x16xf32, #tpu.memory_space<vmem>> -> memref<1x512x16xf32, #tpu.memory_space<vmem>>
      %dma_wait3A_185 = tpu.memref_squeeze %dma_wait3A_184 : memref<1x512x16xf32, #tpu.memory_space<vmem>> -> memref<512x16xf32, #tpu.memory_space<vmem>>
      tpu.wait_dma2 semaphore(%run_scoped3A_162 : memref<!tpu.dma_semaphore, #tpu.memory_space<semaphore_mem>>) src(%dma_wait3A_185 : memref<512x16xf32, #tpu.memory_space<vmem>>) dst(%dma_wait3A_181 : memref<512x16xf32, #tpu.memory_space<vmem_shared>>)
      tpu.yield
    }) : () -> ()
    %add3A_15 = arith.constant 512 : i32
    %add3A_16 = arith.addi %mul3A_6, %add3A_15 : i32
    %run_scoped3A_17 = arith.constant 2 : i32
    "tpu.region"() ({
      %run_scoped3A_162 = tpu.sem_alloc : memref<!tpu.dma_semaphore, #tpu.memory_space<semaphore_mem>>
      %dma_start3A = arith.constant 0 : i32
      %dma_start3A_163 = arith.constant 0 : i32
      %dma_start3A_164 = tpu.memref_slice %arg6[%run_scoped3A_17, %dma_start3A, %dma_start3A_163] : memref<3x512x16xf32, #tpu.memory_space<vmem>> -> memref<1x512x16xf32, #tpu.memory_space<vmem>>
      %dma_start3A_165 = tpu.memref_squeeze %dma_start3A_164 : memref<1x512x16xf32, #tpu.memory_space<vmem>> -> memref<512x16xf32, #tpu.memory_space<vmem>>
      %dma_start3A_166 = arith.constant 0 : i32
      %dma_start3A_167 = tpu.memref_slice %arg7[%add3A_16, %dma_start3A_166] : memref<100096x16xf32, #tpu.memory_space<vmem_shared>> -> memref<512x16xf32, #tpu.memory_space<vmem_shared>>
      %dma_start3A_168 = arith.constant 0 : i32
      %dma_start3A_169 = tpu.memref_slice %arg7[%add3A_16, %dma_start3A_168] : memref<100096x16xf32, #tpu.memory_space<vmem_shared>> -> memref<512x16xf32, #tpu.memory_space<vmem_shared>>
      %dma_start3A_170 = arith.constant 0 : i32
      %dma_start3A_171 = arith.constant 0 : i32
      %dma_start3A_172 = tpu.memref_slice %arg6[%run_scoped3A_17, %dma_start3A_170, %dma_start3A_171] : memref<3x512x16xf32, #tpu.memory_space<vmem>> -> memref<1x512x16xf32, #tpu.memory_space<vmem>>
      %dma_start3A_173 = tpu.memref_squeeze %dma_start3A_172 : memref<1x512x16xf32, #tpu.memory_space<vmem>> -> memref<512x16xf32, #tpu.memory_space<vmem>>
      tpu.enqueue_dma source(%dma_start3A_173 : memref<512x16xf32, #tpu.memory_space<vmem>>) target(%dma_start3A_169 : memref<512x16xf32, #tpu.memory_space<vmem_shared>>) target_semaphore(%run_scoped3A_162 : memref<!tpu.dma_semaphore, #tpu.memory_space<semaphore_mem>>)
      %dma_wait3A_174 = arith.constant 0 : i32
      %dma_wait3A_175 = arith.constant 0 : i32
      %dma_wait3A_176 = tpu.memref_slice %arg6[%run_scoped3A_17, %dma_wait3A_174, %dma_wait3A_175] : memref<3x512x16xf32, #tpu.memory_space<vmem>> -> memref<1x512x16xf32, #tpu.memory_space<vmem>>
      %dma_wait3A_177 = tpu.memref_squeeze %dma_wait3A_176 : memref<1x512x16xf32, #tpu.memory_space<vmem>> -> memref<512x16xf32, #tpu.memory_space<vmem>>
      %dma_wait3A_178 = arith.constant 0 : i32
      %dma_wait3A_179 = tpu.memref_slice %arg7[%add3A_16, %dma_wait3A_178] : memref<100096x16xf32, #tpu.memory_space<vmem_shared>> -> memref<512x16xf32, #tpu.memory_space<vmem_shared>>
      %dma_wait3A_180 = arith.constant 0 : i32
      %dma_wait3A_181 = tpu.memref_slice %arg7[%add3A_16, %dma_wait3A_180] : memref<100096x16xf32, #tpu.memory_space<vmem_shared>> -> memref<512x16xf32, #tpu.memory_space<vmem_shared>>
      %dma_wait3A_182 = arith.constant 0 : i32
      %dma_wait3A_183 = arith.constant 0 : i32
      %dma_wait3A_184 = tpu.memref_slice %arg6[%run_scoped3A_17, %dma_wait3A_182, %dma_wait3A_183] : memref<3x512x16xf32, #tpu.memory_space<vmem>> -> memref<1x512x16xf32, #tpu.memory_space<vmem>>
      %dma_wait3A_185 = tpu.memref_squeeze %dma_wait3A_184 : memref<1x512x16xf32, #tpu.memory_space<vmem>> -> memref<512x16xf32, #tpu.memory_space<vmem>>
      tpu.wait_dma2 semaphore(%run_scoped3A_162 : memref<!tpu.dma_semaphore, #tpu.memory_space<semaphore_mem>>) src(%dma_wait3A_185 : memref<512x16xf32, #tpu.memory_space<vmem>>) dst(%dma_wait3A_181 : memref<512x16xf32, #tpu.memory_space<vmem_shared>>)
      tpu.yield
    }) : () -> ()
    %add3A_18 = arith.constant 1024 : i32
    %add3A_19 = arith.addi %mul3A_6, %add3A_18 : i32
    %run_scoped3A_20 = arith.constant 2 : i32
    "tpu.region"() ({
      %run_scoped3A_162 = tpu.sem_alloc : memref<!tpu.dma_semaphore, #tpu.memory_space<semaphore_mem>>
      %dma_start3A = arith.constant 0 : i32
      %dma_start3A_163 = arith.constant 0 : i32
      %dma_start3A_164 = tpu.memref_slice %arg6[%run_scoped3A_20, %dma_start3A, %dma_start3A_163] : memref<3x512x16xf32, #tpu.memory_space<vmem>> -> memref<1x512x16xf32, #tpu.memory_space<vmem>>
      %dma_start3A_165 = tpu.memref_squeeze %dma_start3A_164 : memref<1x512x16xf32, #tpu.memory_space<vmem>> -> memref<512x16xf32, #tpu.memory_space<vmem>>
      %dma_start3A_166 = arith.constant 0 : i32
      %dma_start3A_167 = tpu.memref_slice %arg7[%add3A_19, %dma_start3A_166] : memref<100096x16xf32, #tpu.memory_space<vmem_shared>> -> memref<512x16xf32, #tpu.memory_space<vmem_shared>>
      %dma_start3A_168 = arith.constant 0 : i32
      %dma_start3A_169 = tpu.memref_slice %arg7[%add3A_19, %dma_start3A_168] : memref<100096x16xf32, #tpu.memory_space<vmem_shared>> -> memref<512x16xf32, #tpu.memory_space<vmem_shared>>
      %dma_start3A_170 = arith.constant 0 : i32
      %dma_start3A_171 = arith.constant 0 : i32
      %dma_start3A_172 = tpu.memref_slice %arg6[%run_scoped3A_20, %dma_start3A_170, %dma_start3A_171] : memref<3x512x16xf32, #tpu.memory_space<vmem>> -> memref<1x512x16xf32, #tpu.memory_space<vmem>>
      %dma_start3A_173 = tpu.memref_squeeze %dma_start3A_172 : memref<1x512x16xf32, #tpu.memory_space<vmem>> -> memref<512x16xf32, #tpu.memory_space<vmem>>
      tpu.enqueue_dma source(%dma_start3A_173 : memref<512x16xf32, #tpu.memory_space<vmem>>) target(%dma_start3A_169 : memref<512x16xf32, #tpu.memory_space<vmem_shared>>) target_semaphore(%run_scoped3A_162 : memref<!tpu.dma_semaphore, #tpu.memory_space<semaphore_mem>>)
      %dma_wait3A_174 = arith.constant 0 : i32
      %dma_wait3A_175 = arith.constant 0 : i32
      %dma_wait3A_176 = tpu.memref_slice %arg6[%run_scoped3A_20, %dma_wait3A_174, %dma_wait3A_175] : memref<3x512x16xf32, #tpu.memory_space<vmem>> -> memref<1x512x16xf32, #tpu.memory_space<vmem>>
      %dma_wait3A_177 = tpu.memref_squeeze %dma_wait3A_176 : memref<1x512x16xf32, #tpu.memory_space<vmem>> -> memref<512x16xf32, #tpu.memory_space<vmem>>
      %dma_wait3A_178 = arith.constant 0 : i32
      %dma_wait3A_179 = tpu.memref_slice %arg7[%add3A_19, %dma_wait3A_178] : memref<100096x16xf32, #tpu.memory_space<vmem_shared>> -> memref<512x16xf32, #tpu.memory_space<vmem_shared>>
      %dma_wait3A_180 = arith.constant 0 : i32
      %dma_wait3A_181 = tpu.memref_slice %arg7[%add3A_19, %dma_wait3A_180] : memref<100096x16xf32, #tpu.memory_space<vmem_shared>> -> memref<512x16xf32, #tpu.memory_space<vmem_shared>>
      %dma_wait3A_182 = arith.constant 0 : i32
      %dma_wait3A_183 = arith.constant 0 : i32
      %dma_wait3A_184 = tpu.memref_slice %arg6[%run_scoped3A_20, %dma_wait3A_182, %dma_wait3A_183] : memref<3x512x16xf32, #tpu.memory_space<vmem>> -> memref<1x512x16xf32, #tpu.memory_space<vmem>>
      %dma_wait3A_185 = tpu.memref_squeeze %dma_wait3A_184 : memref<1x512x16xf32, #tpu.memory_space<vmem>> -> memref<512x16xf32, #tpu.memory_space<vmem>>
      tpu.wait_dma2 semaphore(%run_scoped3A_162 : memref<!tpu.dma_semaphore, #tpu.memory_space<semaphore_mem>>) src(%dma_wait3A_185 : memref<512x16xf32, #tpu.memory_space<vmem>>) dst(%dma_wait3A_181 : memref<512x16xf32, #tpu.memory_space<vmem_shared>>)
      tpu.yield
    }) : () -> ()
    %add3A_21 = arith.constant 1536 : i32
    %add3A_22 = arith.addi %mul3A_6, %add3A_21 : i32
    %run_scoped3A_23 = arith.constant 2 : i32
    "tpu.region"() ({
      %run_scoped3A_162 = tpu.sem_alloc : memref<!tpu.dma_semaphore, #tpu.memory_space<semaphore_mem>>
      %dma_start3A = arith.constant 0 : i32
      %dma_start3A_163 = arith.constant 0 : i32
      %dma_start3A_164 = tpu.memref_slice %arg6[%run_scoped3A_23, %dma_start3A, %dma_start3A_163] : memref<3x512x16xf32, #tpu.memory_space<vmem>> -> memref<1x512x16xf32, #tpu.memory_space<vmem>>
      %dma_start3A_165 = tpu.memref_squeeze %dma_start3A_164 : memref<1x512x16xf32, #tpu.memory_space<vmem>> -> memref<512x16xf32, #tpu.memory_space<vmem>>
      %dma_start3A_166 = arith.constant 0 : i32
      %dma_start3A_167 = tpu.memref_slice %arg7[%add3A_22, %dma_start3A_166] : memref<100096x16xf32, #tpu.memory_space<vmem_shared>> -> memref<512x16xf32, #tpu.memory_space<vmem_shared>>
      %dma_start3A_168 = arith.constant 0 : i32
      %dma_start3A_169 = tpu.memref_slice %arg7[%add3A_22, %dma_start3A_168] : memref<100096x16xf32, #tpu.memory_space<vmem_shared>> -> memref<512x16xf32, #tpu.memory_space<vmem_shared>>
      %dma_start3A_170 = arith.constant 0 : i32
      %dma_start3A_171 = arith.constant 0 : i32
      %dma_start3A_172 = tpu.memref_slice %arg6[%run_scoped3A_23, %dma_start3A_170, %dma_start3A_171] : memref<3x512x16xf32, #tpu.memory_space<vmem>> -> memref<1x512x16xf32, #tpu.memory_space<vmem>>
      %dma_start3A_173 = tpu.memref_squeeze %dma_start3A_172 : memref<1x512x16xf32, #tpu.memory_space<vmem>> -> memref<512x16xf32, #tpu.memory_space<vmem>>
      tpu.enqueue_dma source(%dma_start3A_173 : memref<512x16xf32, #tpu.memory_space<vmem>>) target(%dma_start3A_169 : memref<512x16xf32, #tpu.memory_space<vmem_shared>>) target_semaphore(%run_scoped3A_162 : memref<!tpu.dma_semaphore, #tpu.memory_space<semaphore_mem>>)
      %dma_wait3A_174 = arith.constant 0 : i32
      %dma_wait3A_175 = arith.constant 0 : i32
      %dma_wait3A_176 = tpu.memref_slice %arg6[%run_scoped3A_23, %dma_wait3A_174, %dma_wait3A_175] : memref<3x512x16xf32, #tpu.memory_space<vmem>> -> memref<1x512x16xf32, #tpu.memory_space<vmem>>
      %dma_wait3A_177 = tpu.memref_squeeze %dma_wait3A_176 : memref<1x512x16xf32, #tpu.memory_space<vmem>> -> memref<512x16xf32, #tpu.memory_space<vmem>>
      %dma_wait3A_178 = arith.constant 0 : i32
      %dma_wait3A_179 = tpu.memref_slice %arg7[%add3A_22, %dma_wait3A_178] : memref<100096x16xf32, #tpu.memory_space<vmem_shared>> -> memref<512x16xf32, #tpu.memory_space<vmem_shared>>
      %dma_wait3A_180 = arith.constant 0 : i32
      %dma_wait3A_181 = tpu.memref_slice %arg7[%add3A_22, %dma_wait3A_180] : memref<100096x16xf32, #tpu.memory_space<vmem_shared>> -> memref<512x16xf32, #tpu.memory_space<vmem_shared>>
      %dma_wait3A_182 = arith.constant 0 : i32
      %dma_wait3A_183 = arith.constant 0 : i32
      %dma_wait3A_184 = tpu.memref_slice %arg6[%run_scoped3A_23, %dma_wait3A_182, %dma_wait3A_183] : memref<3x512x16xf32, #tpu.memory_space<vmem>> -> memref<1x512x16xf32, #tpu.memory_space<vmem>>
      %dma_wait3A_185 = tpu.memref_squeeze %dma_wait3A_184 : memref<1x512x16xf32, #tpu.memory_space<vmem>> -> memref<512x16xf32, #tpu.memory_space<vmem>>
      tpu.wait_dma2 semaphore(%run_scoped3A_162 : memref<!tpu.dma_semaphore, #tpu.memory_space<semaphore_mem>>) src(%dma_wait3A_185 : memref<512x16xf32, #tpu.memory_space<vmem>>) dst(%dma_wait3A_181 : memref<512x16xf32, #tpu.memory_space<vmem_shared>>)
      tpu.yield
    }) : () -> ()
    %add3A_24 = arith.constant 2048 : i32
    %add3A_25 = arith.addi %mul3A_6, %add3A_24 : i32
    %run_scoped3A_26 = arith.constant 2 : i32
    "tpu.region"() ({
      %run_scoped3A_162 = tpu.sem_alloc : memref<!tpu.dma_semaphore, #tpu.memory_space<semaphore_mem>>
      %dma_start3A = arith.constant 0 : i32
      %dma_start3A_163 = arith.constant 0 : i32
      %dma_start3A_164 = tpu.memref_slice %arg6[%run_scoped3A_26, %dma_start3A, %dma_start3A_163] : memref<3x512x16xf32, #tpu.memory_space<vmem>> -> memref<1x512x16xf32, #tpu.memory_space<vmem>>
      %dma_start3A_165 = tpu.memref_squeeze %dma_start3A_164 : memref<1x512x16xf32, #tpu.memory_space<vmem>> -> memref<512x16xf32, #tpu.memory_space<vmem>>
      %dma_start3A_166 = arith.constant 0 : i32
      %dma_start3A_167 = tpu.memref_slice %arg7[%add3A_25, %dma_start3A_166] : memref<100096x16xf32, #tpu.memory_space<vmem_shared>> -> memref<512x16xf32, #tpu.memory_space<vmem_shared>>
      %dma_start3A_168 = arith.constant 0 : i32
      %dma_start3A_169 = tpu.memref_slice %arg7[%add3A_25, %dma_start3A_168] : memref<100096x16xf32, #tpu.memory_space<vmem_shared>> -> memref<512x16xf32, #tpu.memory_space<vmem_shared>>
      %dma_start3A_170 = arith.constant 0 : i32
      %dma_start3A_171 = arith.constant 0 : i32
      %dma_start3A_172 = tpu.memref_slice %arg6[%run_scoped3A_26, %dma_start3A_170, %dma_start3A_171] : memref<3x512x16xf32, #tpu.memory_space<vmem>> -> memref<1x512x16xf32, #tpu.memory_space<vmem>>
      %dma_start3A_173 = tpu.memref_squeeze %dma_start3A_172 : memref<1x512x16xf32, #tpu.memory_space<vmem>> -> memref<512x16xf32, #tpu.memory_space<vmem>>
      tpu.enqueue_dma source(%dma_start3A_173 : memref<512x16xf32, #tpu.memory_space<vmem>>) target(%dma_start3A_169 : memref<512x16xf32, #tpu.memory_space<vmem_shared>>) target_semaphore(%run_scoped3A_162 : memref<!tpu.dma_semaphore, #tpu.memory_space<semaphore_mem>>)
      %dma_wait3A_174 = arith.constant 0 : i32
      %dma_wait3A_175 = arith.constant 0 : i32
      %dma_wait3A_176 = tpu.memref_slice %arg6[%run_scoped3A_26, %dma_wait3A_174, %dma_wait3A_175] : memref<3x512x16xf32, #tpu.memory_space<vmem>> -> memref<1x512x16xf32, #tpu.memory_space<vmem>>
      %dma_wait3A_177 = tpu.memref_squeeze %dma_wait3A_176 : memref<1x512x16xf32, #tpu.memory_space<vmem>> -> memref<512x16xf32, #tpu.memory_space<vmem>>
      %dma_wait3A_178 = arith.constant 0 : i32
      %dma_wait3A_179 = tpu.memref_slice %arg7[%add3A_25, %dma_wait3A_178] : memref<100096x16xf32, #tpu.memory_space<vmem_shared>> -> memref<512x16xf32, #tpu.memory_space<vmem_shared>>
      %dma_wait3A_180 = arith.constant 0 : i32
      %dma_wait3A_181 = tpu.memref_slice %arg7[%add3A_25, %dma_wait3A_180] : memref<100096x16xf32, #tpu.memory_space<vmem_shared>> -> memref<512x16xf32, #tpu.memory_space<vmem_shared>>
      %dma_wait3A_182 = arith.constant 0 : i32
      %dma_wait3A_183 = arith.constant 0 : i32
      %dma_wait3A_184 = tpu.memref_slice %arg6[%run_scoped3A_26, %dma_wait3A_182, %dma_wait3A_183] : memref<3x512x16xf32, #tpu.memory_space<vmem>> -> memref<1x512x16xf32, #tpu.memory_space<vmem>>
      %dma_wait3A_185 = tpu.memref_squeeze %dma_wait3A_184 : memref<1x512x16xf32, #tpu.memory_space<vmem>> -> memref<512x16xf32, #tpu.memory_space<vmem>>
      tpu.wait_dma2 semaphore(%run_scoped3A_162 : memref<!tpu.dma_semaphore, #tpu.memory_space<semaphore_mem>>) src(%dma_wait3A_185 : memref<512x16xf32, #tpu.memory_space<vmem>>) dst(%dma_wait3A_181 : memref<512x16xf32, #tpu.memory_space<vmem_shared>>)
      tpu.yield
    }) : () -> ()
    %add3A_27 = arith.constant 2560 : i32
    %add3A_28 = arith.addi %mul3A_6, %add3A_27 : i32
    %run_scoped3A_29 = arith.constant 2 : i32
    "tpu.region"() ({
      %run_scoped3A_162 = tpu.sem_alloc : memref<!tpu.dma_semaphore, #tpu.memory_space<semaphore_mem>>
      %dma_start3A = arith.constant 0 : i32
      %dma_start3A_163 = arith.constant 0 : i32
      %dma_start3A_164 = tpu.memref_slice %arg6[%run_scoped3A_29, %dma_start3A, %dma_start3A_163] : memref<3x512x16xf32, #tpu.memory_space<vmem>> -> memref<1x512x16xf32, #tpu.memory_space<vmem>>
      %dma_start3A_165 = tpu.memref_squeeze %dma_start3A_164 : memref<1x512x16xf32, #tpu.memory_space<vmem>> -> memref<512x16xf32, #tpu.memory_space<vmem>>
      %dma_start3A_166 = arith.constant 0 : i32
      %dma_start3A_167 = tpu.memref_slice %arg7[%add3A_28, %dma_start3A_166] : memref<100096x16xf32, #tpu.memory_space<vmem_shared>> -> memref<512x16xf32, #tpu.memory_space<vmem_shared>>
      %dma_start3A_168 = arith.constant 0 : i32
      %dma_start3A_169 = tpu.memref_slice %arg7[%add3A_28, %dma_start3A_168] : memref<100096x16xf32, #tpu.memory_space<vmem_shared>> -> memref<512x16xf32, #tpu.memory_space<vmem_shared>>
      %dma_start3A_170 = arith.constant 0 : i32
      %dma_start3A_171 = arith.constant 0 : i32
      %dma_start3A_172 = tpu.memref_slice %arg6[%run_scoped3A_29, %dma_start3A_170, %dma_start3A_171] : memref<3x512x16xf32, #tpu.memory_space<vmem>> -> memref<1x512x16xf32, #tpu.memory_space<vmem>>
      %dma_start3A_173 = tpu.memref_squeeze %dma_start3A_172 : memref<1x512x16xf32, #tpu.memory_space<vmem>> -> memref<512x16xf32, #tpu.memory_space<vmem>>
      tpu.enqueue_dma source(%dma_start3A_173 : memref<512x16xf32, #tpu.memory_space<vmem>>) target(%dma_start3A_169 : memref<512x16xf32, #tpu.memory_space<vmem_shared>>) target_semaphore(%run_scoped3A_162 : memref<!tpu.dma_semaphore, #tpu.memory_space<semaphore_mem>>)
      %dma_wait3A_174 = arith.constant 0 : i32
      %dma_wait3A_175 = arith.constant 0 : i32
      %dma_wait3A_176 = tpu.memref_slice %arg6[%run_scoped3A_29, %dma_wait3A_174, %dma_wait3A_175] : memref<3x512x16xf32, #tpu.memory_space<vmem>> -> memref<1x512x16xf32, #tpu.memory_space<vmem>>
      %dma_wait3A_177 = tpu.memref_squeeze %dma_wait3A_176 : memref<1x512x16xf32, #tpu.memory_space<vmem>> -> memref<512x16xf32, #tpu.memory_space<vmem>>
      %dma_wait3A_178 = arith.constant 0 : i32
      %dma_wait3A_179 = tpu.memref_slice %arg7[%add3A_28, %dma_wait3A_178] : memref<100096x16xf32, #tpu.memory_space<vmem_shared>> -> memref<512x16xf32, #tpu.memory_space<vmem_shared>>
      %dma_wait3A_180 = arith.constant 0 : i32
      %dma_wait3A_181 = tpu.memref_slice %arg7[%add3A_28, %dma_wait3A_180] : memref<100096x16xf32, #tpu.memory_space<vmem_shared>> -> memref<512x16xf32, #tpu.memory_space<vmem_shared>>
      %dma_wait3A_182 = arith.constant 0 : i32
      %dma_wait3A_183 = arith.constant 0 : i32
      %dma_wait3A_184 = tpu.memref_slice %arg6[%run_scoped3A_29, %dma_wait3A_182, %dma_wait3A_183] : memref<3x512x16xf32, #tpu.memory_space<vmem>> -> memref<1x512x16xf32, #tpu.memory_space<vmem>>
      %dma_wait3A_185 = tpu.memref_squeeze %dma_wait3A_184 : memref<1x512x16xf32, #tpu.memory_space<vmem>> -> memref<512x16xf32, #tpu.memory_space<vmem>>
      tpu.wait_dma2 semaphore(%run_scoped3A_162 : memref<!tpu.dma_semaphore, #tpu.memory_space<semaphore_mem>>) src(%dma_wait3A_185 : memref<512x16xf32, #tpu.memory_space<vmem>>) dst(%dma_wait3A_181 : memref<512x16xf32, #tpu.memory_space<vmem_shared>>)
      tpu.yield
    }) : () -> ()
    %add3A_30 = arith.constant 3072 : i32
    %add3A_31 = arith.addi %mul3A_6, %add3A_30 : i32
    %run_scoped3A_32 = arith.constant 2 : i32
    "tpu.region"() ({
      %run_scoped3A_162 = tpu.sem_alloc : memref<!tpu.dma_semaphore, #tpu.memory_space<semaphore_mem>>
      %dma_start3A = arith.constant 0 : i32
      %dma_start3A_163 = arith.constant 0 : i32
      %dma_start3A_164 = tpu.memref_slice %arg6[%run_scoped3A_32, %dma_start3A, %dma_start3A_163] : memref<3x512x16xf32, #tpu.memory_space<vmem>> -> memref<1x512x16xf32, #tpu.memory_space<vmem>>
      %dma_start3A_165 = tpu.memref_squeeze %dma_start3A_164 : memref<1x512x16xf32, #tpu.memory_space<vmem>> -> memref<512x16xf32, #tpu.memory_space<vmem>>
      %dma_start3A_166 = arith.constant 0 : i32
      %dma_start3A_167 = tpu.memref_slice %arg7[%add3A_31, %dma_start3A_166] : memref<100096x16xf32, #tpu.memory_space<vmem_shared>> -> memref<512x16xf32, #tpu.memory_space<vmem_shared>>
      %dma_start3A_168 = arith.constant 0 : i32
      %dma_start3A_169 = tpu.memref_slice %arg7[%add3A_31, %dma_start3A_168] : memref<100096x16xf32, #tpu.memory_space<vmem_shared>> -> memref<512x16xf32, #tpu.memory_space<vmem_shared>>
      %dma_start3A_170 = arith.constant 0 : i32
      %dma_start3A_171 = arith.constant 0 : i32
      %dma_start3A_172 = tpu.memref_slice %arg6[%run_scoped3A_32, %dma_start3A_170, %dma_start3A_171] : memref<3x512x16xf32, #tpu.memory_space<vmem>> -> memref<1x512x16xf32, #tpu.memory_space<vmem>>
      %dma_start3A_173 = tpu.memref_squeeze %dma_start3A_172 : memref<1x512x16xf32, #tpu.memory_space<vmem>> -> memref<512x16xf32, #tpu.memory_space<vmem>>
      tpu.enqueue_dma source(%dma_start3A_173 : memref<512x16xf32, #tpu.memory_space<vmem>>) target(%dma_start3A_169 : memref<512x16xf32, #tpu.memory_space<vmem_shared>>) target_semaphore(%run_scoped3A_162 : memref<!tpu.dma_semaphore, #tpu.memory_space<semaphore_mem>>)
      %dma_wait3A_174 = arith.constant 0 : i32
      %dma_wait3A_175 = arith.constant 0 : i32
      %dma_wait3A_176 = tpu.memref_slice %arg6[%run_scoped3A_32, %dma_wait3A_174, %dma_wait3A_175] : memref<3x512x16xf32, #tpu.memory_space<vmem>> -> memref<1x512x16xf32, #tpu.memory_space<vmem>>
      %dma_wait3A_177 = tpu.memref_squeeze %dma_wait3A_176 : memref<1x512x16xf32, #tpu.memory_space<vmem>> -> memref<512x16xf32, #tpu.memory_space<vmem>>
      %dma_wait3A_178 = arith.constant 0 : i32
      %dma_wait3A_179 = tpu.memref_slice %arg7[%add3A_31, %dma_wait3A_178] : memref<100096x16xf32, #tpu.memory_space<vmem_shared>> -> memref<512x16xf32, #tpu.memory_space<vmem_shared>>
      %dma_wait3A_180 = arith.constant 0 : i32
      %dma_wait3A_181 = tpu.memref_slice %arg7[%add3A_31, %dma_wait3A_180] : memref<100096x16xf32, #tpu.memory_space<vmem_shared>> -> memref<512x16xf32, #tpu.memory_space<vmem_shared>>
      %dma_wait3A_182 = arith.constant 0 : i32
      %dma_wait3A_183 = arith.constant 0 : i32
      %dma_wait3A_184 = tpu.memref_slice %arg6[%run_scoped3A_32, %dma_wait3A_182, %dma_wait3A_183] : memref<3x512x16xf32, #tpu.memory_space<vmem>> -> memref<1x512x16xf32, #tpu.memory_space<vmem>>
      %dma_wait3A_185 = tpu.memref_squeeze %dma_wait3A_184 : memref<1x512x16xf32, #tpu.memory_space<vmem>> -> memref<512x16xf32, #tpu.memory_space<vmem>>
      tpu.wait_dma2 semaphore(%run_scoped3A_162 : memref<!tpu.dma_semaphore, #tpu.memory_space<semaphore_mem>>) src(%dma_wait3A_185 : memref<512x16xf32, #tpu.memory_space<vmem>>) dst(%dma_wait3A_181 : memref<512x16xf32, #tpu.memory_space<vmem_shared>>)
      tpu.yield
    }) : () -> ()
    %add3A_33 = arith.constant 3584 : i32
    %add3A_34 = arith.addi %mul3A_6, %add3A_33 : i32
    %run_scoped3A_35 = arith.constant 2 : i32
    "tpu.region"() ({
      %run_scoped3A_162 = tpu.sem_alloc : memref<!tpu.dma_semaphore, #tpu.memory_space<semaphore_mem>>
      %dma_start3A = arith.constant 0 : i32
      %dma_start3A_163 = arith.constant 0 : i32
      %dma_start3A_164 = tpu.memref_slice %arg6[%run_scoped3A_35, %dma_start3A, %dma_start3A_163] : memref<3x512x16xf32, #tpu.memory_space<vmem>> -> memref<1x512x16xf32, #tpu.memory_space<vmem>>
      %dma_start3A_165 = tpu.memref_squeeze %dma_start3A_164 : memref<1x512x16xf32, #tpu.memory_space<vmem>> -> memref<512x16xf32, #tpu.memory_space<vmem>>
      %dma_start3A_166 = arith.constant 0 : i32
      %dma_start3A_167 = tpu.memref_slice %arg7[%add3A_34, %dma_start3A_166] : memref<100096x16xf32, #tpu.memory_space<vmem_shared>> -> memref<512x16xf32, #tpu.memory_space<vmem_shared>>
      %dma_start3A_168 = arith.constant 0 : i32
      %dma_start3A_169 = tpu.memref_slice %arg7[%add3A_34, %dma_start3A_168] : memref<100096x16xf32, #tpu.memory_space<vmem_shared>> -> memref<512x16xf32, #tpu.memory_space<vmem_shared>>
      %dma_start3A_170 = arith.constant 0 : i32
      %dma_start3A_171 = arith.constant 0 : i32
      %dma_start3A_172 = tpu.memref_slice %arg6[%run_scoped3A_35, %dma_start3A_170, %dma_start3A_171] : memref<3x512x16xf32, #tpu.memory_space<vmem>> -> memref<1x512x16xf32, #tpu.memory_space<vmem>>
      %dma_start3A_173 = tpu.memref_squeeze %dma_start3A_172 : memref<1x512x16xf32, #tpu.memory_space<vmem>> -> memref<512x16xf32, #tpu.memory_space<vmem>>
      tpu.enqueue_dma source(%dma_start3A_173 : memref<512x16xf32, #tpu.memory_space<vmem>>) target(%dma_start3A_169 : memref<512x16xf32, #tpu.memory_space<vmem_shared>>) target_semaphore(%run_scoped3A_162 : memref<!tpu.dma_semaphore, #tpu.memory_space<semaphore_mem>>)
      %dma_wait3A_174 = arith.constant 0 : i32
      %dma_wait3A_175 = arith.constant 0 : i32
      %dma_wait3A_176 = tpu.memref_slice %arg6[%run_scoped3A_35, %dma_wait3A_174, %dma_wait3A_175] : memref<3x512x16xf32, #tpu.memory_space<vmem>> -> memref<1x512x16xf32, #tpu.memory_space<vmem>>
      %dma_wait3A_177 = tpu.memref_squeeze %dma_wait3A_176 : memref<1x512x16xf32, #tpu.memory_space<vmem>> -> memref<512x16xf32, #tpu.memory_space<vmem>>
      %dma_wait3A_178 = arith.constant 0 : i32
      %dma_wait3A_179 = tpu.memref_slice %arg7[%add3A_34, %dma_wait3A_178] : memref<100096x16xf32, #tpu.memory_space<vmem_shared>> -> memref<512x16xf32, #tpu.memory_space<vmem_shared>>
      %dma_wait3A_180 = arith.constant 0 : i32
      %dma_wait3A_181 = tpu.memref_slice %arg7[%add3A_34, %dma_wait3A_180] : memref<100096x16xf32, #tpu.memory_space<vmem_shared>> -> memref<512x16xf32, #tpu.memory_space<vmem_shared>>
      %dma_wait3A_182 = arith.constant 0 : i32
      %dma_wait3A_183 = arith.constant 0 : i32
      %dma_wait3A_184 = tpu.memref_slice %arg6[%run_scoped3A_35, %dma_wait3A_182, %dma_wait3A_183] : memref<3x512x16xf32, #tpu.memory_space<vmem>> -> memref<1x512x16xf32, #tpu.memory_space<vmem>>
      %dma_wait3A_185 = tpu.memref_squeeze %dma_wait3A_184 : memref<1x512x16xf32, #tpu.memory_space<vmem>> -> memref<512x16xf32, #tpu.memory_space<vmem>>
      tpu.wait_dma2 semaphore(%run_scoped3A_162 : memref<!tpu.dma_semaphore, #tpu.memory_space<semaphore_mem>>) src(%dma_wait3A_185 : memref<512x16xf32, #tpu.memory_space<vmem>>) dst(%dma_wait3A_181 : memref<512x16xf32, #tpu.memory_space<vmem_shared>>)
      tpu.yield
    }) : () -> ()
    %add3A_36 = arith.constant 4096 : i32
    %add3A_37 = arith.addi %mul3A_6, %add3A_36 : i32
    %run_scoped3A_38 = arith.constant 2 : i32
    "tpu.region"() ({
      %run_scoped3A_162 = tpu.sem_alloc : memref<!tpu.dma_semaphore, #tpu.memory_space<semaphore_mem>>
      %dma_start3A = arith.constant 0 : i32
      %dma_start3A_163 = arith.constant 0 : i32
      %dma_start3A_164 = tpu.memref_slice %arg6[%run_scoped3A_38, %dma_start3A, %dma_start3A_163] : memref<3x512x16xf32, #tpu.memory_space<vmem>> -> memref<1x512x16xf32, #tpu.memory_space<vmem>>
      %dma_start3A_165 = tpu.memref_squeeze %dma_start3A_164 : memref<1x512x16xf32, #tpu.memory_space<vmem>> -> memref<512x16xf32, #tpu.memory_space<vmem>>
      %dma_start3A_166 = arith.constant 0 : i32
      %dma_start3A_167 = tpu.memref_slice %arg7[%add3A_37, %dma_start3A_166] : memref<100096x16xf32, #tpu.memory_space<vmem_shared>> -> memref<512x16xf32, #tpu.memory_space<vmem_shared>>
      %dma_start3A_168 = arith.constant 0 : i32
      %dma_start3A_169 = tpu.memref_slice %arg7[%add3A_37, %dma_start3A_168] : memref<100096x16xf32, #tpu.memory_space<vmem_shared>> -> memref<512x16xf32, #tpu.memory_space<vmem_shared>>
      %dma_start3A_170 = arith.constant 0 : i32
      %dma_start3A_171 = arith.constant 0 : i32
      %dma_start3A_172 = tpu.memref_slice %arg6[%run_scoped3A_38, %dma_start3A_170, %dma_start3A_171] : memref<3x512x16xf32, #tpu.memory_space<vmem>> -> memref<1x512x16xf32, #tpu.memory_space<vmem>>
      %dma_start3A_173 = tpu.memref_squeeze %dma_start3A_172 : memref<1x512x16xf32, #tpu.memory_space<vmem>> -> memref<512x16xf32, #tpu.memory_space<vmem>>
      tpu.enqueue_dma source(%dma_start3A_173 : memref<512x16xf32, #tpu.memory_space<vmem>>) target(%dma_start3A_169 : memref<512x16xf32, #tpu.memory_space<vmem_shared>>) target_semaphore(%run_scoped3A_162 : memref<!tpu.dma_semaphore, #tpu.memory_space<semaphore_mem>>)
      %dma_wait3A_174 = arith.constant 0 : i32
      %dma_wait3A_175 = arith.constant 0 : i32
      %dma_wait3A_176 = tpu.memref_slice %arg6[%run_scoped3A_38, %dma_wait3A_174, %dma_wait3A_175] : memref<3x512x16xf32, #tpu.memory_space<vmem>> -> memref<1x512x16xf32, #tpu.memory_space<vmem>>
      %dma_wait3A_177 = tpu.memref_squeeze %dma_wait3A_176 : memref<1x512x16xf32, #tpu.memory_space<vmem>> -> memref<512x16xf32, #tpu.memory_space<vmem>>
      %dma_wait3A_178 = arith.constant 0 : i32
      %dma_wait3A_179 = tpu.memref_slice %arg7[%add3A_37, %dma_wait3A_178] : memref<100096x16xf32, #tpu.memory_space<vmem_shared>> -> memref<512x16xf32, #tpu.memory_space<vmem_shared>>
      %dma_wait3A_180 = arith.constant 0 : i32
      %dma_wait3A_181 = tpu.memref_slice %arg7[%add3A_37, %dma_wait3A_180] : memref<100096x16xf32, #tpu.memory_space<vmem_shared>> -> memref<512x16xf32, #tpu.memory_space<vmem_shared>>
      %dma_wait3A_182 = arith.constant 0 : i32
      %dma_wait3A_183 = arith.constant 0 : i32
      %dma_wait3A_184 = tpu.memref_slice %arg6[%run_scoped3A_38, %dma_wait3A_182, %dma_wait3A_183] : memref<3x512x16xf32, #tpu.memory_space<vmem>> -> memref<1x512x16xf32, #tpu.memory_space<vmem>>
      %dma_wait3A_185 = tpu.memref_squeeze %dma_wait3A_184 : memref<1x512x16xf32, #tpu.memory_space<vmem>> -> memref<512x16xf32, #tpu.memory_space<vmem>>
      tpu.wait_dma2 semaphore(%run_scoped3A_162 : memref<!tpu.dma_semaphore, #tpu.memory_space<semaphore_mem>>) src(%dma_wait3A_185 : memref<512x16xf32, #tpu.memory_space<vmem>>) dst(%dma_wait3A_181 : memref<512x16xf32, #tpu.memory_space<vmem_shared>>)
      tpu.yield
    }) : () -> ()
    %add3A_39 = arith.constant 4608 : i32
    %add3A_40 = arith.addi %mul3A_6, %add3A_39 : i32
    %run_scoped3A_41 = arith.constant 2 : i32
    "tpu.region"() ({
      %run_scoped3A_162 = tpu.sem_alloc : memref<!tpu.dma_semaphore, #tpu.memory_space<semaphore_mem>>
      %dma_start3A = arith.constant 0 : i32
      %dma_start3A_163 = arith.constant 0 : i32
      %dma_start3A_164 = tpu.memref_slice %arg6[%run_scoped3A_41, %dma_start3A, %dma_start3A_163] : memref<3x512x16xf32, #tpu.memory_space<vmem>> -> memref<1x512x16xf32, #tpu.memory_space<vmem>>
      %dma_start3A_165 = tpu.memref_squeeze %dma_start3A_164 : memref<1x512x16xf32, #tpu.memory_space<vmem>> -> memref<512x16xf32, #tpu.memory_space<vmem>>
      %dma_start3A_166 = arith.constant 0 : i32
      %dma_start3A_167 = tpu.memref_slice %arg7[%add3A_40, %dma_start3A_166] : memref<100096x16xf32, #tpu.memory_space<vmem_shared>> -> memref<512x16xf32, #tpu.memory_space<vmem_shared>>
      %dma_start3A_168 = arith.constant 0 : i32
      %dma_start3A_169 = tpu.memref_slice %arg7[%add3A_40, %dma_start3A_168] : memref<100096x16xf32, #tpu.memory_space<vmem_shared>> -> memref<512x16xf32, #tpu.memory_space<vmem_shared>>
      %dma_start3A_170 = arith.constant 0 : i32
      %dma_start3A_171 = arith.constant 0 : i32
      %dma_start3A_172 = tpu.memref_slice %arg6[%run_scoped3A_41, %dma_start3A_170, %dma_start3A_171] : memref<3x512x16xf32, #tpu.memory_space<vmem>> -> memref<1x512x16xf32, #tpu.memory_space<vmem>>
      %dma_start3A_173 = tpu.memref_squeeze %dma_start3A_172 : memref<1x512x16xf32, #tpu.memory_space<vmem>> -> memref<512x16xf32, #tpu.memory_space<vmem>>
      tpu.enqueue_dma source(%dma_start3A_173 : memref<512x16xf32, #tpu.memory_space<vmem>>) target(%dma_start3A_169 : memref<512x16xf32, #tpu.memory_space<vmem_shared>>) target_semaphore(%run_scoped3A_162 : memref<!tpu.dma_semaphore, #tpu.memory_space<semaphore_mem>>)
      %dma_wait3A_174 = arith.constant 0 : i32
      %dma_wait3A_175 = arith.constant 0 : i32
      %dma_wait3A_176 = tpu.memref_slice %arg6[%run_scoped3A_41, %dma_wait3A_174, %dma_wait3A_175] : memref<3x512x16xf32, #tpu.memory_space<vmem>> -> memref<1x512x16xf32, #tpu.memory_space<vmem>>
      %dma_wait3A_177 = tpu.memref_squeeze %dma_wait3A_176 : memref<1x512x16xf32, #tpu.memory_space<vmem>> -> memref<512x16xf32, #tpu.memory_space<vmem>>
      %dma_wait3A_178 = arith.constant 0 : i32
      %dma_wait3A_179 = tpu.memref_slice %arg7[%add3A_40, %dma_wait3A_178] : memref<100096x16xf32, #tpu.memory_space<vmem_shared>> -> memref<512x16xf32, #tpu.memory_space<vmem_shared>>
      %dma_wait3A_180 = arith.constant 0 : i32
      %dma_wait3A_181 = tpu.memref_slice %arg7[%add3A_40, %dma_wait3A_180] : memref<100096x16xf32, #tpu.memory_space<vmem_shared>> -> memref<512x16xf32, #tpu.memory_space<vmem_shared>>
      %dma_wait3A_182 = arith.constant 0 : i32
      %dma_wait3A_183 = arith.constant 0 : i32
      %dma_wait3A_184 = tpu.memref_slice %arg6[%run_scoped3A_41, %dma_wait3A_182, %dma_wait3A_183] : memref<3x512x16xf32, #tpu.memory_space<vmem>> -> memref<1x512x16xf32, #tpu.memory_space<vmem>>
      %dma_wait3A_185 = tpu.memref_squeeze %dma_wait3A_184 : memref<1x512x16xf32, #tpu.memory_space<vmem>> -> memref<512x16xf32, #tpu.memory_space<vmem>>
      tpu.wait_dma2 semaphore(%run_scoped3A_162 : memref<!tpu.dma_semaphore, #tpu.memory_space<semaphore_mem>>) src(%dma_wait3A_185 : memref<512x16xf32, #tpu.memory_space<vmem>>) dst(%dma_wait3A_181 : memref<512x16xf32, #tpu.memory_space<vmem_shared>>)
      tpu.yield
    }) : () -> ()
    %add3A_42 = arith.constant 5120 : i32
    %add3A_43 = arith.addi %mul3A_6, %add3A_42 : i32
    %run_scoped3A_44 = arith.constant 2 : i32
    "tpu.region"() ({
      %run_scoped3A_162 = tpu.sem_alloc : memref<!tpu.dma_semaphore, #tpu.memory_space<semaphore_mem>>
      %dma_start3A = arith.constant 0 : i32
      %dma_start3A_163 = arith.constant 0 : i32
      %dma_start3A_164 = tpu.memref_slice %arg6[%run_scoped3A_44, %dma_start3A, %dma_start3A_163] : memref<3x512x16xf32, #tpu.memory_space<vmem>> -> memref<1x512x16xf32, #tpu.memory_space<vmem>>
      %dma_start3A_165 = tpu.memref_squeeze %dma_start3A_164 : memref<1x512x16xf32, #tpu.memory_space<vmem>> -> memref<512x16xf32, #tpu.memory_space<vmem>>
      %dma_start3A_166 = arith.constant 0 : i32
      %dma_start3A_167 = tpu.memref_slice %arg7[%add3A_43, %dma_start3A_166] : memref<100096x16xf32, #tpu.memory_space<vmem_shared>> -> memref<512x16xf32, #tpu.memory_space<vmem_shared>>
      %dma_start3A_168 = arith.constant 0 : i32
      %dma_start3A_169 = tpu.memref_slice %arg7[%add3A_43, %dma_start3A_168] : memref<100096x16xf32, #tpu.memory_space<vmem_shared>> -> memref<512x16xf32, #tpu.memory_space<vmem_shared>>
      %dma_start3A_170 = arith.constant 0 : i32
      %dma_start3A_171 = arith.constant 0 : i32
      %dma_start3A_172 = tpu.memref_slice %arg6[%run_scoped3A_44, %dma_start3A_170, %dma_start3A_171] : memref<3x512x16xf32, #tpu.memory_space<vmem>> -> memref<1x512x16xf32, #tpu.memory_space<vmem>>
      %dma_start3A_173 = tpu.memref_squeeze %dma_start3A_172 : memref<1x512x16xf32, #tpu.memory_space<vmem>> -> memref<512x16xf32, #tpu.memory_space<vmem>>
      tpu.enqueue_dma source(%dma_start3A_173 : memref<512x16xf32, #tpu.memory_space<vmem>>) target(%dma_start3A_169 : memref<512x16xf32, #tpu.memory_space<vmem_shared>>) target_semaphore(%run_scoped3A_162 : memref<!tpu.dma_semaphore, #tpu.memory_space<semaphore_mem>>)
      %dma_wait3A_174 = arith.constant 0 : i32
      %dma_wait3A_175 = arith.constant 0 : i32
      %dma_wait3A_176 = tpu.memref_slice %arg6[%run_scoped3A_44, %dma_wait3A_174, %dma_wait3A_175] : memref<3x512x16xf32, #tpu.memory_space<vmem>> -> memref<1x512x16xf32, #tpu.memory_space<vmem>>
      %dma_wait3A_177 = tpu.memref_squeeze %dma_wait3A_176 : memref<1x512x16xf32, #tpu.memory_space<vmem>> -> memref<512x16xf32, #tpu.memory_space<vmem>>
      %dma_wait3A_178 = arith.constant 0 : i32
      %dma_wait3A_179 = tpu.memref_slice %arg7[%add3A_43, %dma_wait3A_178] : memref<100096x16xf32, #tpu.memory_space<vmem_shared>> -> memref<512x16xf32, #tpu.memory_space<vmem_shared>>
      %dma_wait3A_180 = arith.constant 0 : i32
      %dma_wait3A_181 = tpu.memref_slice %arg7[%add3A_43, %dma_wait3A_180] : memref<100096x16xf32, #tpu.memory_space<vmem_shared>> -> memref<512x16xf32, #tpu.memory_space<vmem_shared>>
      %dma_wait3A_182 = arith.constant 0 : i32
      %dma_wait3A_183 = arith.constant 0 : i32
      %dma_wait3A_184 = tpu.memref_slice %arg6[%run_scoped3A_44, %dma_wait3A_182, %dma_wait3A_183] : memref<3x512x16xf32, #tpu.memory_space<vmem>> -> memref<1x512x16xf32, #tpu.memory_space<vmem>>
      %dma_wait3A_185 = tpu.memref_squeeze %dma_wait3A_184 : memref<1x512x16xf32, #tpu.memory_space<vmem>> -> memref<512x16xf32, #tpu.memory_space<vmem>>
      tpu.wait_dma2 semaphore(%run_scoped3A_162 : memref<!tpu.dma_semaphore, #tpu.memory_space<semaphore_mem>>) src(%dma_wait3A_185 : memref<512x16xf32, #tpu.memory_space<vmem>>) dst(%dma_wait3A_181 : memref<512x16xf32, #tpu.memory_space<vmem_shared>>)
      tpu.yield
    }) : () -> ()
    %add3A_45 = arith.constant 5632 : i32
    %add3A_46 = arith.addi %mul3A_6, %add3A_45 : i32
    %run_scoped3A_47 = arith.constant 2 : i32
    "tpu.region"() ({
      %run_scoped3A_162 = tpu.sem_alloc : memref<!tpu.dma_semaphore, #tpu.memory_space<semaphore_mem>>
      %dma_start3A = arith.constant 0 : i32
      %dma_start3A_163 = arith.constant 0 : i32
      %dma_start3A_164 = tpu.memref_slice %arg6[%run_scoped3A_47, %dma_start3A, %dma_start3A_163] : memref<3x512x16xf32, #tpu.memory_space<vmem>> -> memref<1x512x16xf32, #tpu.memory_space<vmem>>
      %dma_start3A_165 = tpu.memref_squeeze %dma_start3A_164 : memref<1x512x16xf32, #tpu.memory_space<vmem>> -> memref<512x16xf32, #tpu.memory_space<vmem>>
      %dma_start3A_166 = arith.constant 0 : i32
      %dma_start3A_167 = tpu.memref_slice %arg7[%add3A_46, %dma_start3A_166] : memref<100096x16xf32, #tpu.memory_space<vmem_shared>> -> memref<512x16xf32, #tpu.memory_space<vmem_shared>>
      %dma_start3A_168 = arith.constant 0 : i32
      %dma_start3A_169 = tpu.memref_slice %arg7[%add3A_46, %dma_start3A_168] : memref<100096x16xf32, #tpu.memory_space<vmem_shared>> -> memref<512x16xf32, #tpu.memory_space<vmem_shared>>
      %dma_start3A_170 = arith.constant 0 : i32
      %dma_start3A_171 = arith.constant 0 : i32
      %dma_start3A_172 = tpu.memref_slice %arg6[%run_scoped3A_47, %dma_start3A_170, %dma_start3A_171] : memref<3x512x16xf32, #tpu.memory_space<vmem>> -> memref<1x512x16xf32, #tpu.memory_space<vmem>>
      %dma_start3A_173 = tpu.memref_squeeze %dma_start3A_172 : memref<1x512x16xf32, #tpu.memory_space<vmem>> -> memref<512x16xf32, #tpu.memory_space<vmem>>
      tpu.enqueue_dma source(%dma_start3A_173 : memref<512x16xf32, #tpu.memory_space<vmem>>) target(%dma_start3A_169 : memref<512x16xf32, #tpu.memory_space<vmem_shared>>) target_semaphore(%run_scoped3A_162 : memref<!tpu.dma_semaphore, #tpu.memory_space<semaphore_mem>>)
      %dma_wait3A_174 = arith.constant 0 : i32
      %dma_wait3A_175 = arith.constant 0 : i32
      %dma_wait3A_176 = tpu.memref_slice %arg6[%run_scoped3A_47, %dma_wait3A_174, %dma_wait3A_175] : memref<3x512x16xf32, #tpu.memory_space<vmem>> -> memref<1x512x16xf32, #tpu.memory_space<vmem>>
      %dma_wait3A_177 = tpu.memref_squeeze %dma_wait3A_176 : memref<1x512x16xf32, #tpu.memory_space<vmem>> -> memref<512x16xf32, #tpu.memory_space<vmem>>
      %dma_wait3A_178 = arith.constant 0 : i32
      %dma_wait3A_179 = tpu.memref_slice %arg7[%add3A_46, %dma_wait3A_178] : memref<100096x16xf32, #tpu.memory_space<vmem_shared>> -> memref<512x16xf32, #tpu.memory_space<vmem_shared>>
      %dma_wait3A_180 = arith.constant 0 : i32
      %dma_wait3A_181 = tpu.memref_slice %arg7[%add3A_46, %dma_wait3A_180] : memref<100096x16xf32, #tpu.memory_space<vmem_shared>> -> memref<512x16xf32, #tpu.memory_space<vmem_shared>>
      %dma_wait3A_182 = arith.constant 0 : i32
      %dma_wait3A_183 = arith.constant 0 : i32
      %dma_wait3A_184 = tpu.memref_slice %arg6[%run_scoped3A_47, %dma_wait3A_182, %dma_wait3A_183] : memref<3x512x16xf32, #tpu.memory_space<vmem>> -> memref<1x512x16xf32, #tpu.memory_space<vmem>>
      %dma_wait3A_185 = tpu.memref_squeeze %dma_wait3A_184 : memref<1x512x16xf32, #tpu.memory_space<vmem>> -> memref<512x16xf32, #tpu.memory_space<vmem>>
      tpu.wait_dma2 semaphore(%run_scoped3A_162 : memref<!tpu.dma_semaphore, #tpu.memory_space<semaphore_mem>>) src(%dma_wait3A_185 : memref<512x16xf32, #tpu.memory_space<vmem>>) dst(%dma_wait3A_181 : memref<512x16xf32, #tpu.memory_space<vmem_shared>>)
      tpu.yield
    }) : () -> ()
    %add3A_48 = arith.constant 6144 : i32
    %add3A_49 = arith.addi %mul3A_6, %add3A_48 : i32
    %run_scoped3A_50 = arith.constant 2 : i32
    "tpu.region"() ({
      %run_scoped3A_162 = tpu.sem_alloc : memref<!tpu.dma_semaphore, #tpu.memory_space<semaphore_mem>>
      %dma_start3A = arith.constant 0 : i32
      %dma_start3A_163 = arith.constant 0 : i32
      %dma_start3A_164 = tpu.memref_slice %arg6[%run_scoped3A_50, %dma_start3A, %dma_start3A_163] : memref<3x512x16xf32, #tpu.memory_space<vmem>> -> memref<1x512x16xf32, #tpu.memory_space<vmem>>
      %dma_start3A_165 = tpu.memref_squeeze %dma_start3A_164 : memref<1x512x16xf32, #tpu.memory_space<vmem>> -> memref<512x16xf32, #tpu.memory_space<vmem>>
      %dma_start3A_166 = arith.constant 0 : i32
      %dma_start3A_167 = arith.constant 0 : i32
      %dma_start3A_168 = tpu.memref_slice %dma_start3A_165[%dma_start3A_166, %dma_start3A_167] : memref<512x16xf32, #tpu.memory_space<vmem>> -> memref<112x16xf32, #tpu.memory_space<vmem>>
      %dma_start3A_169 = arith.constant 0 : i32
      %dma_start3A_170 = tpu.memref_slice %arg7[%add3A_49, %dma_start3A_169] : memref<100096x16xf32, #tpu.memory_space<vmem_shared>> -> memref<112x16xf32, #tpu.memory_space<vmem_shared>>
      %dma_start3A_171 = arith.constant 0 : i32
      %dma_start3A_172 = tpu.memref_slice %arg7[%add3A_49, %dma_start3A_171] : memref<100096x16xf32, #tpu.memory_space<vmem_shared>> -> memref<112x16xf32, #tpu.memory_space<vmem_shared>>
      %dma_start3A_173 = arith.constant 0 : i32
      %dma_start3A_174 = arith.constant 0 : i32
      %dma_start3A_175 = tpu.memref_slice %arg6[%run_scoped3A_50, %dma_start3A_173, %dma_start3A_174] : memref<3x512x16xf32, #tpu.memory_space<vmem>> -> memref<1x512x16xf32, #tpu.memory_space<vmem>>
      %dma_start3A_176 = tpu.memref_squeeze %dma_start3A_175 : memref<1x512x16xf32, #tpu.memory_space<vmem>> -> memref<512x16xf32, #tpu.memory_space<vmem>>
      %dma_start3A_177 = arith.constant 0 : i32
      %dma_start3A_178 = arith.constant 0 : i32
      %dma_start3A_179 = tpu.memref_slice %dma_start3A_176[%dma_start3A_177, %dma_start3A_178] : memref<512x16xf32, #tpu.memory_space<vmem>> -> memref<112x16xf32, #tpu.memory_space<vmem>>
      tpu.enqueue_dma source(%dma_start3A_179 : memref<112x16xf32, #tpu.memory_space<vmem>>) target(%dma_start3A_172 : memref<112x16xf32, #tpu.memory_space<vmem_shared>>) target_semaphore(%run_scoped3A_162 : memref<!tpu.dma_semaphore, #tpu.memory_space<semaphore_mem>>)
      %dma_wait3A_180 = arith.constant 0 : i32
      %dma_wait3A_181 = arith.constant 0 : i32
      %dma_wait3A_182 = tpu.memref_slice %arg6[%run_scoped3A_50, %dma_wait3A_180, %dma_wait3A_181] : memref<3x512x16xf32, #tpu.memory_space<vmem>> -> memref<1x512x16xf32, #tpu.memory_space<vmem>>
      %dma_wait3A_183 = tpu.memref_squeeze %dma_wait3A_182 : memref<1x512x16xf32, #tpu.memory_space<vmem>> -> memref<512x16xf32, #tpu.memory_space<vmem>>
      %dma_wait3A_184 = arith.constant 0 : i32
      %dma_wait3A_185 = arith.constant 0 : i32
      %dma_wait3A_186 = tpu.memref_slice %dma_wait3A_183[%dma_wait3A_184, %dma_wait3A_185] : memref<512x16xf32, #tpu.memory_space<vmem>> -> memref<112x16xf32, #tpu.memory_space<vmem>>
      %dma_wait3A_187 = arith.constant 0 : i32
      %dma_wait3A_188 = tpu.memref_slice %arg7[%add3A_49, %dma_wait3A_187] : memref<100096x16xf32, #tpu.memory_space<vmem_shared>> -> memref<112x16xf32, #tpu.memory_space<vmem_shared>>
      %dma_wait3A_189 = arith.constant 0 : i32
      %dma_wait3A_190 = tpu.memref_slice %arg7[%add3A_49, %dma_wait3A_189] : memref<100096x16xf32, #tpu.memory_space<vmem_shared>> -> memref<112x16xf32, #tpu.memory_space<vmem_shared>>
      %dma_wait3A_191 = arith.constant 0 : i32
      %dma_wait3A_192 = arith.constant 0 : i32
      %dma_wait3A_193 = tpu.memref_slice %arg6[%run_scoped3A_50, %dma_wait3A_191, %dma_wait3A_192] : memref<3x512x16xf32, #tpu.memory_space<vmem>> -> memref<1x512x16xf32, #tpu.memory_space<vmem>>
      %dma_wait3A_194 = tpu.memref_squeeze %dma_wait3A_193 : memref<1x512x16xf32, #tpu.memory_space<vmem>> -> memref<512x16xf32, #tpu.memory_space<vmem>>
      %dma_wait3A_195 = arith.constant 0 : i32
      %dma_wait3A_196 = arith.constant 0 : i32
      %dma_wait3A_197 = tpu.memref_slice %dma_wait3A_194[%dma_wait3A_195, %dma_wait3A_196] : memref<512x16xf32, #tpu.memory_space<vmem>> -> memref<112x16xf32, #tpu.memory_space<vmem>>
      tpu.wait_dma2 semaphore(%run_scoped3A_162 : memref<!tpu.dma_semaphore, #tpu.memory_space<semaphore_mem>>) src(%dma_wait3A_197 : memref<112x16xf32, #tpu.memory_space<vmem>>) dst(%dma_wait3A_190 : memref<112x16xf32, #tpu.memory_space<vmem_shared>>)
      tpu.yield
    }) : () -> ()
    %barrier3A = arith.constant 0 : index
    tpu.barrier barrier_id(%barrier3A)
    %scan3A_51 = arith.constant 0 : i32
    %scan3A_52 = arith.constant 0 : i32
    %scan3A_53 = arith.constant 101 : i32
    %scan3A_54 = arith.addi %scan3A_52, %scan3A_53 : i32
    %scan3A_55 = arith.constant 1 : i32
    %scan3A_56 = scf.for %scan3A_162 = %scan3A_52 to %scan3A_54 step %scan3A_55 iter_args(%scan3A_163 = %scan3A_51) -> (i32)  : i32 {
      %jit3A = arith.constant 3 : i32
      %eq3A = arith.constant 0 : i32
      %eq3A_164 = arith.cmpi eq, %jit3A, %eq3A : i32
      %jit3A_165 = arith.constant 1 : i32
      %select_n3A = arith.select %eq3A_164, %jit3A_165, %jit3A : i32
      %rem3A = arith.remsi %scan3A_162, %select_n3A : i32
      %ne3A = arith.constant 0 : i32
      %ne3A_166 = arith.cmpi ne, %rem3A, %ne3A : i32
      %lt3A = arith.constant 0 : i32
      %lt3A_167 = arith.cmpi slt, %rem3A, %lt3A : i32
      %lt3A_168 = arith.constant 0 : i32
      %lt3A_169 = arith.cmpi slt, %select_n3A, %lt3A_168 : i32
      %ne3A_170 = arith.xori %lt3A_167, %lt3A_169 : i1
      %and3A = arith.andi %ne3A_170, %ne3A_166 : i1
      %add3A_171 = arith.addi %rem3A, %select_n3A : i32
      %select_n3A_172 = arith.select %and3A, %add3A_171, %rem3A : i32
      %add3A_173 = arith.constant 2 : i32
      %add3A_174 = arith.addi %scan3A_162, %add3A_173 : i32
      %jit3A_175 = arith.constant 3 : i32
      %eq3A_176 = arith.constant 0 : i32
      %eq3A_177 = arith.cmpi eq, %jit3A_175, %eq3A_176 : i32
      %jit3A_178 = arith.constant 1 : i32
      %select_n3A_179 = arith.select %eq3A_177, %jit3A_178, %jit3A_175 : i32
      %rem3A_180 = arith.remsi %add3A_174, %select_n3A_179 : i32
      %ne3A_181 = arith.constant 0 : i32
      %ne3A_182 = arith.cmpi ne, %rem3A_180, %ne3A_181 : i32
      %lt3A_183 = arith.constant 0 : i32
      %lt3A_184 = arith.cmpi slt, %rem3A_180, %lt3A_183 : i32
      %lt3A_185 = arith.constant 0 : i32
      %lt3A_186 = arith.cmpi slt, %select_n3A_179, %lt3A_185 : i32
      %ne3A_187 = arith.xori %lt3A_184, %lt3A_186 : i1
      %and3A_188 = arith.andi %ne3A_187, %ne3A_182 : i1
      %add3A_189 = arith.addi %rem3A_180, %select_n3A_179 : i32
      %select_n3A_190 = arith.select %and3A_188, %add3A_189, %rem3A_180 : i32
      %ge3A = arith.constant 2 : i32
      %ge3A_191 = arith.cmpi sge, %scan3A_162, %ge3A : i32
      %convert_element_type3A = arith.extui %ge3A_191 : i1 to i32
      %cond3A = arith.constant 0 : i32
      %cond3A_192 = arith.cmpi ne, %convert_element_type3A, %cond3A : i32
      scf.if %cond3A_192 {
        %dma_wait3A_236 = arith.constant 1 : i32
        %dma_wait3A_237 = arith.constant 0 : i32
        %dma_wait3A_238 = arith.constant 0 : i32
        %dma_wait3A_239 = tpu.memref_slice %arg6[%select_n3A_172, %dma_wait3A_237, %dma_wait3A_238] : memref<3x512x16xf32, #tpu.memory_space<vmem>> -> memref<1x512x16xf32, #tpu.memory_space<vmem>>
        %dma_wait3A_240 = tpu.memref_squeeze %dma_wait3A_239 : memref<1x512x16xf32, #tpu.memory_space<vmem>> -> memref<512x16xf32, #tpu.memory_space<vmem>>
        %dma_wait3A_241 = arith.constant 0 : i32
        %dma_wait3A_242 = tpu.memref_slice %arg5[%select_n3A_172, %dma_wait3A_236, %dma_wait3A_241] : memref<3x2x512xi32, #tpu.memory_space<vmem>> -> memref<1x1x512xi32, #tpu.memory_space<vmem>>
        %dma_wait3A_243 = tpu.memref_squeeze %dma_wait3A_242 : memref<1x1x512xi32, #tpu.memory_space<vmem>> -> memref<512xi32, #tpu.memory_space<vmem>>
        %dma_wait3A_244 = arith.constant 0 : i32
        %dma_wait3A_245 = arith.constant 0 : i32
        %dma_wait3A_246 = tpu.memref_slice %arg7[%dma_wait3A_244, %dma_wait3A_245] : memref<100096x16xf32, #tpu.memory_space<vmem_shared>> -> memref<100096x16xf32, #tpu.memory_space<vmem_shared>>
        tpu.wait_indirect_dma semaphore(%arg9 : memref<!tpu.dma_semaphore, #tpu.memory_space<semaphore_mem>>) src(%dma_wait3A_240 : memref<512x16xf32, #tpu.memory_space<vmem>>) dst(%dma_wait3A_246 : memref<100096x16xf32, #tpu.memory_space<vmem_shared>>)
      } else {
      }
      %min3A = arith.constant 99 : i32
      %min3A_193 = arith.minsi %scan3A_162, %min3A : i32
      %mul3A_194 = arith.constant 512 : i32
      %mul3A_195 = arith.muli %min3A_193, %mul3A_194 : i32
      %add3A_196 = arith.addi %mul3A_4, %mul3A_195 : i32
      %multiple_of3A = tpu.assume_multiple %add3A_196, 128 : i32
      "tpu.region"() ({
        %run_scoped3A_236 = tpu.sem_alloc : memref<!tpu.dma_semaphore, #tpu.memory_space<semaphore_mem>>
        %dma_start3A_237 = arith.constant 0 : i32
        %dma_start3A_238 = arith.constant 0 : i32
        %dma_start3A_239 = tpu.memref_slice %arg5[%select_n3A_172, %dma_start3A_237, %dma_start3A_238] : memref<3x2x512xi32, #tpu.memory_space<vmem>> -> memref<1x2x512xi32, #tpu.memory_space<vmem>>
        %dma_start3A_240 = tpu.memref_squeeze %dma_start3A_239 : memref<1x2x512xi32, #tpu.memory_space<vmem>> -> memref<2x512xi32, #tpu.memory_space<vmem>>
        %dma_start3A_241 = arith.constant 0 : i32
        %dma_start3A_242 = tpu.memref_slice %arg2[%dma_start3A_241, %multiple_of3A] : memref<2x1638400xi32, #tpu.memory_space<hbm>> -> memref<2x512xi32, #tpu.memory_space<hbm>>
        %dma_start3A_243 = arith.constant 0 : i32
        %dma_start3A_244 = arith.constant 0 : i32
        %dma_start3A_245 = tpu.memref_slice %arg5[%select_n3A_172, %dma_start3A_243, %dma_start3A_244] : memref<3x2x512xi32, #tpu.memory_space<vmem>> -> memref<1x2x512xi32, #tpu.memory_space<vmem>>
        %dma_start3A_246 = tpu.memref_squeeze %dma_start3A_245 : memref<1x2x512xi32, #tpu.memory_space<vmem>> -> memref<2x512xi32, #tpu.memory_space<vmem>>
        %dma_start3A_247 = arith.constant 0 : i32
        %dma_start3A_248 = tpu.memref_slice %arg2[%dma_start3A_247, %multiple_of3A] : memref<2x1638400xi32, #tpu.memory_space<hbm>> -> memref<2x512xi32, #tpu.memory_space<hbm>>
        tpu.enqueue_dma source(%dma_start3A_248 : memref<2x512xi32, #tpu.memory_space<hbm>>) target(%dma_start3A_246 : memref<2x512xi32, #tpu.memory_space<vmem>>) target_semaphore(%run_scoped3A_236 : memref<!tpu.dma_semaphore, #tpu.memory_space<semaphore_mem>>)
        %dma_wait3A_249 = arith.constant 0 : i32
        %dma_wait3A_250 = arith.constant 0 : i32
        %dma_wait3A_251 = tpu.memref_slice %arg5[%select_n3A_172, %dma_wait3A_249, %dma_wait3A_250] : memref<3x2x512xi32, #tpu.memory_space<vmem>> -> memref<1x2x512xi32, #tpu.memory_space<vmem>>
        %dma_wait3A_252 = tpu.memref_squeeze %dma_wait3A_251 : memref<1x2x512xi32, #tpu.memory_space<vmem>> -> memref<2x512xi32, #tpu.memory_space<vmem>>
        %dma_wait3A_253 = arith.constant 0 : i32
        %dma_wait3A_254 = tpu.memref_slice %arg2[%dma_wait3A_253, %multiple_of3A] : memref<2x1638400xi32, #tpu.memory_space<hbm>> -> memref<2x512xi32, #tpu.memory_space<hbm>>
        %dma_wait3A_255 = arith.constant 0 : i32
        %dma_wait3A_256 = arith.constant 0 : i32
        %dma_wait3A_257 = tpu.memref_slice %arg5[%select_n3A_172, %dma_wait3A_255, %dma_wait3A_256] : memref<3x2x512xi32, #tpu.memory_space<vmem>> -> memref<1x2x512xi32, #tpu.memory_space<vmem>>
        %dma_wait3A_258 = tpu.memref_squeeze %dma_wait3A_257 : memref<1x2x512xi32, #tpu.memory_space<vmem>> -> memref<2x512xi32, #tpu.memory_space<vmem>>
        %dma_wait3A_259 = arith.constant 0 : i32
        %dma_wait3A_260 = tpu.memref_slice %arg2[%dma_wait3A_259, %multiple_of3A] : memref<2x1638400xi32, #tpu.memory_space<hbm>> -> memref<2x512xi32, #tpu.memory_space<hbm>>
        tpu.wait_dma2 semaphore(%run_scoped3A_236 : memref<!tpu.dma_semaphore, #tpu.memory_space<semaphore_mem>>) src(%dma_wait3A_260 : memref<2x512xi32, #tpu.memory_space<hbm>>) dst(%dma_wait3A_258 : memref<2x512xi32, #tpu.memory_space<vmem>>)
        tpu.yield
      }) : () -> ()
      %dma_start3A = arith.constant 0 : i32
      %dma_start3A_197 = arith.constant 0 : i32
      %dma_start3A_198 = arith.constant 0 : i32
      %dma_start3A_199 = tpu.memref_slice %arg6[%select_n3A_172, %dma_start3A_197, %dma_start3A_198] : memref<3x512x16xf32, #tpu.memory_space<vmem>> -> memref<1x512x16xf32, #tpu.memory_space<vmem>>
      %dma_start3A_200 = tpu.memref_squeeze %dma_start3A_199 : memref<1x512x16xf32, #tpu.memory_space<vmem>> -> memref<512x16xf32, #tpu.memory_space<vmem>>
      %dma_start3A_201 = arith.constant 0 : i32
      %dma_start3A_202 = tpu.memref_slice %arg5[%select_n3A_172, %dma_start3A, %dma_start3A_201] : memref<3x2x512xi32, #tpu.memory_space<vmem>> -> memref<1x1x512xi32, #tpu.memory_space<vmem>>
      %dma_start3A_203 = tpu.memref_squeeze %dma_start3A_202 : memref<1x1x512xi32, #tpu.memory_space<vmem>> -> memref<512xi32, #tpu.memory_space<vmem>>
      %dma_start3A_204 = arith.constant 0 : i32
      %dma_start3A_205 = arith.constant 0 : i32
      %dma_start3A_206 = tpu.memref_slice %arg3[%dma_start3A_204, %dma_start3A_205] : memref<800768x16xf32, #tpu.memory_space<hbm>> -> memref<800761x16xf32, #tpu.memory_space<hbm>>
      %dma_start3A_207 = arith.constant 0 : i32
      %dma_start3A_208 = arith.constant 0 : i32
      %dma_start3A_209 = tpu.memref_slice %dma_start3A_206[%dma_start3A_207, %dma_start3A_208] : memref<800761x16xf32, #tpu.memory_space<hbm>> -> memref<800761x16xf32, #tpu.memory_space<hbm>>
      tpu.enqueue_indirect_dma source(%dma_start3A_209 : memref<800761x16xf32, #tpu.memory_space<hbm>>) target(%dma_start3A_200 : memref<512x16xf32, #tpu.memory_space<vmem>>) offsets(%dma_start3A_203 : memref<512xi32, #tpu.memory_space<vmem>>) semaphore(%arg8 : memref<!tpu.dma_semaphore, #tpu.memory_space<semaphore_mem>>)
      %dma_start3A_210 = arith.constant 1 : i32
      %dma_start3A_211 = arith.constant 0 : i32
      %dma_start3A_212 = arith.constant 0 : i32
      %dma_start3A_213 = tpu.memref_slice %arg6[%select_n3A_190, %dma_start3A_211, %dma_start3A_212] : memref<3x512x16xf32, #tpu.memory_space<vmem>> -> memref<1x512x16xf32, #tpu.memory_space<vmem>>
      %dma_start3A_214 = tpu.memref_squeeze %dma_start3A_213 : memref<1x512x16xf32, #tpu.memory_space<vmem>> -> memref<512x16xf32, #tpu.memory_space<vmem>>
      %dma_start3A_215 = arith.constant 0 : i32
      %dma_start3A_216 = tpu.memref_slice %arg5[%select_n3A_190, %dma_start3A_210, %dma_start3A_215] : memref<3x2x512xi32, #tpu.memory_space<vmem>> -> memref<1x1x512xi32, #tpu.memory_space<vmem>>
      %dma_start3A_217 = tpu.memref_squeeze %dma_start3A_216 : memref<1x1x512xi32, #tpu.memory_space<vmem>> -> memref<512xi32, #tpu.memory_space<vmem>>
      %dma_start3A_218 = arith.constant 0 : i32
      %dma_start3A_219 = arith.constant 0 : i32
      %dma_start3A_220 = tpu.memref_slice %arg7[%dma_start3A_218, %dma_start3A_219] : memref<100096x16xf32, #tpu.memory_space<vmem_shared>> -> memref<100096x16xf32, #tpu.memory_space<vmem_shared>>
      tpu.enqueue_indirect_dma source(%dma_start3A_214 : memref<512x16xf32, #tpu.memory_space<vmem>>) target(%dma_start3A_220 : memref<100096x16xf32, #tpu.memory_space<vmem_shared>>) offsets(%dma_start3A_217 : memref<512xi32, #tpu.memory_space<vmem>>) semaphore(%arg9 : memref<!tpu.dma_semaphore, #tpu.memory_space<semaphore_mem>>) {add = true}
      %dma_wait3A_221 = arith.constant 0 : i32
      %dma_wait3A_222 = arith.constant 0 : i32
      %dma_wait3A_223 = arith.constant 0 : i32
      %dma_wait3A_224 = tpu.memref_slice %arg6[%select_n3A_172, %dma_wait3A_222, %dma_wait3A_223] : memref<3x512x16xf32, #tpu.memory_space<vmem>> -> memref<1x512x16xf32, #tpu.memory_space<vmem>>
      %dma_wait3A_225 = tpu.memref_squeeze %dma_wait3A_224 : memref<1x512x16xf32, #tpu.memory_space<vmem>> -> memref<512x16xf32, #tpu.memory_space<vmem>>
      %dma_wait3A_226 = arith.constant 0 : i32
      %dma_wait3A_227 = tpu.memref_slice %arg5[%select_n3A_172, %dma_wait3A_221, %dma_wait3A_226] : memref<3x2x512xi32, #tpu.memory_space<vmem>> -> memref<1x1x512xi32, #tpu.memory_space<vmem>>
      %dma_wait3A_228 = tpu.memref_squeeze %dma_wait3A_227 : memref<1x1x512xi32, #tpu.memory_space<vmem>> -> memref<512xi32, #tpu.memory_space<vmem>>
      %dma_wait3A_229 = arith.constant 0 : i32
      %dma_wait3A_230 = arith.constant 0 : i32
      %dma_wait3A_231 = tpu.memref_slice %arg3[%dma_wait3A_229, %dma_wait3A_230] : memref<800768x16xf32, #tpu.memory_space<hbm>> -> memref<800761x16xf32, #tpu.memory_space<hbm>>
      %dma_wait3A_232 = arith.constant 0 : i32
      %dma_wait3A_233 = arith.constant 0 : i32
      %dma_wait3A_234 = tpu.memref_slice %dma_wait3A_231[%dma_wait3A_232, %dma_wait3A_233] : memref<800761x16xf32, #tpu.memory_space<hbm>> -> memref<800761x16xf32, #tpu.memory_space<hbm>>
      tpu.wait_indirect_dma semaphore(%arg8 : memref<!tpu.dma_semaphore, #tpu.memory_space<semaphore_mem>>) src(%dma_wait3A_234 : memref<800761x16xf32, #tpu.memory_space<hbm>>) dst(%dma_wait3A_225 : memref<512x16xf32, #tpu.memory_space<vmem>>)
      %scan3A_235 = arith.constant 0 : i32
      scf.yield %scan3A_235 : i32
    }
    %scan3A_57 = arith.constant 101 : i32
    %dma_wait3A = arith.constant 0 : i32
    %dma_wait3A_58 = arith.constant 0 : i32
    %dma_wait3A_59 = arith.constant 1 : i32
    %dma_wait3A_60 = arith.constant 0 : i32
    %dma_wait3A_61 = arith.constant 0 : i32
    %dma_wait3A_62 = tpu.memref_slice %arg6[%dma_wait3A, %dma_wait3A_60, %dma_wait3A_61] : memref<3x512x16xf32, #tpu.memory_space<vmem>> -> memref<1x512x16xf32, #tpu.memory_space<vmem>>
    %dma_wait3A_63 = tpu.memref_squeeze %dma_wait3A_62 : memref<1x512x16xf32, #tpu.memory_space<vmem>> -> memref<512x16xf32, #tpu.memory_space<vmem>>
    %dma_wait3A_64 = arith.constant 0 : i32
    %dma_wait3A_65 = tpu.memref_slice %arg5[%dma_wait3A_58, %dma_wait3A_59, %dma_wait3A_64] : memref<3x2x512xi32, #tpu.memory_space<vmem>> -> memref<1x1x512xi32, #tpu.memory_space<vmem>>
    %dma_wait3A_66 = tpu.memref_squeeze %dma_wait3A_65 : memref<1x1x512xi32, #tpu.memory_space<vmem>> -> memref<512xi32, #tpu.memory_space<vmem>>
    %dma_wait3A_67 = arith.constant 0 : i32
    %dma_wait3A_68 = arith.constant 0 : i32
    %dma_wait3A_69 = tpu.memref_slice %arg7[%dma_wait3A_67, %dma_wait3A_68] : memref<100096x16xf32, #tpu.memory_space<vmem_shared>> -> memref<100096x16xf32, #tpu.memory_space<vmem_shared>>
    tpu.wait_indirect_dma semaphore(%arg9 : memref<!tpu.dma_semaphore, #tpu.memory_space<semaphore_mem>>) src(%dma_wait3A_63 : memref<512x16xf32, #tpu.memory_space<vmem>>) dst(%dma_wait3A_69 : memref<100096x16xf32, #tpu.memory_space<vmem_shared>>)
    %dma_wait3A_70 = arith.constant 0 : i32
    %dma_wait3A_71 = arith.constant 0 : i32
    %dma_wait3A_72 = arith.constant 1 : i32
    %dma_wait3A_73 = arith.constant 0 : i32
    %dma_wait3A_74 = arith.constant 0 : i32
    %dma_wait3A_75 = tpu.memref_slice %arg6[%dma_wait3A_70, %dma_wait3A_73, %dma_wait3A_74] : memref<3x512x16xf32, #tpu.memory_space<vmem>> -> memref<1x512x16xf32, #tpu.memory_space<vmem>>
    %dma_wait3A_76 = tpu.memref_squeeze %dma_wait3A_75 : memref<1x512x16xf32, #tpu.memory_space<vmem>> -> memref<512x16xf32, #tpu.memory_space<vmem>>
    %dma_wait3A_77 = arith.constant 0 : i32
    %dma_wait3A_78 = tpu.memref_slice %arg5[%dma_wait3A_71, %dma_wait3A_72, %dma_wait3A_77] : memref<3x2x512xi32, #tpu.memory_space<vmem>> -> memref<1x1x512xi32, #tpu.memory_space<vmem>>
    %dma_wait3A_79 = tpu.memref_squeeze %dma_wait3A_78 : memref<1x1x512xi32, #tpu.memory_space<vmem>> -> memref<512xi32, #tpu.memory_space<vmem>>
    %dma_wait3A_80 = arith.constant 0 : i32
    %dma_wait3A_81 = arith.constant 0 : i32
    %dma_wait3A_82 = tpu.memref_slice %arg7[%dma_wait3A_80, %dma_wait3A_81] : memref<100096x16xf32, #tpu.memory_space<vmem_shared>> -> memref<100096x16xf32, #tpu.memory_space<vmem_shared>>
    tpu.wait_indirect_dma semaphore(%arg9 : memref<!tpu.dma_semaphore, #tpu.memory_space<semaphore_mem>>) src(%dma_wait3A_76 : memref<512x16xf32, #tpu.memory_space<vmem>>) dst(%dma_wait3A_82 : memref<100096x16xf32, #tpu.memory_space<vmem_shared>>)
    %barrier3A_83 = arith.constant 0 : index
    tpu.barrier barrier_id(%barrier3A_83)
    %add3A_84 = arith.constant 0 : i32
    %add3A_85 = arith.addi %mul3A_6, %add3A_84 : i32
    %run_scoped3A_86 = arith.constant 0 : i32
    "tpu.region"() ({
      %run_scoped3A_162 = tpu.sem_alloc : memref<!tpu.dma_semaphore, #tpu.memory_space<semaphore_mem>>
      %dma_start3A = arith.constant 0 : i32
      %dma_start3A_163 = arith.constant 0 : i32
      %dma_start3A_164 = tpu.memref_slice %arg6[%run_scoped3A_86, %dma_start3A, %dma_start3A_163] : memref<3x512x16xf32, #tpu.memory_space<vmem>> -> memref<1x512x16xf32, #tpu.memory_space<vmem>>
      %dma_start3A_165 = tpu.memref_squeeze %dma_start3A_164 : memref<1x512x16xf32, #tpu.memory_space<vmem>> -> memref<512x16xf32, #tpu.memory_space<vmem>>
      %dma_start3A_166 = arith.constant 0 : i32
      %dma_start3A_167 = tpu.memref_slice %arg7[%add3A_85, %dma_start3A_166] : memref<100096x16xf32, #tpu.memory_space<vmem_shared>> -> memref<512x16xf32, #tpu.memory_space<vmem_shared>>
      %dma_start3A_168 = arith.constant 0 : i32
      %dma_start3A_169 = arith.constant 0 : i32
      %dma_start3A_170 = tpu.memref_slice %arg6[%run_scoped3A_86, %dma_start3A_168, %dma_start3A_169] : memref<3x512x16xf32, #tpu.memory_space<vmem>> -> memref<1x512x16xf32, #tpu.memory_space<vmem>>
      %dma_start3A_171 = tpu.memref_squeeze %dma_start3A_170 : memref<1x512x16xf32, #tpu.memory_space<vmem>> -> memref<512x16xf32, #tpu.memory_space<vmem>>
      %dma_start3A_172 = arith.constant 0 : i32
      %dma_start3A_173 = tpu.memref_slice %arg7[%add3A_85, %dma_start3A_172] : memref<100096x16xf32, #tpu.memory_space<vmem_shared>> -> memref<512x16xf32, #tpu.memory_space<vmem_shared>>
      tpu.enqueue_dma source(%dma_start3A_173 : memref<512x16xf32, #tpu.memory_space<vmem_shared>>) target(%dma_start3A_171 : memref<512x16xf32, #tpu.memory_space<vmem>>) target_semaphore(%run_scoped3A_162 : memref<!tpu.dma_semaphore, #tpu.memory_space<semaphore_mem>>)
      %dma_wait3A_174 = arith.constant 0 : i32
      %dma_wait3A_175 = arith.constant 0 : i32
      %dma_wait3A_176 = tpu.memref_slice %arg6[%run_scoped3A_86, %dma_wait3A_174, %dma_wait3A_175] : memref<3x512x16xf32, #tpu.memory_space<vmem>> -> memref<1x512x16xf32, #tpu.memory_space<vmem>>
      %dma_wait3A_177 = tpu.memref_squeeze %dma_wait3A_176 : memref<1x512x16xf32, #tpu.memory_space<vmem>> -> memref<512x16xf32, #tpu.memory_space<vmem>>
      %dma_wait3A_178 = arith.constant 0 : i32
      %dma_wait3A_179 = tpu.memref_slice %arg7[%add3A_85, %dma_wait3A_178] : memref<100096x16xf32, #tpu.memory_space<vmem_shared>> -> memref<512x16xf32, #tpu.memory_space<vmem_shared>>
      %dma_wait3A_180 = arith.constant 0 : i32
      %dma_wait3A_181 = arith.constant 0 : i32
      %dma_wait3A_182 = tpu.memref_slice %arg6[%run_scoped3A_86, %dma_wait3A_180, %dma_wait3A_181] : memref<3x512x16xf32, #tpu.memory_space<vmem>> -> memref<1x512x16xf32, #tpu.memory_space<vmem>>
      %dma_wait3A_183 = tpu.memref_squeeze %dma_wait3A_182 : memref<1x512x16xf32, #tpu.memory_space<vmem>> -> memref<512x16xf32, #tpu.memory_space<vmem>>
      %dma_wait3A_184 = arith.constant 0 : i32
      %dma_wait3A_185 = tpu.memref_slice %arg7[%add3A_85, %dma_wait3A_184] : memref<100096x16xf32, #tpu.memory_space<vmem_shared>> -> memref<512x16xf32, #tpu.memory_space<vmem_shared>>
      tpu.wait_dma2 semaphore(%run_scoped3A_162 : memref<!tpu.dma_semaphore, #tpu.memory_space<semaphore_mem>>) src(%dma_wait3A_185 : memref<512x16xf32, #tpu.memory_space<vmem_shared>>) dst(%dma_wait3A_183 : memref<512x16xf32, #tpu.memory_space<vmem>>)
      tpu.yield
    }) : () -> ()
    %add3A_87 = arith.constant 0 : i32
    %add3A_88 = arith.addi %mul3A_6, %add3A_87 : i32
    %run_scoped3A_89 = arith.constant 0 : i32
    "tpu.region"() ({
      %run_scoped3A_162 = tpu.sem_alloc : memref<!tpu.dma_semaphore, #tpu.memory_space<semaphore_mem>>
      %dma_start3A = arith.constant 0 : i32
      %dma_start3A_163 = arith.constant 0 : i32
      %dma_start3A_164 = tpu.memref_slice %arg6[%run_scoped3A_89, %dma_start3A, %dma_start3A_163] : memref<3x512x16xf32, #tpu.memory_space<vmem>> -> memref<1x512x16xf32, #tpu.memory_space<vmem>>
      %dma_start3A_165 = tpu.memref_squeeze %dma_start3A_164 : memref<1x512x16xf32, #tpu.memory_space<vmem>> -> memref<512x16xf32, #tpu.memory_space<vmem>>
      %dma_start3A_166 = tpu.memref_slice %arg4[%add3A_88, %mul3A_0] : memref<100096x128xf32, #tpu.memory_space<hbm>> -> memref<512x16xf32, #tpu.memory_space<hbm>>
      %dma_start3A_167 = tpu.memref_slice %arg4[%add3A_88, %mul3A_0] : memref<100096x128xf32, #tpu.memory_space<hbm>> -> memref<512x16xf32, #tpu.memory_space<hbm>>
      %dma_start3A_168 = arith.constant 0 : i32
      %dma_start3A_169 = arith.constant 0 : i32
      %dma_start3A_170 = tpu.memref_slice %arg6[%run_scoped3A_89, %dma_start3A_168, %dma_start3A_169] : memref<3x512x16xf32, #tpu.memory_space<vmem>> -> memref<1x512x16xf32, #tpu.memory_space<vmem>>
      %dma_start3A_171 = tpu.memref_squeeze %dma_start3A_170 : memref<1x512x16xf32, #tpu.memory_space<vmem>> -> memref<512x16xf32, #tpu.memory_space<vmem>>
      tpu.enqueue_dma source(%dma_start3A_171 : memref<512x16xf32, #tpu.memory_space<vmem>>) target(%dma_start3A_167 : memref<512x16xf32, #tpu.memory_space<hbm>>) target_semaphore(%run_scoped3A_162 : memref<!tpu.dma_semaphore, #tpu.memory_space<semaphore_mem>>)
      %dma_wait3A_172 = arith.constant 0 : i32
      %dma_wait3A_173 = arith.constant 0 : i32
      %dma_wait3A_174 = tpu.memref_slice %arg6[%run_scoped3A_89, %dma_wait3A_172, %dma_wait3A_173] : memref<3x512x16xf32, #tpu.memory_space<vmem>> -> memref<1x512x16xf32, #tpu.memory_space<vmem>>
      %dma_wait3A_175 = tpu.memref_squeeze %dma_wait3A_174 : memref<1x512x16xf32, #tpu.memory_space<vmem>> -> memref<512x16xf32, #tpu.memory_space<vmem>>
      %dma_wait3A_176 = tpu.memref_slice %arg4[%add3A_88, %mul3A_0] : memref<100096x128xf32, #tpu.memory_space<hbm>> -> memref<512x16xf32, #tpu.memory_space<hbm>>
      %dma_wait3A_177 = tpu.memref_slice %arg4[%add3A_88, %mul3A_0] : memref<100096x128xf32, #tpu.memory_space<hbm>> -> memref<512x16xf32, #tpu.memory_space<hbm>>
      %dma_wait3A_178 = arith.constant 0 : i32
      %dma_wait3A_179 = arith.constant 0 : i32
      %dma_wait3A_180 = tpu.memref_slice %arg6[%run_scoped3A_89, %dma_wait3A_178, %dma_wait3A_179] : memref<3x512x16xf32, #tpu.memory_space<vmem>> -> memref<1x512x16xf32, #tpu.memory_space<vmem>>
      %dma_wait3A_181 = tpu.memref_squeeze %dma_wait3A_180 : memref<1x512x16xf32, #tpu.memory_space<vmem>> -> memref<512x16xf32, #tpu.memory_space<vmem>>
      tpu.wait_dma2 semaphore(%run_scoped3A_162 : memref<!tpu.dma_semaphore, #tpu.memory_space<semaphore_mem>>) src(%dma_wait3A_181 : memref<512x16xf32, #tpu.memory_space<vmem>>) dst(%dma_wait3A_177 : memref<512x16xf32, #tpu.memory_space<hbm>>)
      tpu.yield
    }) : () -> ()
    %add3A_90 = arith.constant 512 : i32
    %add3A_91 = arith.addi %mul3A_6, %add3A_90 : i32
    %run_scoped3A_92 = arith.constant 0 : i32
    "tpu.region"() ({
      %run_scoped3A_162 = tpu.sem_alloc : memref<!tpu.dma_semaphore, #tpu.memory_space<semaphore_mem>>
      %dma_start3A = arith.constant 0 : i32
      %dma_start3A_163 = arith.constant 0 : i32
      %dma_start3A_164 = tpu.memref_slice %arg6[%run_scoped3A_92, %dma_start3A, %dma_start3A_163] : memref<3x512x16xf32, #tpu.memory_space<vmem>> -> memref<1x512x16xf32, #tpu.memory_space<vmem>>
      %dma_start3A_165 = tpu.memref_squeeze %dma_start3A_164 : memref<1x512x16xf32, #tpu.memory_space<vmem>> -> memref<512x16xf32, #tpu.memory_space<vmem>>
      %dma_start3A_166 = arith.constant 0 : i32
      %dma_start3A_167 = tpu.memref_slice %arg7[%add3A_91, %dma_start3A_166] : memref<100096x16xf32, #tpu.memory_space<vmem_shared>> -> memref<512x16xf32, #tpu.memory_space<vmem_shared>>
      %dma_start3A_168 = arith.constant 0 : i32
      %dma_start3A_169 = arith.constant 0 : i32
      %dma_start3A_170 = tpu.memref_slice %arg6[%run_scoped3A_92, %dma_start3A_168, %dma_start3A_169] : memref<3x512x16xf32, #tpu.memory_space<vmem>> -> memref<1x512x16xf32, #tpu.memory_space<vmem>>
      %dma_start3A_171 = tpu.memref_squeeze %dma_start3A_170 : memref<1x512x16xf32, #tpu.memory_space<vmem>> -> memref<512x16xf32, #tpu.memory_space<vmem>>
      %dma_start3A_172 = arith.constant 0 : i32
      %dma_start3A_173 = tpu.memref_slice %arg7[%add3A_91, %dma_start3A_172] : memref<100096x16xf32, #tpu.memory_space<vmem_shared>> -> memref<512x16xf32, #tpu.memory_space<vmem_shared>>
      tpu.enqueue_dma source(%dma_start3A_173 : memref<512x16xf32, #tpu.memory_space<vmem_shared>>) target(%dma_start3A_171 : memref<512x16xf32, #tpu.memory_space<vmem>>) target_semaphore(%run_scoped3A_162 : memref<!tpu.dma_semaphore, #tpu.memory_space<semaphore_mem>>)
      %dma_wait3A_174 = arith.constant 0 : i32
      %dma_wait3A_175 = arith.constant 0 : i32
      %dma_wait3A_176 = tpu.memref_slice %arg6[%run_scoped3A_92, %dma_wait3A_174, %dma_wait3A_175] : memref<3x512x16xf32, #tpu.memory_space<vmem>> -> memref<1x512x16xf32, #tpu.memory_space<vmem>>
      %dma_wait3A_177 = tpu.memref_squeeze %dma_wait3A_176 : memref<1x512x16xf32, #tpu.memory_space<vmem>> -> memref<512x16xf32, #tpu.memory_space<vmem>>
      %dma_wait3A_178 = arith.constant 0 : i32
      %dma_wait3A_179 = tpu.memref_slice %arg7[%add3A_91, %dma_wait3A_178] : memref<100096x16xf32, #tpu.memory_space<vmem_shared>> -> memref<512x16xf32, #tpu.memory_space<vmem_shared>>
      %dma_wait3A_180 = arith.constant 0 : i32
      %dma_wait3A_181 = arith.constant 0 : i32
      %dma_wait3A_182 = tpu.memref_slice %arg6[%run_scoped3A_92, %dma_wait3A_180, %dma_wait3A_181] : memref<3x512x16xf32, #tpu.memory_space<vmem>> -> memref<1x512x16xf32, #tpu.memory_space<vmem>>
      %dma_wait3A_183 = tpu.memref_squeeze %dma_wait3A_182 : memref<1x512x16xf32, #tpu.memory_space<vmem>> -> memref<512x16xf32, #tpu.memory_space<vmem>>
      %dma_wait3A_184 = arith.constant 0 : i32
      %dma_wait3A_185 = tpu.memref_slice %arg7[%add3A_91, %dma_wait3A_184] : memref<100096x16xf32, #tpu.memory_space<vmem_shared>> -> memref<512x16xf32, #tpu.memory_space<vmem_shared>>
      tpu.wait_dma2 semaphore(%run_scoped3A_162 : memref<!tpu.dma_semaphore, #tpu.memory_space<semaphore_mem>>) src(%dma_wait3A_185 : memref<512x16xf32, #tpu.memory_space<vmem_shared>>) dst(%dma_wait3A_183 : memref<512x16xf32, #tpu.memory_space<vmem>>)
      tpu.yield
    }) : () -> ()
    %add3A_93 = arith.constant 512 : i32
    %add3A_94 = arith.addi %mul3A_6, %add3A_93 : i32
    %run_scoped3A_95 = arith.constant 0 : i32
    "tpu.region"() ({
      %run_scoped3A_162 = tpu.sem_alloc : memref<!tpu.dma_semaphore, #tpu.memory_space<semaphore_mem>>
      %dma_start3A = arith.constant 0 : i32
      %dma_start3A_163 = arith.constant 0 : i32
      %dma_start3A_164 = tpu.memref_slice %arg6[%run_scoped3A_95, %dma_start3A, %dma_start3A_163] : memref<3x512x16xf32, #tpu.memory_space<vmem>> -> memref<1x512x16xf32, #tpu.memory_space<vmem>>
      %dma_start3A_165 = tpu.memref_squeeze %dma_start3A_164 : memref<1x512x16xf32, #tpu.memory_space<vmem>> -> memref<512x16xf32, #tpu.memory_space<vmem>>
      %dma_start3A_166 = tpu.memref_slice %arg4[%add3A_94, %mul3A_0] : memref<100096x128xf32, #tpu.memory_space<hbm>> -> memref<512x16xf32, #tpu.memory_space<hbm>>
      %dma_start3A_167 = tpu.memref_slice %arg4[%add3A_94, %mul3A_0] : memref<100096x128xf32, #tpu.memory_space<hbm>> -> memref<512x16xf32, #tpu.memory_space<hbm>>
      %dma_start3A_168 = arith.constant 0 : i32
      %dma_start3A_169 = arith.constant 0 : i32
      %dma_start3A_170 = tpu.memref_slice %arg6[%run_scoped3A_95, %dma_start3A_168, %dma_start3A_169] : memref<3x512x16xf32, #tpu.memory_space<vmem>> -> memref<1x512x16xf32, #tpu.memory_space<vmem>>
      %dma_start3A_171 = tpu.memref_squeeze %dma_start3A_170 : memref<1x512x16xf32, #tpu.memory_space<vmem>> -> memref<512x16xf32, #tpu.memory_space<vmem>>
      tpu.enqueue_dma source(%dma_start3A_171 : memref<512x16xf32, #tpu.memory_space<vmem>>) target(%dma_start3A_167 : memref<512x16xf32, #tpu.memory_space<hbm>>) target_semaphore(%run_scoped3A_162 : memref<!tpu.dma_semaphore, #tpu.memory_space<semaphore_mem>>)
      %dma_wait3A_172 = arith.constant 0 : i32
      %dma_wait3A_173 = arith.constant 0 : i32
      %dma_wait3A_174 = tpu.memref_slice %arg6[%run_scoped3A_95, %dma_wait3A_172, %dma_wait3A_173] : memref<3x512x16xf32, #tpu.memory_space<vmem>> -> memref<1x512x16xf32, #tpu.memory_space<vmem>>
      %dma_wait3A_175 = tpu.memref_squeeze %dma_wait3A_174 : memref<1x512x16xf32, #tpu.memory_space<vmem>> -> memref<512x16xf32, #tpu.memory_space<vmem>>
      %dma_wait3A_176 = tpu.memref_slice %arg4[%add3A_94, %mul3A_0] : memref<100096x128xf32, #tpu.memory_space<hbm>> -> memref<512x16xf32, #tpu.memory_space<hbm>>
      %dma_wait3A_177 = tpu.memref_slice %arg4[%add3A_94, %mul3A_0] : memref<100096x128xf32, #tpu.memory_space<hbm>> -> memref<512x16xf32, #tpu.memory_space<hbm>>
      %dma_wait3A_178 = arith.constant 0 : i32
      %dma_wait3A_179 = arith.constant 0 : i32
      %dma_wait3A_180 = tpu.memref_slice %arg6[%run_scoped3A_95, %dma_wait3A_178, %dma_wait3A_179] : memref<3x512x16xf32, #tpu.memory_space<vmem>> -> memref<1x512x16xf32, #tpu.memory_space<vmem>>
      %dma_wait3A_181 = tpu.memref_squeeze %dma_wait3A_180 : memref<1x512x16xf32, #tpu.memory_space<vmem>> -> memref<512x16xf32, #tpu.memory_space<vmem>>
      tpu.wait_dma2 semaphore(%run_scoped3A_162 : memref<!tpu.dma_semaphore, #tpu.memory_space<semaphore_mem>>) src(%dma_wait3A_181 : memref<512x16xf32, #tpu.memory_space<vmem>>) dst(%dma_wait3A_177 : memref<512x16xf32, #tpu.memory_space<hbm>>)
      tpu.yield
    }) : () -> ()
    %add3A_96 = arith.constant 1024 : i32
    %add3A_97 = arith.addi %mul3A_6, %add3A_96 : i32
    %run_scoped3A_98 = arith.constant 0 : i32
    "tpu.region"() ({
      %run_scoped3A_162 = tpu.sem_alloc : memref<!tpu.dma_semaphore, #tpu.memory_space<semaphore_mem>>
      %dma_start3A = arith.constant 0 : i32
      %dma_start3A_163 = arith.constant 0 : i32
      %dma_start3A_164 = tpu.memref_slice %arg6[%run_scoped3A_98, %dma_start3A, %dma_start3A_163] : memref<3x512x16xf32, #tpu.memory_space<vmem>> -> memref<1x512x16xf32, #tpu.memory_space<vmem>>
      %dma_start3A_165 = tpu.memref_squeeze %dma_start3A_164 : memref<1x512x16xf32, #tpu.memory_space<vmem>> -> memref<512x16xf32, #tpu.memory_space<vmem>>
      %dma_start3A_166 = arith.constant 0 : i32
      %dma_start3A_167 = tpu.memref_slice %arg7[%add3A_97, %dma_start3A_166] : memref<100096x16xf32, #tpu.memory_space<vmem_shared>> -> memref<512x16xf32, #tpu.memory_space<vmem_shared>>
      %dma_start3A_168 = arith.constant 0 : i32
      %dma_start3A_169 = arith.constant 0 : i32
      %dma_start3A_170 = tpu.memref_slice %arg6[%run_scoped3A_98, %dma_start3A_168, %dma_start3A_169] : memref<3x512x16xf32, #tpu.memory_space<vmem>> -> memref<1x512x16xf32, #tpu.memory_space<vmem>>
      %dma_start3A_171 = tpu.memref_squeeze %dma_start3A_170 : memref<1x512x16xf32, #tpu.memory_space<vmem>> -> memref<512x16xf32, #tpu.memory_space<vmem>>
      %dma_start3A_172 = arith.constant 0 : i32
      %dma_start3A_173 = tpu.memref_slice %arg7[%add3A_97, %dma_start3A_172] : memref<100096x16xf32, #tpu.memory_space<vmem_shared>> -> memref<512x16xf32, #tpu.memory_space<vmem_shared>>
      tpu.enqueue_dma source(%dma_start3A_173 : memref<512x16xf32, #tpu.memory_space<vmem_shared>>) target(%dma_start3A_171 : memref<512x16xf32, #tpu.memory_space<vmem>>) target_semaphore(%run_scoped3A_162 : memref<!tpu.dma_semaphore, #tpu.memory_space<semaphore_mem>>)
      %dma_wait3A_174 = arith.constant 0 : i32
      %dma_wait3A_175 = arith.constant 0 : i32
      %dma_wait3A_176 = tpu.memref_slice %arg6[%run_scoped3A_98, %dma_wait3A_174, %dma_wait3A_175] : memref<3x512x16xf32, #tpu.memory_space<vmem>> -> memref<1x512x16xf32, #tpu.memory_space<vmem>>
      %dma_wait3A_177 = tpu.memref_squeeze %dma_wait3A_176 : memref<1x512x16xf32, #tpu.memory_space<vmem>> -> memref<512x16xf32, #tpu.memory_space<vmem>>
      %dma_wait3A_178 = arith.constant 0 : i32
      %dma_wait3A_179 = tpu.memref_slice %arg7[%add3A_97, %dma_wait3A_178] : memref<100096x16xf32, #tpu.memory_space<vmem_shared>> -> memref<512x16xf32, #tpu.memory_space<vmem_shared>>
      %dma_wait3A_180 = arith.constant 0 : i32
      %dma_wait3A_181 = arith.constant 0 : i32
      %dma_wait3A_182 = tpu.memref_slice %arg6[%run_scoped3A_98, %dma_wait3A_180, %dma_wait3A_181] : memref<3x512x16xf32, #tpu.memory_space<vmem>> -> memref<1x512x16xf32, #tpu.memory_space<vmem>>
      %dma_wait3A_183 = tpu.memref_squeeze %dma_wait3A_182 : memref<1x512x16xf32, #tpu.memory_space<vmem>> -> memref<512x16xf32, #tpu.memory_space<vmem>>
      %dma_wait3A_184 = arith.constant 0 : i32
      %dma_wait3A_185 = tpu.memref_slice %arg7[%add3A_97, %dma_wait3A_184] : memref<100096x16xf32, #tpu.memory_space<vmem_shared>> -> memref<512x16xf32, #tpu.memory_space<vmem_shared>>
      tpu.wait_dma2 semaphore(%run_scoped3A_162 : memref<!tpu.dma_semaphore, #tpu.memory_space<semaphore_mem>>) src(%dma_wait3A_185 : memref<512x16xf32, #tpu.memory_space<vmem_shared>>) dst(%dma_wait3A_183 : memref<512x16xf32, #tpu.memory_space<vmem>>)
      tpu.yield
    }) : () -> ()
    %add3A_99 = arith.constant 1024 : i32
    %add3A_100 = arith.addi %mul3A_6, %add3A_99 : i32
    %run_scoped3A_101 = arith.constant 0 : i32
    "tpu.region"() ({
      %run_scoped3A_162 = tpu.sem_alloc : memref<!tpu.dma_semaphore, #tpu.memory_space<semaphore_mem>>
      %dma_start3A = arith.constant 0 : i32
      %dma_start3A_163 = arith.constant 0 : i32
      %dma_start3A_164 = tpu.memref_slice %arg6[%run_scoped3A_101, %dma_start3A, %dma_start3A_163] : memref<3x512x16xf32, #tpu.memory_space<vmem>> -> memref<1x512x16xf32, #tpu.memory_space<vmem>>
      %dma_start3A_165 = tpu.memref_squeeze %dma_start3A_164 : memref<1x512x16xf32, #tpu.memory_space<vmem>> -> memref<512x16xf32, #tpu.memory_space<vmem>>
      %dma_start3A_166 = tpu.memref_slice %arg4[%add3A_100, %mul3A_0] : memref<100096x128xf32, #tpu.memory_space<hbm>> -> memref<512x16xf32, #tpu.memory_space<hbm>>
      %dma_start3A_167 = tpu.memref_slice %arg4[%add3A_100, %mul3A_0] : memref<100096x128xf32, #tpu.memory_space<hbm>> -> memref<512x16xf32, #tpu.memory_space<hbm>>
      %dma_start3A_168 = arith.constant 0 : i32
      %dma_start3A_169 = arith.constant 0 : i32
      %dma_start3A_170 = tpu.memref_slice %arg6[%run_scoped3A_101, %dma_start3A_168, %dma_start3A_169] : memref<3x512x16xf32, #tpu.memory_space<vmem>> -> memref<1x512x16xf32, #tpu.memory_space<vmem>>
      %dma_start3A_171 = tpu.memref_squeeze %dma_start3A_170 : memref<1x512x16xf32, #tpu.memory_space<vmem>> -> memref<512x16xf32, #tpu.memory_space<vmem>>
      tpu.enqueue_dma source(%dma_start3A_171 : memref<512x16xf32, #tpu.memory_space<vmem>>) target(%dma_start3A_167 : memref<512x16xf32, #tpu.memory_space<hbm>>) target_semaphore(%run_scoped3A_162 : memref<!tpu.dma_semaphore, #tpu.memory_space<semaphore_mem>>)
      %dma_wait3A_172 = arith.constant 0 : i32
      %dma_wait3A_173 = arith.constant 0 : i32
      %dma_wait3A_174 = tpu.memref_slice %arg6[%run_scoped3A_101, %dma_wait3A_172, %dma_wait3A_173] : memref<3x512x16xf32, #tpu.memory_space<vmem>> -> memref<1x512x16xf32, #tpu.memory_space<vmem>>
      %dma_wait3A_175 = tpu.memref_squeeze %dma_wait3A_174 : memref<1x512x16xf32, #tpu.memory_space<vmem>> -> memref<512x16xf32, #tpu.memory_space<vmem>>
      %dma_wait3A_176 = tpu.memref_slice %arg4[%add3A_100, %mul3A_0] : memref<100096x128xf32, #tpu.memory_space<hbm>> -> memref<512x16xf32, #tpu.memory_space<hbm>>
      %dma_wait3A_177 = tpu.memref_slice %arg4[%add3A_100, %mul3A_0] : memref<100096x128xf32, #tpu.memory_space<hbm>> -> memref<512x16xf32, #tpu.memory_space<hbm>>
      %dma_wait3A_178 = arith.constant 0 : i32
      %dma_wait3A_179 = arith.constant 0 : i32
      %dma_wait3A_180 = tpu.memref_slice %arg6[%run_scoped3A_101, %dma_wait3A_178, %dma_wait3A_179] : memref<3x512x16xf32, #tpu.memory_space<vmem>> -> memref<1x512x16xf32, #tpu.memory_space<vmem>>
      %dma_wait3A_181 = tpu.memref_squeeze %dma_wait3A_180 : memref<1x512x16xf32, #tpu.memory_space<vmem>> -> memref<512x16xf32, #tpu.memory_space<vmem>>
      tpu.wait_dma2 semaphore(%run_scoped3A_162 : memref<!tpu.dma_semaphore, #tpu.memory_space<semaphore_mem>>) src(%dma_wait3A_181 : memref<512x16xf32, #tpu.memory_space<vmem>>) dst(%dma_wait3A_177 : memref<512x16xf32, #tpu.memory_space<hbm>>)
      tpu.yield
    }) : () -> ()
    %add3A_102 = arith.constant 1536 : i32
    %add3A_103 = arith.addi %mul3A_6, %add3A_102 : i32
    %run_scoped3A_104 = arith.constant 0 : i32
    "tpu.region"() ({
      %run_scoped3A_162 = tpu.sem_alloc : memref<!tpu.dma_semaphore, #tpu.memory_space<semaphore_mem>>
      %dma_start3A = arith.constant 0 : i32
      %dma_start3A_163 = arith.constant 0 : i32
      %dma_start3A_164 = tpu.memref_slice %arg6[%run_scoped3A_104, %dma_start3A, %dma_start3A_163] : memref<3x512x16xf32, #tpu.memory_space<vmem>> -> memref<1x512x16xf32, #tpu.memory_space<vmem>>
      %dma_start3A_165 = tpu.memref_squeeze %dma_start3A_164 : memref<1x512x16xf32, #tpu.memory_space<vmem>> -> memref<512x16xf32, #tpu.memory_space<vmem>>
      %dma_start3A_166 = arith.constant 0 : i32
      %dma_start3A_167 = tpu.memref_slice %arg7[%add3A_103, %dma_start3A_166] : memref<100096x16xf32, #tpu.memory_space<vmem_shared>> -> memref<512x16xf32, #tpu.memory_space<vmem_shared>>
      %dma_start3A_168 = arith.constant 0 : i32
      %dma_start3A_169 = arith.constant 0 : i32
      %dma_start3A_170 = tpu.memref_slice %arg6[%run_scoped3A_104, %dma_start3A_168, %dma_start3A_169] : memref<3x512x16xf32, #tpu.memory_space<vmem>> -> memref<1x512x16xf32, #tpu.memory_space<vmem>>
      %dma_start3A_171 = tpu.memref_squeeze %dma_start3A_170 : memref<1x512x16xf32, #tpu.memory_space<vmem>> -> memref<512x16xf32, #tpu.memory_space<vmem>>
      %dma_start3A_172 = arith.constant 0 : i32
      %dma_start3A_173 = tpu.memref_slice %arg7[%add3A_103, %dma_start3A_172] : memref<100096x16xf32, #tpu.memory_space<vmem_shared>> -> memref<512x16xf32, #tpu.memory_space<vmem_shared>>
      tpu.enqueue_dma source(%dma_start3A_173 : memref<512x16xf32, #tpu.memory_space<vmem_shared>>) target(%dma_start3A_171 : memref<512x16xf32, #tpu.memory_space<vmem>>) target_semaphore(%run_scoped3A_162 : memref<!tpu.dma_semaphore, #tpu.memory_space<semaphore_mem>>)
      %dma_wait3A_174 = arith.constant 0 : i32
      %dma_wait3A_175 = arith.constant 0 : i32
      %dma_wait3A_176 = tpu.memref_slice %arg6[%run_scoped3A_104, %dma_wait3A_174, %dma_wait3A_175] : memref<3x512x16xf32, #tpu.memory_space<vmem>> -> memref<1x512x16xf32, #tpu.memory_space<vmem>>
      %dma_wait3A_177 = tpu.memref_squeeze %dma_wait3A_176 : memref<1x512x16xf32, #tpu.memory_space<vmem>> -> memref<512x16xf32, #tpu.memory_space<vmem>>
      %dma_wait3A_178 = arith.constant 0 : i32
      %dma_wait3A_179 = tpu.memref_slice %arg7[%add3A_103, %dma_wait3A_178] : memref<100096x16xf32, #tpu.memory_space<vmem_shared>> -> memref<512x16xf32, #tpu.memory_space<vmem_shared>>
      %dma_wait3A_180 = arith.constant 0 : i32
      %dma_wait3A_181 = arith.constant 0 : i32
      %dma_wait3A_182 = tpu.memref_slice %arg6[%run_scoped3A_104, %dma_wait3A_180, %dma_wait3A_181] : memref<3x512x16xf32, #tpu.memory_space<vmem>> -> memref<1x512x16xf32, #tpu.memory_space<vmem>>
      %dma_wait3A_183 = tpu.memref_squeeze %dma_wait3A_182 : memref<1x512x16xf32, #tpu.memory_space<vmem>> -> memref<512x16xf32, #tpu.memory_space<vmem>>
      %dma_wait3A_184 = arith.constant 0 : i32
      %dma_wait3A_185 = tpu.memref_slice %arg7[%add3A_103, %dma_wait3A_184] : memref<100096x16xf32, #tpu.memory_space<vmem_shared>> -> memref<512x16xf32, #tpu.memory_space<vmem_shared>>
      tpu.wait_dma2 semaphore(%run_scoped3A_162 : memref<!tpu.dma_semaphore, #tpu.memory_space<semaphore_mem>>) src(%dma_wait3A_185 : memref<512x16xf32, #tpu.memory_space<vmem_shared>>) dst(%dma_wait3A_183 : memref<512x16xf32, #tpu.memory_space<vmem>>)
      tpu.yield
    }) : () -> ()
    %add3A_105 = arith.constant 1536 : i32
    %add3A_106 = arith.addi %mul3A_6, %add3A_105 : i32
    %run_scoped3A_107 = arith.constant 0 : i32
    "tpu.region"() ({
      %run_scoped3A_162 = tpu.sem_alloc : memref<!tpu.dma_semaphore, #tpu.memory_space<semaphore_mem>>
      %dma_start3A = arith.constant 0 : i32
      %dma_start3A_163 = arith.constant 0 : i32
      %dma_start3A_164 = tpu.memref_slice %arg6[%run_scoped3A_107, %dma_start3A, %dma_start3A_163] : memref<3x512x16xf32, #tpu.memory_space<vmem>> -> memref<1x512x16xf32, #tpu.memory_space<vmem>>
      %dma_start3A_165 = tpu.memref_squeeze %dma_start3A_164 : memref<1x512x16xf32, #tpu.memory_space<vmem>> -> memref<512x16xf32, #tpu.memory_space<vmem>>
      %dma_start3A_166 = tpu.memref_slice %arg4[%add3A_106, %mul3A_0] : memref<100096x128xf32, #tpu.memory_space<hbm>> -> memref<512x16xf32, #tpu.memory_space<hbm>>
      %dma_start3A_167 = tpu.memref_slice %arg4[%add3A_106, %mul3A_0] : memref<100096x128xf32, #tpu.memory_space<hbm>> -> memref<512x16xf32, #tpu.memory_space<hbm>>
      %dma_start3A_168 = arith.constant 0 : i32
      %dma_start3A_169 = arith.constant 0 : i32
      %dma_start3A_170 = tpu.memref_slice %arg6[%run_scoped3A_107, %dma_start3A_168, %dma_start3A_169] : memref<3x512x16xf32, #tpu.memory_space<vmem>> -> memref<1x512x16xf32, #tpu.memory_space<vmem>>
      %dma_start3A_171 = tpu.memref_squeeze %dma_start3A_170 : memref<1x512x16xf32, #tpu.memory_space<vmem>> -> memref<512x16xf32, #tpu.memory_space<vmem>>
      tpu.enqueue_dma source(%dma_start3A_171 : memref<512x16xf32, #tpu.memory_space<vmem>>) target(%dma_start3A_167 : memref<512x16xf32, #tpu.memory_space<hbm>>) target_semaphore(%run_scoped3A_162 : memref<!tpu.dma_semaphore, #tpu.memory_space<semaphore_mem>>)
      %dma_wait3A_172 = arith.constant 0 : i32
      %dma_wait3A_173 = arith.constant 0 : i32
      %dma_wait3A_174 = tpu.memref_slice %arg6[%run_scoped3A_107, %dma_wait3A_172, %dma_wait3A_173] : memref<3x512x16xf32, #tpu.memory_space<vmem>> -> memref<1x512x16xf32, #tpu.memory_space<vmem>>
      %dma_wait3A_175 = tpu.memref_squeeze %dma_wait3A_174 : memref<1x512x16xf32, #tpu.memory_space<vmem>> -> memref<512x16xf32, #tpu.memory_space<vmem>>
      %dma_wait3A_176 = tpu.memref_slice %arg4[%add3A_106, %mul3A_0] : memref<100096x128xf32, #tpu.memory_space<hbm>> -> memref<512x16xf32, #tpu.memory_space<hbm>>
      %dma_wait3A_177 = tpu.memref_slice %arg4[%add3A_106, %mul3A_0] : memref<100096x128xf32, #tpu.memory_space<hbm>> -> memref<512x16xf32, #tpu.memory_space<hbm>>
      %dma_wait3A_178 = arith.constant 0 : i32
      %dma_wait3A_179 = arith.constant 0 : i32
      %dma_wait3A_180 = tpu.memref_slice %arg6[%run_scoped3A_107, %dma_wait3A_178, %dma_wait3A_179] : memref<3x512x16xf32, #tpu.memory_space<vmem>> -> memref<1x512x16xf32, #tpu.memory_space<vmem>>
      %dma_wait3A_181 = tpu.memref_squeeze %dma_wait3A_180 : memref<1x512x16xf32, #tpu.memory_space<vmem>> -> memref<512x16xf32, #tpu.memory_space<vmem>>
      tpu.wait_dma2 semaphore(%run_scoped3A_162 : memref<!tpu.dma_semaphore, #tpu.memory_space<semaphore_mem>>) src(%dma_wait3A_181 : memref<512x16xf32, #tpu.memory_space<vmem>>) dst(%dma_wait3A_177 : memref<512x16xf32, #tpu.memory_space<hbm>>)
      tpu.yield
    }) : () -> ()
    %add3A_108 = arith.constant 2048 : i32
    %add3A_109 = arith.addi %mul3A_6, %add3A_108 : i32
    %run_scoped3A_110 = arith.constant 0 : i32
    "tpu.region"() ({
      %run_scoped3A_162 = tpu.sem_alloc : memref<!tpu.dma_semaphore, #tpu.memory_space<semaphore_mem>>
      %dma_start3A = arith.constant 0 : i32
      %dma_start3A_163 = arith.constant 0 : i32
      %dma_start3A_164 = tpu.memref_slice %arg6[%run_scoped3A_110, %dma_start3A, %dma_start3A_163] : memref<3x512x16xf32, #tpu.memory_space<vmem>> -> memref<1x512x16xf32, #tpu.memory_space<vmem>>
      %dma_start3A_165 = tpu.memref_squeeze %dma_start3A_164 : memref<1x512x16xf32, #tpu.memory_space<vmem>> -> memref<512x16xf32, #tpu.memory_space<vmem>>
      %dma_start3A_166 = arith.constant 0 : i32
      %dma_start3A_167 = tpu.memref_slice %arg7[%add3A_109, %dma_start3A_166] : memref<100096x16xf32, #tpu.memory_space<vmem_shared>> -> memref<512x16xf32, #tpu.memory_space<vmem_shared>>
      %dma_start3A_168 = arith.constant 0 : i32
      %dma_start3A_169 = arith.constant 0 : i32
      %dma_start3A_170 = tpu.memref_slice %arg6[%run_scoped3A_110, %dma_start3A_168, %dma_start3A_169] : memref<3x512x16xf32, #tpu.memory_space<vmem>> -> memref<1x512x16xf32, #tpu.memory_space<vmem>>
      %dma_start3A_171 = tpu.memref_squeeze %dma_start3A_170 : memref<1x512x16xf32, #tpu.memory_space<vmem>> -> memref<512x16xf32, #tpu.memory_space<vmem>>
      %dma_start3A_172 = arith.constant 0 : i32
      %dma_start3A_173 = tpu.memref_slice %arg7[%add3A_109, %dma_start3A_172] : memref<100096x16xf32, #tpu.memory_space<vmem_shared>> -> memref<512x16xf32, #tpu.memory_space<vmem_shared>>
      tpu.enqueue_dma source(%dma_start3A_173 : memref<512x16xf32, #tpu.memory_space<vmem_shared>>) target(%dma_start3A_171 : memref<512x16xf32, #tpu.memory_space<vmem>>) target_semaphore(%run_scoped3A_162 : memref<!tpu.dma_semaphore, #tpu.memory_space<semaphore_mem>>)
      %dma_wait3A_174 = arith.constant 0 : i32
      %dma_wait3A_175 = arith.constant 0 : i32
      %dma_wait3A_176 = tpu.memref_slice %arg6[%run_scoped3A_110, %dma_wait3A_174, %dma_wait3A_175] : memref<3x512x16xf32, #tpu.memory_space<vmem>> -> memref<1x512x16xf32, #tpu.memory_space<vmem>>
      %dma_wait3A_177 = tpu.memref_squeeze %dma_wait3A_176 : memref<1x512x16xf32, #tpu.memory_space<vmem>> -> memref<512x16xf32, #tpu.memory_space<vmem>>
      %dma_wait3A_178 = arith.constant 0 : i32
      %dma_wait3A_179 = tpu.memref_slice %arg7[%add3A_109, %dma_wait3A_178] : memref<100096x16xf32, #tpu.memory_space<vmem_shared>> -> memref<512x16xf32, #tpu.memory_space<vmem_shared>>
      %dma_wait3A_180 = arith.constant 0 : i32
      %dma_wait3A_181 = arith.constant 0 : i32
      %dma_wait3A_182 = tpu.memref_slice %arg6[%run_scoped3A_110, %dma_wait3A_180, %dma_wait3A_181] : memref<3x512x16xf32, #tpu.memory_space<vmem>> -> memref<1x512x16xf32, #tpu.memory_space<vmem>>
      %dma_wait3A_183 = tpu.memref_squeeze %dma_wait3A_182 : memref<1x512x16xf32, #tpu.memory_space<vmem>> -> memref<512x16xf32, #tpu.memory_space<vmem>>
      %dma_wait3A_184 = arith.constant 0 : i32
      %dma_wait3A_185 = tpu.memref_slice %arg7[%add3A_109, %dma_wait3A_184] : memref<100096x16xf32, #tpu.memory_space<vmem_shared>> -> memref<512x16xf32, #tpu.memory_space<vmem_shared>>
      tpu.wait_dma2 semaphore(%run_scoped3A_162 : memref<!tpu.dma_semaphore, #tpu.memory_space<semaphore_mem>>) src(%dma_wait3A_185 : memref<512x16xf32, #tpu.memory_space<vmem_shared>>) dst(%dma_wait3A_183 : memref<512x16xf32, #tpu.memory_space<vmem>>)
      tpu.yield
    }) : () -> ()
    %add3A_111 = arith.constant 2048 : i32
    %add3A_112 = arith.addi %mul3A_6, %add3A_111 : i32
    %run_scoped3A_113 = arith.constant 0 : i32
    "tpu.region"() ({
      %run_scoped3A_162 = tpu.sem_alloc : memref<!tpu.dma_semaphore, #tpu.memory_space<semaphore_mem>>
      %dma_start3A = arith.constant 0 : i32
      %dma_start3A_163 = arith.constant 0 : i32
      %dma_start3A_164 = tpu.memref_slice %arg6[%run_scoped3A_113, %dma_start3A, %dma_start3A_163] : memref<3x512x16xf32, #tpu.memory_space<vmem>> -> memref<1x512x16xf32, #tpu.memory_space<vmem>>
      %dma_start3A_165 = tpu.memref_squeeze %dma_start3A_164 : memref<1x512x16xf32, #tpu.memory_space<vmem>> -> memref<512x16xf32, #tpu.memory_space<vmem>>
      %dma_start3A_166 = tpu.memref_slice %arg4[%add3A_112, %mul3A_0] : memref<100096x128xf32, #tpu.memory_space<hbm>> -> memref<512x16xf32, #tpu.memory_space<hbm>>
      %dma_start3A_167 = tpu.memref_slice %arg4[%add3A_112, %mul3A_0] : memref<100096x128xf32, #tpu.memory_space<hbm>> -> memref<512x16xf32, #tpu.memory_space<hbm>>
      %dma_start3A_168 = arith.constant 0 : i32
      %dma_start3A_169 = arith.constant 0 : i32
      %dma_start3A_170 = tpu.memref_slice %arg6[%run_scoped3A_113, %dma_start3A_168, %dma_start3A_169] : memref<3x512x16xf32, #tpu.memory_space<vmem>> -> memref<1x512x16xf32, #tpu.memory_space<vmem>>
      %dma_start3A_171 = tpu.memref_squeeze %dma_start3A_170 : memref<1x512x16xf32, #tpu.memory_space<vmem>> -> memref<512x16xf32, #tpu.memory_space<vmem>>
      tpu.enqueue_dma source(%dma_start3A_171 : memref<512x16xf32, #tpu.memory_space<vmem>>) target(%dma_start3A_167 : memref<512x16xf32, #tpu.memory_space<hbm>>) target_semaphore(%run_scoped3A_162 : memref<!tpu.dma_semaphore, #tpu.memory_space<semaphore_mem>>)
      %dma_wait3A_172 = arith.constant 0 : i32
      %dma_wait3A_173 = arith.constant 0 : i32
      %dma_wait3A_174 = tpu.memref_slice %arg6[%run_scoped3A_113, %dma_wait3A_172, %dma_wait3A_173] : memref<3x512x16xf32, #tpu.memory_space<vmem>> -> memref<1x512x16xf32, #tpu.memory_space<vmem>>
      %dma_wait3A_175 = tpu.memref_squeeze %dma_wait3A_174 : memref<1x512x16xf32, #tpu.memory_space<vmem>> -> memref<512x16xf32, #tpu.memory_space<vmem>>
      %dma_wait3A_176 = tpu.memref_slice %arg4[%add3A_112, %mul3A_0] : memref<100096x128xf32, #tpu.memory_space<hbm>> -> memref<512x16xf32, #tpu.memory_space<hbm>>
      %dma_wait3A_177 = tpu.memref_slice %arg4[%add3A_112, %mul3A_0] : memref<100096x128xf32, #tpu.memory_space<hbm>> -> memref<512x16xf32, #tpu.memory_space<hbm>>
      %dma_wait3A_178 = arith.constant 0 : i32
      %dma_wait3A_179 = arith.constant 0 : i32
      %dma_wait3A_180 = tpu.memref_slice %arg6[%run_scoped3A_113, %dma_wait3A_178, %dma_wait3A_179] : memref<3x512x16xf32, #tpu.memory_space<vmem>> -> memref<1x512x16xf32, #tpu.memory_space<vmem>>
      %dma_wait3A_181 = tpu.memref_squeeze %dma_wait3A_180 : memref<1x512x16xf32, #tpu.memory_space<vmem>> -> memref<512x16xf32, #tpu.memory_space<vmem>>
      tpu.wait_dma2 semaphore(%run_scoped3A_162 : memref<!tpu.dma_semaphore, #tpu.memory_space<semaphore_mem>>) src(%dma_wait3A_181 : memref<512x16xf32, #tpu.memory_space<vmem>>) dst(%dma_wait3A_177 : memref<512x16xf32, #tpu.memory_space<hbm>>)
      tpu.yield
    }) : () -> ()
    %add3A_114 = arith.constant 2560 : i32
    %add3A_115 = arith.addi %mul3A_6, %add3A_114 : i32
    %run_scoped3A_116 = arith.constant 0 : i32
    "tpu.region"() ({
      %run_scoped3A_162 = tpu.sem_alloc : memref<!tpu.dma_semaphore, #tpu.memory_space<semaphore_mem>>
      %dma_start3A = arith.constant 0 : i32
      %dma_start3A_163 = arith.constant 0 : i32
      %dma_start3A_164 = tpu.memref_slice %arg6[%run_scoped3A_116, %dma_start3A, %dma_start3A_163] : memref<3x512x16xf32, #tpu.memory_space<vmem>> -> memref<1x512x16xf32, #tpu.memory_space<vmem>>
      %dma_start3A_165 = tpu.memref_squeeze %dma_start3A_164 : memref<1x512x16xf32, #tpu.memory_space<vmem>> -> memref<512x16xf32, #tpu.memory_space<vmem>>
      %dma_start3A_166 = arith.constant 0 : i32
      %dma_start3A_167 = tpu.memref_slice %arg7[%add3A_115, %dma_start3A_166] : memref<100096x16xf32, #tpu.memory_space<vmem_shared>> -> memref<512x16xf32, #tpu.memory_space<vmem_shared>>
      %dma_start3A_168 = arith.constant 0 : i32
      %dma_start3A_169 = arith.constant 0 : i32
      %dma_start3A_170 = tpu.memref_slice %arg6[%run_scoped3A_116, %dma_start3A_168, %dma_start3A_169] : memref<3x512x16xf32, #tpu.memory_space<vmem>> -> memref<1x512x16xf32, #tpu.memory_space<vmem>>
      %dma_start3A_171 = tpu.memref_squeeze %dma_start3A_170 : memref<1x512x16xf32, #tpu.memory_space<vmem>> -> memref<512x16xf32, #tpu.memory_space<vmem>>
      %dma_start3A_172 = arith.constant 0 : i32
      %dma_start3A_173 = tpu.memref_slice %arg7[%add3A_115, %dma_start3A_172] : memref<100096x16xf32, #tpu.memory_space<vmem_shared>> -> memref<512x16xf32, #tpu.memory_space<vmem_shared>>
      tpu.enqueue_dma source(%dma_start3A_173 : memref<512x16xf32, #tpu.memory_space<vmem_shared>>) target(%dma_start3A_171 : memref<512x16xf32, #tpu.memory_space<vmem>>) target_semaphore(%run_scoped3A_162 : memref<!tpu.dma_semaphore, #tpu.memory_space<semaphore_mem>>)
      %dma_wait3A_174 = arith.constant 0 : i32
      %dma_wait3A_175 = arith.constant 0 : i32
      %dma_wait3A_176 = tpu.memref_slice %arg6[%run_scoped3A_116, %dma_wait3A_174, %dma_wait3A_175] : memref<3x512x16xf32, #tpu.memory_space<vmem>> -> memref<1x512x16xf32, #tpu.memory_space<vmem>>
      %dma_wait3A_177 = tpu.memref_squeeze %dma_wait3A_176 : memref<1x512x16xf32, #tpu.memory_space<vmem>> -> memref<512x16xf32, #tpu.memory_space<vmem>>
      %dma_wait3A_178 = arith.constant 0 : i32
      %dma_wait3A_179 = tpu.memref_slice %arg7[%add3A_115, %dma_wait3A_178] : memref<100096x16xf32, #tpu.memory_space<vmem_shared>> -> memref<512x16xf32, #tpu.memory_space<vmem_shared>>
      %dma_wait3A_180 = arith.constant 0 : i32
      %dma_wait3A_181 = arith.constant 0 : i32
      %dma_wait3A_182 = tpu.memref_slice %arg6[%run_scoped3A_116, %dma_wait3A_180, %dma_wait3A_181] : memref<3x512x16xf32, #tpu.memory_space<vmem>> -> memref<1x512x16xf32, #tpu.memory_space<vmem>>
      %dma_wait3A_183 = tpu.memref_squeeze %dma_wait3A_182 : memref<1x512x16xf32, #tpu.memory_space<vmem>> -> memref<512x16xf32, #tpu.memory_space<vmem>>
      %dma_wait3A_184 = arith.constant 0 : i32
      %dma_wait3A_185 = tpu.memref_slice %arg7[%add3A_115, %dma_wait3A_184] : memref<100096x16xf32, #tpu.memory_space<vmem_shared>> -> memref<512x16xf32, #tpu.memory_space<vmem_shared>>
      tpu.wait_dma2 semaphore(%run_scoped3A_162 : memref<!tpu.dma_semaphore, #tpu.memory_space<semaphore_mem>>) src(%dma_wait3A_185 : memref<512x16xf32, #tpu.memory_space<vmem_shared>>) dst(%dma_wait3A_183 : memref<512x16xf32, #tpu.memory_space<vmem>>)
      tpu.yield
    }) : () -> ()
    %add3A_117 = arith.constant 2560 : i32
    %add3A_118 = arith.addi %mul3A_6, %add3A_117 : i32
    %run_scoped3A_119 = arith.constant 0 : i32
    "tpu.region"() ({
      %run_scoped3A_162 = tpu.sem_alloc : memref<!tpu.dma_semaphore, #tpu.memory_space<semaphore_mem>>
      %dma_start3A = arith.constant 0 : i32
      %dma_start3A_163 = arith.constant 0 : i32
      %dma_start3A_164 = tpu.memref_slice %arg6[%run_scoped3A_119, %dma_start3A, %dma_start3A_163] : memref<3x512x16xf32, #tpu.memory_space<vmem>> -> memref<1x512x16xf32, #tpu.memory_space<vmem>>
      %dma_start3A_165 = tpu.memref_squeeze %dma_start3A_164 : memref<1x512x16xf32, #tpu.memory_space<vmem>> -> memref<512x16xf32, #tpu.memory_space<vmem>>
      %dma_start3A_166 = tpu.memref_slice %arg4[%add3A_118, %mul3A_0] : memref<100096x128xf32, #tpu.memory_space<hbm>> -> memref<512x16xf32, #tpu.memory_space<hbm>>
      %dma_start3A_167 = tpu.memref_slice %arg4[%add3A_118, %mul3A_0] : memref<100096x128xf32, #tpu.memory_space<hbm>> -> memref<512x16xf32, #tpu.memory_space<hbm>>
      %dma_start3A_168 = arith.constant 0 : i32
      %dma_start3A_169 = arith.constant 0 : i32
      %dma_start3A_170 = tpu.memref_slice %arg6[%run_scoped3A_119, %dma_start3A_168, %dma_start3A_169] : memref<3x512x16xf32, #tpu.memory_space<vmem>> -> memref<1x512x16xf32, #tpu.memory_space<vmem>>
      %dma_start3A_171 = tpu.memref_squeeze %dma_start3A_170 : memref<1x512x16xf32, #tpu.memory_space<vmem>> -> memref<512x16xf32, #tpu.memory_space<vmem>>
      tpu.enqueue_dma source(%dma_start3A_171 : memref<512x16xf32, #tpu.memory_space<vmem>>) target(%dma_start3A_167 : memref<512x16xf32, #tpu.memory_space<hbm>>) target_semaphore(%run_scoped3A_162 : memref<!tpu.dma_semaphore, #tpu.memory_space<semaphore_mem>>)
      %dma_wait3A_172 = arith.constant 0 : i32
      %dma_wait3A_173 = arith.constant 0 : i32
      %dma_wait3A_174 = tpu.memref_slice %arg6[%run_scoped3A_119, %dma_wait3A_172, %dma_wait3A_173] : memref<3x512x16xf32, #tpu.memory_space<vmem>> -> memref<1x512x16xf32, #tpu.memory_space<vmem>>
      %dma_wait3A_175 = tpu.memref_squeeze %dma_wait3A_174 : memref<1x512x16xf32, #tpu.memory_space<vmem>> -> memref<512x16xf32, #tpu.memory_space<vmem>>
      %dma_wait3A_176 = tpu.memref_slice %arg4[%add3A_118, %mul3A_0] : memref<100096x128xf32, #tpu.memory_space<hbm>> -> memref<512x16xf32, #tpu.memory_space<hbm>>
      %dma_wait3A_177 = tpu.memref_slice %arg4[%add3A_118, %mul3A_0] : memref<100096x128xf32, #tpu.memory_space<hbm>> -> memref<512x16xf32, #tpu.memory_space<hbm>>
      %dma_wait3A_178 = arith.constant 0 : i32
      %dma_wait3A_179 = arith.constant 0 : i32
      %dma_wait3A_180 = tpu.memref_slice %arg6[%run_scoped3A_119, %dma_wait3A_178, %dma_wait3A_179] : memref<3x512x16xf32, #tpu.memory_space<vmem>> -> memref<1x512x16xf32, #tpu.memory_space<vmem>>
      %dma_wait3A_181 = tpu.memref_squeeze %dma_wait3A_180 : memref<1x512x16xf32, #tpu.memory_space<vmem>> -> memref<512x16xf32, #tpu.memory_space<vmem>>
      tpu.wait_dma2 semaphore(%run_scoped3A_162 : memref<!tpu.dma_semaphore, #tpu.memory_space<semaphore_mem>>) src(%dma_wait3A_181 : memref<512x16xf32, #tpu.memory_space<vmem>>) dst(%dma_wait3A_177 : memref<512x16xf32, #tpu.memory_space<hbm>>)
      tpu.yield
    }) : () -> ()
    %add3A_120 = arith.constant 3072 : i32
    %add3A_121 = arith.addi %mul3A_6, %add3A_120 : i32
    %run_scoped3A_122 = arith.constant 0 : i32
    "tpu.region"() ({
      %run_scoped3A_162 = tpu.sem_alloc : memref<!tpu.dma_semaphore, #tpu.memory_space<semaphore_mem>>
      %dma_start3A = arith.constant 0 : i32
      %dma_start3A_163 = arith.constant 0 : i32
      %dma_start3A_164 = tpu.memref_slice %arg6[%run_scoped3A_122, %dma_start3A, %dma_start3A_163] : memref<3x512x16xf32, #tpu.memory_space<vmem>> -> memref<1x512x16xf32, #tpu.memory_space<vmem>>
      %dma_start3A_165 = tpu.memref_squeeze %dma_start3A_164 : memref<1x512x16xf32, #tpu.memory_space<vmem>> -> memref<512x16xf32, #tpu.memory_space<vmem>>
      %dma_start3A_166 = arith.constant 0 : i32
      %dma_start3A_167 = tpu.memref_slice %arg7[%add3A_121, %dma_start3A_166] : memref<100096x16xf32, #tpu.memory_space<vmem_shared>> -> memref<512x16xf32, #tpu.memory_space<vmem_shared>>
      %dma_start3A_168 = arith.constant 0 : i32
      %dma_start3A_169 = arith.constant 0 : i32
      %dma_start3A_170 = tpu.memref_slice %arg6[%run_scoped3A_122, %dma_start3A_168, %dma_start3A_169] : memref<3x512x16xf32, #tpu.memory_space<vmem>> -> memref<1x512x16xf32, #tpu.memory_space<vmem>>
      %dma_start3A_171 = tpu.memref_squeeze %dma_start3A_170 : memref<1x512x16xf32, #tpu.memory_space<vmem>> -> memref<512x16xf32, #tpu.memory_space<vmem>>
      %dma_start3A_172 = arith.constant 0 : i32
      %dma_start3A_173 = tpu.memref_slice %arg7[%add3A_121, %dma_start3A_172] : memref<100096x16xf32, #tpu.memory_space<vmem_shared>> -> memref<512x16xf32, #tpu.memory_space<vmem_shared>>
      tpu.enqueue_dma source(%dma_start3A_173 : memref<512x16xf32, #tpu.memory_space<vmem_shared>>) target(%dma_start3A_171 : memref<512x16xf32, #tpu.memory_space<vmem>>) target_semaphore(%run_scoped3A_162 : memref<!tpu.dma_semaphore, #tpu.memory_space<semaphore_mem>>)
      %dma_wait3A_174 = arith.constant 0 : i32
      %dma_wait3A_175 = arith.constant 0 : i32
      %dma_wait3A_176 = tpu.memref_slice %arg6[%run_scoped3A_122, %dma_wait3A_174, %dma_wait3A_175] : memref<3x512x16xf32, #tpu.memory_space<vmem>> -> memref<1x512x16xf32, #tpu.memory_space<vmem>>
      %dma_wait3A_177 = tpu.memref_squeeze %dma_wait3A_176 : memref<1x512x16xf32, #tpu.memory_space<vmem>> -> memref<512x16xf32, #tpu.memory_space<vmem>>
      %dma_wait3A_178 = arith.constant 0 : i32
      %dma_wait3A_179 = tpu.memref_slice %arg7[%add3A_121, %dma_wait3A_178] : memref<100096x16xf32, #tpu.memory_space<vmem_shared>> -> memref<512x16xf32, #tpu.memory_space<vmem_shared>>
      %dma_wait3A_180 = arith.constant 0 : i32
      %dma_wait3A_181 = arith.constant 0 : i32
      %dma_wait3A_182 = tpu.memref_slice %arg6[%run_scoped3A_122, %dma_wait3A_180, %dma_wait3A_181] : memref<3x512x16xf32, #tpu.memory_space<vmem>> -> memref<1x512x16xf32, #tpu.memory_space<vmem>>
      %dma_wait3A_183 = tpu.memref_squeeze %dma_wait3A_182 : memref<1x512x16xf32, #tpu.memory_space<vmem>> -> memref<512x16xf32, #tpu.memory_space<vmem>>
      %dma_wait3A_184 = arith.constant 0 : i32
      %dma_wait3A_185 = tpu.memref_slice %arg7[%add3A_121, %dma_wait3A_184] : memref<100096x16xf32, #tpu.memory_space<vmem_shared>> -> memref<512x16xf32, #tpu.memory_space<vmem_shared>>
      tpu.wait_dma2 semaphore(%run_scoped3A_162 : memref<!tpu.dma_semaphore, #tpu.memory_space<semaphore_mem>>) src(%dma_wait3A_185 : memref<512x16xf32, #tpu.memory_space<vmem_shared>>) dst(%dma_wait3A_183 : memref<512x16xf32, #tpu.memory_space<vmem>>)
      tpu.yield
    }) : () -> ()
    %add3A_123 = arith.constant 3072 : i32
    %add3A_124 = arith.addi %mul3A_6, %add3A_123 : i32
    %run_scoped3A_125 = arith.constant 0 : i32
    "tpu.region"() ({
      %run_scoped3A_162 = tpu.sem_alloc : memref<!tpu.dma_semaphore, #tpu.memory_space<semaphore_mem>>
      %dma_start3A = arith.constant 0 : i32
      %dma_start3A_163 = arith.constant 0 : i32
      %dma_start3A_164 = tpu.memref_slice %arg6[%run_scoped3A_125, %dma_start3A, %dma_start3A_163] : memref<3x512x16xf32, #tpu.memory_space<vmem>> -> memref<1x512x16xf32, #tpu.memory_space<vmem>>
      %dma_start3A_165 = tpu.memref_squeeze %dma_start3A_164 : memref<1x512x16xf32, #tpu.memory_space<vmem>> -> memref<512x16xf32, #tpu.memory_space<vmem>>
      %dma_start3A_166 = tpu.memref_slice %arg4[%add3A_124, %mul3A_0] : memref<100096x128xf32, #tpu.memory_space<hbm>> -> memref<512x16xf32, #tpu.memory_space<hbm>>
      %dma_start3A_167 = tpu.memref_slice %arg4[%add3A_124, %mul3A_0] : memref<100096x128xf32, #tpu.memory_space<hbm>> -> memref<512x16xf32, #tpu.memory_space<hbm>>
      %dma_start3A_168 = arith.constant 0 : i32
      %dma_start3A_169 = arith.constant 0 : i32
      %dma_start3A_170 = tpu.memref_slice %arg6[%run_scoped3A_125, %dma_start3A_168, %dma_start3A_169] : memref<3x512x16xf32, #tpu.memory_space<vmem>> -> memref<1x512x16xf32, #tpu.memory_space<vmem>>
      %dma_start3A_171 = tpu.memref_squeeze %dma_start3A_170 : memref<1x512x16xf32, #tpu.memory_space<vmem>> -> memref<512x16xf32, #tpu.memory_space<vmem>>
      tpu.enqueue_dma source(%dma_start3A_171 : memref<512x16xf32, #tpu.memory_space<vmem>>) target(%dma_start3A_167 : memref<512x16xf32, #tpu.memory_space<hbm>>) target_semaphore(%run_scoped3A_162 : memref<!tpu.dma_semaphore, #tpu.memory_space<semaphore_mem>>)
      %dma_wait3A_172 = arith.constant 0 : i32
      %dma_wait3A_173 = arith.constant 0 : i32
      %dma_wait3A_174 = tpu.memref_slice %arg6[%run_scoped3A_125, %dma_wait3A_172, %dma_wait3A_173] : memref<3x512x16xf32, #tpu.memory_space<vmem>> -> memref<1x512x16xf32, #tpu.memory_space<vmem>>
      %dma_wait3A_175 = tpu.memref_squeeze %dma_wait3A_174 : memref<1x512x16xf32, #tpu.memory_space<vmem>> -> memref<512x16xf32, #tpu.memory_space<vmem>>
      %dma_wait3A_176 = tpu.memref_slice %arg4[%add3A_124, %mul3A_0] : memref<100096x128xf32, #tpu.memory_space<hbm>> -> memref<512x16xf32, #tpu.memory_space<hbm>>
      %dma_wait3A_177 = tpu.memref_slice %arg4[%add3A_124, %mul3A_0] : memref<100096x128xf32, #tpu.memory_space<hbm>> -> memref<512x16xf32, #tpu.memory_space<hbm>>
      %dma_wait3A_178 = arith.constant 0 : i32
      %dma_wait3A_179 = arith.constant 0 : i32
      %dma_wait3A_180 = tpu.memref_slice %arg6[%run_scoped3A_125, %dma_wait3A_178, %dma_wait3A_179] : memref<3x512x16xf32, #tpu.memory_space<vmem>> -> memref<1x512x16xf32, #tpu.memory_space<vmem>>
      %dma_wait3A_181 = tpu.memref_squeeze %dma_wait3A_180 : memref<1x512x16xf32, #tpu.memory_space<vmem>> -> memref<512x16xf32, #tpu.memory_space<vmem>>
      tpu.wait_dma2 semaphore(%run_scoped3A_162 : memref<!tpu.dma_semaphore, #tpu.memory_space<semaphore_mem>>) src(%dma_wait3A_181 : memref<512x16xf32, #tpu.memory_space<vmem>>) dst(%dma_wait3A_177 : memref<512x16xf32, #tpu.memory_space<hbm>>)
      tpu.yield
    }) : () -> ()
    %add3A_126 = arith.constant 3584 : i32
    %add3A_127 = arith.addi %mul3A_6, %add3A_126 : i32
    %run_scoped3A_128 = arith.constant 0 : i32
    "tpu.region"() ({
      %run_scoped3A_162 = tpu.sem_alloc : memref<!tpu.dma_semaphore, #tpu.memory_space<semaphore_mem>>
      %dma_start3A = arith.constant 0 : i32
      %dma_start3A_163 = arith.constant 0 : i32
      %dma_start3A_164 = tpu.memref_slice %arg6[%run_scoped3A_128, %dma_start3A, %dma_start3A_163] : memref<3x512x16xf32, #tpu.memory_space<vmem>> -> memref<1x512x16xf32, #tpu.memory_space<vmem>>
      %dma_start3A_165 = tpu.memref_squeeze %dma_start3A_164 : memref<1x512x16xf32, #tpu.memory_space<vmem>> -> memref<512x16xf32, #tpu.memory_space<vmem>>
      %dma_start3A_166 = arith.constant 0 : i32
      %dma_start3A_167 = tpu.memref_slice %arg7[%add3A_127, %dma_start3A_166] : memref<100096x16xf32, #tpu.memory_space<vmem_shared>> -> memref<512x16xf32, #tpu.memory_space<vmem_shared>>
      %dma_start3A_168 = arith.constant 0 : i32
      %dma_start3A_169 = arith.constant 0 : i32
      %dma_start3A_170 = tpu.memref_slice %arg6[%run_scoped3A_128, %dma_start3A_168, %dma_start3A_169] : memref<3x512x16xf32, #tpu.memory_space<vmem>> -> memref<1x512x16xf32, #tpu.memory_space<vmem>>
      %dma_start3A_171 = tpu.memref_squeeze %dma_start3A_170 : memref<1x512x16xf32, #tpu.memory_space<vmem>> -> memref<512x16xf32, #tpu.memory_space<vmem>>
      %dma_start3A_172 = arith.constant 0 : i32
      %dma_start3A_173 = tpu.memref_slice %arg7[%add3A_127, %dma_start3A_172] : memref<100096x16xf32, #tpu.memory_space<vmem_shared>> -> memref<512x16xf32, #tpu.memory_space<vmem_shared>>
      tpu.enqueue_dma source(%dma_start3A_173 : memref<512x16xf32, #tpu.memory_space<vmem_shared>>) target(%dma_start3A_171 : memref<512x16xf32, #tpu.memory_space<vmem>>) target_semaphore(%run_scoped3A_162 : memref<!tpu.dma_semaphore, #tpu.memory_space<semaphore_mem>>)
      %dma_wait3A_174 = arith.constant 0 : i32
      %dma_wait3A_175 = arith.constant 0 : i32
      %dma_wait3A_176 = tpu.memref_slice %arg6[%run_scoped3A_128, %dma_wait3A_174, %dma_wait3A_175] : memref<3x512x16xf32, #tpu.memory_space<vmem>> -> memref<1x512x16xf32, #tpu.memory_space<vmem>>
      %dma_wait3A_177 = tpu.memref_squeeze %dma_wait3A_176 : memref<1x512x16xf32, #tpu.memory_space<vmem>> -> memref<512x16xf32, #tpu.memory_space<vmem>>
      %dma_wait3A_178 = arith.constant 0 : i32
      %dma_wait3A_179 = tpu.memref_slice %arg7[%add3A_127, %dma_wait3A_178] : memref<100096x16xf32, #tpu.memory_space<vmem_shared>> -> memref<512x16xf32, #tpu.memory_space<vmem_shared>>
      %dma_wait3A_180 = arith.constant 0 : i32
      %dma_wait3A_181 = arith.constant 0 : i32
      %dma_wait3A_182 = tpu.memref_slice %arg6[%run_scoped3A_128, %dma_wait3A_180, %dma_wait3A_181] : memref<3x512x16xf32, #tpu.memory_space<vmem>> -> memref<1x512x16xf32, #tpu.memory_space<vmem>>
      %dma_wait3A_183 = tpu.memref_squeeze %dma_wait3A_182 : memref<1x512x16xf32, #tpu.memory_space<vmem>> -> memref<512x16xf32, #tpu.memory_space<vmem>>
      %dma_wait3A_184 = arith.constant 0 : i32
      %dma_wait3A_185 = tpu.memref_slice %arg7[%add3A_127, %dma_wait3A_184] : memref<100096x16xf32, #tpu.memory_space<vmem_shared>> -> memref<512x16xf32, #tpu.memory_space<vmem_shared>>
      tpu.wait_dma2 semaphore(%run_scoped3A_162 : memref<!tpu.dma_semaphore, #tpu.memory_space<semaphore_mem>>) src(%dma_wait3A_185 : memref<512x16xf32, #tpu.memory_space<vmem_shared>>) dst(%dma_wait3A_183 : memref<512x16xf32, #tpu.memory_space<vmem>>)
      tpu.yield
    }) : () -> ()
    %add3A_129 = arith.constant 3584 : i32
    %add3A_130 = arith.addi %mul3A_6, %add3A_129 : i32
    %run_scoped3A_131 = arith.constant 0 : i32
    "tpu.region"() ({
      %run_scoped3A_162 = tpu.sem_alloc : memref<!tpu.dma_semaphore, #tpu.memory_space<semaphore_mem>>
      %dma_start3A = arith.constant 0 : i32
      %dma_start3A_163 = arith.constant 0 : i32
      %dma_start3A_164 = tpu.memref_slice %arg6[%run_scoped3A_131, %dma_start3A, %dma_start3A_163] : memref<3x512x16xf32, #tpu.memory_space<vmem>> -> memref<1x512x16xf32, #tpu.memory_space<vmem>>
      %dma_start3A_165 = tpu.memref_squeeze %dma_start3A_164 : memref<1x512x16xf32, #tpu.memory_space<vmem>> -> memref<512x16xf32, #tpu.memory_space<vmem>>
      %dma_start3A_166 = tpu.memref_slice %arg4[%add3A_130, %mul3A_0] : memref<100096x128xf32, #tpu.memory_space<hbm>> -> memref<512x16xf32, #tpu.memory_space<hbm>>
      %dma_start3A_167 = tpu.memref_slice %arg4[%add3A_130, %mul3A_0] : memref<100096x128xf32, #tpu.memory_space<hbm>> -> memref<512x16xf32, #tpu.memory_space<hbm>>
      %dma_start3A_168 = arith.constant 0 : i32
      %dma_start3A_169 = arith.constant 0 : i32
      %dma_start3A_170 = tpu.memref_slice %arg6[%run_scoped3A_131, %dma_start3A_168, %dma_start3A_169] : memref<3x512x16xf32, #tpu.memory_space<vmem>> -> memref<1x512x16xf32, #tpu.memory_space<vmem>>
      %dma_start3A_171 = tpu.memref_squeeze %dma_start3A_170 : memref<1x512x16xf32, #tpu.memory_space<vmem>> -> memref<512x16xf32, #tpu.memory_space<vmem>>
      tpu.enqueue_dma source(%dma_start3A_171 : memref<512x16xf32, #tpu.memory_space<vmem>>) target(%dma_start3A_167 : memref<512x16xf32, #tpu.memory_space<hbm>>) target_semaphore(%run_scoped3A_162 : memref<!tpu.dma_semaphore, #tpu.memory_space<semaphore_mem>>)
      %dma_wait3A_172 = arith.constant 0 : i32
      %dma_wait3A_173 = arith.constant 0 : i32
      %dma_wait3A_174 = tpu.memref_slice %arg6[%run_scoped3A_131, %dma_wait3A_172, %dma_wait3A_173] : memref<3x512x16xf32, #tpu.memory_space<vmem>> -> memref<1x512x16xf32, #tpu.memory_space<vmem>>
      %dma_wait3A_175 = tpu.memref_squeeze %dma_wait3A_174 : memref<1x512x16xf32, #tpu.memory_space<vmem>> -> memref<512x16xf32, #tpu.memory_space<vmem>>
      %dma_wait3A_176 = tpu.memref_slice %arg4[%add3A_130, %mul3A_0] : memref<100096x128xf32, #tpu.memory_space<hbm>> -> memref<512x16xf32, #tpu.memory_space<hbm>>
      %dma_wait3A_177 = tpu.memref_slice %arg4[%add3A_130, %mul3A_0] : memref<100096x128xf32, #tpu.memory_space<hbm>> -> memref<512x16xf32, #tpu.memory_space<hbm>>
      %dma_wait3A_178 = arith.constant 0 : i32
      %dma_wait3A_179 = arith.constant 0 : i32
      %dma_wait3A_180 = tpu.memref_slice %arg6[%run_scoped3A_131, %dma_wait3A_178, %dma_wait3A_179] : memref<3x512x16xf32, #tpu.memory_space<vmem>> -> memref<1x512x16xf32, #tpu.memory_space<vmem>>
      %dma_wait3A_181 = tpu.memref_squeeze %dma_wait3A_180 : memref<1x512x16xf32, #tpu.memory_space<vmem>> -> memref<512x16xf32, #tpu.memory_space<vmem>>
      tpu.wait_dma2 semaphore(%run_scoped3A_162 : memref<!tpu.dma_semaphore, #tpu.memory_space<semaphore_mem>>) src(%dma_wait3A_181 : memref<512x16xf32, #tpu.memory_space<vmem>>) dst(%dma_wait3A_177 : memref<512x16xf32, #tpu.memory_space<hbm>>)
      tpu.yield
    }) : () -> ()
    %add3A_132 = arith.constant 4096 : i32
    %add3A_133 = arith.addi %mul3A_6, %add3A_132 : i32
    %run_scoped3A_134 = arith.constant 0 : i32
    "tpu.region"() ({
      %run_scoped3A_162 = tpu.sem_alloc : memref<!tpu.dma_semaphore, #tpu.memory_space<semaphore_mem>>
      %dma_start3A = arith.constant 0 : i32
      %dma_start3A_163 = arith.constant 0 : i32
      %dma_start3A_164 = tpu.memref_slice %arg6[%run_scoped3A_134, %dma_start3A, %dma_start3A_163] : memref<3x512x16xf32, #tpu.memory_space<vmem>> -> memref<1x512x16xf32, #tpu.memory_space<vmem>>
      %dma_start3A_165 = tpu.memref_squeeze %dma_start3A_164 : memref<1x512x16xf32, #tpu.memory_space<vmem>> -> memref<512x16xf32, #tpu.memory_space<vmem>>
      %dma_start3A_166 = arith.constant 0 : i32
      %dma_start3A_167 = tpu.memref_slice %arg7[%add3A_133, %dma_start3A_166] : memref<100096x16xf32, #tpu.memory_space<vmem_shared>> -> memref<512x16xf32, #tpu.memory_space<vmem_shared>>
      %dma_start3A_168 = arith.constant 0 : i32
      %dma_start3A_169 = arith.constant 0 : i32
      %dma_start3A_170 = tpu.memref_slice %arg6[%run_scoped3A_134, %dma_start3A_168, %dma_start3A_169] : memref<3x512x16xf32, #tpu.memory_space<vmem>> -> memref<1x512x16xf32, #tpu.memory_space<vmem>>
      %dma_start3A_171 = tpu.memref_squeeze %dma_start3A_170 : memref<1x512x16xf32, #tpu.memory_space<vmem>> -> memref<512x16xf32, #tpu.memory_space<vmem>>
      %dma_start3A_172 = arith.constant 0 : i32
      %dma_start3A_173 = tpu.memref_slice %arg7[%add3A_133, %dma_start3A_172] : memref<100096x16xf32, #tpu.memory_space<vmem_shared>> -> memref<512x16xf32, #tpu.memory_space<vmem_shared>>
      tpu.enqueue_dma source(%dma_start3A_173 : memref<512x16xf32, #tpu.memory_space<vmem_shared>>) target(%dma_start3A_171 : memref<512x16xf32, #tpu.memory_space<vmem>>) target_semaphore(%run_scoped3A_162 : memref<!tpu.dma_semaphore, #tpu.memory_space<semaphore_mem>>)
      %dma_wait3A_174 = arith.constant 0 : i32
      %dma_wait3A_175 = arith.constant 0 : i32
      %dma_wait3A_176 = tpu.memref_slice %arg6[%run_scoped3A_134, %dma_wait3A_174, %dma_wait3A_175] : memref<3x512x16xf32, #tpu.memory_space<vmem>> -> memref<1x512x16xf32, #tpu.memory_space<vmem>>
      %dma_wait3A_177 = tpu.memref_squeeze %dma_wait3A_176 : memref<1x512x16xf32, #tpu.memory_space<vmem>> -> memref<512x16xf32, #tpu.memory_space<vmem>>
      %dma_wait3A_178 = arith.constant 0 : i32
      %dma_wait3A_179 = tpu.memref_slice %arg7[%add3A_133, %dma_wait3A_178] : memref<100096x16xf32, #tpu.memory_space<vmem_shared>> -> memref<512x16xf32, #tpu.memory_space<vmem_shared>>
      %dma_wait3A_180 = arith.constant 0 : i32
      %dma_wait3A_181 = arith.constant 0 : i32
      %dma_wait3A_182 = tpu.memref_slice %arg6[%run_scoped3A_134, %dma_wait3A_180, %dma_wait3A_181] : memref<3x512x16xf32, #tpu.memory_space<vmem>> -> memref<1x512x16xf32, #tpu.memory_space<vmem>>
      %dma_wait3A_183 = tpu.memref_squeeze %dma_wait3A_182 : memref<1x512x16xf32, #tpu.memory_space<vmem>> -> memref<512x16xf32, #tpu.memory_space<vmem>>
      %dma_wait3A_184 = arith.constant 0 : i32
      %dma_wait3A_185 = tpu.memref_slice %arg7[%add3A_133, %dma_wait3A_184] : memref<100096x16xf32, #tpu.memory_space<vmem_shared>> -> memref<512x16xf32, #tpu.memory_space<vmem_shared>>
      tpu.wait_dma2 semaphore(%run_scoped3A_162 : memref<!tpu.dma_semaphore, #tpu.memory_space<semaphore_mem>>) src(%dma_wait3A_185 : memref<512x16xf32, #tpu.memory_space<vmem_shared>>) dst(%dma_wait3A_183 : memref<512x16xf32, #tpu.memory_space<vmem>>)
      tpu.yield
    }) : () -> ()
    %add3A_135 = arith.constant 4096 : i32
    %add3A_136 = arith.addi %mul3A_6, %add3A_135 : i32
    %run_scoped3A_137 = arith.constant 0 : i32
    "tpu.region"() ({
      %run_scoped3A_162 = tpu.sem_alloc : memref<!tpu.dma_semaphore, #tpu.memory_space<semaphore_mem>>
      %dma_start3A = arith.constant 0 : i32
      %dma_start3A_163 = arith.constant 0 : i32
      %dma_start3A_164 = tpu.memref_slice %arg6[%run_scoped3A_137, %dma_start3A, %dma_start3A_163] : memref<3x512x16xf32, #tpu.memory_space<vmem>> -> memref<1x512x16xf32, #tpu.memory_space<vmem>>
      %dma_start3A_165 = tpu.memref_squeeze %dma_start3A_164 : memref<1x512x16xf32, #tpu.memory_space<vmem>> -> memref<512x16xf32, #tpu.memory_space<vmem>>
      %dma_start3A_166 = tpu.memref_slice %arg4[%add3A_136, %mul3A_0] : memref<100096x128xf32, #tpu.memory_space<hbm>> -> memref<512x16xf32, #tpu.memory_space<hbm>>
      %dma_start3A_167 = tpu.memref_slice %arg4[%add3A_136, %mul3A_0] : memref<100096x128xf32, #tpu.memory_space<hbm>> -> memref<512x16xf32, #tpu.memory_space<hbm>>
      %dma_start3A_168 = arith.constant 0 : i32
      %dma_start3A_169 = arith.constant 0 : i32
      %dma_start3A_170 = tpu.memref_slice %arg6[%run_scoped3A_137, %dma_start3A_168, %dma_start3A_169] : memref<3x512x16xf32, #tpu.memory_space<vmem>> -> memref<1x512x16xf32, #tpu.memory_space<vmem>>
      %dma_start3A_171 = tpu.memref_squeeze %dma_start3A_170 : memref<1x512x16xf32, #tpu.memory_space<vmem>> -> memref<512x16xf32, #tpu.memory_space<vmem>>
      tpu.enqueue_dma source(%dma_start3A_171 : memref<512x16xf32, #tpu.memory_space<vmem>>) target(%dma_start3A_167 : memref<512x16xf32, #tpu.memory_space<hbm>>) target_semaphore(%run_scoped3A_162 : memref<!tpu.dma_semaphore, #tpu.memory_space<semaphore_mem>>)
      %dma_wait3A_172 = arith.constant 0 : i32
      %dma_wait3A_173 = arith.constant 0 : i32
      %dma_wait3A_174 = tpu.memref_slice %arg6[%run_scoped3A_137, %dma_wait3A_172, %dma_wait3A_173] : memref<3x512x16xf32, #tpu.memory_space<vmem>> -> memref<1x512x16xf32, #tpu.memory_space<vmem>>
      %dma_wait3A_175 = tpu.memref_squeeze %dma_wait3A_174 : memref<1x512x16xf32, #tpu.memory_space<vmem>> -> memref<512x16xf32, #tpu.memory_space<vmem>>
      %dma_wait3A_176 = tpu.memref_slice %arg4[%add3A_136, %mul3A_0] : memref<100096x128xf32, #tpu.memory_space<hbm>> -> memref<512x16xf32, #tpu.memory_space<hbm>>
      %dma_wait3A_177 = tpu.memref_slice %arg4[%add3A_136, %mul3A_0] : memref<100096x128xf32, #tpu.memory_space<hbm>> -> memref<512x16xf32, #tpu.memory_space<hbm>>
      %dma_wait3A_178 = arith.constant 0 : i32
      %dma_wait3A_179 = arith.constant 0 : i32
      %dma_wait3A_180 = tpu.memref_slice %arg6[%run_scoped3A_137, %dma_wait3A_178, %dma_wait3A_179] : memref<3x512x16xf32, #tpu.memory_space<vmem>> -> memref<1x512x16xf32, #tpu.memory_space<vmem>>
      %dma_wait3A_181 = tpu.memref_squeeze %dma_wait3A_180 : memref<1x512x16xf32, #tpu.memory_space<vmem>> -> memref<512x16xf32, #tpu.memory_space<vmem>>
      tpu.wait_dma2 semaphore(%run_scoped3A_162 : memref<!tpu.dma_semaphore, #tpu.memory_space<semaphore_mem>>) src(%dma_wait3A_181 : memref<512x16xf32, #tpu.memory_space<vmem>>) dst(%dma_wait3A_177 : memref<512x16xf32, #tpu.memory_space<hbm>>)
      tpu.yield
    }) : () -> ()
    %add3A_138 = arith.constant 4608 : i32
    %add3A_139 = arith.addi %mul3A_6, %add3A_138 : i32
    %run_scoped3A_140 = arith.constant 0 : i32
    "tpu.region"() ({
      %run_scoped3A_162 = tpu.sem_alloc : memref<!tpu.dma_semaphore, #tpu.memory_space<semaphore_mem>>
      %dma_start3A = arith.constant 0 : i32
      %dma_start3A_163 = arith.constant 0 : i32
      %dma_start3A_164 = tpu.memref_slice %arg6[%run_scoped3A_140, %dma_start3A, %dma_start3A_163] : memref<3x512x16xf32, #tpu.memory_space<vmem>> -> memref<1x512x16xf32, #tpu.memory_space<vmem>>
      %dma_start3A_165 = tpu.memref_squeeze %dma_start3A_164 : memref<1x512x16xf32, #tpu.memory_space<vmem>> -> memref<512x16xf32, #tpu.memory_space<vmem>>
      %dma_start3A_166 = arith.constant 0 : i32
      %dma_start3A_167 = tpu.memref_slice %arg7[%add3A_139, %dma_start3A_166] : memref<100096x16xf32, #tpu.memory_space<vmem_shared>> -> memref<512x16xf32, #tpu.memory_space<vmem_shared>>
      %dma_start3A_168 = arith.constant 0 : i32
      %dma_start3A_169 = arith.constant 0 : i32
      %dma_start3A_170 = tpu.memref_slice %arg6[%run_scoped3A_140, %dma_start3A_168, %dma_start3A_169] : memref<3x512x16xf32, #tpu.memory_space<vmem>> -> memref<1x512x16xf32, #tpu.memory_space<vmem>>
      %dma_start3A_171 = tpu.memref_squeeze %dma_start3A_170 : memref<1x512x16xf32, #tpu.memory_space<vmem>> -> memref<512x16xf32, #tpu.memory_space<vmem>>
      %dma_start3A_172 = arith.constant 0 : i32
      %dma_start3A_173 = tpu.memref_slice %arg7[%add3A_139, %dma_start3A_172] : memref<100096x16xf32, #tpu.memory_space<vmem_shared>> -> memref<512x16xf32, #tpu.memory_space<vmem_shared>>
      tpu.enqueue_dma source(%dma_start3A_173 : memref<512x16xf32, #tpu.memory_space<vmem_shared>>) target(%dma_start3A_171 : memref<512x16xf32, #tpu.memory_space<vmem>>) target_semaphore(%run_scoped3A_162 : memref<!tpu.dma_semaphore, #tpu.memory_space<semaphore_mem>>)
      %dma_wait3A_174 = arith.constant 0 : i32
      %dma_wait3A_175 = arith.constant 0 : i32
      %dma_wait3A_176 = tpu.memref_slice %arg6[%run_scoped3A_140, %dma_wait3A_174, %dma_wait3A_175] : memref<3x512x16xf32, #tpu.memory_space<vmem>> -> memref<1x512x16xf32, #tpu.memory_space<vmem>>
      %dma_wait3A_177 = tpu.memref_squeeze %dma_wait3A_176 : memref<1x512x16xf32, #tpu.memory_space<vmem>> -> memref<512x16xf32, #tpu.memory_space<vmem>>
      %dma_wait3A_178 = arith.constant 0 : i32
      %dma_wait3A_179 = tpu.memref_slice %arg7[%add3A_139, %dma_wait3A_178] : memref<100096x16xf32, #tpu.memory_space<vmem_shared>> -> memref<512x16xf32, #tpu.memory_space<vmem_shared>>
      %dma_wait3A_180 = arith.constant 0 : i32
      %dma_wait3A_181 = arith.constant 0 : i32
      %dma_wait3A_182 = tpu.memref_slice %arg6[%run_scoped3A_140, %dma_wait3A_180, %dma_wait3A_181] : memref<3x512x16xf32, #tpu.memory_space<vmem>> -> memref<1x512x16xf32, #tpu.memory_space<vmem>>
      %dma_wait3A_183 = tpu.memref_squeeze %dma_wait3A_182 : memref<1x512x16xf32, #tpu.memory_space<vmem>> -> memref<512x16xf32, #tpu.memory_space<vmem>>
      %dma_wait3A_184 = arith.constant 0 : i32
      %dma_wait3A_185 = tpu.memref_slice %arg7[%add3A_139, %dma_wait3A_184] : memref<100096x16xf32, #tpu.memory_space<vmem_shared>> -> memref<512x16xf32, #tpu.memory_space<vmem_shared>>
      tpu.wait_dma2 semaphore(%run_scoped3A_162 : memref<!tpu.dma_semaphore, #tpu.memory_space<semaphore_mem>>) src(%dma_wait3A_185 : memref<512x16xf32, #tpu.memory_space<vmem_shared>>) dst(%dma_wait3A_183 : memref<512x16xf32, #tpu.memory_space<vmem>>)
      tpu.yield
    }) : () -> ()
    %add3A_141 = arith.constant 4608 : i32
    %add3A_142 = arith.addi %mul3A_6, %add3A_141 : i32
    %run_scoped3A_143 = arith.constant 0 : i32
    "tpu.region"() ({
      %run_scoped3A_162 = tpu.sem_alloc : memref<!tpu.dma_semaphore, #tpu.memory_space<semaphore_mem>>
      %dma_start3A = arith.constant 0 : i32
      %dma_start3A_163 = arith.constant 0 : i32
      %dma_start3A_164 = tpu.memref_slice %arg6[%run_scoped3A_143, %dma_start3A, %dma_start3A_163] : memref<3x512x16xf32, #tpu.memory_space<vmem>> -> memref<1x512x16xf32, #tpu.memory_space<vmem>>
      %dma_start3A_165 = tpu.memref_squeeze %dma_start3A_164 : memref<1x512x16xf32, #tpu.memory_space<vmem>> -> memref<512x16xf32, #tpu.memory_space<vmem>>
      %dma_start3A_166 = tpu.memref_slice %arg4[%add3A_142, %mul3A_0] : memref<100096x128xf32, #tpu.memory_space<hbm>> -> memref<512x16xf32, #tpu.memory_space<hbm>>
      %dma_start3A_167 = tpu.memref_slice %arg4[%add3A_142, %mul3A_0] : memref<100096x128xf32, #tpu.memory_space<hbm>> -> memref<512x16xf32, #tpu.memory_space<hbm>>
      %dma_start3A_168 = arith.constant 0 : i32
      %dma_start3A_169 = arith.constant 0 : i32
      %dma_start3A_170 = tpu.memref_slice %arg6[%run_scoped3A_143, %dma_start3A_168, %dma_start3A_169] : memref<3x512x16xf32, #tpu.memory_space<vmem>> -> memref<1x512x16xf32, #tpu.memory_space<vmem>>
      %dma_start3A_171 = tpu.memref_squeeze %dma_start3A_170 : memref<1x512x16xf32, #tpu.memory_space<vmem>> -> memref<512x16xf32, #tpu.memory_space<vmem>>
      tpu.enqueue_dma source(%dma_start3A_171 : memref<512x16xf32, #tpu.memory_space<vmem>>) target(%dma_start3A_167 : memref<512x16xf32, #tpu.memory_space<hbm>>) target_semaphore(%run_scoped3A_162 : memref<!tpu.dma_semaphore, #tpu.memory_space<semaphore_mem>>)
      %dma_wait3A_172 = arith.constant 0 : i32
      %dma_wait3A_173 = arith.constant 0 : i32
      %dma_wait3A_174 = tpu.memref_slice %arg6[%run_scoped3A_143, %dma_wait3A_172, %dma_wait3A_173] : memref<3x512x16xf32, #tpu.memory_space<vmem>> -> memref<1x512x16xf32, #tpu.memory_space<vmem>>
      %dma_wait3A_175 = tpu.memref_squeeze %dma_wait3A_174 : memref<1x512x16xf32, #tpu.memory_space<vmem>> -> memref<512x16xf32, #tpu.memory_space<vmem>>
      %dma_wait3A_176 = tpu.memref_slice %arg4[%add3A_142, %mul3A_0] : memref<100096x128xf32, #tpu.memory_space<hbm>> -> memref<512x16xf32, #tpu.memory_space<hbm>>
      %dma_wait3A_177 = tpu.memref_slice %arg4[%add3A_142, %mul3A_0] : memref<100096x128xf32, #tpu.memory_space<hbm>> -> memref<512x16xf32, #tpu.memory_space<hbm>>
      %dma_wait3A_178 = arith.constant 0 : i32
      %dma_wait3A_179 = arith.constant 0 : i32
      %dma_wait3A_180 = tpu.memref_slice %arg6[%run_scoped3A_143, %dma_wait3A_178, %dma_wait3A_179] : memref<3x512x16xf32, #tpu.memory_space<vmem>> -> memref<1x512x16xf32, #tpu.memory_space<vmem>>
      %dma_wait3A_181 = tpu.memref_squeeze %dma_wait3A_180 : memref<1x512x16xf32, #tpu.memory_space<vmem>> -> memref<512x16xf32, #tpu.memory_space<vmem>>
      tpu.wait_dma2 semaphore(%run_scoped3A_162 : memref<!tpu.dma_semaphore, #tpu.memory_space<semaphore_mem>>) src(%dma_wait3A_181 : memref<512x16xf32, #tpu.memory_space<vmem>>) dst(%dma_wait3A_177 : memref<512x16xf32, #tpu.memory_space<hbm>>)
      tpu.yield
    }) : () -> ()
    %add3A_144 = arith.constant 5120 : i32
    %add3A_145 = arith.addi %mul3A_6, %add3A_144 : i32
    %run_scoped3A_146 = arith.constant 0 : i32
    "tpu.region"() ({
      %run_scoped3A_162 = tpu.sem_alloc : memref<!tpu.dma_semaphore, #tpu.memory_space<semaphore_mem>>
      %dma_start3A = arith.constant 0 : i32
      %dma_start3A_163 = arith.constant 0 : i32
      %dma_start3A_164 = tpu.memref_slice %arg6[%run_scoped3A_146, %dma_start3A, %dma_start3A_163] : memref<3x512x16xf32, #tpu.memory_space<vmem>> -> memref<1x512x16xf32, #tpu.memory_space<vmem>>
      %dma_start3A_165 = tpu.memref_squeeze %dma_start3A_164 : memref<1x512x16xf32, #tpu.memory_space<vmem>> -> memref<512x16xf32, #tpu.memory_space<vmem>>
      %dma_start3A_166 = arith.constant 0 : i32
      %dma_start3A_167 = tpu.memref_slice %arg7[%add3A_145, %dma_start3A_166] : memref<100096x16xf32, #tpu.memory_space<vmem_shared>> -> memref<512x16xf32, #tpu.memory_space<vmem_shared>>
      %dma_start3A_168 = arith.constant 0 : i32
      %dma_start3A_169 = arith.constant 0 : i32
      %dma_start3A_170 = tpu.memref_slice %arg6[%run_scoped3A_146, %dma_start3A_168, %dma_start3A_169] : memref<3x512x16xf32, #tpu.memory_space<vmem>> -> memref<1x512x16xf32, #tpu.memory_space<vmem>>
      %dma_start3A_171 = tpu.memref_squeeze %dma_start3A_170 : memref<1x512x16xf32, #tpu.memory_space<vmem>> -> memref<512x16xf32, #tpu.memory_space<vmem>>
      %dma_start3A_172 = arith.constant 0 : i32
      %dma_start3A_173 = tpu.memref_slice %arg7[%add3A_145, %dma_start3A_172] : memref<100096x16xf32, #tpu.memory_space<vmem_shared>> -> memref<512x16xf32, #tpu.memory_space<vmem_shared>>
      tpu.enqueue_dma source(%dma_start3A_173 : memref<512x16xf32, #tpu.memory_space<vmem_shared>>) target(%dma_start3A_171 : memref<512x16xf32, #tpu.memory_space<vmem>>) target_semaphore(%run_scoped3A_162 : memref<!tpu.dma_semaphore, #tpu.memory_space<semaphore_mem>>)
      %dma_wait3A_174 = arith.constant 0 : i32
      %dma_wait3A_175 = arith.constant 0 : i32
      %dma_wait3A_176 = tpu.memref_slice %arg6[%run_scoped3A_146, %dma_wait3A_174, %dma_wait3A_175] : memref<3x512x16xf32, #tpu.memory_space<vmem>> -> memref<1x512x16xf32, #tpu.memory_space<vmem>>
      %dma_wait3A_177 = tpu.memref_squeeze %dma_wait3A_176 : memref<1x512x16xf32, #tpu.memory_space<vmem>> -> memref<512x16xf32, #tpu.memory_space<vmem>>
      %dma_wait3A_178 = arith.constant 0 : i32
      %dma_wait3A_179 = tpu.memref_slice %arg7[%add3A_145, %dma_wait3A_178] : memref<100096x16xf32, #tpu.memory_space<vmem_shared>> -> memref<512x16xf32, #tpu.memory_space<vmem_shared>>
      %dma_wait3A_180 = arith.constant 0 : i32
      %dma_wait3A_181 = arith.constant 0 : i32
      %dma_wait3A_182 = tpu.memref_slice %arg6[%run_scoped3A_146, %dma_wait3A_180, %dma_wait3A_181] : memref<3x512x16xf32, #tpu.memory_space<vmem>> -> memref<1x512x16xf32, #tpu.memory_space<vmem>>
      %dma_wait3A_183 = tpu.memref_squeeze %dma_wait3A_182 : memref<1x512x16xf32, #tpu.memory_space<vmem>> -> memref<512x16xf32, #tpu.memory_space<vmem>>
      %dma_wait3A_184 = arith.constant 0 : i32
      %dma_wait3A_185 = tpu.memref_slice %arg7[%add3A_145, %dma_wait3A_184] : memref<100096x16xf32, #tpu.memory_space<vmem_shared>> -> memref<512x16xf32, #tpu.memory_space<vmem_shared>>
      tpu.wait_dma2 semaphore(%run_scoped3A_162 : memref<!tpu.dma_semaphore, #tpu.memory_space<semaphore_mem>>) src(%dma_wait3A_185 : memref<512x16xf32, #tpu.memory_space<vmem_shared>>) dst(%dma_wait3A_183 : memref<512x16xf32, #tpu.memory_space<vmem>>)
      tpu.yield
    }) : () -> ()
    %add3A_147 = arith.constant 5120 : i32
    %add3A_148 = arith.addi %mul3A_6, %add3A_147 : i32
    %run_scoped3A_149 = arith.constant 0 : i32
    "tpu.region"() ({
      %run_scoped3A_162 = tpu.sem_alloc : memref<!tpu.dma_semaphore, #tpu.memory_space<semaphore_mem>>
      %dma_start3A = arith.constant 0 : i32
      %dma_start3A_163 = arith.constant 0 : i32
      %dma_start3A_164 = tpu.memref_slice %arg6[%run_scoped3A_149, %dma_start3A, %dma_start3A_163] : memref<3x512x16xf32, #tpu.memory_space<vmem>> -> memref<1x512x16xf32, #tpu.memory_space<vmem>>
      %dma_start3A_165 = tpu.memref_squeeze %dma_start3A_164 : memref<1x512x16xf32, #tpu.memory_space<vmem>> -> memref<512x16xf32, #tpu.memory_space<vmem>>
      %dma_start3A_166 = tpu.memref_slice %arg4[%add3A_148, %mul3A_0] : memref<100096x128xf32, #tpu.memory_space<hbm>> -> memref<512x16xf32, #tpu.memory_space<hbm>>
      %dma_start3A_167 = tpu.memref_slice %arg4[%add3A_148, %mul3A_0] : memref<100096x128xf32, #tpu.memory_space<hbm>> -> memref<512x16xf32, #tpu.memory_space<hbm>>
      %dma_start3A_168 = arith.constant 0 : i32
      %dma_start3A_169 = arith.constant 0 : i32
      %dma_start3A_170 = tpu.memref_slice %arg6[%run_scoped3A_149, %dma_start3A_168, %dma_start3A_169] : memref<3x512x16xf32, #tpu.memory_space<vmem>> -> memref<1x512x16xf32, #tpu.memory_space<vmem>>
      %dma_start3A_171 = tpu.memref_squeeze %dma_start3A_170 : memref<1x512x16xf32, #tpu.memory_space<vmem>> -> memref<512x16xf32, #tpu.memory_space<vmem>>
      tpu.enqueue_dma source(%dma_start3A_171 : memref<512x16xf32, #tpu.memory_space<vmem>>) target(%dma_start3A_167 : memref<512x16xf32, #tpu.memory_space<hbm>>) target_semaphore(%run_scoped3A_162 : memref<!tpu.dma_semaphore, #tpu.memory_space<semaphore_mem>>)
      %dma_wait3A_172 = arith.constant 0 : i32
      %dma_wait3A_173 = arith.constant 0 : i32
      %dma_wait3A_174 = tpu.memref_slice %arg6[%run_scoped3A_149, %dma_wait3A_172, %dma_wait3A_173] : memref<3x512x16xf32, #tpu.memory_space<vmem>> -> memref<1x512x16xf32, #tpu.memory_space<vmem>>
      %dma_wait3A_175 = tpu.memref_squeeze %dma_wait3A_174 : memref<1x512x16xf32, #tpu.memory_space<vmem>> -> memref<512x16xf32, #tpu.memory_space<vmem>>
      %dma_wait3A_176 = tpu.memref_slice %arg4[%add3A_148, %mul3A_0] : memref<100096x128xf32, #tpu.memory_space<hbm>> -> memref<512x16xf32, #tpu.memory_space<hbm>>
      %dma_wait3A_177 = tpu.memref_slice %arg4[%add3A_148, %mul3A_0] : memref<100096x128xf32, #tpu.memory_space<hbm>> -> memref<512x16xf32, #tpu.memory_space<hbm>>
      %dma_wait3A_178 = arith.constant 0 : i32
      %dma_wait3A_179 = arith.constant 0 : i32
      %dma_wait3A_180 = tpu.memref_slice %arg6[%run_scoped3A_149, %dma_wait3A_178, %dma_wait3A_179] : memref<3x512x16xf32, #tpu.memory_space<vmem>> -> memref<1x512x16xf32, #tpu.memory_space<vmem>>
      %dma_wait3A_181 = tpu.memref_squeeze %dma_wait3A_180 : memref<1x512x16xf32, #tpu.memory_space<vmem>> -> memref<512x16xf32, #tpu.memory_space<vmem>>
      tpu.wait_dma2 semaphore(%run_scoped3A_162 : memref<!tpu.dma_semaphore, #tpu.memory_space<semaphore_mem>>) src(%dma_wait3A_181 : memref<512x16xf32, #tpu.memory_space<vmem>>) dst(%dma_wait3A_177 : memref<512x16xf32, #tpu.memory_space<hbm>>)
      tpu.yield
    }) : () -> ()
    %add3A_150 = arith.constant 5632 : i32
    %add3A_151 = arith.addi %mul3A_6, %add3A_150 : i32
    %run_scoped3A_152 = arith.constant 0 : i32
    "tpu.region"() ({
      %run_scoped3A_162 = tpu.sem_alloc : memref<!tpu.dma_semaphore, #tpu.memory_space<semaphore_mem>>
      %dma_start3A = arith.constant 0 : i32
      %dma_start3A_163 = arith.constant 0 : i32
      %dma_start3A_164 = tpu.memref_slice %arg6[%run_scoped3A_152, %dma_start3A, %dma_start3A_163] : memref<3x512x16xf32, #tpu.memory_space<vmem>> -> memref<1x512x16xf32, #tpu.memory_space<vmem>>
      %dma_start3A_165 = tpu.memref_squeeze %dma_start3A_164 : memref<1x512x16xf32, #tpu.memory_space<vmem>> -> memref<512x16xf32, #tpu.memory_space<vmem>>
      %dma_start3A_166 = arith.constant 0 : i32
      %dma_start3A_167 = tpu.memref_slice %arg7[%add3A_151, %dma_start3A_166] : memref<100096x16xf32, #tpu.memory_space<vmem_shared>> -> memref<512x16xf32, #tpu.memory_space<vmem_shared>>
      %dma_start3A_168 = arith.constant 0 : i32
      %dma_start3A_169 = arith.constant 0 : i32
      %dma_start3A_170 = tpu.memref_slice %arg6[%run_scoped3A_152, %dma_start3A_168, %dma_start3A_169] : memref<3x512x16xf32, #tpu.memory_space<vmem>> -> memref<1x512x16xf32, #tpu.memory_space<vmem>>
      %dma_start3A_171 = tpu.memref_squeeze %dma_start3A_170 : memref<1x512x16xf32, #tpu.memory_space<vmem>> -> memref<512x16xf32, #tpu.memory_space<vmem>>
      %dma_start3A_172 = arith.constant 0 : i32
      %dma_start3A_173 = tpu.memref_slice %arg7[%add3A_151, %dma_start3A_172] : memref<100096x16xf32, #tpu.memory_space<vmem_shared>> -> memref<512x16xf32, #tpu.memory_space<vmem_shared>>
      tpu.enqueue_dma source(%dma_start3A_173 : memref<512x16xf32, #tpu.memory_space<vmem_shared>>) target(%dma_start3A_171 : memref<512x16xf32, #tpu.memory_space<vmem>>) target_semaphore(%run_scoped3A_162 : memref<!tpu.dma_semaphore, #tpu.memory_space<semaphore_mem>>)
      %dma_wait3A_174 = arith.constant 0 : i32
      %dma_wait3A_175 = arith.constant 0 : i32
      %dma_wait3A_176 = tpu.memref_slice %arg6[%run_scoped3A_152, %dma_wait3A_174, %dma_wait3A_175] : memref<3x512x16xf32, #tpu.memory_space<vmem>> -> memref<1x512x16xf32, #tpu.memory_space<vmem>>
      %dma_wait3A_177 = tpu.memref_squeeze %dma_wait3A_176 : memref<1x512x16xf32, #tpu.memory_space<vmem>> -> memref<512x16xf32, #tpu.memory_space<vmem>>
      %dma_wait3A_178 = arith.constant 0 : i32
      %dma_wait3A_179 = tpu.memref_slice %arg7[%add3A_151, %dma_wait3A_178] : memref<100096x16xf32, #tpu.memory_space<vmem_shared>> -> memref<512x16xf32, #tpu.memory_space<vmem_shared>>
      %dma_wait3A_180 = arith.constant 0 : i32
      %dma_wait3A_181 = arith.constant 0 : i32
      %dma_wait3A_182 = tpu.memref_slice %arg6[%run_scoped3A_152, %dma_wait3A_180, %dma_wait3A_181] : memref<3x512x16xf32, #tpu.memory_space<vmem>> -> memref<1x512x16xf32, #tpu.memory_space<vmem>>
      %dma_wait3A_183 = tpu.memref_squeeze %dma_wait3A_182 : memref<1x512x16xf32, #tpu.memory_space<vmem>> -> memref<512x16xf32, #tpu.memory_space<vmem>>
      %dma_wait3A_184 = arith.constant 0 : i32
      %dma_wait3A_185 = tpu.memref_slice %arg7[%add3A_151, %dma_wait3A_184] : memref<100096x16xf32, #tpu.memory_space<vmem_shared>> -> memref<512x16xf32, #tpu.memory_space<vmem_shared>>
      tpu.wait_dma2 semaphore(%run_scoped3A_162 : memref<!tpu.dma_semaphore, #tpu.memory_space<semaphore_mem>>) src(%dma_wait3A_185 : memref<512x16xf32, #tpu.memory_space<vmem_shared>>) dst(%dma_wait3A_183 : memref<512x16xf32, #tpu.memory_space<vmem>>)
      tpu.yield
    }) : () -> ()
    %add3A_153 = arith.constant 5632 : i32
    %add3A_154 = arith.addi %mul3A_6, %add3A_153 : i32
    %run_scoped3A_155 = arith.constant 0 : i32
    "tpu.region"() ({
      %run_scoped3A_162 = tpu.sem_alloc : memref<!tpu.dma_semaphore, #tpu.memory_space<semaphore_mem>>
      %dma_start3A = arith.constant 0 : i32
      %dma_start3A_163 = arith.constant 0 : i32
      %dma_start3A_164 = tpu.memref_slice %arg6[%run_scoped3A_155, %dma_start3A, %dma_start3A_163] : memref<3x512x16xf32, #tpu.memory_space<vmem>> -> memref<1x512x16xf32, #tpu.memory_space<vmem>>
      %dma_start3A_165 = tpu.memref_squeeze %dma_start3A_164 : memref<1x512x16xf32, #tpu.memory_space<vmem>> -> memref<512x16xf32, #tpu.memory_space<vmem>>
      %dma_start3A_166 = tpu.memref_slice %arg4[%add3A_154, %mul3A_0] : memref<100096x128xf32, #tpu.memory_space<hbm>> -> memref<512x16xf32, #tpu.memory_space<hbm>>
      %dma_start3A_167 = tpu.memref_slice %arg4[%add3A_154, %mul3A_0] : memref<100096x128xf32, #tpu.memory_space<hbm>> -> memref<512x16xf32, #tpu.memory_space<hbm>>
      %dma_start3A_168 = arith.constant 0 : i32
      %dma_start3A_169 = arith.constant 0 : i32
      %dma_start3A_170 = tpu.memref_slice %arg6[%run_scoped3A_155, %dma_start3A_168, %dma_start3A_169] : memref<3x512x16xf32, #tpu.memory_space<vmem>> -> memref<1x512x16xf32, #tpu.memory_space<vmem>>
      %dma_start3A_171 = tpu.memref_squeeze %dma_start3A_170 : memref<1x512x16xf32, #tpu.memory_space<vmem>> -> memref<512x16xf32, #tpu.memory_space<vmem>>
      tpu.enqueue_dma source(%dma_start3A_171 : memref<512x16xf32, #tpu.memory_space<vmem>>) target(%dma_start3A_167 : memref<512x16xf32, #tpu.memory_space<hbm>>) target_semaphore(%run_scoped3A_162 : memref<!tpu.dma_semaphore, #tpu.memory_space<semaphore_mem>>)
      %dma_wait3A_172 = arith.constant 0 : i32
      %dma_wait3A_173 = arith.constant 0 : i32
      %dma_wait3A_174 = tpu.memref_slice %arg6[%run_scoped3A_155, %dma_wait3A_172, %dma_wait3A_173] : memref<3x512x16xf32, #tpu.memory_space<vmem>> -> memref<1x512x16xf32, #tpu.memory_space<vmem>>
      %dma_wait3A_175 = tpu.memref_squeeze %dma_wait3A_174 : memref<1x512x16xf32, #tpu.memory_space<vmem>> -> memref<512x16xf32, #tpu.memory_space<vmem>>
      %dma_wait3A_176 = tpu.memref_slice %arg4[%add3A_154, %mul3A_0] : memref<100096x128xf32, #tpu.memory_space<hbm>> -> memref<512x16xf32, #tpu.memory_space<hbm>>
      %dma_wait3A_177 = tpu.memref_slice %arg4[%add3A_154, %mul3A_0] : memref<100096x128xf32, #tpu.memory_space<hbm>> -> memref<512x16xf32, #tpu.memory_space<hbm>>
      %dma_wait3A_178 = arith.constant 0 : i32
      %dma_wait3A_179 = arith.constant 0 : i32
      %dma_wait3A_180 = tpu.memref_slice %arg6[%run_scoped3A_155, %dma_wait3A_178, %dma_wait3A_179] : memref<3x512x16xf32, #tpu.memory_space<vmem>> -> memref<1x512x16xf32, #tpu.memory_space<vmem>>
      %dma_wait3A_181 = tpu.memref_squeeze %dma_wait3A_180 : memref<1x512x16xf32, #tpu.memory_space<vmem>> -> memref<512x16xf32, #tpu.memory_space<vmem>>
      tpu.wait_dma2 semaphore(%run_scoped3A_162 : memref<!tpu.dma_semaphore, #tpu.memory_space<semaphore_mem>>) src(%dma_wait3A_181 : memref<512x16xf32, #tpu.memory_space<vmem>>) dst(%dma_wait3A_177 : memref<512x16xf32, #tpu.memory_space<hbm>>)
      tpu.yield
    }) : () -> ()
    %add3A_156 = arith.constant 6144 : i32
    %add3A_157 = arith.addi %mul3A_6, %add3A_156 : i32
    %run_scoped3A_158 = arith.constant 0 : i32
    "tpu.region"() ({
      %run_scoped3A_162 = tpu.sem_alloc : memref<!tpu.dma_semaphore, #tpu.memory_space<semaphore_mem>>
      %dma_start3A = arith.constant 0 : i32
      %dma_start3A_163 = arith.constant 0 : i32
      %dma_start3A_164 = tpu.memref_slice %arg6[%run_scoped3A_158, %dma_start3A, %dma_start3A_163] : memref<3x512x16xf32, #tpu.memory_space<vmem>> -> memref<1x512x16xf32, #tpu.memory_space<vmem>>
      %dma_start3A_165 = tpu.memref_squeeze %dma_start3A_164 : memref<1x512x16xf32, #tpu.memory_space<vmem>> -> memref<512x16xf32, #tpu.memory_space<vmem>>
      %dma_start3A_166 = arith.constant 0 : i32
      %dma_start3A_167 = arith.constant 0 : i32
      %dma_start3A_168 = tpu.memref_slice %dma_start3A_165[%dma_start3A_166, %dma_start3A_167] : memref<512x16xf32, #tpu.memory_space<vmem>> -> memref<112x16xf32, #tpu.memory_space<vmem>>
      %dma_start3A_169 = arith.constant 0 : i32
      %dma_start3A_170 = tpu.memref_slice %arg7[%add3A_157, %dma_start3A_169] : memref<100096x16xf32, #tpu.memory_space<vmem_shared>> -> memref<112x16xf32, #tpu.memory_space<vmem_shared>>
      %dma_start3A_171 = arith.constant 0 : i32
      %dma_start3A_172 = arith.constant 0 : i32
      %dma_start3A_173 = tpu.memref_slice %arg6[%run_scoped3A_158, %dma_start3A_171, %dma_start3A_172] : memref<3x512x16xf32, #tpu.memory_space<vmem>> -> memref<1x512x16xf32, #tpu.memory_space<vmem>>
      %dma_start3A_174 = tpu.memref_squeeze %dma_start3A_173 : memref<1x512x16xf32, #tpu.memory_space<vmem>> -> memref<512x16xf32, #tpu.memory_space<vmem>>
      %dma_start3A_175 = arith.constant 0 : i32
      %dma_start3A_176 = arith.constant 0 : i32
      %dma_start3A_177 = tpu.memref_slice %dma_start3A_174[%dma_start3A_175, %dma_start3A_176] : memref<512x16xf32, #tpu.memory_space<vmem>> -> memref<112x16xf32, #tpu.memory_space<vmem>>
      %dma_start3A_178 = arith.constant 0 : i32
      %dma_start3A_179 = tpu.memref_slice %arg7[%add3A_157, %dma_start3A_178] : memref<100096x16xf32, #tpu.memory_space<vmem_shared>> -> memref<112x16xf32, #tpu.memory_space<vmem_shared>>
      tpu.enqueue_dma source(%dma_start3A_179 : memref<112x16xf32, #tpu.memory_space<vmem_shared>>) target(%dma_start3A_177 : memref<112x16xf32, #tpu.memory_space<vmem>>) target_semaphore(%run_scoped3A_162 : memref<!tpu.dma_semaphore, #tpu.memory_space<semaphore_mem>>)
      %dma_wait3A_180 = arith.constant 0 : i32
      %dma_wait3A_181 = arith.constant 0 : i32
      %dma_wait3A_182 = tpu.memref_slice %arg6[%run_scoped3A_158, %dma_wait3A_180, %dma_wait3A_181] : memref<3x512x16xf32, #tpu.memory_space<vmem>> -> memref<1x512x16xf32, #tpu.memory_space<vmem>>
      %dma_wait3A_183 = tpu.memref_squeeze %dma_wait3A_182 : memref<1x512x16xf32, #tpu.memory_space<vmem>> -> memref<512x16xf32, #tpu.memory_space<vmem>>
      %dma_wait3A_184 = arith.constant 0 : i32
      %dma_wait3A_185 = arith.constant 0 : i32
      %dma_wait3A_186 = tpu.memref_slice %dma_wait3A_183[%dma_wait3A_184, %dma_wait3A_185] : memref<512x16xf32, #tpu.memory_space<vmem>> -> memref<112x16xf32, #tpu.memory_space<vmem>>
      %dma_wait3A_187 = arith.constant 0 : i32
      %dma_wait3A_188 = tpu.memref_slice %arg7[%add3A_157, %dma_wait3A_187] : memref<100096x16xf32, #tpu.memory_space<vmem_shared>> -> memref<112x16xf32, #tpu.memory_space<vmem_shared>>
      %dma_wait3A_189 = arith.constant 0 : i32
      %dma_wait3A_190 = arith.constant 0 : i32
      %dma_wait3A_191 = tpu.memref_slice %arg6[%run_scoped3A_158, %dma_wait3A_189, %dma_wait3A_190] : memref<3x512x16xf32, #tpu.memory_space<vmem>> -> memref<1x512x16xf32, #tpu.memory_space<vmem>>
      %dma_wait3A_192 = tpu.memref_squeeze %dma_wait3A_191 : memref<1x512x16xf32, #tpu.memory_space<vmem>> -> memref<512x16xf32, #tpu.memory_space<vmem>>
      %dma_wait3A_193 = arith.constant 0 : i32
      %dma_wait3A_194 = arith.constant 0 : i32
      %dma_wait3A_195 = tpu.memref_slice %dma_wait3A_192[%dma_wait3A_193, %dma_wait3A_194] : memref<512x16xf32, #tpu.memory_space<vmem>> -> memref<112x16xf32, #tpu.memory_space<vmem>>
      %dma_wait3A_196 = arith.constant 0 : i32
      %dma_wait3A_197 = tpu.memref_slice %arg7[%add3A_157, %dma_wait3A_196] : memref<100096x16xf32, #tpu.memory_space<vmem_shared>> -> memref<112x16xf32, #tpu.memory_space<vmem_shared>>
      tpu.wait_dma2 semaphore(%run_scoped3A_162 : memref<!tpu.dma_semaphore, #tpu.memory_space<semaphore_mem>>) src(%dma_wait3A_197 : memref<112x16xf32, #tpu.memory_space<vmem_shared>>) dst(%dma_wait3A_195 : memref<112x16xf32, #tpu.memory_space<vmem>>)
      tpu.yield
    }) : () -> ()
    %add3A_159 = arith.constant 6144 : i32
    %add3A_160 = arith.addi %mul3A_6, %add3A_159 : i32
    %run_scoped3A_161 = arith.constant 0 : i32
    "tpu.region"() ({
      %run_scoped3A_162 = tpu.sem_alloc : memref<!tpu.dma_semaphore, #tpu.memory_space<semaphore_mem>>
      %dma_start3A = arith.constant 0 : i32
      %dma_start3A_163 = arith.constant 0 : i32
      %dma_start3A_164 = tpu.memref_slice %arg6[%run_scoped3A_161, %dma_start3A, %dma_start3A_163] : memref<3x512x16xf32, #tpu.memory_space<vmem>> -> memref<1x512x16xf32, #tpu.memory_space<vmem>>
      %dma_start3A_165 = tpu.memref_squeeze %dma_start3A_164 : memref<1x512x16xf32, #tpu.memory_space<vmem>> -> memref<512x16xf32, #tpu.memory_space<vmem>>
      %dma_start3A_166 = arith.constant 0 : i32
      %dma_start3A_167 = arith.constant 0 : i32
      %dma_start3A_168 = tpu.memref_slice %dma_start3A_165[%dma_start3A_166, %dma_start3A_167] : memref<512x16xf32, #tpu.memory_space<vmem>> -> memref<112x16xf32, #tpu.memory_space<vmem>>
      %dma_start3A_169 = tpu.memref_slice %arg4[%add3A_160, %mul3A_0] : memref<100096x128xf32, #tpu.memory_space<hbm>> -> memref<112x16xf32, #tpu.memory_space<hbm>>
      %dma_start3A_170 = tpu.memref_slice %arg4[%add3A_160, %mul3A_0] : memref<100096x128xf32, #tpu.memory_space<hbm>> -> memref<112x16xf32, #tpu.memory_space<hbm>>
      %dma_start3A_171 = arith.constant 0 : i32
      %dma_start3A_172 = arith.constant 0 : i32
      %dma_start3A_173 = tpu.memref_slice %arg6[%run_scoped3A_161, %dma_start3A_171, %dma_start3A_172] : memref<3x512x16xf32, #tpu.memory_space<vmem>> -> memref<1x512x16xf32, #tpu.memory_space<vmem>>
      %dma_start3A_174 = tpu.memref_squeeze %dma_start3A_173 : memref<1x512x16xf32, #tpu.memory_space<vmem>> -> memref<512x16xf32, #tpu.memory_space<vmem>>
      %dma_start3A_175 = arith.constant 0 : i32
      %dma_start3A_176 = arith.constant 0 : i32
      %dma_start3A_177 = tpu.memref_slice %dma_start3A_174[%dma_start3A_175, %dma_start3A_176] : memref<512x16xf32, #tpu.memory_space<vmem>> -> memref<112x16xf32, #tpu.memory_space<vmem>>
      tpu.enqueue_dma source(%dma_start3A_177 : memref<112x16xf32, #tpu.memory_space<vmem>>) target(%dma_start3A_170 : memref<112x16xf32, #tpu.memory_space<hbm>>) target_semaphore(%run_scoped3A_162 : memref<!tpu.dma_semaphore, #tpu.memory_space<semaphore_mem>>)
      %dma_wait3A_178 = arith.constant 0 : i32
      %dma_wait3A_179 = arith.constant 0 : i32
      %dma_wait3A_180 = tpu.memref_slice %arg6[%run_scoped3A_161, %dma_wait3A_178, %dma_wait3A_179] : memref<3x512x16xf32, #tpu.memory_space<vmem>> -> memref<1x512x16xf32, #tpu.memory_space<vmem>>
      %dma_wait3A_181 = tpu.memref_squeeze %dma_wait3A_180 : memref<1x512x16xf32, #tpu.memory_space<vmem>> -> memref<512x16xf32, #tpu.memory_space<vmem>>
      %dma_wait3A_182 = arith.constant 0 : i32
      %dma_wait3A_183 = arith.constant 0 : i32
      %dma_wait3A_184 = tpu.memref_slice %dma_wait3A_181[%dma_wait3A_182, %dma_wait3A_183] : memref<512x16xf32, #tpu.memory_space<vmem>> -> memref<112x16xf32, #tpu.memory_space<vmem>>
      %dma_wait3A_185 = tpu.memref_slice %arg4[%add3A_160, %mul3A_0] : memref<100096x128xf32, #tpu.memory_space<hbm>> -> memref<112x16xf32, #tpu.memory_space<hbm>>
      %dma_wait3A_186 = tpu.memref_slice %arg4[%add3A_160, %mul3A_0] : memref<100096x128xf32, #tpu.memory_space<hbm>> -> memref<112x16xf32, #tpu.memory_space<hbm>>
      %dma_wait3A_187 = arith.constant 0 : i32
      %dma_wait3A_188 = arith.constant 0 : i32
      %dma_wait3A_189 = tpu.memref_slice %arg6[%run_scoped3A_161, %dma_wait3A_187, %dma_wait3A_188] : memref<3x512x16xf32, #tpu.memory_space<vmem>> -> memref<1x512x16xf32, #tpu.memory_space<vmem>>
      %dma_wait3A_190 = tpu.memref_squeeze %dma_wait3A_189 : memref<1x512x16xf32, #tpu.memory_space<vmem>> -> memref<512x16xf32, #tpu.memory_space<vmem>>
      %dma_wait3A_191 = arith.constant 0 : i32
      %dma_wait3A_192 = arith.constant 0 : i32
      %dma_wait3A_193 = tpu.memref_slice %dma_wait3A_190[%dma_wait3A_191, %dma_wait3A_192] : memref<512x16xf32, #tpu.memory_space<vmem>> -> memref<112x16xf32, #tpu.memory_space<vmem>>
      tpu.wait_dma2 semaphore(%run_scoped3A_162 : memref<!tpu.dma_semaphore, #tpu.memory_space<semaphore_mem>>) src(%dma_wait3A_193 : memref<112x16xf32, #tpu.memory_space<vmem>>) dst(%dma_wait3A_186 : memref<112x16xf32, #tpu.memory_space<hbm>>)
      tpu.yield
    }) : () -> ()
    return
  }
}

#map = affine_map<(d0, d1) -> (0)>
module attributes {stable_mosaic.version = 14 : i64} {
  func.func @_deg_body(%arg0: i32, %arg1: i32, %arg2: memref<1638400xi32, #tpu.memory_space<hbm>>, %arg3: memref<100096xf32, #tpu.memory_space<hbm>>, %arg4: memref<100096xf32, #tpu.memory_space<hbm>>, %arg5: memref<100096xf32, #tpu.memory_space<hbm>>, %arg6: memref<2048xi32, #tpu.memory_space<vmem>>, %arg7: memref<2048xf32, #tpu.memory_space<vmem>>, %arg8: memref<100096xf32, #tpu.memory_space<vmem_shared>>) attributes {dimension_semantics = [#tpu.dimension_semantics<core_parallel>, #tpu.dimension_semantics<subcore_parallel>], iteration_bounds = array<i64: 2, 16>, scalar_prefetch = 0 : i64, scratch_operands = 3 : i64, tpu.core_type = #tpu.core_type<sc_vector_subcore>, window_params = [{transform_indices = #map}, {transform_indices = #map}, {transform_indices = #map}, {transform_indices = #map}]} {
    %mul3A = arith.constant 6272 : i32
    %mul3A_0 = arith.muli %arg1, %mul3A : i32
    %scan3A = arith.constant 0 : i32
    %scan3A_1 = arith.constant 0 : i32
    %scan3A_2 = arith.constant 128 : i32
    %scan3A_3 = arith.addi %scan3A_1, %scan3A_2 : i32
    %scan3A_4 = arith.constant 1 : i32
    %scan3A_5 = scf.for %scan3A_35 = %scan3A_1 to %scan3A_3 step %scan3A_4 iter_args(%scan3A_36 = %scan3A) -> (i32)  : i32 {
      %broadcast_in_dim3A = arith.constant 1.000000e+00 : f32
      %broadcast_in_dim3A_37 = vector.broadcast %broadcast_in_dim3A : f32 to vector<16xf32>
      %mul3A_38 = arith.constant 16 : i32
      %mul3A_39 = arith.muli %scan3A_35, %mul3A_38 : i32
      %swap3A = arith.index_cast %mul3A_39 : i32 to index
      %swap3A_40 = tpu.vector_load %arg7[%swap3A] {strides = array<i32>} : memref<2048xf32, #tpu.memory_space<vmem>>, vector<16xf32>,
      %swap3A_41 = vector.shape_cast %swap3A_40 : vector<16xf32> to vector<16xf32>
      %swap3A_42 = vector.shape_cast %broadcast_in_dim3A_37 : vector<16xf32> to vector<16xf32>
      tpu.vector_store %arg7[%swap3A], %swap3A_42 {strides = array<i32>} : memref<2048xf32, #tpu.memory_space<vmem>>, vector<16xf32>,
      %scan3A_43 = arith.constant 0 : i32
      scf.yield %scan3A_43 : i32
    }
    %scan3A_6 = arith.constant 128 : i32
    %lt3A = arith.constant 15 : i32
    %lt3A_7 = arith.cmpi slt, %arg1, %lt3A : i32
    %convert_element_type3A = arith.extui %lt3A_7 : i1 to i32
    %cond3A = arith.constant 0 : i32
    %cond3A_8 = arith.cmpi ne, %convert_element_type3A, %cond3A : i32
    scf.if %cond3A_8 {
      "tpu.region"() ({
        %run_scoped3A = tpu.sem_alloc : memref<!tpu.dma_semaphore, #tpu.memory_space<semaphore_mem>>
        %dma_start3A = tpu.memref_slice %arg8[%mul3A_0] : memref<100096xf32, #tpu.memory_space<vmem_shared>> -> memref<6272xf32, #tpu.memory_space<vmem_shared>>
        %dma_start3A_35 = tpu.memref_slice %arg3[%mul3A_0] : memref<100096xf32, #tpu.memory_space<hbm>> -> memref<6272xf32, #tpu.memory_space<hbm>>
        tpu.enqueue_dma source(%dma_start3A_35 : memref<6272xf32, #tpu.memory_space<hbm>>) target(%dma_start3A : memref<6272xf32, #tpu.memory_space<vmem_shared>>) target_semaphore(%run_scoped3A : memref<!tpu.dma_semaphore, #tpu.memory_space<semaphore_mem>>)
        %dma_wait3A = tpu.memref_slice %arg8[%mul3A_0] : memref<100096xf32, #tpu.memory_space<vmem_shared>> -> memref<6272xf32, #tpu.memory_space<vmem_shared>>
        %dma_wait3A_36 = tpu.memref_slice %arg3[%mul3A_0] : memref<100096xf32, #tpu.memory_space<hbm>> -> memref<6272xf32, #tpu.memory_space<hbm>>
        tpu.wait_dma2 semaphore(%run_scoped3A : memref<!tpu.dma_semaphore, #tpu.memory_space<semaphore_mem>>) src(%dma_wait3A_36 : memref<6272xf32, #tpu.memory_space<hbm>>) dst(%dma_wait3A : memref<6272xf32, #tpu.memory_space<vmem_shared>>)
        tpu.yield
      }) : () -> ()
    } else {
    }
    %eq3A = arith.constant 15 : i32
    %eq3A_9 = arith.cmpi eq, %arg1, %eq3A : i32
    %convert_element_type3A_10 = arith.extui %eq3A_9 : i1 to i32
    %cond3A_11 = arith.constant 0 : i32
    %cond3A_12 = arith.cmpi ne, %convert_element_type3A_10, %cond3A_11 : i32
    scf.if %cond3A_12 {
      "tpu.region"() ({
        %run_scoped3A = tpu.sem_alloc : memref<!tpu.dma_semaphore, #tpu.memory_space<semaphore_mem>>
        %dma_start3A = tpu.memref_slice %arg8[%mul3A_0] : memref<100096xf32, #tpu.memory_space<vmem_shared>> -> memref<6016xf32, #tpu.memory_space<vmem_shared>>
        %dma_start3A_35 = tpu.memref_slice %arg3[%mul3A_0] : memref<100096xf32, #tpu.memory_space<hbm>> -> memref<6016xf32, #tpu.memory_space<hbm>>
        tpu.enqueue_dma source(%dma_start3A_35 : memref<6016xf32, #tpu.memory_space<hbm>>) target(%dma_start3A : memref<6016xf32, #tpu.memory_space<vmem_shared>>) target_semaphore(%run_scoped3A : memref<!tpu.dma_semaphore, #tpu.memory_space<semaphore_mem>>)
        %dma_wait3A = tpu.memref_slice %arg8[%mul3A_0] : memref<100096xf32, #tpu.memory_space<vmem_shared>> -> memref<6016xf32, #tpu.memory_space<vmem_shared>>
        %dma_wait3A_36 = tpu.memref_slice %arg3[%mul3A_0] : memref<100096xf32, #tpu.memory_space<hbm>> -> memref<6016xf32, #tpu.memory_space<hbm>>
        tpu.wait_dma2 semaphore(%run_scoped3A : memref<!tpu.dma_semaphore, #tpu.memory_space<semaphore_mem>>) src(%dma_wait3A_36 : memref<6016xf32, #tpu.memory_space<hbm>>) dst(%dma_wait3A : memref<6016xf32, #tpu.memory_space<vmem_shared>>)
        tpu.yield
      }) : () -> ()
    } else {
    }
    %barrier3A = arith.constant 0 : index
    tpu.barrier barrier_id(%barrier3A)
    %mul3A_13 = arith.constant 16 : i32
    %mul3A_14 = arith.muli %arg0, %mul3A_13 : i32
    %add3A = arith.addi %mul3A_14, %arg1 : i32
    %mul3A_15 = arith.constant 51200 : i32
    %mul3A_16 = arith.muli %add3A, %mul3A_15 : i32
    %scan3A_17 = arith.constant 0 : i32
    %scan3A_18 = arith.constant 0 : i32
    %scan3A_19 = arith.constant 25 : i32
    %scan3A_20 = arith.addi %scan3A_18, %scan3A_19 : i32
    %scan3A_21 = arith.constant 1 : i32
    %scan3A_22 = scf.for %scan3A_35 = %scan3A_18 to %scan3A_20 step %scan3A_21 iter_args(%scan3A_36 = %scan3A_17) -> (i32)  : i32 {
      %mul3A_37 = arith.constant 2048 : i32
      %mul3A_38 = arith.muli %scan3A_35, %mul3A_37 : i32
      %add3A_39 = arith.addi %mul3A_16, %mul3A_38 : i32
      %multiple_of3A = tpu.assume_multiple %add3A_39, 128 : i32
      "tpu.region"() ({
        %run_scoped3A = tpu.sem_alloc : memref<!tpu.dma_semaphore, #tpu.memory_space<semaphore_mem>>
        %dma_start3A = tpu.memref_slice %arg2[%multiple_of3A] : memref<1638400xi32, #tpu.memory_space<hbm>> -> memref<2048xi32, #tpu.memory_space<hbm>>
        %dma_start3A_41 = tpu.memref_slice %arg2[%multiple_of3A] : memref<1638400xi32, #tpu.memory_space<hbm>> -> memref<2048xi32, #tpu.memory_space<hbm>>
        tpu.enqueue_dma source(%dma_start3A_41 : memref<2048xi32, #tpu.memory_space<hbm>>) target(%arg6 : memref<2048xi32, #tpu.memory_space<vmem>>) target_semaphore(%run_scoped3A : memref<!tpu.dma_semaphore, #tpu.memory_space<semaphore_mem>>)
        %dma_wait3A = tpu.memref_slice %arg2[%multiple_of3A] : memref<1638400xi32, #tpu.memory_space<hbm>> -> memref<2048xi32, #tpu.memory_space<hbm>>
        %dma_wait3A_42 = tpu.memref_slice %arg2[%multiple_of3A] : memref<1638400xi32, #tpu.memory_space<hbm>> -> memref<2048xi32, #tpu.memory_space<hbm>>
        tpu.wait_dma2 semaphore(%run_scoped3A : memref<!tpu.dma_semaphore, #tpu.memory_space<semaphore_mem>>) src(%dma_wait3A_42 : memref<2048xi32, #tpu.memory_space<hbm>>) dst(%arg6 : memref<2048xi32, #tpu.memory_space<vmem>>)
        tpu.yield
      }) : () -> ()
      "tpu.region"() ({
        %run_scoped3A = tpu.sem_alloc : memref<!tpu.dma_semaphore, #tpu.memory_space<semaphore_mem>>
        %dma_start3A = arith.constant 0 : i32
        %dma_start3A_41 = tpu.memref_slice %arg8[%dma_start3A] : memref<100096xf32, #tpu.memory_space<vmem_shared>> -> memref<100096xf32, #tpu.memory_space<vmem_shared>>
        tpu.enqueue_indirect_dma source(%arg7 : memref<2048xf32, #tpu.memory_space<vmem>>) target(%dma_start3A_41 : memref<100096xf32, #tpu.memory_space<vmem_shared>>) offsets(%arg6 : memref<2048xi32, #tpu.memory_space<vmem>>) semaphore(%run_scoped3A : memref<!tpu.dma_semaphore, #tpu.memory_space<semaphore_mem>>) {add = true}
        %dma_wait3A = arith.constant 0 : i32
        %dma_wait3A_42 = tpu.memref_slice %arg8[%dma_wait3A] : memref<100096xf32, #tpu.memory_space<vmem_shared>> -> memref<100096xf32, #tpu.memory_space<vmem_shared>>
        tpu.wait_indirect_dma semaphore(%run_scoped3A : memref<!tpu.dma_semaphore, #tpu.memory_space<semaphore_mem>>) src(%arg7 : memref<2048xf32, #tpu.memory_space<vmem>>) dst(%dma_wait3A_42 : memref<100096xf32, #tpu.memory_space<vmem_shared>>)
        tpu.yield
      }) : () -> ()
      %scan3A_40 = arith.constant 0 : i32
      scf.yield %scan3A_40 : i32
    }
    %scan3A_23 = arith.constant 25 : i32
    %barrier3A_24 = arith.constant 0 : index
    tpu.barrier barrier_id(%barrier3A_24)
    %eq3A_25 = arith.constant 0 : i32
    %eq3A_26 = arith.cmpi eq, %arg0, %eq3A_25 : i32
    %convert_element_type3A_27 = arith.extui %eq3A_26 : i1 to i32
    %cond3A_28 = arith.constant 0 : i32
    %cond3A_29 = arith.cmpi ne, %convert_element_type3A_27, %cond3A_28 : i32
    scf.if %cond3A_29 {
      %lt3A_35 = arith.constant 15 : i32
      %lt3A_36 = arith.cmpi slt, %arg1, %lt3A_35 : i32
      %convert_element_type3A_37 = arith.extui %lt3A_36 : i1 to i32
      %cond3A_38 = arith.constant 0 : i32
      %cond3A_39 = arith.cmpi ne, %convert_element_type3A_37, %cond3A_38 : i32
      scf.if %cond3A_39 {
        "tpu.region"() ({
          %run_scoped3A = tpu.sem_alloc : memref<!tpu.dma_semaphore, #tpu.memory_space<semaphore_mem>>
          %dma_start3A = tpu.memref_slice %arg4[%mul3A_0] : memref<100096xf32, #tpu.memory_space<hbm>> -> memref<6272xf32, #tpu.memory_space<hbm>>
          %dma_start3A_45 = tpu.memref_slice %arg8[%mul3A_0] : memref<100096xf32, #tpu.memory_space<vmem_shared>> -> memref<6272xf32, #tpu.memory_space<vmem_shared>>
          tpu.enqueue_dma source(%dma_start3A_45 : memref<6272xf32, #tpu.memory_space<vmem_shared>>) target(%dma_start3A : memref<6272xf32, #tpu.memory_space<hbm>>) target_semaphore(%run_scoped3A : memref<!tpu.dma_semaphore, #tpu.memory_space<semaphore_mem>>)
          %dma_wait3A = tpu.memref_slice %arg4[%mul3A_0] : memref<100096xf32, #tpu.memory_space<hbm>> -> memref<6272xf32, #tpu.memory_space<hbm>>
          %dma_wait3A_46 = tpu.memref_slice %arg8[%mul3A_0] : memref<100096xf32, #tpu.memory_space<vmem_shared>> -> memref<6272xf32, #tpu.memory_space<vmem_shared>>
          tpu.wait_dma2 semaphore(%run_scoped3A : memref<!tpu.dma_semaphore, #tpu.memory_space<semaphore_mem>>) src(%dma_wait3A_46 : memref<6272xf32, #tpu.memory_space<vmem_shared>>) dst(%dma_wait3A : memref<6272xf32, #tpu.memory_space<hbm>>)
          tpu.yield
        }) : () -> ()
      } else {
      }
      %eq3A_40 = arith.constant 15 : i32
      %eq3A_41 = arith.cmpi eq, %arg1, %eq3A_40 : i32
      %convert_element_type3A_42 = arith.extui %eq3A_41 : i1 to i32
      %cond3A_43 = arith.constant 0 : i32
      %cond3A_44 = arith.cmpi ne, %convert_element_type3A_42, %cond3A_43 : i32
      scf.if %cond3A_44 {
        "tpu.region"() ({
          %run_scoped3A = tpu.sem_alloc : memref<!tpu.dma_semaphore, #tpu.memory_space<semaphore_mem>>
          %dma_start3A = tpu.memref_slice %arg4[%mul3A_0] : memref<100096xf32, #tpu.memory_space<hbm>> -> memref<6016xf32, #tpu.memory_space<hbm>>
          %dma_start3A_45 = tpu.memref_slice %arg8[%mul3A_0] : memref<100096xf32, #tpu.memory_space<vmem_shared>> -> memref<6016xf32, #tpu.memory_space<vmem_shared>>
          tpu.enqueue_dma source(%dma_start3A_45 : memref<6016xf32, #tpu.memory_space<vmem_shared>>) target(%dma_start3A : memref<6016xf32, #tpu.memory_space<hbm>>) target_semaphore(%run_scoped3A : memref<!tpu.dma_semaphore, #tpu.memory_space<semaphore_mem>>)
          %dma_wait3A = tpu.memref_slice %arg4[%mul3A_0] : memref<100096xf32, #tpu.memory_space<hbm>> -> memref<6016xf32, #tpu.memory_space<hbm>>
          %dma_wait3A_46 = tpu.memref_slice %arg8[%mul3A_0] : memref<100096xf32, #tpu.memory_space<vmem_shared>> -> memref<6016xf32, #tpu.memory_space<vmem_shared>>
          tpu.wait_dma2 semaphore(%run_scoped3A : memref<!tpu.dma_semaphore, #tpu.memory_space<semaphore_mem>>) src(%dma_wait3A_46 : memref<6016xf32, #tpu.memory_space<vmem_shared>>) dst(%dma_wait3A : memref<6016xf32, #tpu.memory_space<hbm>>)
          tpu.yield
        }) : () -> ()
      } else {
      }
    } else {
    }
    %eq3A_30 = arith.constant 1 : i32
    %eq3A_31 = arith.cmpi eq, %arg0, %eq3A_30 : i32
    %convert_element_type3A_32 = arith.extui %eq3A_31 : i1 to i32
    %cond3A_33 = arith.constant 0 : i32
    %cond3A_34 = arith.cmpi ne, %convert_element_type3A_32, %cond3A_33 : i32
    scf.if %cond3A_34 {
      %lt3A_35 = arith.constant 15 : i32
      %lt3A_36 = arith.cmpi slt, %arg1, %lt3A_35 : i32
      %convert_element_type3A_37 = arith.extui %lt3A_36 : i1 to i32
      %cond3A_38 = arith.constant 0 : i32
      %cond3A_39 = arith.cmpi ne, %convert_element_type3A_37, %cond3A_38 : i32
      scf.if %cond3A_39 {
        "tpu.region"() ({
          %run_scoped3A = tpu.sem_alloc : memref<!tpu.dma_semaphore, #tpu.memory_space<semaphore_mem>>
          %dma_start3A = tpu.memref_slice %arg5[%mul3A_0] : memref<100096xf32, #tpu.memory_space<hbm>> -> memref<6272xf32, #tpu.memory_space<hbm>>
          %dma_start3A_45 = tpu.memref_slice %arg8[%mul3A_0] : memref<100096xf32, #tpu.memory_space<vmem_shared>> -> memref<6272xf32, #tpu.memory_space<vmem_shared>>
          tpu.enqueue_dma source(%dma_start3A_45 : memref<6272xf32, #tpu.memory_space<vmem_shared>>) target(%dma_start3A : memref<6272xf32, #tpu.memory_space<hbm>>) target_semaphore(%run_scoped3A : memref<!tpu.dma_semaphore, #tpu.memory_space<semaphore_mem>>)
          %dma_wait3A = tpu.memref_slice %arg5[%mul3A_0] : memref<100096xf32, #tpu.memory_space<hbm>> -> memref<6272xf32, #tpu.memory_space<hbm>>
          %dma_wait3A_46 = tpu.memref_slice %arg8[%mul3A_0] : memref<100096xf32, #tpu.memory_space<vmem_shared>> -> memref<6272xf32, #tpu.memory_space<vmem_shared>>
          tpu.wait_dma2 semaphore(%run_scoped3A : memref<!tpu.dma_semaphore, #tpu.memory_space<semaphore_mem>>) src(%dma_wait3A_46 : memref<6272xf32, #tpu.memory_space<vmem_shared>>) dst(%dma_wait3A : memref<6272xf32, #tpu.memory_space<hbm>>)
          tpu.yield
        }) : () -> ()
      } else {
      }
      %eq3A_40 = arith.constant 15 : i32
      %eq3A_41 = arith.cmpi eq, %arg1, %eq3A_40 : i32
      %convert_element_type3A_42 = arith.extui %eq3A_41 : i1 to i32
      %cond3A_43 = arith.constant 0 : i32
      %cond3A_44 = arith.cmpi ne, %convert_element_type3A_42, %cond3A_43 : i32
      scf.if %cond3A_44 {
        "tpu.region"() ({
          %run_scoped3A = tpu.sem_alloc : memref<!tpu.dma_semaphore, #tpu.memory_space<semaphore_mem>>
          %dma_start3A = tpu.memref_slice %arg5[%mul3A_0] : memref<100096xf32, #tpu.memory_space<hbm>> -> memref<6016xf32, #tpu.memory_space<hbm>>
          %dma_start3A_45 = tpu.memref_slice %arg8[%mul3A_0] : memref<100096xf32, #tpu.memory_space<vmem_shared>> -> memref<6016xf32, #tpu.memory_space<vmem_shared>>
          tpu.enqueue_dma source(%dma_start3A_45 : memref<6016xf32, #tpu.memory_space<vmem_shared>>) target(%dma_start3A : memref<6016xf32, #tpu.memory_space<hbm>>) target_semaphore(%run_scoped3A : memref<!tpu.dma_semaphore, #tpu.memory_space<semaphore_mem>>)
          %dma_wait3A = tpu.memref_slice %arg5[%mul3A_0] : memref<100096xf32, #tpu.memory_space<hbm>> -> memref<6016xf32, #tpu.memory_space<hbm>>
          %dma_wait3A_46 = tpu.memref_slice %arg8[%mul3A_0] : memref<100096xf32, #tpu.memory_space<vmem_shared>> -> memref<6016xf32, #tpu.memory_space<vmem_shared>>
          tpu.wait_dma2 semaphore(%run_scoped3A : memref<!tpu.dma_semaphore, #tpu.memory_space<semaphore_mem>>) src(%dma_wait3A_46 : memref<6016xf32, #tpu.memory_space<vmem_shared>>) dst(%dma_wait3A : memref<6016xf32, #tpu.memory_space<hbm>>)
          tpu.yield
        }) : () -> ()
      } else {
      }
    } else {
    }
    return
  }
}

#map = affine_map<(d0, d1) -> (0, 0)>
module attributes {stable_mosaic.version = 14 : i64} {
  func.func @_agg2_body(%arg0: i32, %arg1: i32, %arg2: memref<2x1638400xi32, #tpu.memory_space<hbm>>, %arg3: memref<800768x16xf32, #tpu.memory_space<hbm>>, %arg4: memref<100096x128xf32, #tpu.memory_space<hbm>>, %arg5: memref<3x2x512xi32, #tpu.memory_space<vmem>>, %arg6: memref<3x512x16xf32, #tpu.memory_space<vmem>>, %arg7: memref<100096x16xf32, #tpu.memory_space<vmem_shared>>, %arg8: memref<!tpu.dma_semaphore, #tpu.memory_space<semaphore_mem>>, %arg9: memref<!tpu.dma_semaphore, #tpu.memory_space<semaphore_mem>>) attributes {dimension_semantics = [#tpu.dimension_semantics<core_parallel>, #tpu.dimension_semantics<subcore_parallel>], iteration_bounds = array<i64: 2, 16>, scalar_prefetch = 0 : i64, scratch_operands = 5 : i64, tpu.core_type = #tpu.core_type<sc_vector_subcore>, window_params = [{transform_indices = #map}, {transform_indices = #map}, {transform_indices = #map}]} {
    %mul3A = arith.constant 102400 : i32
    %mul3A_0 = arith.muli %arg1, %mul3A : i32
    %scan3A = arith.constant 0 : i32
    %scan3A_1 = arith.constant 0 : i32
    %scan3A_2 = arith.constant 2 : i32
    %scan3A_3 = arith.addi %scan3A_1, %scan3A_2 : i32
    %scan3A_4 = arith.constant 1 : i32
    %scan3A_5 = scf.for %scan3A_7 = %scan3A_1 to %scan3A_3 step %scan3A_4 iter_args(%scan3A_8 = %scan3A) -> (i32)  : i32 {
      %mul3A_9 = arith.constant 2 : i32
      %mul3A_10 = arith.muli %mul3A_9, %arg0 : i32
      %add3A = arith.addi %mul3A_10, %scan3A_7 : i32
      %mul3A_11 = arith.constant 16 : i32
      %mul3A_12 = arith.muli %mul3A_11, %add3A : i32
      %mul3A_13 = arith.constant 6256 : i32
      %mul3A_14 = arith.muli %arg1, %mul3A_13 : i32
      %scan3A_15 = arith.constant 0 : i32
      %scan3A_16 = arith.constant 0 : i32
      %scan3A_17 = arith.constant 512 : i32
      %scan3A_18 = arith.addi %scan3A_16, %scan3A_17 : i32
      %scan3A_19 = arith.constant 1 : i32
      %scan3A_20 = scf.for %scan3A_172 = %scan3A_16 to %scan3A_18 step %scan3A_19 iter_args(%scan3A_173 = %scan3A_15) -> (i32)  : i32 {
        %broadcast_in_dim3A = arith.constant 0.000000e+00 : f32
        %broadcast_in_dim3A_174 = vector.broadcast %broadcast_in_dim3A : f32 to vector<16xf32>
        %swap3A = arith.constant 2 : i32
        %swap3A_175 = arith.index_cast %swap3A : i32 to index
        %swap3A_176 = arith.index_cast %scan3A_172 : i32 to index
        %swap3A_177 = arith.constant 0 : index
        %swap3A_178 = tpu.vector_load %arg6[%swap3A_175, %swap3A_176, %swap3A_177] {strides = array<i32>} : memref<3x512x16xf32, #tpu.memory_space<vmem>>, vector<1x1x16xf32>,
        %swap3A_179 = vector.shape_cast %swap3A_178 : vector<1x1x16xf32> to vector<16xf32>
        %swap3A_180 = vector.shape_cast %broadcast_in_dim3A_174 : vector<16xf32> to vector<1x1x16xf32>
        tpu.vector_store %arg6[%swap3A_175, %swap3A_176, %swap3A_177], %swap3A_180 {strides = array<i32>} : memref<3x512x16xf32, #tpu.memory_space<vmem>>, vector<1x1x16xf32>,
        %broadcast_in_dim3A_181 = arith.constant 0 : i32
        %broadcast_in_dim3A_182 = vector.broadcast %broadcast_in_dim3A_181 : i32 to vector<16xi32>
        %jit3A = arith.constant 32 : i32
        %eq3A = arith.constant 0 : i32
        %eq3A_183 = arith.cmpi eq, %jit3A, %eq3A : i32
        %jit3A_184 = arith.constant 1 : i32
        %select_n3A = arith.select %eq3A_183, %jit3A_184, %jit3A : i32
        %rem3A = arith.remsi %scan3A_172, %select_n3A : i32
        %ne3A = arith.constant 0 : i32
        %ne3A_185 = arith.cmpi ne, %rem3A, %ne3A : i32
        %lt3A = arith.constant 0 : i32
        %lt3A_186 = arith.cmpi slt, %rem3A, %lt3A : i32
        %lt3A_187 = arith.constant 0 : i32
        %lt3A_188 = arith.cmpi slt, %select_n3A, %lt3A_187 : i32
        %ne3A_189 = arith.xori %lt3A_186, %lt3A_188 : i1
        %and3A = arith.andi %ne3A_189, %ne3A_185 : i1
        %add3A_190 = arith.addi %rem3A, %select_n3A : i32
        %select_n3A_191 = arith.select %and3A, %add3A_190, %rem3A : i32
        %mul3A_192 = arith.constant 16 : i32
        %mul3A_193 = arith.muli %select_n3A_191, %mul3A_192 : i32
        %swap3A_194 = arith.constant 2 : i32
        %swap3A_195 = arith.constant 1 : i32
        %swap3A_196 = arith.index_cast %swap3A_194 : i32 to index
        %swap3A_197 = arith.index_cast %swap3A_195 : i32 to index
        %swap3A_198 = arith.index_cast %mul3A_193 : i32 to index
        %swap3A_199 = tpu.vector_load %arg5[%swap3A_196, %swap3A_197, %swap3A_198] {strides = array<i32>} : memref<3x2x512xi32, #tpu.memory_space<vmem>>, vector<1x1x16xi32>,
        %swap3A_200 = vector.shape_cast %swap3A_199 : vector<1x1x16xi32> to vector<16xi32>
        %swap3A_201 = vector.shape_cast %broadcast_in_dim3A_182 : vector<16xi32> to vector<1x1x16xi32>
        tpu.vector_store %arg5[%swap3A_196, %swap3A_197, %swap3A_198], %swap3A_201 {strides = array<i32>} : memref<3x2x512xi32, #tpu.memory_space<vmem>>, vector<1x1x16xi32>,
        %scan3A_202 = arith.constant 0 : i32
        scf.yield %scan3A_202 : i32
      }
      %scan3A_21 = arith.constant 512 : i32
      %add3A_22 = arith.constant 0 : i32
      %add3A_23 = arith.addi %mul3A_14, %add3A_22 : i32
      %run_scoped3A = arith.constant 2 : i32
      "tpu.region"() ({
        %run_scoped3A_172 = tpu.sem_alloc : memref<!tpu.dma_semaphore, #tpu.memory_space<semaphore_mem>>
        %dma_start3A = arith.constant 0 : i32
        %dma_start3A_173 = arith.constant 0 : i32
        %dma_start3A_174 = tpu.memref_slice %arg6[%run_scoped3A, %dma_start3A, %dma_start3A_173] : memref<3x512x16xf32, #tpu.memory_space<vmem>> -> memref<1x512x16xf32, #tpu.memory_space<vmem>>
        %dma_start3A_175 = tpu.memref_squeeze %dma_start3A_174 : memref<1x512x16xf32, #tpu.memory_space<vmem>> -> memref<512x16xf32, #tpu.memory_space<vmem>>
        %dma_start3A_176 = arith.constant 0 : i32
        %dma_start3A_177 = tpu.memref_slice %arg7[%add3A_23, %dma_start3A_176] : memref<100096x16xf32, #tpu.memory_space<vmem_shared>> -> memref<512x16xf32, #tpu.memory_space<vmem_shared>>
        %dma_start3A_178 = arith.constant 0 : i32
        %dma_start3A_179 = tpu.memref_slice %arg7[%add3A_23, %dma_start3A_178] : memref<100096x16xf32, #tpu.memory_space<vmem_shared>> -> memref<512x16xf32, #tpu.memory_space<vmem_shared>>
        %dma_start3A_180 = arith.constant 0 : i32
        %dma_start3A_181 = arith.constant 0 : i32
        %dma_start3A_182 = tpu.memref_slice %arg6[%run_scoped3A, %dma_start3A_180, %dma_start3A_181] : memref<3x512x16xf32, #tpu.memory_space<vmem>> -> memref<1x512x16xf32, #tpu.memory_space<vmem>>
        %dma_start3A_183 = tpu.memref_squeeze %dma_start3A_182 : memref<1x512x16xf32, #tpu.memory_space<vmem>> -> memref<512x16xf32, #tpu.memory_space<vmem>>
        tpu.enqueue_dma source(%dma_start3A_183 : memref<512x16xf32, #tpu.memory_space<vmem>>) target(%dma_start3A_179 : memref<512x16xf32, #tpu.memory_space<vmem_shared>>) target_semaphore(%run_scoped3A_172 : memref<!tpu.dma_semaphore, #tpu.memory_space<semaphore_mem>>)
        %dma_wait3A_184 = arith.constant 0 : i32
        %dma_wait3A_185 = arith.constant 0 : i32
        %dma_wait3A_186 = tpu.memref_slice %arg6[%run_scoped3A, %dma_wait3A_184, %dma_wait3A_185] : memref<3x512x16xf32, #tpu.memory_space<vmem>> -> memref<1x512x16xf32, #tpu.memory_space<vmem>>
        %dma_wait3A_187 = tpu.memref_squeeze %dma_wait3A_186 : memref<1x512x16xf32, #tpu.memory_space<vmem>> -> memref<512x16xf32, #tpu.memory_space<vmem>>
        %dma_wait3A_188 = arith.constant 0 : i32
        %dma_wait3A_189 = tpu.memref_slice %arg7[%add3A_23, %dma_wait3A_188] : memref<100096x16xf32, #tpu.memory_space<vmem_shared>> -> memref<512x16xf32, #tpu.memory_space<vmem_shared>>
        %dma_wait3A_190 = arith.constant 0 : i32
        %dma_wait3A_191 = tpu.memref_slice %arg7[%add3A_23, %dma_wait3A_190] : memref<100096x16xf32, #tpu.memory_space<vmem_shared>> -> memref<512x16xf32, #tpu.memory_space<vmem_shared>>
        %dma_wait3A_192 = arith.constant 0 : i32
        %dma_wait3A_193 = arith.constant 0 : i32
        %dma_wait3A_194 = tpu.memref_slice %arg6[%run_scoped3A, %dma_wait3A_192, %dma_wait3A_193] : memref<3x512x16xf32, #tpu.memory_space<vmem>> -> memref<1x512x16xf32, #tpu.memory_space<vmem>>
        %dma_wait3A_195 = tpu.memref_squeeze %dma_wait3A_194 : memref<1x512x16xf32, #tpu.memory_space<vmem>> -> memref<512x16xf32, #tpu.memory_space<vmem>>
        tpu.wait_dma2 semaphore(%run_scoped3A_172 : memref<!tpu.dma_semaphore, #tpu.memory_space<semaphore_mem>>) src(%dma_wait3A_195 : memref<512x16xf32, #tpu.memory_space<vmem>>) dst(%dma_wait3A_191 : memref<512x16xf32, #tpu.memory_space<vmem_shared>>)
        tpu.yield
      }) : () -> ()
      %add3A_24 = arith.constant 512 : i32
      %add3A_25 = arith.addi %mul3A_14, %add3A_24 : i32
      %run_scoped3A_26 = arith.constant 2 : i32
      "tpu.region"() ({
        %run_scoped3A_172 = tpu.sem_alloc : memref<!tpu.dma_semaphore, #tpu.memory_space<semaphore_mem>>
        %dma_start3A = arith.constant 0 : i32
        %dma_start3A_173 = arith.constant 0 : i32
        %dma_start3A_174 = tpu.memref_slice %arg6[%run_scoped3A_26, %dma_start3A, %dma_start3A_173] : memref<3x512x16xf32, #tpu.memory_space<vmem>> -> memref<1x512x16xf32, #tpu.memory_space<vmem>>
        %dma_start3A_175 = tpu.memref_squeeze %dma_start3A_174 : memref<1x512x16xf32, #tpu.memory_space<vmem>> -> memref<512x16xf32, #tpu.memory_space<vmem>>
        %dma_start3A_176 = arith.constant 0 : i32
        %dma_start3A_177 = tpu.memref_slice %arg7[%add3A_25, %dma_start3A_176] : memref<100096x16xf32, #tpu.memory_space<vmem_shared>> -> memref<512x16xf32, #tpu.memory_space<vmem_shared>>
        %dma_start3A_178 = arith.constant 0 : i32
        %dma_start3A_179 = tpu.memref_slice %arg7[%add3A_25, %dma_start3A_178] : memref<100096x16xf32, #tpu.memory_space<vmem_shared>> -> memref<512x16xf32, #tpu.memory_space<vmem_shared>>
        %dma_start3A_180 = arith.constant 0 : i32
        %dma_start3A_181 = arith.constant 0 : i32
        %dma_start3A_182 = tpu.memref_slice %arg6[%run_scoped3A_26, %dma_start3A_180, %dma_start3A_181] : memref<3x512x16xf32, #tpu.memory_space<vmem>> -> memref<1x512x16xf32, #tpu.memory_space<vmem>>
        %dma_start3A_183 = tpu.memref_squeeze %dma_start3A_182 : memref<1x512x16xf32, #tpu.memory_space<vmem>> -> memref<512x16xf32, #tpu.memory_space<vmem>>
        tpu.enqueue_dma source(%dma_start3A_183 : memref<512x16xf32, #tpu.memory_space<vmem>>) target(%dma_start3A_179 : memref<512x16xf32, #tpu.memory_space<vmem_shared>>) target_semaphore(%run_scoped3A_172 : memref<!tpu.dma_semaphore, #tpu.memory_space<semaphore_mem>>)
        %dma_wait3A_184 = arith.constant 0 : i32
        %dma_wait3A_185 = arith.constant 0 : i32
        %dma_wait3A_186 = tpu.memref_slice %arg6[%run_scoped3A_26, %dma_wait3A_184, %dma_wait3A_185] : memref<3x512x16xf32, #tpu.memory_space<vmem>> -> memref<1x512x16xf32, #tpu.memory_space<vmem>>
        %dma_wait3A_187 = tpu.memref_squeeze %dma_wait3A_186 : memref<1x512x16xf32, #tpu.memory_space<vmem>> -> memref<512x16xf32, #tpu.memory_space<vmem>>
        %dma_wait3A_188 = arith.constant 0 : i32
        %dma_wait3A_189 = tpu.memref_slice %arg7[%add3A_25, %dma_wait3A_188] : memref<100096x16xf32, #tpu.memory_space<vmem_shared>> -> memref<512x16xf32, #tpu.memory_space<vmem_shared>>
        %dma_wait3A_190 = arith.constant 0 : i32
        %dma_wait3A_191 = tpu.memref_slice %arg7[%add3A_25, %dma_wait3A_190] : memref<100096x16xf32, #tpu.memory_space<vmem_shared>> -> memref<512x16xf32, #tpu.memory_space<vmem_shared>>
        %dma_wait3A_192 = arith.constant 0 : i32
        %dma_wait3A_193 = arith.constant 0 : i32
        %dma_wait3A_194 = tpu.memref_slice %arg6[%run_scoped3A_26, %dma_wait3A_192, %dma_wait3A_193] : memref<3x512x16xf32, #tpu.memory_space<vmem>> -> memref<1x512x16xf32, #tpu.memory_space<vmem>>
        %dma_wait3A_195 = tpu.memref_squeeze %dma_wait3A_194 : memref<1x512x16xf32, #tpu.memory_space<vmem>> -> memref<512x16xf32, #tpu.memory_space<vmem>>
        tpu.wait_dma2 semaphore(%run_scoped3A_172 : memref<!tpu.dma_semaphore, #tpu.memory_space<semaphore_mem>>) src(%dma_wait3A_195 : memref<512x16xf32, #tpu.memory_space<vmem>>) dst(%dma_wait3A_191 : memref<512x16xf32, #tpu.memory_space<vmem_shared>>)
        tpu.yield
      }) : () -> ()
      %add3A_27 = arith.constant 1024 : i32
      %add3A_28 = arith.addi %mul3A_14, %add3A_27 : i32
      %run_scoped3A_29 = arith.constant 2 : i32
      "tpu.region"() ({
        %run_scoped3A_172 = tpu.sem_alloc : memref<!tpu.dma_semaphore, #tpu.memory_space<semaphore_mem>>
        %dma_start3A = arith.constant 0 : i32
        %dma_start3A_173 = arith.constant 0 : i32
        %dma_start3A_174 = tpu.memref_slice %arg6[%run_scoped3A_29, %dma_start3A, %dma_start3A_173] : memref<3x512x16xf32, #tpu.memory_space<vmem>> -> memref<1x512x16xf32, #tpu.memory_space<vmem>>
        %dma_start3A_175 = tpu.memref_squeeze %dma_start3A_174 : memref<1x512x16xf32, #tpu.memory_space<vmem>> -> memref<512x16xf32, #tpu.memory_space<vmem>>
        %dma_start3A_176 = arith.constant 0 : i32
        %dma_start3A_177 = tpu.memref_slice %arg7[%add3A_28, %dma_start3A_176] : memref<100096x16xf32, #tpu.memory_space<vmem_shared>> -> memref<512x16xf32, #tpu.memory_space<vmem_shared>>
        %dma_start3A_178 = arith.constant 0 : i32
        %dma_start3A_179 = tpu.memref_slice %arg7[%add3A_28, %dma_start3A_178] : memref<100096x16xf32, #tpu.memory_space<vmem_shared>> -> memref<512x16xf32, #tpu.memory_space<vmem_shared>>
        %dma_start3A_180 = arith.constant 0 : i32
        %dma_start3A_181 = arith.constant 0 : i32
        %dma_start3A_182 = tpu.memref_slice %arg6[%run_scoped3A_29, %dma_start3A_180, %dma_start3A_181] : memref<3x512x16xf32, #tpu.memory_space<vmem>> -> memref<1x512x16xf32, #tpu.memory_space<vmem>>
        %dma_start3A_183 = tpu.memref_squeeze %dma_start3A_182 : memref<1x512x16xf32, #tpu.memory_space<vmem>> -> memref<512x16xf32, #tpu.memory_space<vmem>>
        tpu.enqueue_dma source(%dma_start3A_183 : memref<512x16xf32, #tpu.memory_space<vmem>>) target(%dma_start3A_179 : memref<512x16xf32, #tpu.memory_space<vmem_shared>>) target_semaphore(%run_scoped3A_172 : memref<!tpu.dma_semaphore, #tpu.memory_space<semaphore_mem>>)
        %dma_wait3A_184 = arith.constant 0 : i32
        %dma_wait3A_185 = arith.constant 0 : i32
        %dma_wait3A_186 = tpu.memref_slice %arg6[%run_scoped3A_29, %dma_wait3A_184, %dma_wait3A_185] : memref<3x512x16xf32, #tpu.memory_space<vmem>> -> memref<1x512x16xf32, #tpu.memory_space<vmem>>
        %dma_wait3A_187 = tpu.memref_squeeze %dma_wait3A_186 : memref<1x512x16xf32, #tpu.memory_space<vmem>> -> memref<512x16xf32, #tpu.memory_space<vmem>>
        %dma_wait3A_188 = arith.constant 0 : i32
        %dma_wait3A_189 = tpu.memref_slice %arg7[%add3A_28, %dma_wait3A_188] : memref<100096x16xf32, #tpu.memory_space<vmem_shared>> -> memref<512x16xf32, #tpu.memory_space<vmem_shared>>
        %dma_wait3A_190 = arith.constant 0 : i32
        %dma_wait3A_191 = tpu.memref_slice %arg7[%add3A_28, %dma_wait3A_190] : memref<100096x16xf32, #tpu.memory_space<vmem_shared>> -> memref<512x16xf32, #tpu.memory_space<vmem_shared>>
        %dma_wait3A_192 = arith.constant 0 : i32
        %dma_wait3A_193 = arith.constant 0 : i32
        %dma_wait3A_194 = tpu.memref_slice %arg6[%run_scoped3A_29, %dma_wait3A_192, %dma_wait3A_193] : memref<3x512x16xf32, #tpu.memory_space<vmem>> -> memref<1x512x16xf32, #tpu.memory_space<vmem>>
        %dma_wait3A_195 = tpu.memref_squeeze %dma_wait3A_194 : memref<1x512x16xf32, #tpu.memory_space<vmem>> -> memref<512x16xf32, #tpu.memory_space<vmem>>
        tpu.wait_dma2 semaphore(%run_scoped3A_172 : memref<!tpu.dma_semaphore, #tpu.memory_space<semaphore_mem>>) src(%dma_wait3A_195 : memref<512x16xf32, #tpu.memory_space<vmem>>) dst(%dma_wait3A_191 : memref<512x16xf32, #tpu.memory_space<vmem_shared>>)
        tpu.yield
      }) : () -> ()
      %add3A_30 = arith.constant 1536 : i32
      %add3A_31 = arith.addi %mul3A_14, %add3A_30 : i32
      %run_scoped3A_32 = arith.constant 2 : i32
      "tpu.region"() ({
        %run_scoped3A_172 = tpu.sem_alloc : memref<!tpu.dma_semaphore, #tpu.memory_space<semaphore_mem>>
        %dma_start3A = arith.constant 0 : i32
        %dma_start3A_173 = arith.constant 0 : i32
        %dma_start3A_174 = tpu.memref_slice %arg6[%run_scoped3A_32, %dma_start3A, %dma_start3A_173] : memref<3x512x16xf32, #tpu.memory_space<vmem>> -> memref<1x512x16xf32, #tpu.memory_space<vmem>>
        %dma_start3A_175 = tpu.memref_squeeze %dma_start3A_174 : memref<1x512x16xf32, #tpu.memory_space<vmem>> -> memref<512x16xf32, #tpu.memory_space<vmem>>
        %dma_start3A_176 = arith.constant 0 : i32
        %dma_start3A_177 = tpu.memref_slice %arg7[%add3A_31, %dma_start3A_176] : memref<100096x16xf32, #tpu.memory_space<vmem_shared>> -> memref<512x16xf32, #tpu.memory_space<vmem_shared>>
        %dma_start3A_178 = arith.constant 0 : i32
        %dma_start3A_179 = tpu.memref_slice %arg7[%add3A_31, %dma_start3A_178] : memref<100096x16xf32, #tpu.memory_space<vmem_shared>> -> memref<512x16xf32, #tpu.memory_space<vmem_shared>>
        %dma_start3A_180 = arith.constant 0 : i32
        %dma_start3A_181 = arith.constant 0 : i32
        %dma_start3A_182 = tpu.memref_slice %arg6[%run_scoped3A_32, %dma_start3A_180, %dma_start3A_181] : memref<3x512x16xf32, #tpu.memory_space<vmem>> -> memref<1x512x16xf32, #tpu.memory_space<vmem>>
        %dma_start3A_183 = tpu.memref_squeeze %dma_start3A_182 : memref<1x512x16xf32, #tpu.memory_space<vmem>> -> memref<512x16xf32, #tpu.memory_space<vmem>>
        tpu.enqueue_dma source(%dma_start3A_183 : memref<512x16xf32, #tpu.memory_space<vmem>>) target(%dma_start3A_179 : memref<512x16xf32, #tpu.memory_space<vmem_shared>>) target_semaphore(%run_scoped3A_172 : memref<!tpu.dma_semaphore, #tpu.memory_space<semaphore_mem>>)
        %dma_wait3A_184 = arith.constant 0 : i32
        %dma_wait3A_185 = arith.constant 0 : i32
        %dma_wait3A_186 = tpu.memref_slice %arg6[%run_scoped3A_32, %dma_wait3A_184, %dma_wait3A_185] : memref<3x512x16xf32, #tpu.memory_space<vmem>> -> memref<1x512x16xf32, #tpu.memory_space<vmem>>
        %dma_wait3A_187 = tpu.memref_squeeze %dma_wait3A_186 : memref<1x512x16xf32, #tpu.memory_space<vmem>> -> memref<512x16xf32, #tpu.memory_space<vmem>>
        %dma_wait3A_188 = arith.constant 0 : i32
        %dma_wait3A_189 = tpu.memref_slice %arg7[%add3A_31, %dma_wait3A_188] : memref<100096x16xf32, #tpu.memory_space<vmem_shared>> -> memref<512x16xf32, #tpu.memory_space<vmem_shared>>
        %dma_wait3A_190 = arith.constant 0 : i32
        %dma_wait3A_191 = tpu.memref_slice %arg7[%add3A_31, %dma_wait3A_190] : memref<100096x16xf32, #tpu.memory_space<vmem_shared>> -> memref<512x16xf32, #tpu.memory_space<vmem_shared>>
        %dma_wait3A_192 = arith.constant 0 : i32
        %dma_wait3A_193 = arith.constant 0 : i32
        %dma_wait3A_194 = tpu.memref_slice %arg6[%run_scoped3A_32, %dma_wait3A_192, %dma_wait3A_193] : memref<3x512x16xf32, #tpu.memory_space<vmem>> -> memref<1x512x16xf32, #tpu.memory_space<vmem>>
        %dma_wait3A_195 = tpu.memref_squeeze %dma_wait3A_194 : memref<1x512x16xf32, #tpu.memory_space<vmem>> -> memref<512x16xf32, #tpu.memory_space<vmem>>
        tpu.wait_dma2 semaphore(%run_scoped3A_172 : memref<!tpu.dma_semaphore, #tpu.memory_space<semaphore_mem>>) src(%dma_wait3A_195 : memref<512x16xf32, #tpu.memory_space<vmem>>) dst(%dma_wait3A_191 : memref<512x16xf32, #tpu.memory_space<vmem_shared>>)
        tpu.yield
      }) : () -> ()
      %add3A_33 = arith.constant 2048 : i32
      %add3A_34 = arith.addi %mul3A_14, %add3A_33 : i32
      %run_scoped3A_35 = arith.constant 2 : i32
      "tpu.region"() ({
        %run_scoped3A_172 = tpu.sem_alloc : memref<!tpu.dma_semaphore, #tpu.memory_space<semaphore_mem>>
        %dma_start3A = arith.constant 0 : i32
        %dma_start3A_173 = arith.constant 0 : i32
        %dma_start3A_174 = tpu.memref_slice %arg6[%run_scoped3A_35, %dma_start3A, %dma_start3A_173] : memref<3x512x16xf32, #tpu.memory_space<vmem>> -> memref<1x512x16xf32, #tpu.memory_space<vmem>>
        %dma_start3A_175 = tpu.memref_squeeze %dma_start3A_174 : memref<1x512x16xf32, #tpu.memory_space<vmem>> -> memref<512x16xf32, #tpu.memory_space<vmem>>
        %dma_start3A_176 = arith.constant 0 : i32
        %dma_start3A_177 = tpu.memref_slice %arg7[%add3A_34, %dma_start3A_176] : memref<100096x16xf32, #tpu.memory_space<vmem_shared>> -> memref<512x16xf32, #tpu.memory_space<vmem_shared>>
        %dma_start3A_178 = arith.constant 0 : i32
        %dma_start3A_179 = tpu.memref_slice %arg7[%add3A_34, %dma_start3A_178] : memref<100096x16xf32, #tpu.memory_space<vmem_shared>> -> memref<512x16xf32, #tpu.memory_space<vmem_shared>>
        %dma_start3A_180 = arith.constant 0 : i32
        %dma_start3A_181 = arith.constant 0 : i32
        %dma_start3A_182 = tpu.memref_slice %arg6[%run_scoped3A_35, %dma_start3A_180, %dma_start3A_181] : memref<3x512x16xf32, #tpu.memory_space<vmem>> -> memref<1x512x16xf32, #tpu.memory_space<vmem>>
        %dma_start3A_183 = tpu.memref_squeeze %dma_start3A_182 : memref<1x512x16xf32, #tpu.memory_space<vmem>> -> memref<512x16xf32, #tpu.memory_space<vmem>>
        tpu.enqueue_dma source(%dma_start3A_183 : memref<512x16xf32, #tpu.memory_space<vmem>>) target(%dma_start3A_179 : memref<512x16xf32, #tpu.memory_space<vmem_shared>>) target_semaphore(%run_scoped3A_172 : memref<!tpu.dma_semaphore, #tpu.memory_space<semaphore_mem>>)
        %dma_wait3A_184 = arith.constant 0 : i32
        %dma_wait3A_185 = arith.constant 0 : i32
        %dma_wait3A_186 = tpu.memref_slice %arg6[%run_scoped3A_35, %dma_wait3A_184, %dma_wait3A_185] : memref<3x512x16xf32, #tpu.memory_space<vmem>> -> memref<1x512x16xf32, #tpu.memory_space<vmem>>
        %dma_wait3A_187 = tpu.memref_squeeze %dma_wait3A_186 : memref<1x512x16xf32, #tpu.memory_space<vmem>> -> memref<512x16xf32, #tpu.memory_space<vmem>>
        %dma_wait3A_188 = arith.constant 0 : i32
        %dma_wait3A_189 = tpu.memref_slice %arg7[%add3A_34, %dma_wait3A_188] : memref<100096x16xf32, #tpu.memory_space<vmem_shared>> -> memref<512x16xf32, #tpu.memory_space<vmem_shared>>
        %dma_wait3A_190 = arith.constant 0 : i32
        %dma_wait3A_191 = tpu.memref_slice %arg7[%add3A_34, %dma_wait3A_190] : memref<100096x16xf32, #tpu.memory_space<vmem_shared>> -> memref<512x16xf32, #tpu.memory_space<vmem_shared>>
        %dma_wait3A_192 = arith.constant 0 : i32
        %dma_wait3A_193 = arith.constant 0 : i32
        %dma_wait3A_194 = tpu.memref_slice %arg6[%run_scoped3A_35, %dma_wait3A_192, %dma_wait3A_193] : memref<3x512x16xf32, #tpu.memory_space<vmem>> -> memref<1x512x16xf32, #tpu.memory_space<vmem>>
        %dma_wait3A_195 = tpu.memref_squeeze %dma_wait3A_194 : memref<1x512x16xf32, #tpu.memory_space<vmem>> -> memref<512x16xf32, #tpu.memory_space<vmem>>
        tpu.wait_dma2 semaphore(%run_scoped3A_172 : memref<!tpu.dma_semaphore, #tpu.memory_space<semaphore_mem>>) src(%dma_wait3A_195 : memref<512x16xf32, #tpu.memory_space<vmem>>) dst(%dma_wait3A_191 : memref<512x16xf32, #tpu.memory_space<vmem_shared>>)
        tpu.yield
      }) : () -> ()
      %add3A_36 = arith.constant 2560 : i32
      %add3A_37 = arith.addi %mul3A_14, %add3A_36 : i32
      %run_scoped3A_38 = arith.constant 2 : i32
      "tpu.region"() ({
        %run_scoped3A_172 = tpu.sem_alloc : memref<!tpu.dma_semaphore, #tpu.memory_space<semaphore_mem>>
        %dma_start3A = arith.constant 0 : i32
        %dma_start3A_173 = arith.constant 0 : i32
        %dma_start3A_174 = tpu.memref_slice %arg6[%run_scoped3A_38, %dma_start3A, %dma_start3A_173] : memref<3x512x16xf32, #tpu.memory_space<vmem>> -> memref<1x512x16xf32, #tpu.memory_space<vmem>>
        %dma_start3A_175 = tpu.memref_squeeze %dma_start3A_174 : memref<1x512x16xf32, #tpu.memory_space<vmem>> -> memref<512x16xf32, #tpu.memory_space<vmem>>
        %dma_start3A_176 = arith.constant 0 : i32
        %dma_start3A_177 = tpu.memref_slice %arg7[%add3A_37, %dma_start3A_176] : memref<100096x16xf32, #tpu.memory_space<vmem_shared>> -> memref<512x16xf32, #tpu.memory_space<vmem_shared>>
        %dma_start3A_178 = arith.constant 0 : i32
        %dma_start3A_179 = tpu.memref_slice %arg7[%add3A_37, %dma_start3A_178] : memref<100096x16xf32, #tpu.memory_space<vmem_shared>> -> memref<512x16xf32, #tpu.memory_space<vmem_shared>>
        %dma_start3A_180 = arith.constant 0 : i32
        %dma_start3A_181 = arith.constant 0 : i32
        %dma_start3A_182 = tpu.memref_slice %arg6[%run_scoped3A_38, %dma_start3A_180, %dma_start3A_181] : memref<3x512x16xf32, #tpu.memory_space<vmem>> -> memref<1x512x16xf32, #tpu.memory_space<vmem>>
        %dma_start3A_183 = tpu.memref_squeeze %dma_start3A_182 : memref<1x512x16xf32, #tpu.memory_space<vmem>> -> memref<512x16xf32, #tpu.memory_space<vmem>>
        tpu.enqueue_dma source(%dma_start3A_183 : memref<512x16xf32, #tpu.memory_space<vmem>>) target(%dma_start3A_179 : memref<512x16xf32, #tpu.memory_space<vmem_shared>>) target_semaphore(%run_scoped3A_172 : memref<!tpu.dma_semaphore, #tpu.memory_space<semaphore_mem>>)
        %dma_wait3A_184 = arith.constant 0 : i32
        %dma_wait3A_185 = arith.constant 0 : i32
        %dma_wait3A_186 = tpu.memref_slice %arg6[%run_scoped3A_38, %dma_wait3A_184, %dma_wait3A_185] : memref<3x512x16xf32, #tpu.memory_space<vmem>> -> memref<1x512x16xf32, #tpu.memory_space<vmem>>
        %dma_wait3A_187 = tpu.memref_squeeze %dma_wait3A_186 : memref<1x512x16xf32, #tpu.memory_space<vmem>> -> memref<512x16xf32, #tpu.memory_space<vmem>>
        %dma_wait3A_188 = arith.constant 0 : i32
        %dma_wait3A_189 = tpu.memref_slice %arg7[%add3A_37, %dma_wait3A_188] : memref<100096x16xf32, #tpu.memory_space<vmem_shared>> -> memref<512x16xf32, #tpu.memory_space<vmem_shared>>
        %dma_wait3A_190 = arith.constant 0 : i32
        %dma_wait3A_191 = tpu.memref_slice %arg7[%add3A_37, %dma_wait3A_190] : memref<100096x16xf32, #tpu.memory_space<vmem_shared>> -> memref<512x16xf32, #tpu.memory_space<vmem_shared>>
        %dma_wait3A_192 = arith.constant 0 : i32
        %dma_wait3A_193 = arith.constant 0 : i32
        %dma_wait3A_194 = tpu.memref_slice %arg6[%run_scoped3A_38, %dma_wait3A_192, %dma_wait3A_193] : memref<3x512x16xf32, #tpu.memory_space<vmem>> -> memref<1x512x16xf32, #tpu.memory_space<vmem>>
        %dma_wait3A_195 = tpu.memref_squeeze %dma_wait3A_194 : memref<1x512x16xf32, #tpu.memory_space<vmem>> -> memref<512x16xf32, #tpu.memory_space<vmem>>
        tpu.wait_dma2 semaphore(%run_scoped3A_172 : memref<!tpu.dma_semaphore, #tpu.memory_space<semaphore_mem>>) src(%dma_wait3A_195 : memref<512x16xf32, #tpu.memory_space<vmem>>) dst(%dma_wait3A_191 : memref<512x16xf32, #tpu.memory_space<vmem_shared>>)
        tpu.yield
      }) : () -> ()
      %add3A_39 = arith.constant 3072 : i32
      %add3A_40 = arith.addi %mul3A_14, %add3A_39 : i32
      %run_scoped3A_41 = arith.constant 2 : i32
      "tpu.region"() ({
        %run_scoped3A_172 = tpu.sem_alloc : memref<!tpu.dma_semaphore, #tpu.memory_space<semaphore_mem>>
        %dma_start3A = arith.constant 0 : i32
        %dma_start3A_173 = arith.constant 0 : i32
        %dma_start3A_174 = tpu.memref_slice %arg6[%run_scoped3A_41, %dma_start3A, %dma_start3A_173] : memref<3x512x16xf32, #tpu.memory_space<vmem>> -> memref<1x512x16xf32, #tpu.memory_space<vmem>>
        %dma_start3A_175 = tpu.memref_squeeze %dma_start3A_174 : memref<1x512x16xf32, #tpu.memory_space<vmem>> -> memref<512x16xf32, #tpu.memory_space<vmem>>
        %dma_start3A_176 = arith.constant 0 : i32
        %dma_start3A_177 = tpu.memref_slice %arg7[%add3A_40, %dma_start3A_176] : memref<100096x16xf32, #tpu.memory_space<vmem_shared>> -> memref<512x16xf32, #tpu.memory_space<vmem_shared>>
        %dma_start3A_178 = arith.constant 0 : i32
        %dma_start3A_179 = tpu.memref_slice %arg7[%add3A_40, %dma_start3A_178] : memref<100096x16xf32, #tpu.memory_space<vmem_shared>> -> memref<512x16xf32, #tpu.memory_space<vmem_shared>>
        %dma_start3A_180 = arith.constant 0 : i32
        %dma_start3A_181 = arith.constant 0 : i32
        %dma_start3A_182 = tpu.memref_slice %arg6[%run_scoped3A_41, %dma_start3A_180, %dma_start3A_181] : memref<3x512x16xf32, #tpu.memory_space<vmem>> -> memref<1x512x16xf32, #tpu.memory_space<vmem>>
        %dma_start3A_183 = tpu.memref_squeeze %dma_start3A_182 : memref<1x512x16xf32, #tpu.memory_space<vmem>> -> memref<512x16xf32, #tpu.memory_space<vmem>>
        tpu.enqueue_dma source(%dma_start3A_183 : memref<512x16xf32, #tpu.memory_space<vmem>>) target(%dma_start3A_179 : memref<512x16xf32, #tpu.memory_space<vmem_shared>>) target_semaphore(%run_scoped3A_172 : memref<!tpu.dma_semaphore, #tpu.memory_space<semaphore_mem>>)
        %dma_wait3A_184 = arith.constant 0 : i32
        %dma_wait3A_185 = arith.constant 0 : i32
        %dma_wait3A_186 = tpu.memref_slice %arg6[%run_scoped3A_41, %dma_wait3A_184, %dma_wait3A_185] : memref<3x512x16xf32, #tpu.memory_space<vmem>> -> memref<1x512x16xf32, #tpu.memory_space<vmem>>
        %dma_wait3A_187 = tpu.memref_squeeze %dma_wait3A_186 : memref<1x512x16xf32, #tpu.memory_space<vmem>> -> memref<512x16xf32, #tpu.memory_space<vmem>>
        %dma_wait3A_188 = arith.constant 0 : i32
        %dma_wait3A_189 = tpu.memref_slice %arg7[%add3A_40, %dma_wait3A_188] : memref<100096x16xf32, #tpu.memory_space<vmem_shared>> -> memref<512x16xf32, #tpu.memory_space<vmem_shared>>
        %dma_wait3A_190 = arith.constant 0 : i32
        %dma_wait3A_191 = tpu.memref_slice %arg7[%add3A_40, %dma_wait3A_190] : memref<100096x16xf32, #tpu.memory_space<vmem_shared>> -> memref<512x16xf32, #tpu.memory_space<vmem_shared>>
        %dma_wait3A_192 = arith.constant 0 : i32
        %dma_wait3A_193 = arith.constant 0 : i32
        %dma_wait3A_194 = tpu.memref_slice %arg6[%run_scoped3A_41, %dma_wait3A_192, %dma_wait3A_193] : memref<3x512x16xf32, #tpu.memory_space<vmem>> -> memref<1x512x16xf32, #tpu.memory_space<vmem>>
        %dma_wait3A_195 = tpu.memref_squeeze %dma_wait3A_194 : memref<1x512x16xf32, #tpu.memory_space<vmem>> -> memref<512x16xf32, #tpu.memory_space<vmem>>
        tpu.wait_dma2 semaphore(%run_scoped3A_172 : memref<!tpu.dma_semaphore, #tpu.memory_space<semaphore_mem>>) src(%dma_wait3A_195 : memref<512x16xf32, #tpu.memory_space<vmem>>) dst(%dma_wait3A_191 : memref<512x16xf32, #tpu.memory_space<vmem_shared>>)
        tpu.yield
      }) : () -> ()
      %add3A_42 = arith.constant 3584 : i32
      %add3A_43 = arith.addi %mul3A_14, %add3A_42 : i32
      %run_scoped3A_44 = arith.constant 2 : i32
      "tpu.region"() ({
        %run_scoped3A_172 = tpu.sem_alloc : memref<!tpu.dma_semaphore, #tpu.memory_space<semaphore_mem>>
        %dma_start3A = arith.constant 0 : i32
        %dma_start3A_173 = arith.constant 0 : i32
        %dma_start3A_174 = tpu.memref_slice %arg6[%run_scoped3A_44, %dma_start3A, %dma_start3A_173] : memref<3x512x16xf32, #tpu.memory_space<vmem>> -> memref<1x512x16xf32, #tpu.memory_space<vmem>>
        %dma_start3A_175 = tpu.memref_squeeze %dma_start3A_174 : memref<1x512x16xf32, #tpu.memory_space<vmem>> -> memref<512x16xf32, #tpu.memory_space<vmem>>
        %dma_start3A_176 = arith.constant 0 : i32
        %dma_start3A_177 = tpu.memref_slice %arg7[%add3A_43, %dma_start3A_176] : memref<100096x16xf32, #tpu.memory_space<vmem_shared>> -> memref<512x16xf32, #tpu.memory_space<vmem_shared>>
        %dma_start3A_178 = arith.constant 0 : i32
        %dma_start3A_179 = tpu.memref_slice %arg7[%add3A_43, %dma_start3A_178] : memref<100096x16xf32, #tpu.memory_space<vmem_shared>> -> memref<512x16xf32, #tpu.memory_space<vmem_shared>>
        %dma_start3A_180 = arith.constant 0 : i32
        %dma_start3A_181 = arith.constant 0 : i32
        %dma_start3A_182 = tpu.memref_slice %arg6[%run_scoped3A_44, %dma_start3A_180, %dma_start3A_181] : memref<3x512x16xf32, #tpu.memory_space<vmem>> -> memref<1x512x16xf32, #tpu.memory_space<vmem>>
        %dma_start3A_183 = tpu.memref_squeeze %dma_start3A_182 : memref<1x512x16xf32, #tpu.memory_space<vmem>> -> memref<512x16xf32, #tpu.memory_space<vmem>>
        tpu.enqueue_dma source(%dma_start3A_183 : memref<512x16xf32, #tpu.memory_space<vmem>>) target(%dma_start3A_179 : memref<512x16xf32, #tpu.memory_space<vmem_shared>>) target_semaphore(%run_scoped3A_172 : memref<!tpu.dma_semaphore, #tpu.memory_space<semaphore_mem>>)
        %dma_wait3A_184 = arith.constant 0 : i32
        %dma_wait3A_185 = arith.constant 0 : i32
        %dma_wait3A_186 = tpu.memref_slice %arg6[%run_scoped3A_44, %dma_wait3A_184, %dma_wait3A_185] : memref<3x512x16xf32, #tpu.memory_space<vmem>> -> memref<1x512x16xf32, #tpu.memory_space<vmem>>
        %dma_wait3A_187 = tpu.memref_squeeze %dma_wait3A_186 : memref<1x512x16xf32, #tpu.memory_space<vmem>> -> memref<512x16xf32, #tpu.memory_space<vmem>>
        %dma_wait3A_188 = arith.constant 0 : i32
        %dma_wait3A_189 = tpu.memref_slice %arg7[%add3A_43, %dma_wait3A_188] : memref<100096x16xf32, #tpu.memory_space<vmem_shared>> -> memref<512x16xf32, #tpu.memory_space<vmem_shared>>
        %dma_wait3A_190 = arith.constant 0 : i32
        %dma_wait3A_191 = tpu.memref_slice %arg7[%add3A_43, %dma_wait3A_190] : memref<100096x16xf32, #tpu.memory_space<vmem_shared>> -> memref<512x16xf32, #tpu.memory_space<vmem_shared>>
        %dma_wait3A_192 = arith.constant 0 : i32
        %dma_wait3A_193 = arith.constant 0 : i32
        %dma_wait3A_194 = tpu.memref_slice %arg6[%run_scoped3A_44, %dma_wait3A_192, %dma_wait3A_193] : memref<3x512x16xf32, #tpu.memory_space<vmem>> -> memref<1x512x16xf32, #tpu.memory_space<vmem>>
        %dma_wait3A_195 = tpu.memref_squeeze %dma_wait3A_194 : memref<1x512x16xf32, #tpu.memory_space<vmem>> -> memref<512x16xf32, #tpu.memory_space<vmem>>
        tpu.wait_dma2 semaphore(%run_scoped3A_172 : memref<!tpu.dma_semaphore, #tpu.memory_space<semaphore_mem>>) src(%dma_wait3A_195 : memref<512x16xf32, #tpu.memory_space<vmem>>) dst(%dma_wait3A_191 : memref<512x16xf32, #tpu.memory_space<vmem_shared>>)
        tpu.yield
      }) : () -> ()
      %add3A_45 = arith.constant 4096 : i32
      %add3A_46 = arith.addi %mul3A_14, %add3A_45 : i32
      %run_scoped3A_47 = arith.constant 2 : i32
      "tpu.region"() ({
        %run_scoped3A_172 = tpu.sem_alloc : memref<!tpu.dma_semaphore, #tpu.memory_space<semaphore_mem>>
        %dma_start3A = arith.constant 0 : i32
        %dma_start3A_173 = arith.constant 0 : i32
        %dma_start3A_174 = tpu.memref_slice %arg6[%run_scoped3A_47, %dma_start3A, %dma_start3A_173] : memref<3x512x16xf32, #tpu.memory_space<vmem>> -> memref<1x512x16xf32, #tpu.memory_space<vmem>>
        %dma_start3A_175 = tpu.memref_squeeze %dma_start3A_174 : memref<1x512x16xf32, #tpu.memory_space<vmem>> -> memref<512x16xf32, #tpu.memory_space<vmem>>
        %dma_start3A_176 = arith.constant 0 : i32
        %dma_start3A_177 = tpu.memref_slice %arg7[%add3A_46, %dma_start3A_176] : memref<100096x16xf32, #tpu.memory_space<vmem_shared>> -> memref<512x16xf32, #tpu.memory_space<vmem_shared>>
        %dma_start3A_178 = arith.constant 0 : i32
        %dma_start3A_179 = tpu.memref_slice %arg7[%add3A_46, %dma_start3A_178] : memref<100096x16xf32, #tpu.memory_space<vmem_shared>> -> memref<512x16xf32, #tpu.memory_space<vmem_shared>>
        %dma_start3A_180 = arith.constant 0 : i32
        %dma_start3A_181 = arith.constant 0 : i32
        %dma_start3A_182 = tpu.memref_slice %arg6[%run_scoped3A_47, %dma_start3A_180, %dma_start3A_181] : memref<3x512x16xf32, #tpu.memory_space<vmem>> -> memref<1x512x16xf32, #tpu.memory_space<vmem>>
        %dma_start3A_183 = tpu.memref_squeeze %dma_start3A_182 : memref<1x512x16xf32, #tpu.memory_space<vmem>> -> memref<512x16xf32, #tpu.memory_space<vmem>>
        tpu.enqueue_dma source(%dma_start3A_183 : memref<512x16xf32, #tpu.memory_space<vmem>>) target(%dma_start3A_179 : memref<512x16xf32, #tpu.memory_space<vmem_shared>>) target_semaphore(%run_scoped3A_172 : memref<!tpu.dma_semaphore, #tpu.memory_space<semaphore_mem>>)
        %dma_wait3A_184 = arith.constant 0 : i32
        %dma_wait3A_185 = arith.constant 0 : i32
        %dma_wait3A_186 = tpu.memref_slice %arg6[%run_scoped3A_47, %dma_wait3A_184, %dma_wait3A_185] : memref<3x512x16xf32, #tpu.memory_space<vmem>> -> memref<1x512x16xf32, #tpu.memory_space<vmem>>
        %dma_wait3A_187 = tpu.memref_squeeze %dma_wait3A_186 : memref<1x512x16xf32, #tpu.memory_space<vmem>> -> memref<512x16xf32, #tpu.memory_space<vmem>>
        %dma_wait3A_188 = arith.constant 0 : i32
        %dma_wait3A_189 = tpu.memref_slice %arg7[%add3A_46, %dma_wait3A_188] : memref<100096x16xf32, #tpu.memory_space<vmem_shared>> -> memref<512x16xf32, #tpu.memory_space<vmem_shared>>
        %dma_wait3A_190 = arith.constant 0 : i32
        %dma_wait3A_191 = tpu.memref_slice %arg7[%add3A_46, %dma_wait3A_190] : memref<100096x16xf32, #tpu.memory_space<vmem_shared>> -> memref<512x16xf32, #tpu.memory_space<vmem_shared>>
        %dma_wait3A_192 = arith.constant 0 : i32
        %dma_wait3A_193 = arith.constant 0 : i32
        %dma_wait3A_194 = tpu.memref_slice %arg6[%run_scoped3A_47, %dma_wait3A_192, %dma_wait3A_193] : memref<3x512x16xf32, #tpu.memory_space<vmem>> -> memref<1x512x16xf32, #tpu.memory_space<vmem>>
        %dma_wait3A_195 = tpu.memref_squeeze %dma_wait3A_194 : memref<1x512x16xf32, #tpu.memory_space<vmem>> -> memref<512x16xf32, #tpu.memory_space<vmem>>
        tpu.wait_dma2 semaphore(%run_scoped3A_172 : memref<!tpu.dma_semaphore, #tpu.memory_space<semaphore_mem>>) src(%dma_wait3A_195 : memref<512x16xf32, #tpu.memory_space<vmem>>) dst(%dma_wait3A_191 : memref<512x16xf32, #tpu.memory_space<vmem_shared>>)
        tpu.yield
      }) : () -> ()
      %add3A_48 = arith.constant 4608 : i32
      %add3A_49 = arith.addi %mul3A_14, %add3A_48 : i32
      %run_scoped3A_50 = arith.constant 2 : i32
      "tpu.region"() ({
        %run_scoped3A_172 = tpu.sem_alloc : memref<!tpu.dma_semaphore, #tpu.memory_space<semaphore_mem>>
        %dma_start3A = arith.constant 0 : i32
        %dma_start3A_173 = arith.constant 0 : i32
        %dma_start3A_174 = tpu.memref_slice %arg6[%run_scoped3A_50, %dma_start3A, %dma_start3A_173] : memref<3x512x16xf32, #tpu.memory_space<vmem>> -> memref<1x512x16xf32, #tpu.memory_space<vmem>>
        %dma_start3A_175 = tpu.memref_squeeze %dma_start3A_174 : memref<1x512x16xf32, #tpu.memory_space<vmem>> -> memref<512x16xf32, #tpu.memory_space<vmem>>
        %dma_start3A_176 = arith.constant 0 : i32
        %dma_start3A_177 = tpu.memref_slice %arg7[%add3A_49, %dma_start3A_176] : memref<100096x16xf32, #tpu.memory_space<vmem_shared>> -> memref<512x16xf32, #tpu.memory_space<vmem_shared>>
        %dma_start3A_178 = arith.constant 0 : i32
        %dma_start3A_179 = tpu.memref_slice %arg7[%add3A_49, %dma_start3A_178] : memref<100096x16xf32, #tpu.memory_space<vmem_shared>> -> memref<512x16xf32, #tpu.memory_space<vmem_shared>>
        %dma_start3A_180 = arith.constant 0 : i32
        %dma_start3A_181 = arith.constant 0 : i32
        %dma_start3A_182 = tpu.memref_slice %arg6[%run_scoped3A_50, %dma_start3A_180, %dma_start3A_181] : memref<3x512x16xf32, #tpu.memory_space<vmem>> -> memref<1x512x16xf32, #tpu.memory_space<vmem>>
        %dma_start3A_183 = tpu.memref_squeeze %dma_start3A_182 : memref<1x512x16xf32, #tpu.memory_space<vmem>> -> memref<512x16xf32, #tpu.memory_space<vmem>>
        tpu.enqueue_dma source(%dma_start3A_183 : memref<512x16xf32, #tpu.memory_space<vmem>>) target(%dma_start3A_179 : memref<512x16xf32, #tpu.memory_space<vmem_shared>>) target_semaphore(%run_scoped3A_172 : memref<!tpu.dma_semaphore, #tpu.memory_space<semaphore_mem>>)
        %dma_wait3A_184 = arith.constant 0 : i32
        %dma_wait3A_185 = arith.constant 0 : i32
        %dma_wait3A_186 = tpu.memref_slice %arg6[%run_scoped3A_50, %dma_wait3A_184, %dma_wait3A_185] : memref<3x512x16xf32, #tpu.memory_space<vmem>> -> memref<1x512x16xf32, #tpu.memory_space<vmem>>
        %dma_wait3A_187 = tpu.memref_squeeze %dma_wait3A_186 : memref<1x512x16xf32, #tpu.memory_space<vmem>> -> memref<512x16xf32, #tpu.memory_space<vmem>>
        %dma_wait3A_188 = arith.constant 0 : i32
        %dma_wait3A_189 = tpu.memref_slice %arg7[%add3A_49, %dma_wait3A_188] : memref<100096x16xf32, #tpu.memory_space<vmem_shared>> -> memref<512x16xf32, #tpu.memory_space<vmem_shared>>
        %dma_wait3A_190 = arith.constant 0 : i32
        %dma_wait3A_191 = tpu.memref_slice %arg7[%add3A_49, %dma_wait3A_190] : memref<100096x16xf32, #tpu.memory_space<vmem_shared>> -> memref<512x16xf32, #tpu.memory_space<vmem_shared>>
        %dma_wait3A_192 = arith.constant 0 : i32
        %dma_wait3A_193 = arith.constant 0 : i32
        %dma_wait3A_194 = tpu.memref_slice %arg6[%run_scoped3A_50, %dma_wait3A_192, %dma_wait3A_193] : memref<3x512x16xf32, #tpu.memory_space<vmem>> -> memref<1x512x16xf32, #tpu.memory_space<vmem>>
        %dma_wait3A_195 = tpu.memref_squeeze %dma_wait3A_194 : memref<1x512x16xf32, #tpu.memory_space<vmem>> -> memref<512x16xf32, #tpu.memory_space<vmem>>
        tpu.wait_dma2 semaphore(%run_scoped3A_172 : memref<!tpu.dma_semaphore, #tpu.memory_space<semaphore_mem>>) src(%dma_wait3A_195 : memref<512x16xf32, #tpu.memory_space<vmem>>) dst(%dma_wait3A_191 : memref<512x16xf32, #tpu.memory_space<vmem_shared>>)
        tpu.yield
      }) : () -> ()
      %add3A_51 = arith.constant 5120 : i32
      %add3A_52 = arith.addi %mul3A_14, %add3A_51 : i32
      %run_scoped3A_53 = arith.constant 2 : i32
      "tpu.region"() ({
        %run_scoped3A_172 = tpu.sem_alloc : memref<!tpu.dma_semaphore, #tpu.memory_space<semaphore_mem>>
        %dma_start3A = arith.constant 0 : i32
        %dma_start3A_173 = arith.constant 0 : i32
        %dma_start3A_174 = tpu.memref_slice %arg6[%run_scoped3A_53, %dma_start3A, %dma_start3A_173] : memref<3x512x16xf32, #tpu.memory_space<vmem>> -> memref<1x512x16xf32, #tpu.memory_space<vmem>>
        %dma_start3A_175 = tpu.memref_squeeze %dma_start3A_174 : memref<1x512x16xf32, #tpu.memory_space<vmem>> -> memref<512x16xf32, #tpu.memory_space<vmem>>
        %dma_start3A_176 = arith.constant 0 : i32
        %dma_start3A_177 = tpu.memref_slice %arg7[%add3A_52, %dma_start3A_176] : memref<100096x16xf32, #tpu.memory_space<vmem_shared>> -> memref<512x16xf32, #tpu.memory_space<vmem_shared>>
        %dma_start3A_178 = arith.constant 0 : i32
        %dma_start3A_179 = tpu.memref_slice %arg7[%add3A_52, %dma_start3A_178] : memref<100096x16xf32, #tpu.memory_space<vmem_shared>> -> memref<512x16xf32, #tpu.memory_space<vmem_shared>>
        %dma_start3A_180 = arith.constant 0 : i32
        %dma_start3A_181 = arith.constant 0 : i32
        %dma_start3A_182 = tpu.memref_slice %arg6[%run_scoped3A_53, %dma_start3A_180, %dma_start3A_181] : memref<3x512x16xf32, #tpu.memory_space<vmem>> -> memref<1x512x16xf32, #tpu.memory_space<vmem>>
        %dma_start3A_183 = tpu.memref_squeeze %dma_start3A_182 : memref<1x512x16xf32, #tpu.memory_space<vmem>> -> memref<512x16xf32, #tpu.memory_space<vmem>>
        tpu.enqueue_dma source(%dma_start3A_183 : memref<512x16xf32, #tpu.memory_space<vmem>>) target(%dma_start3A_179 : memref<512x16xf32, #tpu.memory_space<vmem_shared>>) target_semaphore(%run_scoped3A_172 : memref<!tpu.dma_semaphore, #tpu.memory_space<semaphore_mem>>)
        %dma_wait3A_184 = arith.constant 0 : i32
        %dma_wait3A_185 = arith.constant 0 : i32
        %dma_wait3A_186 = tpu.memref_slice %arg6[%run_scoped3A_53, %dma_wait3A_184, %dma_wait3A_185] : memref<3x512x16xf32, #tpu.memory_space<vmem>> -> memref<1x512x16xf32, #tpu.memory_space<vmem>>
        %dma_wait3A_187 = tpu.memref_squeeze %dma_wait3A_186 : memref<1x512x16xf32, #tpu.memory_space<vmem>> -> memref<512x16xf32, #tpu.memory_space<vmem>>
        %dma_wait3A_188 = arith.constant 0 : i32
        %dma_wait3A_189 = tpu.memref_slice %arg7[%add3A_52, %dma_wait3A_188] : memref<100096x16xf32, #tpu.memory_space<vmem_shared>> -> memref<512x16xf32, #tpu.memory_space<vmem_shared>>
        %dma_wait3A_190 = arith.constant 0 : i32
        %dma_wait3A_191 = tpu.memref_slice %arg7[%add3A_52, %dma_wait3A_190] : memref<100096x16xf32, #tpu.memory_space<vmem_shared>> -> memref<512x16xf32, #tpu.memory_space<vmem_shared>>
        %dma_wait3A_192 = arith.constant 0 : i32
        %dma_wait3A_193 = arith.constant 0 : i32
        %dma_wait3A_194 = tpu.memref_slice %arg6[%run_scoped3A_53, %dma_wait3A_192, %dma_wait3A_193] : memref<3x512x16xf32, #tpu.memory_space<vmem>> -> memref<1x512x16xf32, #tpu.memory_space<vmem>>
        %dma_wait3A_195 = tpu.memref_squeeze %dma_wait3A_194 : memref<1x512x16xf32, #tpu.memory_space<vmem>> -> memref<512x16xf32, #tpu.memory_space<vmem>>
        tpu.wait_dma2 semaphore(%run_scoped3A_172 : memref<!tpu.dma_semaphore, #tpu.memory_space<semaphore_mem>>) src(%dma_wait3A_195 : memref<512x16xf32, #tpu.memory_space<vmem>>) dst(%dma_wait3A_191 : memref<512x16xf32, #tpu.memory_space<vmem_shared>>)
        tpu.yield
      }) : () -> ()
      %add3A_54 = arith.constant 5632 : i32
      %add3A_55 = arith.addi %mul3A_14, %add3A_54 : i32
      %run_scoped3A_56 = arith.constant 2 : i32
      "tpu.region"() ({
        %run_scoped3A_172 = tpu.sem_alloc : memref<!tpu.dma_semaphore, #tpu.memory_space<semaphore_mem>>
        %dma_start3A = arith.constant 0 : i32
        %dma_start3A_173 = arith.constant 0 : i32
        %dma_start3A_174 = tpu.memref_slice %arg6[%run_scoped3A_56, %dma_start3A, %dma_start3A_173] : memref<3x512x16xf32, #tpu.memory_space<vmem>> -> memref<1x512x16xf32, #tpu.memory_space<vmem>>
        %dma_start3A_175 = tpu.memref_squeeze %dma_start3A_174 : memref<1x512x16xf32, #tpu.memory_space<vmem>> -> memref<512x16xf32, #tpu.memory_space<vmem>>
        %dma_start3A_176 = arith.constant 0 : i32
        %dma_start3A_177 = tpu.memref_slice %arg7[%add3A_55, %dma_start3A_176] : memref<100096x16xf32, #tpu.memory_space<vmem_shared>> -> memref<512x16xf32, #tpu.memory_space<vmem_shared>>
        %dma_start3A_178 = arith.constant 0 : i32
        %dma_start3A_179 = tpu.memref_slice %arg7[%add3A_55, %dma_start3A_178] : memref<100096x16xf32, #tpu.memory_space<vmem_shared>> -> memref<512x16xf32, #tpu.memory_space<vmem_shared>>
        %dma_start3A_180 = arith.constant 0 : i32
        %dma_start3A_181 = arith.constant 0 : i32
        %dma_start3A_182 = tpu.memref_slice %arg6[%run_scoped3A_56, %dma_start3A_180, %dma_start3A_181] : memref<3x512x16xf32, #tpu.memory_space<vmem>> -> memref<1x512x16xf32, #tpu.memory_space<vmem>>
        %dma_start3A_183 = tpu.memref_squeeze %dma_start3A_182 : memref<1x512x16xf32, #tpu.memory_space<vmem>> -> memref<512x16xf32, #tpu.memory_space<vmem>>
        tpu.enqueue_dma source(%dma_start3A_183 : memref<512x16xf32, #tpu.memory_space<vmem>>) target(%dma_start3A_179 : memref<512x16xf32, #tpu.memory_space<vmem_shared>>) target_semaphore(%run_scoped3A_172 : memref<!tpu.dma_semaphore, #tpu.memory_space<semaphore_mem>>)
        %dma_wait3A_184 = arith.constant 0 : i32
        %dma_wait3A_185 = arith.constant 0 : i32
        %dma_wait3A_186 = tpu.memref_slice %arg6[%run_scoped3A_56, %dma_wait3A_184, %dma_wait3A_185] : memref<3x512x16xf32, #tpu.memory_space<vmem>> -> memref<1x512x16xf32, #tpu.memory_space<vmem>>
        %dma_wait3A_187 = tpu.memref_squeeze %dma_wait3A_186 : memref<1x512x16xf32, #tpu.memory_space<vmem>> -> memref<512x16xf32, #tpu.memory_space<vmem>>
        %dma_wait3A_188 = arith.constant 0 : i32
        %dma_wait3A_189 = tpu.memref_slice %arg7[%add3A_55, %dma_wait3A_188] : memref<100096x16xf32, #tpu.memory_space<vmem_shared>> -> memref<512x16xf32, #tpu.memory_space<vmem_shared>>
        %dma_wait3A_190 = arith.constant 0 : i32
        %dma_wait3A_191 = tpu.memref_slice %arg7[%add3A_55, %dma_wait3A_190] : memref<100096x16xf32, #tpu.memory_space<vmem_shared>> -> memref<512x16xf32, #tpu.memory_space<vmem_shared>>
        %dma_wait3A_192 = arith.constant 0 : i32
        %dma_wait3A_193 = arith.constant 0 : i32
        %dma_wait3A_194 = tpu.memref_slice %arg6[%run_scoped3A_56, %dma_wait3A_192, %dma_wait3A_193] : memref<3x512x16xf32, #tpu.memory_space<vmem>> -> memref<1x512x16xf32, #tpu.memory_space<vmem>>
        %dma_wait3A_195 = tpu.memref_squeeze %dma_wait3A_194 : memref<1x512x16xf32, #tpu.memory_space<vmem>> -> memref<512x16xf32, #tpu.memory_space<vmem>>
        tpu.wait_dma2 semaphore(%run_scoped3A_172 : memref<!tpu.dma_semaphore, #tpu.memory_space<semaphore_mem>>) src(%dma_wait3A_195 : memref<512x16xf32, #tpu.memory_space<vmem>>) dst(%dma_wait3A_191 : memref<512x16xf32, #tpu.memory_space<vmem_shared>>)
        tpu.yield
      }) : () -> ()
      %add3A_57 = arith.constant 6144 : i32
      %add3A_58 = arith.addi %mul3A_14, %add3A_57 : i32
      %run_scoped3A_59 = arith.constant 2 : i32
      "tpu.region"() ({
        %run_scoped3A_172 = tpu.sem_alloc : memref<!tpu.dma_semaphore, #tpu.memory_space<semaphore_mem>>
        %dma_start3A = arith.constant 0 : i32
        %dma_start3A_173 = arith.constant 0 : i32
        %dma_start3A_174 = tpu.memref_slice %arg6[%run_scoped3A_59, %dma_start3A, %dma_start3A_173] : memref<3x512x16xf32, #tpu.memory_space<vmem>> -> memref<1x512x16xf32, #tpu.memory_space<vmem>>
        %dma_start3A_175 = tpu.memref_squeeze %dma_start3A_174 : memref<1x512x16xf32, #tpu.memory_space<vmem>> -> memref<512x16xf32, #tpu.memory_space<vmem>>
        %dma_start3A_176 = arith.constant 0 : i32
        %dma_start3A_177 = arith.constant 0 : i32
        %dma_start3A_178 = tpu.memref_slice %dma_start3A_175[%dma_start3A_176, %dma_start3A_177] : memref<512x16xf32, #tpu.memory_space<vmem>> -> memref<112x16xf32, #tpu.memory_space<vmem>>
        %dma_start3A_179 = arith.constant 0 : i32
        %dma_start3A_180 = tpu.memref_slice %arg7[%add3A_58, %dma_start3A_179] : memref<100096x16xf32, #tpu.memory_space<vmem_shared>> -> memref<112x16xf32, #tpu.memory_space<vmem_shared>>
        %dma_start3A_181 = arith.constant 0 : i32
        %dma_start3A_182 = tpu.memref_slice %arg7[%add3A_58, %dma_start3A_181] : memref<100096x16xf32, #tpu.memory_space<vmem_shared>> -> memref<112x16xf32, #tpu.memory_space<vmem_shared>>
        %dma_start3A_183 = arith.constant 0 : i32
        %dma_start3A_184 = arith.constant 0 : i32
        %dma_start3A_185 = tpu.memref_slice %arg6[%run_scoped3A_59, %dma_start3A_183, %dma_start3A_184] : memref<3x512x16xf32, #tpu.memory_space<vmem>> -> memref<1x512x16xf32, #tpu.memory_space<vmem>>
        %dma_start3A_186 = tpu.memref_squeeze %dma_start3A_185 : memref<1x512x16xf32, #tpu.memory_space<vmem>> -> memref<512x16xf32, #tpu.memory_space<vmem>>
        %dma_start3A_187 = arith.constant 0 : i32
        %dma_start3A_188 = arith.constant 0 : i32
        %dma_start3A_189 = tpu.memref_slice %dma_start3A_186[%dma_start3A_187, %dma_start3A_188] : memref<512x16xf32, #tpu.memory_space<vmem>> -> memref<112x16xf32, #tpu.memory_space<vmem>>
        tpu.enqueue_dma source(%dma_start3A_189 : memref<112x16xf32, #tpu.memory_space<vmem>>) target(%dma_start3A_182 : memref<112x16xf32, #tpu.memory_space<vmem_shared>>) target_semaphore(%run_scoped3A_172 : memref<!tpu.dma_semaphore, #tpu.memory_space<semaphore_mem>>)
        %dma_wait3A_190 = arith.constant 0 : i32
        %dma_wait3A_191 = arith.constant 0 : i32
        %dma_wait3A_192 = tpu.memref_slice %arg6[%run_scoped3A_59, %dma_wait3A_190, %dma_wait3A_191] : memref<3x512x16xf32, #tpu.memory_space<vmem>> -> memref<1x512x16xf32, #tpu.memory_space<vmem>>
        %dma_wait3A_193 = tpu.memref_squeeze %dma_wait3A_192 : memref<1x512x16xf32, #tpu.memory_space<vmem>> -> memref<512x16xf32, #tpu.memory_space<vmem>>
        %dma_wait3A_194 = arith.constant 0 : i32
        %dma_wait3A_195 = arith.constant 0 : i32
        %dma_wait3A_196 = tpu.memref_slice %dma_wait3A_193[%dma_wait3A_194, %dma_wait3A_195] : memref<512x16xf32, #tpu.memory_space<vmem>> -> memref<112x16xf32, #tpu.memory_space<vmem>>
        %dma_wait3A_197 = arith.constant 0 : i32
        %dma_wait3A_198 = tpu.memref_slice %arg7[%add3A_58, %dma_wait3A_197] : memref<100096x16xf32, #tpu.memory_space<vmem_shared>> -> memref<112x16xf32, #tpu.memory_space<vmem_shared>>
        %dma_wait3A_199 = arith.constant 0 : i32
        %dma_wait3A_200 = tpu.memref_slice %arg7[%add3A_58, %dma_wait3A_199] : memref<100096x16xf32, #tpu.memory_space<vmem_shared>> -> memref<112x16xf32, #tpu.memory_space<vmem_shared>>
        %dma_wait3A_201 = arith.constant 0 : i32
        %dma_wait3A_202 = arith.constant 0 : i32
        %dma_wait3A_203 = tpu.memref_slice %arg6[%run_scoped3A_59, %dma_wait3A_201, %dma_wait3A_202] : memref<3x512x16xf32, #tpu.memory_space<vmem>> -> memref<1x512x16xf32, #tpu.memory_space<vmem>>
        %dma_wait3A_204 = tpu.memref_squeeze %dma_wait3A_203 : memref<1x512x16xf32, #tpu.memory_space<vmem>> -> memref<512x16xf32, #tpu.memory_space<vmem>>
        %dma_wait3A_205 = arith.constant 0 : i32
        %dma_wait3A_206 = arith.constant 0 : i32
        %dma_wait3A_207 = tpu.memref_slice %dma_wait3A_204[%dma_wait3A_205, %dma_wait3A_206] : memref<512x16xf32, #tpu.memory_space<vmem>> -> memref<112x16xf32, #tpu.memory_space<vmem>>
        tpu.wait_dma2 semaphore(%run_scoped3A_172 : memref<!tpu.dma_semaphore, #tpu.memory_space<semaphore_mem>>) src(%dma_wait3A_207 : memref<112x16xf32, #tpu.memory_space<vmem>>) dst(%dma_wait3A_200 : memref<112x16xf32, #tpu.memory_space<vmem_shared>>)
        tpu.yield
      }) : () -> ()
      %barrier3A = arith.constant 0 : index
      tpu.barrier barrier_id(%barrier3A)
      %scan3A_60 = arith.constant 0 : i32
      %scan3A_61 = arith.constant 0 : i32
      %scan3A_62 = arith.constant 201 : i32
      %scan3A_63 = arith.addi %scan3A_61, %scan3A_62 : i32
      %scan3A_64 = arith.constant 1 : i32
      %scan3A_65 = scf.for %scan3A_172 = %scan3A_61 to %scan3A_63 step %scan3A_64 iter_args(%scan3A_173 = %scan3A_60) -> (i32)  : i32 {
        %jit3A = arith.constant 3 : i32
        %eq3A = arith.constant 0 : i32
        %eq3A_174 = arith.cmpi eq, %jit3A, %eq3A : i32
        %jit3A_175 = arith.constant 1 : i32
        %select_n3A = arith.select %eq3A_174, %jit3A_175, %jit3A : i32
        %rem3A = arith.remsi %scan3A_172, %select_n3A : i32
        %ne3A = arith.constant 0 : i32
        %ne3A_176 = arith.cmpi ne, %rem3A, %ne3A : i32
        %lt3A = arith.constant 0 : i32
        %lt3A_177 = arith.cmpi slt, %rem3A, %lt3A : i32
        %lt3A_178 = arith.constant 0 : i32
        %lt3A_179 = arith.cmpi slt, %select_n3A, %lt3A_178 : i32
        %ne3A_180 = arith.xori %lt3A_177, %lt3A_179 : i1
        %and3A = arith.andi %ne3A_180, %ne3A_176 : i1
        %add3A_181 = arith.addi %rem3A, %select_n3A : i32
        %select_n3A_182 = arith.select %and3A, %add3A_181, %rem3A : i32
        %add3A_183 = arith.constant 2 : i32
        %add3A_184 = arith.addi %scan3A_172, %add3A_183 : i32
        %jit3A_185 = arith.constant 3 : i32
        %eq3A_186 = arith.constant 0 : i32
        %eq3A_187 = arith.cmpi eq, %jit3A_185, %eq3A_186 : i32
        %jit3A_188 = arith.constant 1 : i32
        %select_n3A_189 = arith.select %eq3A_187, %jit3A_188, %jit3A_185 : i32
        %rem3A_190 = arith.remsi %add3A_184, %select_n3A_189 : i32
        %ne3A_191 = arith.constant 0 : i32
        %ne3A_192 = arith.cmpi ne, %rem3A_190, %ne3A_191 : i32
        %lt3A_193 = arith.constant 0 : i32
        %lt3A_194 = arith.cmpi slt, %rem3A_190, %lt3A_193 : i32
        %lt3A_195 = arith.constant 0 : i32
        %lt3A_196 = arith.cmpi slt, %select_n3A_189, %lt3A_195 : i32
        %ne3A_197 = arith.xori %lt3A_194, %lt3A_196 : i1
        %and3A_198 = arith.andi %ne3A_197, %ne3A_192 : i1
        %add3A_199 = arith.addi %rem3A_190, %select_n3A_189 : i32
        %select_n3A_200 = arith.select %and3A_198, %add3A_199, %rem3A_190 : i32
        %ge3A = arith.constant 2 : i32
        %ge3A_201 = arith.cmpi sge, %scan3A_172, %ge3A : i32
        %convert_element_type3A = arith.extui %ge3A_201 : i1 to i32
        %cond3A = arith.constant 0 : i32
        %cond3A_202 = arith.cmpi ne, %convert_element_type3A, %cond3A : i32
        scf.if %cond3A_202 {
          %dma_wait3A_244 = arith.constant 1 : i32
          %dma_wait3A_245 = arith.constant 0 : i32
          %dma_wait3A_246 = arith.constant 0 : i32
          %dma_wait3A_247 = tpu.memref_slice %arg6[%select_n3A_182, %dma_wait3A_245, %dma_wait3A_246] : memref<3x512x16xf32, #tpu.memory_space<vmem>> -> memref<1x512x16xf32, #tpu.memory_space<vmem>>
          %dma_wait3A_248 = tpu.memref_squeeze %dma_wait3A_247 : memref<1x512x16xf32, #tpu.memory_space<vmem>> -> memref<512x16xf32, #tpu.memory_space<vmem>>
          %dma_wait3A_249 = arith.constant 0 : i32
          %dma_wait3A_250 = tpu.memref_slice %arg5[%select_n3A_182, %dma_wait3A_244, %dma_wait3A_249] : memref<3x2x512xi32, #tpu.memory_space<vmem>> -> memref<1x1x512xi32, #tpu.memory_space<vmem>>
          %dma_wait3A_251 = tpu.memref_squeeze %dma_wait3A_250 : memref<1x1x512xi32, #tpu.memory_space<vmem>> -> memref<512xi32, #tpu.memory_space<vmem>>
          %dma_wait3A_252 = arith.constant 0 : i32
          %dma_wait3A_253 = arith.constant 0 : i32
          %dma_wait3A_254 = tpu.memref_slice %arg7[%dma_wait3A_252, %dma_wait3A_253] : memref<100096x16xf32, #tpu.memory_space<vmem_shared>> -> memref<100096x16xf32, #tpu.memory_space<vmem_shared>>
          tpu.wait_indirect_dma semaphore(%arg9 : memref<!tpu.dma_semaphore, #tpu.memory_space<semaphore_mem>>) src(%dma_wait3A_248 : memref<512x16xf32, #tpu.memory_space<vmem>>) dst(%dma_wait3A_254 : memref<100096x16xf32, #tpu.memory_space<vmem_shared>>)
        } else {
        }
        %min3A = arith.constant 199 : i32
        %min3A_203 = arith.minsi %scan3A_172, %min3A : i32
        %mul3A_204 = arith.constant 512 : i32
        %mul3A_205 = arith.muli %min3A_203, %mul3A_204 : i32
        %add3A_206 = arith.addi %mul3A_0, %mul3A_205 : i32
        %multiple_of3A = tpu.assume_multiple %add3A_206, 128 : i32
        "tpu.region"() ({
          %run_scoped3A_244 = tpu.sem_alloc : memref<!tpu.dma_semaphore, #tpu.memory_space<semaphore_mem>>
          %dma_start3A_245 = arith.constant 0 : i32
          %dma_start3A_246 = arith.constant 0 : i32
          %dma_start3A_247 = tpu.memref_slice %arg5[%select_n3A_182, %dma_start3A_245, %dma_start3A_246] : memref<3x2x512xi32, #tpu.memory_space<vmem>> -> memref<1x2x512xi32, #tpu.memory_space<vmem>>
          %dma_start3A_248 = tpu.memref_squeeze %dma_start3A_247 : memref<1x2x512xi32, #tpu.memory_space<vmem>> -> memref<2x512xi32, #tpu.memory_space<vmem>>
          %dma_start3A_249 = arith.constant 0 : i32
          %dma_start3A_250 = tpu.memref_slice %arg2[%dma_start3A_249, %multiple_of3A] : memref<2x1638400xi32, #tpu.memory_space<hbm>> -> memref<2x512xi32, #tpu.memory_space<hbm>>
          %dma_start3A_251 = arith.constant 0 : i32
          %dma_start3A_252 = arith.constant 0 : i32
          %dma_start3A_253 = tpu.memref_slice %arg5[%select_n3A_182, %dma_start3A_251, %dma_start3A_252] : memref<3x2x512xi32, #tpu.memory_space<vmem>> -> memref<1x2x512xi32, #tpu.memory_space<vmem>>
          %dma_start3A_254 = tpu.memref_squeeze %dma_start3A_253 : memref<1x2x512xi32, #tpu.memory_space<vmem>> -> memref<2x512xi32, #tpu.memory_space<vmem>>
          %dma_start3A_255 = arith.constant 0 : i32
          %dma_start3A_256 = tpu.memref_slice %arg2[%dma_start3A_255, %multiple_of3A] : memref<2x1638400xi32, #tpu.memory_space<hbm>> -> memref<2x512xi32, #tpu.memory_space<hbm>>
          tpu.enqueue_dma source(%dma_start3A_256 : memref<2x512xi32, #tpu.memory_space<hbm>>) target(%dma_start3A_254 : memref<2x512xi32, #tpu.memory_space<vmem>>) target_semaphore(%run_scoped3A_244 : memref<!tpu.dma_semaphore, #tpu.memory_space<semaphore_mem>>)
          %dma_wait3A_257 = arith.constant 0 : i32
          %dma_wait3A_258 = arith.constant 0 : i32
          %dma_wait3A_259 = tpu.memref_slice %arg5[%select_n3A_182, %dma_wait3A_257, %dma_wait3A_258] : memref<3x2x512xi32, #tpu.memory_space<vmem>> -> memref<1x2x512xi32, #tpu.memory_space<vmem>>
          %dma_wait3A_260 = tpu.memref_squeeze %dma_wait3A_259 : memref<1x2x512xi32, #tpu.memory_space<vmem>> -> memref<2x512xi32, #tpu.memory_space<vmem>>
          %dma_wait3A_261 = arith.constant 0 : i32
          %dma_wait3A_262 = tpu.memref_slice %arg2[%dma_wait3A_261, %multiple_of3A] : memref<2x1638400xi32, #tpu.memory_space<hbm>> -> memref<2x512xi32, #tpu.memory_space<hbm>>
          %dma_wait3A_263 = arith.constant 0 : i32
          %dma_wait3A_264 = arith.constant 0 : i32
          %dma_wait3A_265 = tpu.memref_slice %arg5[%select_n3A_182, %dma_wait3A_263, %dma_wait3A_264] : memref<3x2x512xi32, #tpu.memory_space<vmem>> -> memref<1x2x512xi32, #tpu.memory_space<vmem>>
          %dma_wait3A_266 = tpu.memref_squeeze %dma_wait3A_265 : memref<1x2x512xi32, #tpu.memory_space<vmem>> -> memref<2x512xi32, #tpu.memory_space<vmem>>
          %dma_wait3A_267 = arith.constant 0 : i32
          %dma_wait3A_268 = tpu.memref_slice %arg2[%dma_wait3A_267, %multiple_of3A] : memref<2x1638400xi32, #tpu.memory_space<hbm>> -> memref<2x512xi32, #tpu.memory_space<hbm>>
          tpu.wait_dma2 semaphore(%run_scoped3A_244 : memref<!tpu.dma_semaphore, #tpu.memory_space<semaphore_mem>>) src(%dma_wait3A_268 : memref<2x512xi32, #tpu.memory_space<hbm>>) dst(%dma_wait3A_266 : memref<2x512xi32, #tpu.memory_space<vmem>>)
          tpu.yield
        }) : () -> ()
        %dma_start3A = arith.constant 0 : i32
        %dma_start3A_207 = arith.constant 0 : i32
        %dma_start3A_208 = arith.constant 0 : i32
        %dma_start3A_209 = tpu.memref_slice %arg6[%select_n3A_182, %dma_start3A_207, %dma_start3A_208] : memref<3x512x16xf32, #tpu.memory_space<vmem>> -> memref<1x512x16xf32, #tpu.memory_space<vmem>>
        %dma_start3A_210 = tpu.memref_squeeze %dma_start3A_209 : memref<1x512x16xf32, #tpu.memory_space<vmem>> -> memref<512x16xf32, #tpu.memory_space<vmem>>
        %dma_start3A_211 = arith.constant 0 : i32
        %dma_start3A_212 = tpu.memref_slice %arg5[%select_n3A_182, %dma_start3A, %dma_start3A_211] : memref<3x2x512xi32, #tpu.memory_space<vmem>> -> memref<1x1x512xi32, #tpu.memory_space<vmem>>
        %dma_start3A_213 = tpu.memref_squeeze %dma_start3A_212 : memref<1x1x512xi32, #tpu.memory_space<vmem>> -> memref<512xi32, #tpu.memory_space<vmem>>
        %dma_start3A_214 = arith.constant 0 : i32
        %dma_start3A_215 = tpu.memref_slice %arg3[%add3A, %dma_start3A_214] : memref<800768x16xf32, #tpu.memory_space<hbm>> -> memref<800761x16xf32, #tpu.memory_space<hbm>>
        %dma_start3A_216 = arith.constant 0 : i32
        %dma_start3A_217 = arith.constant 0 : i32
        %dma_start3A_218 = tpu.memref_slice %dma_start3A_215[%dma_start3A_216, %dma_start3A_217] : memref<800761x16xf32, #tpu.memory_space<hbm>> -> memref<800761x16xf32, #tpu.memory_space<hbm>>
        tpu.enqueue_indirect_dma source(%dma_start3A_218 : memref<800761x16xf32, #tpu.memory_space<hbm>>) target(%dma_start3A_210 : memref<512x16xf32, #tpu.memory_space<vmem>>) offsets(%dma_start3A_213 : memref<512xi32, #tpu.memory_space<vmem>>) semaphore(%arg8 : memref<!tpu.dma_semaphore, #tpu.memory_space<semaphore_mem>>)
        %dma_start3A_219 = arith.constant 1 : i32
        %dma_start3A_220 = arith.constant 0 : i32
        %dma_start3A_221 = arith.constant 0 : i32
        %dma_start3A_222 = tpu.memref_slice %arg6[%select_n3A_200, %dma_start3A_220, %dma_start3A_221] : memref<3x512x16xf32, #tpu.memory_space<vmem>> -> memref<1x512x16xf32, #tpu.memory_space<vmem>>
        %dma_start3A_223 = tpu.memref_squeeze %dma_start3A_222 : memref<1x512x16xf32, #tpu.memory_space<vmem>> -> memref<512x16xf32, #tpu.memory_space<vmem>>
        %dma_start3A_224 = arith.constant 0 : i32
        %dma_start3A_225 = tpu.memref_slice %arg5[%select_n3A_200, %dma_start3A_219, %dma_start3A_224] : memref<3x2x512xi32, #tpu.memory_space<vmem>> -> memref<1x1x512xi32, #tpu.memory_space<vmem>>
        %dma_start3A_226 = tpu.memref_squeeze %dma_start3A_225 : memref<1x1x512xi32, #tpu.memory_space<vmem>> -> memref<512xi32, #tpu.memory_space<vmem>>
        %dma_start3A_227 = arith.constant 0 : i32
        %dma_start3A_228 = arith.constant 0 : i32
        %dma_start3A_229 = tpu.memref_slice %arg7[%dma_start3A_227, %dma_start3A_228] : memref<100096x16xf32, #tpu.memory_space<vmem_shared>> -> memref<100096x16xf32, #tpu.memory_space<vmem_shared>>
        tpu.enqueue_indirect_dma source(%dma_start3A_223 : memref<512x16xf32, #tpu.memory_space<vmem>>) target(%dma_start3A_229 : memref<100096x16xf32, #tpu.memory_space<vmem_shared>>) offsets(%dma_start3A_226 : memref<512xi32, #tpu.memory_space<vmem>>) semaphore(%arg9 : memref<!tpu.dma_semaphore, #tpu.memory_space<semaphore_mem>>) {add = true}
        %dma_wait3A_230 = arith.constant 0 : i32
        %dma_wait3A_231 = arith.constant 0 : i32
        %dma_wait3A_232 = arith.constant 0 : i32
        %dma_wait3A_233 = tpu.memref_slice %arg6[%select_n3A_182, %dma_wait3A_231, %dma_wait3A_232] : memref<3x512x16xf32, #tpu.memory_space<vmem>> -> memref<1x512x16xf32, #tpu.memory_space<vmem>>
        %dma_wait3A_234 = tpu.memref_squeeze %dma_wait3A_233 : memref<1x512x16xf32, #tpu.memory_space<vmem>> -> memref<512x16xf32, #tpu.memory_space<vmem>>
        %dma_wait3A_235 = arith.constant 0 : i32
        %dma_wait3A_236 = tpu.memref_slice %arg5[%select_n3A_182, %dma_wait3A_230, %dma_wait3A_235] : memref<3x2x512xi32, #tpu.memory_space<vmem>> -> memref<1x1x512xi32, #tpu.memory_space<vmem>>
        %dma_wait3A_237 = tpu.memref_squeeze %dma_wait3A_236 : memref<1x1x512xi32, #tpu.memory_space<vmem>> -> memref<512xi32, #tpu.memory_space<vmem>>
        %dma_wait3A_238 = arith.constant 0 : i32
        %dma_wait3A_239 = tpu.memref_slice %arg3[%add3A, %dma_wait3A_238] : memref<800768x16xf32, #tpu.memory_space<hbm>> -> memref<800761x16xf32, #tpu.memory_space<hbm>>
        %dma_wait3A_240 = arith.constant 0 : i32
        %dma_wait3A_241 = arith.constant 0 : i32
        %dma_wait3A_242 = tpu.memref_slice %dma_wait3A_239[%dma_wait3A_240, %dma_wait3A_241] : memref<800761x16xf32, #tpu.memory_space<hbm>> -> memref<800761x16xf32, #tpu.memory_space<hbm>>
        tpu.wait_indirect_dma semaphore(%arg8 : memref<!tpu.dma_semaphore, #tpu.memory_space<semaphore_mem>>) src(%dma_wait3A_242 : memref<800761x16xf32, #tpu.memory_space<hbm>>) dst(%dma_wait3A_234 : memref<512x16xf32, #tpu.memory_space<vmem>>)
        %scan3A_243 = arith.constant 0 : i32
        scf.yield %scan3A_243 : i32
      }
      %scan3A_66 = arith.constant 201 : i32
      %dma_wait3A = arith.constant 0 : i32
      %dma_wait3A_67 = arith.constant 0 : i32
      %dma_wait3A_68 = arith.constant 1 : i32
      %dma_wait3A_69 = arith.constant 0 : i32
      %dma_wait3A_70 = arith.constant 0 : i32
      %dma_wait3A_71 = tpu.memref_slice %arg6[%dma_wait3A, %dma_wait3A_69, %dma_wait3A_70] : memref<3x512x16xf32, #tpu.memory_space<vmem>> -> memref<1x512x16xf32, #tpu.memory_space<vmem>>
      %dma_wait3A_72 = tpu.memref_squeeze %dma_wait3A_71 : memref<1x512x16xf32, #tpu.memory_space<vmem>> -> memref<512x16xf32, #tpu.memory_space<vmem>>
      %dma_wait3A_73 = arith.constant 0 : i32
      %dma_wait3A_74 = tpu.memref_slice %arg5[%dma_wait3A_67, %dma_wait3A_68, %dma_wait3A_73] : memref<3x2x512xi32, #tpu.memory_space<vmem>> -> memref<1x1x512xi32, #tpu.memory_space<vmem>>
      %dma_wait3A_75 = tpu.memref_squeeze %dma_wait3A_74 : memref<1x1x512xi32, #tpu.memory_space<vmem>> -> memref<512xi32, #tpu.memory_space<vmem>>
      %dma_wait3A_76 = arith.constant 0 : i32
      %dma_wait3A_77 = arith.constant 0 : i32
      %dma_wait3A_78 = tpu.memref_slice %arg7[%dma_wait3A_76, %dma_wait3A_77] : memref<100096x16xf32, #tpu.memory_space<vmem_shared>> -> memref<100096x16xf32, #tpu.memory_space<vmem_shared>>
      tpu.wait_indirect_dma semaphore(%arg9 : memref<!tpu.dma_semaphore, #tpu.memory_space<semaphore_mem>>) src(%dma_wait3A_72 : memref<512x16xf32, #tpu.memory_space<vmem>>) dst(%dma_wait3A_78 : memref<100096x16xf32, #tpu.memory_space<vmem_shared>>)
      %dma_wait3A_79 = arith.constant 0 : i32
      %dma_wait3A_80 = arith.constant 0 : i32
      %dma_wait3A_81 = arith.constant 1 : i32
      %dma_wait3A_82 = arith.constant 0 : i32
      %dma_wait3A_83 = arith.constant 0 : i32
      %dma_wait3A_84 = tpu.memref_slice %arg6[%dma_wait3A_79, %dma_wait3A_82, %dma_wait3A_83] : memref<3x512x16xf32, #tpu.memory_space<vmem>> -> memref<1x512x16xf32, #tpu.memory_space<vmem>>
      %dma_wait3A_85 = tpu.memref_squeeze %dma_wait3A_84 : memref<1x512x16xf32, #tpu.memory_space<vmem>> -> memref<512x16xf32, #tpu.memory_space<vmem>>
      %dma_wait3A_86 = arith.constant 0 : i32
      %dma_wait3A_87 = tpu.memref_slice %arg5[%dma_wait3A_80, %dma_wait3A_81, %dma_wait3A_86] : memref<3x2x512xi32, #tpu.memory_space<vmem>> -> memref<1x1x512xi32, #tpu.memory_space<vmem>>
      %dma_wait3A_88 = tpu.memref_squeeze %dma_wait3A_87 : memref<1x1x512xi32, #tpu.memory_space<vmem>> -> memref<512xi32, #tpu.memory_space<vmem>>
      %dma_wait3A_89 = arith.constant 0 : i32
      %dma_wait3A_90 = arith.constant 0 : i32
      %dma_wait3A_91 = tpu.memref_slice %arg7[%dma_wait3A_89, %dma_wait3A_90] : memref<100096x16xf32, #tpu.memory_space<vmem_shared>> -> memref<100096x16xf32, #tpu.memory_space<vmem_shared>>
      tpu.wait_indirect_dma semaphore(%arg9 : memref<!tpu.dma_semaphore, #tpu.memory_space<semaphore_mem>>) src(%dma_wait3A_85 : memref<512x16xf32, #tpu.memory_space<vmem>>) dst(%dma_wait3A_91 : memref<100096x16xf32, #tpu.memory_space<vmem_shared>>)
      %barrier3A_92 = arith.constant 0 : index
      tpu.barrier barrier_id(%barrier3A_92)
      %add3A_93 = arith.constant 0 : i32
      %add3A_94 = arith.addi %mul3A_14, %add3A_93 : i32
      %run_scoped3A_95 = arith.constant 0 : i32
      "tpu.region"() ({
        %run_scoped3A_172 = tpu.sem_alloc : memref<!tpu.dma_semaphore, #tpu.memory_space<semaphore_mem>>
        %dma_start3A = arith.constant 0 : i32
        %dma_start3A_173 = arith.constant 0 : i32
        %dma_start3A_174 = tpu.memref_slice %arg6[%run_scoped3A_95, %dma_start3A, %dma_start3A_173] : memref<3x512x16xf32, #tpu.memory_space<vmem>> -> memref<1x512x16xf32, #tpu.memory_space<vmem>>
        %dma_start3A_175 = tpu.memref_squeeze %dma_start3A_174 : memref<1x512x16xf32, #tpu.memory_space<vmem>> -> memref<512x16xf32, #tpu.memory_space<vmem>>
        %dma_start3A_176 = arith.constant 0 : i32
        %dma_start3A_177 = tpu.memref_slice %arg7[%add3A_94, %dma_start3A_176] : memref<100096x16xf32, #tpu.memory_space<vmem_shared>> -> memref<512x16xf32, #tpu.memory_space<vmem_shared>>
        %dma_start3A_178 = arith.constant 0 : i32
        %dma_start3A_179 = arith.constant 0 : i32
        %dma_start3A_180 = tpu.memref_slice %arg6[%run_scoped3A_95, %dma_start3A_178, %dma_start3A_179] : memref<3x512x16xf32, #tpu.memory_space<vmem>> -> memref<1x512x16xf32, #tpu.memory_space<vmem>>
        %dma_start3A_181 = tpu.memref_squeeze %dma_start3A_180 : memref<1x512x16xf32, #tpu.memory_space<vmem>> -> memref<512x16xf32, #tpu.memory_space<vmem>>
        %dma_start3A_182 = arith.constant 0 : i32
        %dma_start3A_183 = tpu.memref_slice %arg7[%add3A_94, %dma_start3A_182] : memref<100096x16xf32, #tpu.memory_space<vmem_shared>> -> memref<512x16xf32, #tpu.memory_space<vmem_shared>>
        tpu.enqueue_dma source(%dma_start3A_183 : memref<512x16xf32, #tpu.memory_space<vmem_shared>>) target(%dma_start3A_181 : memref<512x16xf32, #tpu.memory_space<vmem>>) target_semaphore(%run_scoped3A_172 : memref<!tpu.dma_semaphore, #tpu.memory_space<semaphore_mem>>)
        %dma_wait3A_184 = arith.constant 0 : i32
        %dma_wait3A_185 = arith.constant 0 : i32
        %dma_wait3A_186 = tpu.memref_slice %arg6[%run_scoped3A_95, %dma_wait3A_184, %dma_wait3A_185] : memref<3x512x16xf32, #tpu.memory_space<vmem>> -> memref<1x512x16xf32, #tpu.memory_space<vmem>>
        %dma_wait3A_187 = tpu.memref_squeeze %dma_wait3A_186 : memref<1x512x16xf32, #tpu.memory_space<vmem>> -> memref<512x16xf32, #tpu.memory_space<vmem>>
        %dma_wait3A_188 = arith.constant 0 : i32
        %dma_wait3A_189 = tpu.memref_slice %arg7[%add3A_94, %dma_wait3A_188] : memref<100096x16xf32, #tpu.memory_space<vmem_shared>> -> memref<512x16xf32, #tpu.memory_space<vmem_shared>>
        %dma_wait3A_190 = arith.constant 0 : i32
        %dma_wait3A_191 = arith.constant 0 : i32
        %dma_wait3A_192 = tpu.memref_slice %arg6[%run_scoped3A_95, %dma_wait3A_190, %dma_wait3A_191] : memref<3x512x16xf32, #tpu.memory_space<vmem>> -> memref<1x512x16xf32, #tpu.memory_space<vmem>>
        %dma_wait3A_193 = tpu.memref_squeeze %dma_wait3A_192 : memref<1x512x16xf32, #tpu.memory_space<vmem>> -> memref<512x16xf32, #tpu.memory_space<vmem>>
        %dma_wait3A_194 = arith.constant 0 : i32
        %dma_wait3A_195 = tpu.memref_slice %arg7[%add3A_94, %dma_wait3A_194] : memref<100096x16xf32, #tpu.memory_space<vmem_shared>> -> memref<512x16xf32, #tpu.memory_space<vmem_shared>>
        tpu.wait_dma2 semaphore(%run_scoped3A_172 : memref<!tpu.dma_semaphore, #tpu.memory_space<semaphore_mem>>) src(%dma_wait3A_195 : memref<512x16xf32, #tpu.memory_space<vmem_shared>>) dst(%dma_wait3A_193 : memref<512x16xf32, #tpu.memory_space<vmem>>)
        tpu.yield
      }) : () -> ()
      %add3A_96 = arith.constant 0 : i32
      %add3A_97 = arith.addi %mul3A_14, %add3A_96 : i32
      %run_scoped3A_98 = arith.constant 0 : i32
      "tpu.region"() ({
        %run_scoped3A_172 = tpu.sem_alloc : memref<!tpu.dma_semaphore, #tpu.memory_space<semaphore_mem>>
        %dma_start3A = arith.constant 0 : i32
        %dma_start3A_173 = arith.constant 0 : i32
        %dma_start3A_174 = tpu.memref_slice %arg6[%run_scoped3A_98, %dma_start3A, %dma_start3A_173] : memref<3x512x16xf32, #tpu.memory_space<vmem>> -> memref<1x512x16xf32, #tpu.memory_space<vmem>>
        %dma_start3A_175 = tpu.memref_squeeze %dma_start3A_174 : memref<1x512x16xf32, #tpu.memory_space<vmem>> -> memref<512x16xf32, #tpu.memory_space<vmem>>
        %dma_start3A_176 = tpu.memref_slice %arg4[%add3A_97, %mul3A_12] : memref<100096x128xf32, #tpu.memory_space<hbm>> -> memref<512x16xf32, #tpu.memory_space<hbm>>
        %dma_start3A_177 = tpu.memref_slice %arg4[%add3A_97, %mul3A_12] : memref<100096x128xf32, #tpu.memory_space<hbm>> -> memref<512x16xf32, #tpu.memory_space<hbm>>
        %dma_start3A_178 = arith.constant 0 : i32
        %dma_start3A_179 = arith.constant 0 : i32
        %dma_start3A_180 = tpu.memref_slice %arg6[%run_scoped3A_98, %dma_start3A_178, %dma_start3A_179] : memref<3x512x16xf32, #tpu.memory_space<vmem>> -> memref<1x512x16xf32, #tpu.memory_space<vmem>>
        %dma_start3A_181 = tpu.memref_squeeze %dma_start3A_180 : memref<1x512x16xf32, #tpu.memory_space<vmem>> -> memref<512x16xf32, #tpu.memory_space<vmem>>
        tpu.enqueue_dma source(%dma_start3A_181 : memref<512x16xf32, #tpu.memory_space<vmem>>) target(%dma_start3A_177 : memref<512x16xf32, #tpu.memory_space<hbm>>) target_semaphore(%run_scoped3A_172 : memref<!tpu.dma_semaphore, #tpu.memory_space<semaphore_mem>>)
        %dma_wait3A_182 = arith.constant 0 : i32
        %dma_wait3A_183 = arith.constant 0 : i32
        %dma_wait3A_184 = tpu.memref_slice %arg6[%run_scoped3A_98, %dma_wait3A_182, %dma_wait3A_183] : memref<3x512x16xf32, #tpu.memory_space<vmem>> -> memref<1x512x16xf32, #tpu.memory_space<vmem>>
        %dma_wait3A_185 = tpu.memref_squeeze %dma_wait3A_184 : memref<1x512x16xf32, #tpu.memory_space<vmem>> -> memref<512x16xf32, #tpu.memory_space<vmem>>
        %dma_wait3A_186 = tpu.memref_slice %arg4[%add3A_97, %mul3A_12] : memref<100096x128xf32, #tpu.memory_space<hbm>> -> memref<512x16xf32, #tpu.memory_space<hbm>>
        %dma_wait3A_187 = tpu.memref_slice %arg4[%add3A_97, %mul3A_12] : memref<100096x128xf32, #tpu.memory_space<hbm>> -> memref<512x16xf32, #tpu.memory_space<hbm>>
        %dma_wait3A_188 = arith.constant 0 : i32
        %dma_wait3A_189 = arith.constant 0 : i32
        %dma_wait3A_190 = tpu.memref_slice %arg6[%run_scoped3A_98, %dma_wait3A_188, %dma_wait3A_189] : memref<3x512x16xf32, #tpu.memory_space<vmem>> -> memref<1x512x16xf32, #tpu.memory_space<vmem>>
        %dma_wait3A_191 = tpu.memref_squeeze %dma_wait3A_190 : memref<1x512x16xf32, #tpu.memory_space<vmem>> -> memref<512x16xf32, #tpu.memory_space<vmem>>
        tpu.wait_dma2 semaphore(%run_scoped3A_172 : memref<!tpu.dma_semaphore, #tpu.memory_space<semaphore_mem>>) src(%dma_wait3A_191 : memref<512x16xf32, #tpu.memory_space<vmem>>) dst(%dma_wait3A_187 : memref<512x16xf32, #tpu.memory_space<hbm>>)
        tpu.yield
      }) : () -> ()
      %add3A_99 = arith.constant 512 : i32
      %add3A_100 = arith.addi %mul3A_14, %add3A_99 : i32
      %run_scoped3A_101 = arith.constant 0 : i32
      "tpu.region"() ({
        %run_scoped3A_172 = tpu.sem_alloc : memref<!tpu.dma_semaphore, #tpu.memory_space<semaphore_mem>>
        %dma_start3A = arith.constant 0 : i32
        %dma_start3A_173 = arith.constant 0 : i32
        %dma_start3A_174 = tpu.memref_slice %arg6[%run_scoped3A_101, %dma_start3A, %dma_start3A_173] : memref<3x512x16xf32, #tpu.memory_space<vmem>> -> memref<1x512x16xf32, #tpu.memory_space<vmem>>
        %dma_start3A_175 = tpu.memref_squeeze %dma_start3A_174 : memref<1x512x16xf32, #tpu.memory_space<vmem>> -> memref<512x16xf32, #tpu.memory_space<vmem>>
        %dma_start3A_176 = arith.constant 0 : i32
        %dma_start3A_177 = tpu.memref_slice %arg7[%add3A_100, %dma_start3A_176] : memref<100096x16xf32, #tpu.memory_space<vmem_shared>> -> memref<512x16xf32, #tpu.memory_space<vmem_shared>>
        %dma_start3A_178 = arith.constant 0 : i32
        %dma_start3A_179 = arith.constant 0 : i32
        %dma_start3A_180 = tpu.memref_slice %arg6[%run_scoped3A_101, %dma_start3A_178, %dma_start3A_179] : memref<3x512x16xf32, #tpu.memory_space<vmem>> -> memref<1x512x16xf32, #tpu.memory_space<vmem>>
        %dma_start3A_181 = tpu.memref_squeeze %dma_start3A_180 : memref<1x512x16xf32, #tpu.memory_space<vmem>> -> memref<512x16xf32, #tpu.memory_space<vmem>>
        %dma_start3A_182 = arith.constant 0 : i32
        %dma_start3A_183 = tpu.memref_slice %arg7[%add3A_100, %dma_start3A_182] : memref<100096x16xf32, #tpu.memory_space<vmem_shared>> -> memref<512x16xf32, #tpu.memory_space<vmem_shared>>
        tpu.enqueue_dma source(%dma_start3A_183 : memref<512x16xf32, #tpu.memory_space<vmem_shared>>) target(%dma_start3A_181 : memref<512x16xf32, #tpu.memory_space<vmem>>) target_semaphore(%run_scoped3A_172 : memref<!tpu.dma_semaphore, #tpu.memory_space<semaphore_mem>>)
        %dma_wait3A_184 = arith.constant 0 : i32
        %dma_wait3A_185 = arith.constant 0 : i32
        %dma_wait3A_186 = tpu.memref_slice %arg6[%run_scoped3A_101, %dma_wait3A_184, %dma_wait3A_185] : memref<3x512x16xf32, #tpu.memory_space<vmem>> -> memref<1x512x16xf32, #tpu.memory_space<vmem>>
        %dma_wait3A_187 = tpu.memref_squeeze %dma_wait3A_186 : memref<1x512x16xf32, #tpu.memory_space<vmem>> -> memref<512x16xf32, #tpu.memory_space<vmem>>
        %dma_wait3A_188 = arith.constant 0 : i32
        %dma_wait3A_189 = tpu.memref_slice %arg7[%add3A_100, %dma_wait3A_188] : memref<100096x16xf32, #tpu.memory_space<vmem_shared>> -> memref<512x16xf32, #tpu.memory_space<vmem_shared>>
        %dma_wait3A_190 = arith.constant 0 : i32
        %dma_wait3A_191 = arith.constant 0 : i32
        %dma_wait3A_192 = tpu.memref_slice %arg6[%run_scoped3A_101, %dma_wait3A_190, %dma_wait3A_191] : memref<3x512x16xf32, #tpu.memory_space<vmem>> -> memref<1x512x16xf32, #tpu.memory_space<vmem>>
        %dma_wait3A_193 = tpu.memref_squeeze %dma_wait3A_192 : memref<1x512x16xf32, #tpu.memory_space<vmem>> -> memref<512x16xf32, #tpu.memory_space<vmem>>
        %dma_wait3A_194 = arith.constant 0 : i32
        %dma_wait3A_195 = tpu.memref_slice %arg7[%add3A_100, %dma_wait3A_194] : memref<100096x16xf32, #tpu.memory_space<vmem_shared>> -> memref<512x16xf32, #tpu.memory_space<vmem_shared>>
        tpu.wait_dma2 semaphore(%run_scoped3A_172 : memref<!tpu.dma_semaphore, #tpu.memory_space<semaphore_mem>>) src(%dma_wait3A_195 : memref<512x16xf32, #tpu.memory_space<vmem_shared>>) dst(%dma_wait3A_193 : memref<512x16xf32, #tpu.memory_space<vmem>>)
        tpu.yield
      }) : () -> ()
      %add3A_102 = arith.constant 512 : i32
      %add3A_103 = arith.addi %mul3A_14, %add3A_102 : i32
      %run_scoped3A_104 = arith.constant 0 : i32
      "tpu.region"() ({
        %run_scoped3A_172 = tpu.sem_alloc : memref<!tpu.dma_semaphore, #tpu.memory_space<semaphore_mem>>
        %dma_start3A = arith.constant 0 : i32
        %dma_start3A_173 = arith.constant 0 : i32
        %dma_start3A_174 = tpu.memref_slice %arg6[%run_scoped3A_104, %dma_start3A, %dma_start3A_173] : memref<3x512x16xf32, #tpu.memory_space<vmem>> -> memref<1x512x16xf32, #tpu.memory_space<vmem>>
        %dma_start3A_175 = tpu.memref_squeeze %dma_start3A_174 : memref<1x512x16xf32, #tpu.memory_space<vmem>> -> memref<512x16xf32, #tpu.memory_space<vmem>>
        %dma_start3A_176 = tpu.memref_slice %arg4[%add3A_103, %mul3A_12] : memref<100096x128xf32, #tpu.memory_space<hbm>> -> memref<512x16xf32, #tpu.memory_space<hbm>>
        %dma_start3A_177 = tpu.memref_slice %arg4[%add3A_103, %mul3A_12] : memref<100096x128xf32, #tpu.memory_space<hbm>> -> memref<512x16xf32, #tpu.memory_space<hbm>>
        %dma_start3A_178 = arith.constant 0 : i32
        %dma_start3A_179 = arith.constant 0 : i32
        %dma_start3A_180 = tpu.memref_slice %arg6[%run_scoped3A_104, %dma_start3A_178, %dma_start3A_179] : memref<3x512x16xf32, #tpu.memory_space<vmem>> -> memref<1x512x16xf32, #tpu.memory_space<vmem>>
        %dma_start3A_181 = tpu.memref_squeeze %dma_start3A_180 : memref<1x512x16xf32, #tpu.memory_space<vmem>> -> memref<512x16xf32, #tpu.memory_space<vmem>>
        tpu.enqueue_dma source(%dma_start3A_181 : memref<512x16xf32, #tpu.memory_space<vmem>>) target(%dma_start3A_177 : memref<512x16xf32, #tpu.memory_space<hbm>>) target_semaphore(%run_scoped3A_172 : memref<!tpu.dma_semaphore, #tpu.memory_space<semaphore_mem>>)
        %dma_wait3A_182 = arith.constant 0 : i32
        %dma_wait3A_183 = arith.constant 0 : i32
        %dma_wait3A_184 = tpu.memref_slice %arg6[%run_scoped3A_104, %dma_wait3A_182, %dma_wait3A_183] : memref<3x512x16xf32, #tpu.memory_space<vmem>> -> memref<1x512x16xf32, #tpu.memory_space<vmem>>
        %dma_wait3A_185 = tpu.memref_squeeze %dma_wait3A_184 : memref<1x512x16xf32, #tpu.memory_space<vmem>> -> memref<512x16xf32, #tpu.memory_space<vmem>>
        %dma_wait3A_186 = tpu.memref_slice %arg4[%add3A_103, %mul3A_12] : memref<100096x128xf32, #tpu.memory_space<hbm>> -> memref<512x16xf32, #tpu.memory_space<hbm>>
        %dma_wait3A_187 = tpu.memref_slice %arg4[%add3A_103, %mul3A_12] : memref<100096x128xf32, #tpu.memory_space<hbm>> -> memref<512x16xf32, #tpu.memory_space<hbm>>
        %dma_wait3A_188 = arith.constant 0 : i32
        %dma_wait3A_189 = arith.constant 0 : i32
        %dma_wait3A_190 = tpu.memref_slice %arg6[%run_scoped3A_104, %dma_wait3A_188, %dma_wait3A_189] : memref<3x512x16xf32, #tpu.memory_space<vmem>> -> memref<1x512x16xf32, #tpu.memory_space<vmem>>
        %dma_wait3A_191 = tpu.memref_squeeze %dma_wait3A_190 : memref<1x512x16xf32, #tpu.memory_space<vmem>> -> memref<512x16xf32, #tpu.memory_space<vmem>>
        tpu.wait_dma2 semaphore(%run_scoped3A_172 : memref<!tpu.dma_semaphore, #tpu.memory_space<semaphore_mem>>) src(%dma_wait3A_191 : memref<512x16xf32, #tpu.memory_space<vmem>>) dst(%dma_wait3A_187 : memref<512x16xf32, #tpu.memory_space<hbm>>)
        tpu.yield
      }) : () -> ()
      %add3A_105 = arith.constant 1024 : i32
      %add3A_106 = arith.addi %mul3A_14, %add3A_105 : i32
      %run_scoped3A_107 = arith.constant 0 : i32
      "tpu.region"() ({
        %run_scoped3A_172 = tpu.sem_alloc : memref<!tpu.dma_semaphore, #tpu.memory_space<semaphore_mem>>
        %dma_start3A = arith.constant 0 : i32
        %dma_start3A_173 = arith.constant 0 : i32
        %dma_start3A_174 = tpu.memref_slice %arg6[%run_scoped3A_107, %dma_start3A, %dma_start3A_173] : memref<3x512x16xf32, #tpu.memory_space<vmem>> -> memref<1x512x16xf32, #tpu.memory_space<vmem>>
        %dma_start3A_175 = tpu.memref_squeeze %dma_start3A_174 : memref<1x512x16xf32, #tpu.memory_space<vmem>> -> memref<512x16xf32, #tpu.memory_space<vmem>>
        %dma_start3A_176 = arith.constant 0 : i32
        %dma_start3A_177 = tpu.memref_slice %arg7[%add3A_106, %dma_start3A_176] : memref<100096x16xf32, #tpu.memory_space<vmem_shared>> -> memref<512x16xf32, #tpu.memory_space<vmem_shared>>
        %dma_start3A_178 = arith.constant 0 : i32
        %dma_start3A_179 = arith.constant 0 : i32
        %dma_start3A_180 = tpu.memref_slice %arg6[%run_scoped3A_107, %dma_start3A_178, %dma_start3A_179] : memref<3x512x16xf32, #tpu.memory_space<vmem>> -> memref<1x512x16xf32, #tpu.memory_space<vmem>>
        %dma_start3A_181 = tpu.memref_squeeze %dma_start3A_180 : memref<1x512x16xf32, #tpu.memory_space<vmem>> -> memref<512x16xf32, #tpu.memory_space<vmem>>
        %dma_start3A_182 = arith.constant 0 : i32
        %dma_start3A_183 = tpu.memref_slice %arg7[%add3A_106, %dma_start3A_182] : memref<100096x16xf32, #tpu.memory_space<vmem_shared>> -> memref<512x16xf32, #tpu.memory_space<vmem_shared>>
        tpu.enqueue_dma source(%dma_start3A_183 : memref<512x16xf32, #tpu.memory_space<vmem_shared>>) target(%dma_start3A_181 : memref<512x16xf32, #tpu.memory_space<vmem>>) target_semaphore(%run_scoped3A_172 : memref<!tpu.dma_semaphore, #tpu.memory_space<semaphore_mem>>)
        %dma_wait3A_184 = arith.constant 0 : i32
        %dma_wait3A_185 = arith.constant 0 : i32
        %dma_wait3A_186 = tpu.memref_slice %arg6[%run_scoped3A_107, %dma_wait3A_184, %dma_wait3A_185] : memref<3x512x16xf32, #tpu.memory_space<vmem>> -> memref<1x512x16xf32, #tpu.memory_space<vmem>>
        %dma_wait3A_187 = tpu.memref_squeeze %dma_wait3A_186 : memref<1x512x16xf32, #tpu.memory_space<vmem>> -> memref<512x16xf32, #tpu.memory_space<vmem>>
        %dma_wait3A_188 = arith.constant 0 : i32
        %dma_wait3A_189 = tpu.memref_slice %arg7[%add3A_106, %dma_wait3A_188] : memref<100096x16xf32, #tpu.memory_space<vmem_shared>> -> memref<512x16xf32, #tpu.memory_space<vmem_shared>>
        %dma_wait3A_190 = arith.constant 0 : i32
        %dma_wait3A_191 = arith.constant 0 : i32
        %dma_wait3A_192 = tpu.memref_slice %arg6[%run_scoped3A_107, %dma_wait3A_190, %dma_wait3A_191] : memref<3x512x16xf32, #tpu.memory_space<vmem>> -> memref<1x512x16xf32, #tpu.memory_space<vmem>>
        %dma_wait3A_193 = tpu.memref_squeeze %dma_wait3A_192 : memref<1x512x16xf32, #tpu.memory_space<vmem>> -> memref<512x16xf32, #tpu.memory_space<vmem>>
        %dma_wait3A_194 = arith.constant 0 : i32
        %dma_wait3A_195 = tpu.memref_slice %arg7[%add3A_106, %dma_wait3A_194] : memref<100096x16xf32, #tpu.memory_space<vmem_shared>> -> memref<512x16xf32, #tpu.memory_space<vmem_shared>>
        tpu.wait_dma2 semaphore(%run_scoped3A_172 : memref<!tpu.dma_semaphore, #tpu.memory_space<semaphore_mem>>) src(%dma_wait3A_195 : memref<512x16xf32, #tpu.memory_space<vmem_shared>>) dst(%dma_wait3A_193 : memref<512x16xf32, #tpu.memory_space<vmem>>)
        tpu.yield
      }) : () -> ()
      %add3A_108 = arith.constant 1024 : i32
      %add3A_109 = arith.addi %mul3A_14, %add3A_108 : i32
      %run_scoped3A_110 = arith.constant 0 : i32
      "tpu.region"() ({
        %run_scoped3A_172 = tpu.sem_alloc : memref<!tpu.dma_semaphore, #tpu.memory_space<semaphore_mem>>
        %dma_start3A = arith.constant 0 : i32
        %dma_start3A_173 = arith.constant 0 : i32
        %dma_start3A_174 = tpu.memref_slice %arg6[%run_scoped3A_110, %dma_start3A, %dma_start3A_173] : memref<3x512x16xf32, #tpu.memory_space<vmem>> -> memref<1x512x16xf32, #tpu.memory_space<vmem>>
        %dma_start3A_175 = tpu.memref_squeeze %dma_start3A_174 : memref<1x512x16xf32, #tpu.memory_space<vmem>> -> memref<512x16xf32, #tpu.memory_space<vmem>>
        %dma_start3A_176 = tpu.memref_slice %arg4[%add3A_109, %mul3A_12] : memref<100096x128xf32, #tpu.memory_space<hbm>> -> memref<512x16xf32, #tpu.memory_space<hbm>>
        %dma_start3A_177 = tpu.memref_slice %arg4[%add3A_109, %mul3A_12] : memref<100096x128xf32, #tpu.memory_space<hbm>> -> memref<512x16xf32, #tpu.memory_space<hbm>>
        %dma_start3A_178 = arith.constant 0 : i32
        %dma_start3A_179 = arith.constant 0 : i32
        %dma_start3A_180 = tpu.memref_slice %arg6[%run_scoped3A_110, %dma_start3A_178, %dma_start3A_179] : memref<3x512x16xf32, #tpu.memory_space<vmem>> -> memref<1x512x16xf32, #tpu.memory_space<vmem>>
        %dma_start3A_181 = tpu.memref_squeeze %dma_start3A_180 : memref<1x512x16xf32, #tpu.memory_space<vmem>> -> memref<512x16xf32, #tpu.memory_space<vmem>>
        tpu.enqueue_dma source(%dma_start3A_181 : memref<512x16xf32, #tpu.memory_space<vmem>>) target(%dma_start3A_177 : memref<512x16xf32, #tpu.memory_space<hbm>>) target_semaphore(%run_scoped3A_172 : memref<!tpu.dma_semaphore, #tpu.memory_space<semaphore_mem>>)
        %dma_wait3A_182 = arith.constant 0 : i32
        %dma_wait3A_183 = arith.constant 0 : i32
        %dma_wait3A_184 = tpu.memref_slice %arg6[%run_scoped3A_110, %dma_wait3A_182, %dma_wait3A_183] : memref<3x512x16xf32, #tpu.memory_space<vmem>> -> memref<1x512x16xf32, #tpu.memory_space<vmem>>
        %dma_wait3A_185 = tpu.memref_squeeze %dma_wait3A_184 : memref<1x512x16xf32, #tpu.memory_space<vmem>> -> memref<512x16xf32, #tpu.memory_space<vmem>>
        %dma_wait3A_186 = tpu.memref_slice %arg4[%add3A_109, %mul3A_12] : memref<100096x128xf32, #tpu.memory_space<hbm>> -> memref<512x16xf32, #tpu.memory_space<hbm>>
        %dma_wait3A_187 = tpu.memref_slice %arg4[%add3A_109, %mul3A_12] : memref<100096x128xf32, #tpu.memory_space<hbm>> -> memref<512x16xf32, #tpu.memory_space<hbm>>
        %dma_wait3A_188 = arith.constant 0 : i32
        %dma_wait3A_189 = arith.constant 0 : i32
        %dma_wait3A_190 = tpu.memref_slice %arg6[%run_scoped3A_110, %dma_wait3A_188, %dma_wait3A_189] : memref<3x512x16xf32, #tpu.memory_space<vmem>> -> memref<1x512x16xf32, #tpu.memory_space<vmem>>
        %dma_wait3A_191 = tpu.memref_squeeze %dma_wait3A_190 : memref<1x512x16xf32, #tpu.memory_space<vmem>> -> memref<512x16xf32, #tpu.memory_space<vmem>>
        tpu.wait_dma2 semaphore(%run_scoped3A_172 : memref<!tpu.dma_semaphore, #tpu.memory_space<semaphore_mem>>) src(%dma_wait3A_191 : memref<512x16xf32, #tpu.memory_space<vmem>>) dst(%dma_wait3A_187 : memref<512x16xf32, #tpu.memory_space<hbm>>)
        tpu.yield
      }) : () -> ()
      %add3A_111 = arith.constant 1536 : i32
      %add3A_112 = arith.addi %mul3A_14, %add3A_111 : i32
      %run_scoped3A_113 = arith.constant 0 : i32
      "tpu.region"() ({
        %run_scoped3A_172 = tpu.sem_alloc : memref<!tpu.dma_semaphore, #tpu.memory_space<semaphore_mem>>
        %dma_start3A = arith.constant 0 : i32
        %dma_start3A_173 = arith.constant 0 : i32
        %dma_start3A_174 = tpu.memref_slice %arg6[%run_scoped3A_113, %dma_start3A, %dma_start3A_173] : memref<3x512x16xf32, #tpu.memory_space<vmem>> -> memref<1x512x16xf32, #tpu.memory_space<vmem>>
        %dma_start3A_175 = tpu.memref_squeeze %dma_start3A_174 : memref<1x512x16xf32, #tpu.memory_space<vmem>> -> memref<512x16xf32, #tpu.memory_space<vmem>>
        %dma_start3A_176 = arith.constant 0 : i32
        %dma_start3A_177 = tpu.memref_slice %arg7[%add3A_112, %dma_start3A_176] : memref<100096x16xf32, #tpu.memory_space<vmem_shared>> -> memref<512x16xf32, #tpu.memory_space<vmem_shared>>
        %dma_start3A_178 = arith.constant 0 : i32
        %dma_start3A_179 = arith.constant 0 : i32
        %dma_start3A_180 = tpu.memref_slice %arg6[%run_scoped3A_113, %dma_start3A_178, %dma_start3A_179] : memref<3x512x16xf32, #tpu.memory_space<vmem>> -> memref<1x512x16xf32, #tpu.memory_space<vmem>>
        %dma_start3A_181 = tpu.memref_squeeze %dma_start3A_180 : memref<1x512x16xf32, #tpu.memory_space<vmem>> -> memref<512x16xf32, #tpu.memory_space<vmem>>
        %dma_start3A_182 = arith.constant 0 : i32
        %dma_start3A_183 = tpu.memref_slice %arg7[%add3A_112, %dma_start3A_182] : memref<100096x16xf32, #tpu.memory_space<vmem_shared>> -> memref<512x16xf32, #tpu.memory_space<vmem_shared>>
        tpu.enqueue_dma source(%dma_start3A_183 : memref<512x16xf32, #tpu.memory_space<vmem_shared>>) target(%dma_start3A_181 : memref<512x16xf32, #tpu.memory_space<vmem>>) target_semaphore(%run_scoped3A_172 : memref<!tpu.dma_semaphore, #tpu.memory_space<semaphore_mem>>)
        %dma_wait3A_184 = arith.constant 0 : i32
        %dma_wait3A_185 = arith.constant 0 : i32
        %dma_wait3A_186 = tpu.memref_slice %arg6[%run_scoped3A_113, %dma_wait3A_184, %dma_wait3A_185] : memref<3x512x16xf32, #tpu.memory_space<vmem>> -> memref<1x512x16xf32, #tpu.memory_space<vmem>>
        %dma_wait3A_187 = tpu.memref_squeeze %dma_wait3A_186 : memref<1x512x16xf32, #tpu.memory_space<vmem>> -> memref<512x16xf32, #tpu.memory_space<vmem>>
        %dma_wait3A_188 = arith.constant 0 : i32
        %dma_wait3A_189 = tpu.memref_slice %arg7[%add3A_112, %dma_wait3A_188] : memref<100096x16xf32, #tpu.memory_space<vmem_shared>> -> memref<512x16xf32, #tpu.memory_space<vmem_shared>>
        %dma_wait3A_190 = arith.constant 0 : i32
        %dma_wait3A_191 = arith.constant 0 : i32
        %dma_wait3A_192 = tpu.memref_slice %arg6[%run_scoped3A_113, %dma_wait3A_190, %dma_wait3A_191] : memref<3x512x16xf32, #tpu.memory_space<vmem>> -> memref<1x512x16xf32, #tpu.memory_space<vmem>>
        %dma_wait3A_193 = tpu.memref_squeeze %dma_wait3A_192 : memref<1x512x16xf32, #tpu.memory_space<vmem>> -> memref<512x16xf32, #tpu.memory_space<vmem>>
        %dma_wait3A_194 = arith.constant 0 : i32
        %dma_wait3A_195 = tpu.memref_slice %arg7[%add3A_112, %dma_wait3A_194] : memref<100096x16xf32, #tpu.memory_space<vmem_shared>> -> memref<512x16xf32, #tpu.memory_space<vmem_shared>>
        tpu.wait_dma2 semaphore(%run_scoped3A_172 : memref<!tpu.dma_semaphore, #tpu.memory_space<semaphore_mem>>) src(%dma_wait3A_195 : memref<512x16xf32, #tpu.memory_space<vmem_shared>>) dst(%dma_wait3A_193 : memref<512x16xf32, #tpu.memory_space<vmem>>)
        tpu.yield
      }) : () -> ()
      %add3A_114 = arith.constant 1536 : i32
      %add3A_115 = arith.addi %mul3A_14, %add3A_114 : i32
      %run_scoped3A_116 = arith.constant 0 : i32
      "tpu.region"() ({
        %run_scoped3A_172 = tpu.sem_alloc : memref<!tpu.dma_semaphore, #tpu.memory_space<semaphore_mem>>
        %dma_start3A = arith.constant 0 : i32
        %dma_start3A_173 = arith.constant 0 : i32
        %dma_start3A_174 = tpu.memref_slice %arg6[%run_scoped3A_116, %dma_start3A, %dma_start3A_173] : memref<3x512x16xf32, #tpu.memory_space<vmem>> -> memref<1x512x16xf32, #tpu.memory_space<vmem>>
        %dma_start3A_175 = tpu.memref_squeeze %dma_start3A_174 : memref<1x512x16xf32, #tpu.memory_space<vmem>> -> memref<512x16xf32, #tpu.memory_space<vmem>>
        %dma_start3A_176 = tpu.memref_slice %arg4[%add3A_115, %mul3A_12] : memref<100096x128xf32, #tpu.memory_space<hbm>> -> memref<512x16xf32, #tpu.memory_space<hbm>>
        %dma_start3A_177 = tpu.memref_slice %arg4[%add3A_115, %mul3A_12] : memref<100096x128xf32, #tpu.memory_space<hbm>> -> memref<512x16xf32, #tpu.memory_space<hbm>>
        %dma_start3A_178 = arith.constant 0 : i32
        %dma_start3A_179 = arith.constant 0 : i32
        %dma_start3A_180 = tpu.memref_slice %arg6[%run_scoped3A_116, %dma_start3A_178, %dma_start3A_179] : memref<3x512x16xf32, #tpu.memory_space<vmem>> -> memref<1x512x16xf32, #tpu.memory_space<vmem>>
        %dma_start3A_181 = tpu.memref_squeeze %dma_start3A_180 : memref<1x512x16xf32, #tpu.memory_space<vmem>> -> memref<512x16xf32, #tpu.memory_space<vmem>>
        tpu.enqueue_dma source(%dma_start3A_181 : memref<512x16xf32, #tpu.memory_space<vmem>>) target(%dma_start3A_177 : memref<512x16xf32, #tpu.memory_space<hbm>>) target_semaphore(%run_scoped3A_172 : memref<!tpu.dma_semaphore, #tpu.memory_space<semaphore_mem>>)
        %dma_wait3A_182 = arith.constant 0 : i32
        %dma_wait3A_183 = arith.constant 0 : i32
        %dma_wait3A_184 = tpu.memref_slice %arg6[%run_scoped3A_116, %dma_wait3A_182, %dma_wait3A_183] : memref<3x512x16xf32, #tpu.memory_space<vmem>> -> memref<1x512x16xf32, #tpu.memory_space<vmem>>
        %dma_wait3A_185 = tpu.memref_squeeze %dma_wait3A_184 : memref<1x512x16xf32, #tpu.memory_space<vmem>> -> memref<512x16xf32, #tpu.memory_space<vmem>>
        %dma_wait3A_186 = tpu.memref_slice %arg4[%add3A_115, %mul3A_12] : memref<100096x128xf32, #tpu.memory_space<hbm>> -> memref<512x16xf32, #tpu.memory_space<hbm>>
        %dma_wait3A_187 = tpu.memref_slice %arg4[%add3A_115, %mul3A_12] : memref<100096x128xf32, #tpu.memory_space<hbm>> -> memref<512x16xf32, #tpu.memory_space<hbm>>
        %dma_wait3A_188 = arith.constant 0 : i32
        %dma_wait3A_189 = arith.constant 0 : i32
        %dma_wait3A_190 = tpu.memref_slice %arg6[%run_scoped3A_116, %dma_wait3A_188, %dma_wait3A_189] : memref<3x512x16xf32, #tpu.memory_space<vmem>> -> memref<1x512x16xf32, #tpu.memory_space<vmem>>
        %dma_wait3A_191 = tpu.memref_squeeze %dma_wait3A_190 : memref<1x512x16xf32, #tpu.memory_space<vmem>> -> memref<512x16xf32, #tpu.memory_space<vmem>>
        tpu.wait_dma2 semaphore(%run_scoped3A_172 : memref<!tpu.dma_semaphore, #tpu.memory_space<semaphore_mem>>) src(%dma_wait3A_191 : memref<512x16xf32, #tpu.memory_space<vmem>>) dst(%dma_wait3A_187 : memref<512x16xf32, #tpu.memory_space<hbm>>)
        tpu.yield
      }) : () -> ()
      %add3A_117 = arith.constant 2048 : i32
      %add3A_118 = arith.addi %mul3A_14, %add3A_117 : i32
      %run_scoped3A_119 = arith.constant 0 : i32
      "tpu.region"() ({
        %run_scoped3A_172 = tpu.sem_alloc : memref<!tpu.dma_semaphore, #tpu.memory_space<semaphore_mem>>
        %dma_start3A = arith.constant 0 : i32
        %dma_start3A_173 = arith.constant 0 : i32
        %dma_start3A_174 = tpu.memref_slice %arg6[%run_scoped3A_119, %dma_start3A, %dma_start3A_173] : memref<3x512x16xf32, #tpu.memory_space<vmem>> -> memref<1x512x16xf32, #tpu.memory_space<vmem>>
        %dma_start3A_175 = tpu.memref_squeeze %dma_start3A_174 : memref<1x512x16xf32, #tpu.memory_space<vmem>> -> memref<512x16xf32, #tpu.memory_space<vmem>>
        %dma_start3A_176 = arith.constant 0 : i32
        %dma_start3A_177 = tpu.memref_slice %arg7[%add3A_118, %dma_start3A_176] : memref<100096x16xf32, #tpu.memory_space<vmem_shared>> -> memref<512x16xf32, #tpu.memory_space<vmem_shared>>
        %dma_start3A_178 = arith.constant 0 : i32
        %dma_start3A_179 = arith.constant 0 : i32
        %dma_start3A_180 = tpu.memref_slice %arg6[%run_scoped3A_119, %dma_start3A_178, %dma_start3A_179] : memref<3x512x16xf32, #tpu.memory_space<vmem>> -> memref<1x512x16xf32, #tpu.memory_space<vmem>>
        %dma_start3A_181 = tpu.memref_squeeze %dma_start3A_180 : memref<1x512x16xf32, #tpu.memory_space<vmem>> -> memref<512x16xf32, #tpu.memory_space<vmem>>
        %dma_start3A_182 = arith.constant 0 : i32
        %dma_start3A_183 = tpu.memref_slice %arg7[%add3A_118, %dma_start3A_182] : memref<100096x16xf32, #tpu.memory_space<vmem_shared>> -> memref<512x16xf32, #tpu.memory_space<vmem_shared>>
        tpu.enqueue_dma source(%dma_start3A_183 : memref<512x16xf32, #tpu.memory_space<vmem_shared>>) target(%dma_start3A_181 : memref<512x16xf32, #tpu.memory_space<vmem>>) target_semaphore(%run_scoped3A_172 : memref<!tpu.dma_semaphore, #tpu.memory_space<semaphore_mem>>)
        %dma_wait3A_184 = arith.constant 0 : i32
        %dma_wait3A_185 = arith.constant 0 : i32
        %dma_wait3A_186 = tpu.memref_slice %arg6[%run_scoped3A_119, %dma_wait3A_184, %dma_wait3A_185] : memref<3x512x16xf32, #tpu.memory_space<vmem>> -> memref<1x512x16xf32, #tpu.memory_space<vmem>>
        %dma_wait3A_187 = tpu.memref_squeeze %dma_wait3A_186 : memref<1x512x16xf32, #tpu.memory_space<vmem>> -> memref<512x16xf32, #tpu.memory_space<vmem>>
        %dma_wait3A_188 = arith.constant 0 : i32
        %dma_wait3A_189 = tpu.memref_slice %arg7[%add3A_118, %dma_wait3A_188] : memref<100096x16xf32, #tpu.memory_space<vmem_shared>> -> memref<512x16xf32, #tpu.memory_space<vmem_shared>>
        %dma_wait3A_190 = arith.constant 0 : i32
        %dma_wait3A_191 = arith.constant 0 : i32
        %dma_wait3A_192 = tpu.memref_slice %arg6[%run_scoped3A_119, %dma_wait3A_190, %dma_wait3A_191] : memref<3x512x16xf32, #tpu.memory_space<vmem>> -> memref<1x512x16xf32, #tpu.memory_space<vmem>>
        %dma_wait3A_193 = tpu.memref_squeeze %dma_wait3A_192 : memref<1x512x16xf32, #tpu.memory_space<vmem>> -> memref<512x16xf32, #tpu.memory_space<vmem>>
        %dma_wait3A_194 = arith.constant 0 : i32
        %dma_wait3A_195 = tpu.memref_slice %arg7[%add3A_118, %dma_wait3A_194] : memref<100096x16xf32, #tpu.memory_space<vmem_shared>> -> memref<512x16xf32, #tpu.memory_space<vmem_shared>>
        tpu.wait_dma2 semaphore(%run_scoped3A_172 : memref<!tpu.dma_semaphore, #tpu.memory_space<semaphore_mem>>) src(%dma_wait3A_195 : memref<512x16xf32, #tpu.memory_space<vmem_shared>>) dst(%dma_wait3A_193 : memref<512x16xf32, #tpu.memory_space<vmem>>)
        tpu.yield
      }) : () -> ()
      %add3A_120 = arith.constant 2048 : i32
      %add3A_121 = arith.addi %mul3A_14, %add3A_120 : i32
      %run_scoped3A_122 = arith.constant 0 : i32
      "tpu.region"() ({
        %run_scoped3A_172 = tpu.sem_alloc : memref<!tpu.dma_semaphore, #tpu.memory_space<semaphore_mem>>
        %dma_start3A = arith.constant 0 : i32
        %dma_start3A_173 = arith.constant 0 : i32
        %dma_start3A_174 = tpu.memref_slice %arg6[%run_scoped3A_122, %dma_start3A, %dma_start3A_173] : memref<3x512x16xf32, #tpu.memory_space<vmem>> -> memref<1x512x16xf32, #tpu.memory_space<vmem>>
        %dma_start3A_175 = tpu.memref_squeeze %dma_start3A_174 : memref<1x512x16xf32, #tpu.memory_space<vmem>> -> memref<512x16xf32, #tpu.memory_space<vmem>>
        %dma_start3A_176 = tpu.memref_slice %arg4[%add3A_121, %mul3A_12] : memref<100096x128xf32, #tpu.memory_space<hbm>> -> memref<512x16xf32, #tpu.memory_space<hbm>>
        %dma_start3A_177 = tpu.memref_slice %arg4[%add3A_121, %mul3A_12] : memref<100096x128xf32, #tpu.memory_space<hbm>> -> memref<512x16xf32, #tpu.memory_space<hbm>>
        %dma_start3A_178 = arith.constant 0 : i32
        %dma_start3A_179 = arith.constant 0 : i32
        %dma_start3A_180 = tpu.memref_slice %arg6[%run_scoped3A_122, %dma_start3A_178, %dma_start3A_179] : memref<3x512x16xf32, #tpu.memory_space<vmem>> -> memref<1x512x16xf32, #tpu.memory_space<vmem>>
        %dma_start3A_181 = tpu.memref_squeeze %dma_start3A_180 : memref<1x512x16xf32, #tpu.memory_space<vmem>> -> memref<512x16xf32, #tpu.memory_space<vmem>>
        tpu.enqueue_dma source(%dma_start3A_181 : memref<512x16xf32, #tpu.memory_space<vmem>>) target(%dma_start3A_177 : memref<512x16xf32, #tpu.memory_space<hbm>>) target_semaphore(%run_scoped3A_172 : memref<!tpu.dma_semaphore, #tpu.memory_space<semaphore_mem>>)
        %dma_wait3A_182 = arith.constant 0 : i32
        %dma_wait3A_183 = arith.constant 0 : i32
        %dma_wait3A_184 = tpu.memref_slice %arg6[%run_scoped3A_122, %dma_wait3A_182, %dma_wait3A_183] : memref<3x512x16xf32, #tpu.memory_space<vmem>> -> memref<1x512x16xf32, #tpu.memory_space<vmem>>
        %dma_wait3A_185 = tpu.memref_squeeze %dma_wait3A_184 : memref<1x512x16xf32, #tpu.memory_space<vmem>> -> memref<512x16xf32, #tpu.memory_space<vmem>>
        %dma_wait3A_186 = tpu.memref_slice %arg4[%add3A_121, %mul3A_12] : memref<100096x128xf32, #tpu.memory_space<hbm>> -> memref<512x16xf32, #tpu.memory_space<hbm>>
        %dma_wait3A_187 = tpu.memref_slice %arg4[%add3A_121, %mul3A_12] : memref<100096x128xf32, #tpu.memory_space<hbm>> -> memref<512x16xf32, #tpu.memory_space<hbm>>
        %dma_wait3A_188 = arith.constant 0 : i32
        %dma_wait3A_189 = arith.constant 0 : i32
        %dma_wait3A_190 = tpu.memref_slice %arg6[%run_scoped3A_122, %dma_wait3A_188, %dma_wait3A_189] : memref<3x512x16xf32, #tpu.memory_space<vmem>> -> memref<1x512x16xf32, #tpu.memory_space<vmem>>
        %dma_wait3A_191 = tpu.memref_squeeze %dma_wait3A_190 : memref<1x512x16xf32, #tpu.memory_space<vmem>> -> memref<512x16xf32, #tpu.memory_space<vmem>>
        tpu.wait_dma2 semaphore(%run_scoped3A_172 : memref<!tpu.dma_semaphore, #tpu.memory_space<semaphore_mem>>) src(%dma_wait3A_191 : memref<512x16xf32, #tpu.memory_space<vmem>>) dst(%dma_wait3A_187 : memref<512x16xf32, #tpu.memory_space<hbm>>)
        tpu.yield
      }) : () -> ()
      %add3A_123 = arith.constant 2560 : i32
      %add3A_124 = arith.addi %mul3A_14, %add3A_123 : i32
      %run_scoped3A_125 = arith.constant 0 : i32
      "tpu.region"() ({
        %run_scoped3A_172 = tpu.sem_alloc : memref<!tpu.dma_semaphore, #tpu.memory_space<semaphore_mem>>
        %dma_start3A = arith.constant 0 : i32
        %dma_start3A_173 = arith.constant 0 : i32
        %dma_start3A_174 = tpu.memref_slice %arg6[%run_scoped3A_125, %dma_start3A, %dma_start3A_173] : memref<3x512x16xf32, #tpu.memory_space<vmem>> -> memref<1x512x16xf32, #tpu.memory_space<vmem>>
        %dma_start3A_175 = tpu.memref_squeeze %dma_start3A_174 : memref<1x512x16xf32, #tpu.memory_space<vmem>> -> memref<512x16xf32, #tpu.memory_space<vmem>>
        %dma_start3A_176 = arith.constant 0 : i32
        %dma_start3A_177 = tpu.memref_slice %arg7[%add3A_124, %dma_start3A_176] : memref<100096x16xf32, #tpu.memory_space<vmem_shared>> -> memref<512x16xf32, #tpu.memory_space<vmem_shared>>
        %dma_start3A_178 = arith.constant 0 : i32
        %dma_start3A_179 = arith.constant 0 : i32
        %dma_start3A_180 = tpu.memref_slice %arg6[%run_scoped3A_125, %dma_start3A_178, %dma_start3A_179] : memref<3x512x16xf32, #tpu.memory_space<vmem>> -> memref<1x512x16xf32, #tpu.memory_space<vmem>>
        %dma_start3A_181 = tpu.memref_squeeze %dma_start3A_180 : memref<1x512x16xf32, #tpu.memory_space<vmem>> -> memref<512x16xf32, #tpu.memory_space<vmem>>
        %dma_start3A_182 = arith.constant 0 : i32
        %dma_start3A_183 = tpu.memref_slice %arg7[%add3A_124, %dma_start3A_182] : memref<100096x16xf32, #tpu.memory_space<vmem_shared>> -> memref<512x16xf32, #tpu.memory_space<vmem_shared>>
        tpu.enqueue_dma source(%dma_start3A_183 : memref<512x16xf32, #tpu.memory_space<vmem_shared>>) target(%dma_start3A_181 : memref<512x16xf32, #tpu.memory_space<vmem>>) target_semaphore(%run_scoped3A_172 : memref<!tpu.dma_semaphore, #tpu.memory_space<semaphore_mem>>)
        %dma_wait3A_184 = arith.constant 0 : i32
        %dma_wait3A_185 = arith.constant 0 : i32
        %dma_wait3A_186 = tpu.memref_slice %arg6[%run_scoped3A_125, %dma_wait3A_184, %dma_wait3A_185] : memref<3x512x16xf32, #tpu.memory_space<vmem>> -> memref<1x512x16xf32, #tpu.memory_space<vmem>>
        %dma_wait3A_187 = tpu.memref_squeeze %dma_wait3A_186 : memref<1x512x16xf32, #tpu.memory_space<vmem>> -> memref<512x16xf32, #tpu.memory_space<vmem>>
        %dma_wait3A_188 = arith.constant 0 : i32
        %dma_wait3A_189 = tpu.memref_slice %arg7[%add3A_124, %dma_wait3A_188] : memref<100096x16xf32, #tpu.memory_space<vmem_shared>> -> memref<512x16xf32, #tpu.memory_space<vmem_shared>>
        %dma_wait3A_190 = arith.constant 0 : i32
        %dma_wait3A_191 = arith.constant 0 : i32
        %dma_wait3A_192 = tpu.memref_slice %arg6[%run_scoped3A_125, %dma_wait3A_190, %dma_wait3A_191] : memref<3x512x16xf32, #tpu.memory_space<vmem>> -> memref<1x512x16xf32, #tpu.memory_space<vmem>>
        %dma_wait3A_193 = tpu.memref_squeeze %dma_wait3A_192 : memref<1x512x16xf32, #tpu.memory_space<vmem>> -> memref<512x16xf32, #tpu.memory_space<vmem>>
        %dma_wait3A_194 = arith.constant 0 : i32
        %dma_wait3A_195 = tpu.memref_slice %arg7[%add3A_124, %dma_wait3A_194] : memref<100096x16xf32, #tpu.memory_space<vmem_shared>> -> memref<512x16xf32, #tpu.memory_space<vmem_shared>>
        tpu.wait_dma2 semaphore(%run_scoped3A_172 : memref<!tpu.dma_semaphore, #tpu.memory_space<semaphore_mem>>) src(%dma_wait3A_195 : memref<512x16xf32, #tpu.memory_space<vmem_shared>>) dst(%dma_wait3A_193 : memref<512x16xf32, #tpu.memory_space<vmem>>)
        tpu.yield
      }) : () -> ()
      %add3A_126 = arith.constant 2560 : i32
      %add3A_127 = arith.addi %mul3A_14, %add3A_126 : i32
      %run_scoped3A_128 = arith.constant 0 : i32
      "tpu.region"() ({
        %run_scoped3A_172 = tpu.sem_alloc : memref<!tpu.dma_semaphore, #tpu.memory_space<semaphore_mem>>
        %dma_start3A = arith.constant 0 : i32
        %dma_start3A_173 = arith.constant 0 : i32
        %dma_start3A_174 = tpu.memref_slice %arg6[%run_scoped3A_128, %dma_start3A, %dma_start3A_173] : memref<3x512x16xf32, #tpu.memory_space<vmem>> -> memref<1x512x16xf32, #tpu.memory_space<vmem>>
        %dma_start3A_175 = tpu.memref_squeeze %dma_start3A_174 : memref<1x512x16xf32, #tpu.memory_space<vmem>> -> memref<512x16xf32, #tpu.memory_space<vmem>>
        %dma_start3A_176 = tpu.memref_slice %arg4[%add3A_127, %mul3A_12] : memref<100096x128xf32, #tpu.memory_space<hbm>> -> memref<512x16xf32, #tpu.memory_space<hbm>>
        %dma_start3A_177 = tpu.memref_slice %arg4[%add3A_127, %mul3A_12] : memref<100096x128xf32, #tpu.memory_space<hbm>> -> memref<512x16xf32, #tpu.memory_space<hbm>>
        %dma_start3A_178 = arith.constant 0 : i32
        %dma_start3A_179 = arith.constant 0 : i32
        %dma_start3A_180 = tpu.memref_slice %arg6[%run_scoped3A_128, %dma_start3A_178, %dma_start3A_179] : memref<3x512x16xf32, #tpu.memory_space<vmem>> -> memref<1x512x16xf32, #tpu.memory_space<vmem>>
        %dma_start3A_181 = tpu.memref_squeeze %dma_start3A_180 : memref<1x512x16xf32, #tpu.memory_space<vmem>> -> memref<512x16xf32, #tpu.memory_space<vmem>>
        tpu.enqueue_dma source(%dma_start3A_181 : memref<512x16xf32, #tpu.memory_space<vmem>>) target(%dma_start3A_177 : memref<512x16xf32, #tpu.memory_space<hbm>>) target_semaphore(%run_scoped3A_172 : memref<!tpu.dma_semaphore, #tpu.memory_space<semaphore_mem>>)
        %dma_wait3A_182 = arith.constant 0 : i32
        %dma_wait3A_183 = arith.constant 0 : i32
        %dma_wait3A_184 = tpu.memref_slice %arg6[%run_scoped3A_128, %dma_wait3A_182, %dma_wait3A_183] : memref<3x512x16xf32, #tpu.memory_space<vmem>> -> memref<1x512x16xf32, #tpu.memory_space<vmem>>
        %dma_wait3A_185 = tpu.memref_squeeze %dma_wait3A_184 : memref<1x512x16xf32, #tpu.memory_space<vmem>> -> memref<512x16xf32, #tpu.memory_space<vmem>>
        %dma_wait3A_186 = tpu.memref_slice %arg4[%add3A_127, %mul3A_12] : memref<100096x128xf32, #tpu.memory_space<hbm>> -> memref<512x16xf32, #tpu.memory_space<hbm>>
        %dma_wait3A_187 = tpu.memref_slice %arg4[%add3A_127, %mul3A_12] : memref<100096x128xf32, #tpu.memory_space<hbm>> -> memref<512x16xf32, #tpu.memory_space<hbm>>
        %dma_wait3A_188 = arith.constant 0 : i32
        %dma_wait3A_189 = arith.constant 0 : i32
        %dma_wait3A_190 = tpu.memref_slice %arg6[%run_scoped3A_128, %dma_wait3A_188, %dma_wait3A_189] : memref<3x512x16xf32, #tpu.memory_space<vmem>> -> memref<1x512x16xf32, #tpu.memory_space<vmem>>
        %dma_wait3A_191 = tpu.memref_squeeze %dma_wait3A_190 : memref<1x512x16xf32, #tpu.memory_space<vmem>> -> memref<512x16xf32, #tpu.memory_space<vmem>>
        tpu.wait_dma2 semaphore(%run_scoped3A_172 : memref<!tpu.dma_semaphore, #tpu.memory_space<semaphore_mem>>) src(%dma_wait3A_191 : memref<512x16xf32, #tpu.memory_space<vmem>>) dst(%dma_wait3A_187 : memref<512x16xf32, #tpu.memory_space<hbm>>)
        tpu.yield
      }) : () -> ()
      %add3A_129 = arith.constant 3072 : i32
      %add3A_130 = arith.addi %mul3A_14, %add3A_129 : i32
      %run_scoped3A_131 = arith.constant 0 : i32
      "tpu.region"() ({
        %run_scoped3A_172 = tpu.sem_alloc : memref<!tpu.dma_semaphore, #tpu.memory_space<semaphore_mem>>
        %dma_start3A = arith.constant 0 : i32
        %dma_start3A_173 = arith.constant 0 : i32
        %dma_start3A_174 = tpu.memref_slice %arg6[%run_scoped3A_131, %dma_start3A, %dma_start3A_173] : memref<3x512x16xf32, #tpu.memory_space<vmem>> -> memref<1x512x16xf32, #tpu.memory_space<vmem>>
        %dma_start3A_175 = tpu.memref_squeeze %dma_start3A_174 : memref<1x512x16xf32, #tpu.memory_space<vmem>> -> memref<512x16xf32, #tpu.memory_space<vmem>>
        %dma_start3A_176 = arith.constant 0 : i32
        %dma_start3A_177 = tpu.memref_slice %arg7[%add3A_130, %dma_start3A_176] : memref<100096x16xf32, #tpu.memory_space<vmem_shared>> -> memref<512x16xf32, #tpu.memory_space<vmem_shared>>
        %dma_start3A_178 = arith.constant 0 : i32
        %dma_start3A_179 = arith.constant 0 : i32
        %dma_start3A_180 = tpu.memref_slice %arg6[%run_scoped3A_131, %dma_start3A_178, %dma_start3A_179] : memref<3x512x16xf32, #tpu.memory_space<vmem>> -> memref<1x512x16xf32, #tpu.memory_space<vmem>>
        %dma_start3A_181 = tpu.memref_squeeze %dma_start3A_180 : memref<1x512x16xf32, #tpu.memory_space<vmem>> -> memref<512x16xf32, #tpu.memory_space<vmem>>
        %dma_start3A_182 = arith.constant 0 : i32
        %dma_start3A_183 = tpu.memref_slice %arg7[%add3A_130, %dma_start3A_182] : memref<100096x16xf32, #tpu.memory_space<vmem_shared>> -> memref<512x16xf32, #tpu.memory_space<vmem_shared>>
        tpu.enqueue_dma source(%dma_start3A_183 : memref<512x16xf32, #tpu.memory_space<vmem_shared>>) target(%dma_start3A_181 : memref<512x16xf32, #tpu.memory_space<vmem>>) target_semaphore(%run_scoped3A_172 : memref<!tpu.dma_semaphore, #tpu.memory_space<semaphore_mem>>)
        %dma_wait3A_184 = arith.constant 0 : i32
        %dma_wait3A_185 = arith.constant 0 : i32
        %dma_wait3A_186 = tpu.memref_slice %arg6[%run_scoped3A_131, %dma_wait3A_184, %dma_wait3A_185] : memref<3x512x16xf32, #tpu.memory_space<vmem>> -> memref<1x512x16xf32, #tpu.memory_space<vmem>>
        %dma_wait3A_187 = tpu.memref_squeeze %dma_wait3A_186 : memref<1x512x16xf32, #tpu.memory_space<vmem>> -> memref<512x16xf32, #tpu.memory_space<vmem>>
        %dma_wait3A_188 = arith.constant 0 : i32
        %dma_wait3A_189 = tpu.memref_slice %arg7[%add3A_130, %dma_wait3A_188] : memref<100096x16xf32, #tpu.memory_space<vmem_shared>> -> memref<512x16xf32, #tpu.memory_space<vmem_shared>>
        %dma_wait3A_190 = arith.constant 0 : i32
        %dma_wait3A_191 = arith.constant 0 : i32
        %dma_wait3A_192 = tpu.memref_slice %arg6[%run_scoped3A_131, %dma_wait3A_190, %dma_wait3A_191] : memref<3x512x16xf32, #tpu.memory_space<vmem>> -> memref<1x512x16xf32, #tpu.memory_space<vmem>>
        %dma_wait3A_193 = tpu.memref_squeeze %dma_wait3A_192 : memref<1x512x16xf32, #tpu.memory_space<vmem>> -> memref<512x16xf32, #tpu.memory_space<vmem>>
        %dma_wait3A_194 = arith.constant 0 : i32
        %dma_wait3A_195 = tpu.memref_slice %arg7[%add3A_130, %dma_wait3A_194] : memref<100096x16xf32, #tpu.memory_space<vmem_shared>> -> memref<512x16xf32, #tpu.memory_space<vmem_shared>>
        tpu.wait_dma2 semaphore(%run_scoped3A_172 : memref<!tpu.dma_semaphore, #tpu.memory_space<semaphore_mem>>) src(%dma_wait3A_195 : memref<512x16xf32, #tpu.memory_space<vmem_shared>>) dst(%dma_wait3A_193 : memref<512x16xf32, #tpu.memory_space<vmem>>)
        tpu.yield
      }) : () -> ()
      %add3A_132 = arith.constant 3072 : i32
      %add3A_133 = arith.addi %mul3A_14, %add3A_132 : i32
      %run_scoped3A_134 = arith.constant 0 : i32
      "tpu.region"() ({
        %run_scoped3A_172 = tpu.sem_alloc : memref<!tpu.dma_semaphore, #tpu.memory_space<semaphore_mem>>
        %dma_start3A = arith.constant 0 : i32
        %dma_start3A_173 = arith.constant 0 : i32
        %dma_start3A_174 = tpu.memref_slice %arg6[%run_scoped3A_134, %dma_start3A, %dma_start3A_173] : memref<3x512x16xf32, #tpu.memory_space<vmem>> -> memref<1x512x16xf32, #tpu.memory_space<vmem>>
        %dma_start3A_175 = tpu.memref_squeeze %dma_start3A_174 : memref<1x512x16xf32, #tpu.memory_space<vmem>> -> memref<512x16xf32, #tpu.memory_space<vmem>>
        %dma_start3A_176 = tpu.memref_slice %arg4[%add3A_133, %mul3A_12] : memref<100096x128xf32, #tpu.memory_space<hbm>> -> memref<512x16xf32, #tpu.memory_space<hbm>>
        %dma_start3A_177 = tpu.memref_slice %arg4[%add3A_133, %mul3A_12] : memref<100096x128xf32, #tpu.memory_space<hbm>> -> memref<512x16xf32, #tpu.memory_space<hbm>>
        %dma_start3A_178 = arith.constant 0 : i32
        %dma_start3A_179 = arith.constant 0 : i32
        %dma_start3A_180 = tpu.memref_slice %arg6[%run_scoped3A_134, %dma_start3A_178, %dma_start3A_179] : memref<3x512x16xf32, #tpu.memory_space<vmem>> -> memref<1x512x16xf32, #tpu.memory_space<vmem>>
        %dma_start3A_181 = tpu.memref_squeeze %dma_start3A_180 : memref<1x512x16xf32, #tpu.memory_space<vmem>> -> memref<512x16xf32, #tpu.memory_space<vmem>>
        tpu.enqueue_dma source(%dma_start3A_181 : memref<512x16xf32, #tpu.memory_space<vmem>>) target(%dma_start3A_177 : memref<512x16xf32, #tpu.memory_space<hbm>>) target_semaphore(%run_scoped3A_172 : memref<!tpu.dma_semaphore, #tpu.memory_space<semaphore_mem>>)
        %dma_wait3A_182 = arith.constant 0 : i32
        %dma_wait3A_183 = arith.constant 0 : i32
        %dma_wait3A_184 = tpu.memref_slice %arg6[%run_scoped3A_134, %dma_wait3A_182, %dma_wait3A_183] : memref<3x512x16xf32, #tpu.memory_space<vmem>> -> memref<1x512x16xf32, #tpu.memory_space<vmem>>
        %dma_wait3A_185 = tpu.memref_squeeze %dma_wait3A_184 : memref<1x512x16xf32, #tpu.memory_space<vmem>> -> memref<512x16xf32, #tpu.memory_space<vmem>>
        %dma_wait3A_186 = tpu.memref_slice %arg4[%add3A_133, %mul3A_12] : memref<100096x128xf32, #tpu.memory_space<hbm>> -> memref<512x16xf32, #tpu.memory_space<hbm>>
        %dma_wait3A_187 = tpu.memref_slice %arg4[%add3A_133, %mul3A_12] : memref<100096x128xf32, #tpu.memory_space<hbm>> -> memref<512x16xf32, #tpu.memory_space<hbm>>
        %dma_wait3A_188 = arith.constant 0 : i32
        %dma_wait3A_189 = arith.constant 0 : i32
        %dma_wait3A_190 = tpu.memref_slice %arg6[%run_scoped3A_134, %dma_wait3A_188, %dma_wait3A_189] : memref<3x512x16xf32, #tpu.memory_space<vmem>> -> memref<1x512x16xf32, #tpu.memory_space<vmem>>
        %dma_wait3A_191 = tpu.memref_squeeze %dma_wait3A_190 : memref<1x512x16xf32, #tpu.memory_space<vmem>> -> memref<512x16xf32, #tpu.memory_space<vmem>>
        tpu.wait_dma2 semaphore(%run_scoped3A_172 : memref<!tpu.dma_semaphore, #tpu.memory_space<semaphore_mem>>) src(%dma_wait3A_191 : memref<512x16xf32, #tpu.memory_space<vmem>>) dst(%dma_wait3A_187 : memref<512x16xf32, #tpu.memory_space<hbm>>)
        tpu.yield
      }) : () -> ()
      %add3A_135 = arith.constant 3584 : i32
      %add3A_136 = arith.addi %mul3A_14, %add3A_135 : i32
      %run_scoped3A_137 = arith.constant 0 : i32
      "tpu.region"() ({
        %run_scoped3A_172 = tpu.sem_alloc : memref<!tpu.dma_semaphore, #tpu.memory_space<semaphore_mem>>
        %dma_start3A = arith.constant 0 : i32
        %dma_start3A_173 = arith.constant 0 : i32
        %dma_start3A_174 = tpu.memref_slice %arg6[%run_scoped3A_137, %dma_start3A, %dma_start3A_173] : memref<3x512x16xf32, #tpu.memory_space<vmem>> -> memref<1x512x16xf32, #tpu.memory_space<vmem>>
        %dma_start3A_175 = tpu.memref_squeeze %dma_start3A_174 : memref<1x512x16xf32, #tpu.memory_space<vmem>> -> memref<512x16xf32, #tpu.memory_space<vmem>>
        %dma_start3A_176 = arith.constant 0 : i32
        %dma_start3A_177 = tpu.memref_slice %arg7[%add3A_136, %dma_start3A_176] : memref<100096x16xf32, #tpu.memory_space<vmem_shared>> -> memref<512x16xf32, #tpu.memory_space<vmem_shared>>
        %dma_start3A_178 = arith.constant 0 : i32
        %dma_start3A_179 = arith.constant 0 : i32
        %dma_start3A_180 = tpu.memref_slice %arg6[%run_scoped3A_137, %dma_start3A_178, %dma_start3A_179] : memref<3x512x16xf32, #tpu.memory_space<vmem>> -> memref<1x512x16xf32, #tpu.memory_space<vmem>>
        %dma_start3A_181 = tpu.memref_squeeze %dma_start3A_180 : memref<1x512x16xf32, #tpu.memory_space<vmem>> -> memref<512x16xf32, #tpu.memory_space<vmem>>
        %dma_start3A_182 = arith.constant 0 : i32
        %dma_start3A_183 = tpu.memref_slice %arg7[%add3A_136, %dma_start3A_182] : memref<100096x16xf32, #tpu.memory_space<vmem_shared>> -> memref<512x16xf32, #tpu.memory_space<vmem_shared>>
        tpu.enqueue_dma source(%dma_start3A_183 : memref<512x16xf32, #tpu.memory_space<vmem_shared>>) target(%dma_start3A_181 : memref<512x16xf32, #tpu.memory_space<vmem>>) target_semaphore(%run_scoped3A_172 : memref<!tpu.dma_semaphore, #tpu.memory_space<semaphore_mem>>)
        %dma_wait3A_184 = arith.constant 0 : i32
        %dma_wait3A_185 = arith.constant 0 : i32
        %dma_wait3A_186 = tpu.memref_slice %arg6[%run_scoped3A_137, %dma_wait3A_184, %dma_wait3A_185] : memref<3x512x16xf32, #tpu.memory_space<vmem>> -> memref<1x512x16xf32, #tpu.memory_space<vmem>>
        %dma_wait3A_187 = tpu.memref_squeeze %dma_wait3A_186 : memref<1x512x16xf32, #tpu.memory_space<vmem>> -> memref<512x16xf32, #tpu.memory_space<vmem>>
        %dma_wait3A_188 = arith.constant 0 : i32
        %dma_wait3A_189 = tpu.memref_slice %arg7[%add3A_136, %dma_wait3A_188] : memref<100096x16xf32, #tpu.memory_space<vmem_shared>> -> memref<512x16xf32, #tpu.memory_space<vmem_shared>>
        %dma_wait3A_190 = arith.constant 0 : i32
        %dma_wait3A_191 = arith.constant 0 : i32
        %dma_wait3A_192 = tpu.memref_slice %arg6[%run_scoped3A_137, %dma_wait3A_190, %dma_wait3A_191] : memref<3x512x16xf32, #tpu.memory_space<vmem>> -> memref<1x512x16xf32, #tpu.memory_space<vmem>>
        %dma_wait3A_193 = tpu.memref_squeeze %dma_wait3A_192 : memref<1x512x16xf32, #tpu.memory_space<vmem>> -> memref<512x16xf32, #tpu.memory_space<vmem>>
        %dma_wait3A_194 = arith.constant 0 : i32
        %dma_wait3A_195 = tpu.memref_slice %arg7[%add3A_136, %dma_wait3A_194] : memref<100096x16xf32, #tpu.memory_space<vmem_shared>> -> memref<512x16xf32, #tpu.memory_space<vmem_shared>>
        tpu.wait_dma2 semaphore(%run_scoped3A_172 : memref<!tpu.dma_semaphore, #tpu.memory_space<semaphore_mem>>) src(%dma_wait3A_195 : memref<512x16xf32, #tpu.memory_space<vmem_shared>>) dst(%dma_wait3A_193 : memref<512x16xf32, #tpu.memory_space<vmem>>)
        tpu.yield
      }) : () -> ()
      %add3A_138 = arith.constant 3584 : i32
      %add3A_139 = arith.addi %mul3A_14, %add3A_138 : i32
      %run_scoped3A_140 = arith.constant 0 : i32
      "tpu.region"() ({
        %run_scoped3A_172 = tpu.sem_alloc : memref<!tpu.dma_semaphore, #tpu.memory_space<semaphore_mem>>
        %dma_start3A = arith.constant 0 : i32
        %dma_start3A_173 = arith.constant 0 : i32
        %dma_start3A_174 = tpu.memref_slice %arg6[%run_scoped3A_140, %dma_start3A, %dma_start3A_173] : memref<3x512x16xf32, #tpu.memory_space<vmem>> -> memref<1x512x16xf32, #tpu.memory_space<vmem>>
        %dma_start3A_175 = tpu.memref_squeeze %dma_start3A_174 : memref<1x512x16xf32, #tpu.memory_space<vmem>> -> memref<512x16xf32, #tpu.memory_space<vmem>>
        %dma_start3A_176 = tpu.memref_slice %arg4[%add3A_139, %mul3A_12] : memref<100096x128xf32, #tpu.memory_space<hbm>> -> memref<512x16xf32, #tpu.memory_space<hbm>>
        %dma_start3A_177 = tpu.memref_slice %arg4[%add3A_139, %mul3A_12] : memref<100096x128xf32, #tpu.memory_space<hbm>> -> memref<512x16xf32, #tpu.memory_space<hbm>>
        %dma_start3A_178 = arith.constant 0 : i32
        %dma_start3A_179 = arith.constant 0 : i32
        %dma_start3A_180 = tpu.memref_slice %arg6[%run_scoped3A_140, %dma_start3A_178, %dma_start3A_179] : memref<3x512x16xf32, #tpu.memory_space<vmem>> -> memref<1x512x16xf32, #tpu.memory_space<vmem>>
        %dma_start3A_181 = tpu.memref_squeeze %dma_start3A_180 : memref<1x512x16xf32, #tpu.memory_space<vmem>> -> memref<512x16xf32, #tpu.memory_space<vmem>>
        tpu.enqueue_dma source(%dma_start3A_181 : memref<512x16xf32, #tpu.memory_space<vmem>>) target(%dma_start3A_177 : memref<512x16xf32, #tpu.memory_space<hbm>>) target_semaphore(%run_scoped3A_172 : memref<!tpu.dma_semaphore, #tpu.memory_space<semaphore_mem>>)
        %dma_wait3A_182 = arith.constant 0 : i32
        %dma_wait3A_183 = arith.constant 0 : i32
        %dma_wait3A_184 = tpu.memref_slice %arg6[%run_scoped3A_140, %dma_wait3A_182, %dma_wait3A_183] : memref<3x512x16xf32, #tpu.memory_space<vmem>> -> memref<1x512x16xf32, #tpu.memory_space<vmem>>
        %dma_wait3A_185 = tpu.memref_squeeze %dma_wait3A_184 : memref<1x512x16xf32, #tpu.memory_space<vmem>> -> memref<512x16xf32, #tpu.memory_space<vmem>>
        %dma_wait3A_186 = tpu.memref_slice %arg4[%add3A_139, %mul3A_12] : memref<100096x128xf32, #tpu.memory_space<hbm>> -> memref<512x16xf32, #tpu.memory_space<hbm>>
        %dma_wait3A_187 = tpu.memref_slice %arg4[%add3A_139, %mul3A_12] : memref<100096x128xf32, #tpu.memory_space<hbm>> -> memref<512x16xf32, #tpu.memory_space<hbm>>
        %dma_wait3A_188 = arith.constant 0 : i32
        %dma_wait3A_189 = arith.constant 0 : i32
        %dma_wait3A_190 = tpu.memref_slice %arg6[%run_scoped3A_140, %dma_wait3A_188, %dma_wait3A_189] : memref<3x512x16xf32, #tpu.memory_space<vmem>> -> memref<1x512x16xf32, #tpu.memory_space<vmem>>
        %dma_wait3A_191 = tpu.memref_squeeze %dma_wait3A_190 : memref<1x512x16xf32, #tpu.memory_space<vmem>> -> memref<512x16xf32, #tpu.memory_space<vmem>>
        tpu.wait_dma2 semaphore(%run_scoped3A_172 : memref<!tpu.dma_semaphore, #tpu.memory_space<semaphore_mem>>) src(%dma_wait3A_191 : memref<512x16xf32, #tpu.memory_space<vmem>>) dst(%dma_wait3A_187 : memref<512x16xf32, #tpu.memory_space<hbm>>)
        tpu.yield
      }) : () -> ()
      %add3A_141 = arith.constant 4096 : i32
      %add3A_142 = arith.addi %mul3A_14, %add3A_141 : i32
      %run_scoped3A_143 = arith.constant 0 : i32
      "tpu.region"() ({
        %run_scoped3A_172 = tpu.sem_alloc : memref<!tpu.dma_semaphore, #tpu.memory_space<semaphore_mem>>
        %dma_start3A = arith.constant 0 : i32
        %dma_start3A_173 = arith.constant 0 : i32
        %dma_start3A_174 = tpu.memref_slice %arg6[%run_scoped3A_143, %dma_start3A, %dma_start3A_173] : memref<3x512x16xf32, #tpu.memory_space<vmem>> -> memref<1x512x16xf32, #tpu.memory_space<vmem>>
        %dma_start3A_175 = tpu.memref_squeeze %dma_start3A_174 : memref<1x512x16xf32, #tpu.memory_space<vmem>> -> memref<512x16xf32, #tpu.memory_space<vmem>>
        %dma_start3A_176 = arith.constant 0 : i32
        %dma_start3A_177 = tpu.memref_slice %arg7[%add3A_142, %dma_start3A_176] : memref<100096x16xf32, #tpu.memory_space<vmem_shared>> -> memref<512x16xf32, #tpu.memory_space<vmem_shared>>
        %dma_start3A_178 = arith.constant 0 : i32
        %dma_start3A_179 = arith.constant 0 : i32
        %dma_start3A_180 = tpu.memref_slice %arg6[%run_scoped3A_143, %dma_start3A_178, %dma_start3A_179] : memref<3x512x16xf32, #tpu.memory_space<vmem>> -> memref<1x512x16xf32, #tpu.memory_space<vmem>>
        %dma_start3A_181 = tpu.memref_squeeze %dma_start3A_180 : memref<1x512x16xf32, #tpu.memory_space<vmem>> -> memref<512x16xf32, #tpu.memory_space<vmem>>
        %dma_start3A_182 = arith.constant 0 : i32
        %dma_start3A_183 = tpu.memref_slice %arg7[%add3A_142, %dma_start3A_182] : memref<100096x16xf32, #tpu.memory_space<vmem_shared>> -> memref<512x16xf32, #tpu.memory_space<vmem_shared>>
        tpu.enqueue_dma source(%dma_start3A_183 : memref<512x16xf32, #tpu.memory_space<vmem_shared>>) target(%dma_start3A_181 : memref<512x16xf32, #tpu.memory_space<vmem>>) target_semaphore(%run_scoped3A_172 : memref<!tpu.dma_semaphore, #tpu.memory_space<semaphore_mem>>)
        %dma_wait3A_184 = arith.constant 0 : i32
        %dma_wait3A_185 = arith.constant 0 : i32
        %dma_wait3A_186 = tpu.memref_slice %arg6[%run_scoped3A_143, %dma_wait3A_184, %dma_wait3A_185] : memref<3x512x16xf32, #tpu.memory_space<vmem>> -> memref<1x512x16xf32, #tpu.memory_space<vmem>>
        %dma_wait3A_187 = tpu.memref_squeeze %dma_wait3A_186 : memref<1x512x16xf32, #tpu.memory_space<vmem>> -> memref<512x16xf32, #tpu.memory_space<vmem>>
        %dma_wait3A_188 = arith.constant 0 : i32
        %dma_wait3A_189 = tpu.memref_slice %arg7[%add3A_142, %dma_wait3A_188] : memref<100096x16xf32, #tpu.memory_space<vmem_shared>> -> memref<512x16xf32, #tpu.memory_space<vmem_shared>>
        %dma_wait3A_190 = arith.constant 0 : i32
        %dma_wait3A_191 = arith.constant 0 : i32
        %dma_wait3A_192 = tpu.memref_slice %arg6[%run_scoped3A_143, %dma_wait3A_190, %dma_wait3A_191] : memref<3x512x16xf32, #tpu.memory_space<vmem>> -> memref<1x512x16xf32, #tpu.memory_space<vmem>>
        %dma_wait3A_193 = tpu.memref_squeeze %dma_wait3A_192 : memref<1x512x16xf32, #tpu.memory_space<vmem>> -> memref<512x16xf32, #tpu.memory_space<vmem>>
        %dma_wait3A_194 = arith.constant 0 : i32
        %dma_wait3A_195 = tpu.memref_slice %arg7[%add3A_142, %dma_wait3A_194] : memref<100096x16xf32, #tpu.memory_space<vmem_shared>> -> memref<512x16xf32, #tpu.memory_space<vmem_shared>>
        tpu.wait_dma2 semaphore(%run_scoped3A_172 : memref<!tpu.dma_semaphore, #tpu.memory_space<semaphore_mem>>) src(%dma_wait3A_195 : memref<512x16xf32, #tpu.memory_space<vmem_shared>>) dst(%dma_wait3A_193 : memref<512x16xf32, #tpu.memory_space<vmem>>)
        tpu.yield
      }) : () -> ()
      %add3A_144 = arith.constant 4096 : i32
      %add3A_145 = arith.addi %mul3A_14, %add3A_144 : i32
      %run_scoped3A_146 = arith.constant 0 : i32
      "tpu.region"() ({
        %run_scoped3A_172 = tpu.sem_alloc : memref<!tpu.dma_semaphore, #tpu.memory_space<semaphore_mem>>
        %dma_start3A = arith.constant 0 : i32
        %dma_start3A_173 = arith.constant 0 : i32
        %dma_start3A_174 = tpu.memref_slice %arg6[%run_scoped3A_146, %dma_start3A, %dma_start3A_173] : memref<3x512x16xf32, #tpu.memory_space<vmem>> -> memref<1x512x16xf32, #tpu.memory_space<vmem>>
        %dma_start3A_175 = tpu.memref_squeeze %dma_start3A_174 : memref<1x512x16xf32, #tpu.memory_space<vmem>> -> memref<512x16xf32, #tpu.memory_space<vmem>>
        %dma_start3A_176 = tpu.memref_slice %arg4[%add3A_145, %mul3A_12] : memref<100096x128xf32, #tpu.memory_space<hbm>> -> memref<512x16xf32, #tpu.memory_space<hbm>>
        %dma_start3A_177 = tpu.memref_slice %arg4[%add3A_145, %mul3A_12] : memref<100096x128xf32, #tpu.memory_space<hbm>> -> memref<512x16xf32, #tpu.memory_space<hbm>>
        %dma_start3A_178 = arith.constant 0 : i32
        %dma_start3A_179 = arith.constant 0 : i32
        %dma_start3A_180 = tpu.memref_slice %arg6[%run_scoped3A_146, %dma_start3A_178, %dma_start3A_179] : memref<3x512x16xf32, #tpu.memory_space<vmem>> -> memref<1x512x16xf32, #tpu.memory_space<vmem>>
        %dma_start3A_181 = tpu.memref_squeeze %dma_start3A_180 : memref<1x512x16xf32, #tpu.memory_space<vmem>> -> memref<512x16xf32, #tpu.memory_space<vmem>>
        tpu.enqueue_dma source(%dma_start3A_181 : memref<512x16xf32, #tpu.memory_space<vmem>>) target(%dma_start3A_177 : memref<512x16xf32, #tpu.memory_space<hbm>>) target_semaphore(%run_scoped3A_172 : memref<!tpu.dma_semaphore, #tpu.memory_space<semaphore_mem>>)
        %dma_wait3A_182 = arith.constant 0 : i32
        %dma_wait3A_183 = arith.constant 0 : i32
        %dma_wait3A_184 = tpu.memref_slice %arg6[%run_scoped3A_146, %dma_wait3A_182, %dma_wait3A_183] : memref<3x512x16xf32, #tpu.memory_space<vmem>> -> memref<1x512x16xf32, #tpu.memory_space<vmem>>
        %dma_wait3A_185 = tpu.memref_squeeze %dma_wait3A_184 : memref<1x512x16xf32, #tpu.memory_space<vmem>> -> memref<512x16xf32, #tpu.memory_space<vmem>>
        %dma_wait3A_186 = tpu.memref_slice %arg4[%add3A_145, %mul3A_12] : memref<100096x128xf32, #tpu.memory_space<hbm>> -> memref<512x16xf32, #tpu.memory_space<hbm>>
        %dma_wait3A_187 = tpu.memref_slice %arg4[%add3A_145, %mul3A_12] : memref<100096x128xf32, #tpu.memory_space<hbm>> -> memref<512x16xf32, #tpu.memory_space<hbm>>
        %dma_wait3A_188 = arith.constant 0 : i32
        %dma_wait3A_189 = arith.constant 0 : i32
        %dma_wait3A_190 = tpu.memref_slice %arg6[%run_scoped3A_146, %dma_wait3A_188, %dma_wait3A_189] : memref<3x512x16xf32, #tpu.memory_space<vmem>> -> memref<1x512x16xf32, #tpu.memory_space<vmem>>
        %dma_wait3A_191 = tpu.memref_squeeze %dma_wait3A_190 : memref<1x512x16xf32, #tpu.memory_space<vmem>> -> memref<512x16xf32, #tpu.memory_space<vmem>>
        tpu.wait_dma2 semaphore(%run_scoped3A_172 : memref<!tpu.dma_semaphore, #tpu.memory_space<semaphore_mem>>) src(%dma_wait3A_191 : memref<512x16xf32, #tpu.memory_space<vmem>>) dst(%dma_wait3A_187 : memref<512x16xf32, #tpu.memory_space<hbm>>)
        tpu.yield
      }) : () -> ()
      %add3A_147 = arith.constant 4608 : i32
      %add3A_148 = arith.addi %mul3A_14, %add3A_147 : i32
      %run_scoped3A_149 = arith.constant 0 : i32
      "tpu.region"() ({
        %run_scoped3A_172 = tpu.sem_alloc : memref<!tpu.dma_semaphore, #tpu.memory_space<semaphore_mem>>
        %dma_start3A = arith.constant 0 : i32
        %dma_start3A_173 = arith.constant 0 : i32
        %dma_start3A_174 = tpu.memref_slice %arg6[%run_scoped3A_149, %dma_start3A, %dma_start3A_173] : memref<3x512x16xf32, #tpu.memory_space<vmem>> -> memref<1x512x16xf32, #tpu.memory_space<vmem>>
        %dma_start3A_175 = tpu.memref_squeeze %dma_start3A_174 : memref<1x512x16xf32, #tpu.memory_space<vmem>> -> memref<512x16xf32, #tpu.memory_space<vmem>>
        %dma_start3A_176 = arith.constant 0 : i32
        %dma_start3A_177 = tpu.memref_slice %arg7[%add3A_148, %dma_start3A_176] : memref<100096x16xf32, #tpu.memory_space<vmem_shared>> -> memref<512x16xf32, #tpu.memory_space<vmem_shared>>
        %dma_start3A_178 = arith.constant 0 : i32
        %dma_start3A_179 = arith.constant 0 : i32
        %dma_start3A_180 = tpu.memref_slice %arg6[%run_scoped3A_149, %dma_start3A_178, %dma_start3A_179] : memref<3x512x16xf32, #tpu.memory_space<vmem>> -> memref<1x512x16xf32, #tpu.memory_space<vmem>>
        %dma_start3A_181 = tpu.memref_squeeze %dma_start3A_180 : memref<1x512x16xf32, #tpu.memory_space<vmem>> -> memref<512x16xf32, #tpu.memory_space<vmem>>
        %dma_start3A_182 = arith.constant 0 : i32
        %dma_start3A_183 = tpu.memref_slice %arg7[%add3A_148, %dma_start3A_182] : memref<100096x16xf32, #tpu.memory_space<vmem_shared>> -> memref<512x16xf32, #tpu.memory_space<vmem_shared>>
        tpu.enqueue_dma source(%dma_start3A_183 : memref<512x16xf32, #tpu.memory_space<vmem_shared>>) target(%dma_start3A_181 : memref<512x16xf32, #tpu.memory_space<vmem>>) target_semaphore(%run_scoped3A_172 : memref<!tpu.dma_semaphore, #tpu.memory_space<semaphore_mem>>)
        %dma_wait3A_184 = arith.constant 0 : i32
        %dma_wait3A_185 = arith.constant 0 : i32
        %dma_wait3A_186 = tpu.memref_slice %arg6[%run_scoped3A_149, %dma_wait3A_184, %dma_wait3A_185] : memref<3x512x16xf32, #tpu.memory_space<vmem>> -> memref<1x512x16xf32, #tpu.memory_space<vmem>>
        %dma_wait3A_187 = tpu.memref_squeeze %dma_wait3A_186 : memref<1x512x16xf32, #tpu.memory_space<vmem>> -> memref<512x16xf32, #tpu.memory_space<vmem>>
        %dma_wait3A_188 = arith.constant 0 : i32
        %dma_wait3A_189 = tpu.memref_slice %arg7[%add3A_148, %dma_wait3A_188] : memref<100096x16xf32, #tpu.memory_space<vmem_shared>> -> memref<512x16xf32, #tpu.memory_space<vmem_shared>>
        %dma_wait3A_190 = arith.constant 0 : i32
        %dma_wait3A_191 = arith.constant 0 : i32
        %dma_wait3A_192 = tpu.memref_slice %arg6[%run_scoped3A_149, %dma_wait3A_190, %dma_wait3A_191] : memref<3x512x16xf32, #tpu.memory_space<vmem>> -> memref<1x512x16xf32, #tpu.memory_space<vmem>>
        %dma_wait3A_193 = tpu.memref_squeeze %dma_wait3A_192 : memref<1x512x16xf32, #tpu.memory_space<vmem>> -> memref<512x16xf32, #tpu.memory_space<vmem>>
        %dma_wait3A_194 = arith.constant 0 : i32
        %dma_wait3A_195 = tpu.memref_slice %arg7[%add3A_148, %dma_wait3A_194] : memref<100096x16xf32, #tpu.memory_space<vmem_shared>> -> memref<512x16xf32, #tpu.memory_space<vmem_shared>>
        tpu.wait_dma2 semaphore(%run_scoped3A_172 : memref<!tpu.dma_semaphore, #tpu.memory_space<semaphore_mem>>) src(%dma_wait3A_195 : memref<512x16xf32, #tpu.memory_space<vmem_shared>>) dst(%dma_wait3A_193 : memref<512x16xf32, #tpu.memory_space<vmem>>)
        tpu.yield
      }) : () -> ()
      %add3A_150 = arith.constant 4608 : i32
      %add3A_151 = arith.addi %mul3A_14, %add3A_150 : i32
      %run_scoped3A_152 = arith.constant 0 : i32
      "tpu.region"() ({
        %run_scoped3A_172 = tpu.sem_alloc : memref<!tpu.dma_semaphore, #tpu.memory_space<semaphore_mem>>
        %dma_start3A = arith.constant 0 : i32
        %dma_start3A_173 = arith.constant 0 : i32
        %dma_start3A_174 = tpu.memref_slice %arg6[%run_scoped3A_152, %dma_start3A, %dma_start3A_173] : memref<3x512x16xf32, #tpu.memory_space<vmem>> -> memref<1x512x16xf32, #tpu.memory_space<vmem>>
        %dma_start3A_175 = tpu.memref_squeeze %dma_start3A_174 : memref<1x512x16xf32, #tpu.memory_space<vmem>> -> memref<512x16xf32, #tpu.memory_space<vmem>>
        %dma_start3A_176 = tpu.memref_slice %arg4[%add3A_151, %mul3A_12] : memref<100096x128xf32, #tpu.memory_space<hbm>> -> memref<512x16xf32, #tpu.memory_space<hbm>>
        %dma_start3A_177 = tpu.memref_slice %arg4[%add3A_151, %mul3A_12] : memref<100096x128xf32, #tpu.memory_space<hbm>> -> memref<512x16xf32, #tpu.memory_space<hbm>>
        %dma_start3A_178 = arith.constant 0 : i32
        %dma_start3A_179 = arith.constant 0 : i32
        %dma_start3A_180 = tpu.memref_slice %arg6[%run_scoped3A_152, %dma_start3A_178, %dma_start3A_179] : memref<3x512x16xf32, #tpu.memory_space<vmem>> -> memref<1x512x16xf32, #tpu.memory_space<vmem>>
        %dma_start3A_181 = tpu.memref_squeeze %dma_start3A_180 : memref<1x512x16xf32, #tpu.memory_space<vmem>> -> memref<512x16xf32, #tpu.memory_space<vmem>>
        tpu.enqueue_dma source(%dma_start3A_181 : memref<512x16xf32, #tpu.memory_space<vmem>>) target(%dma_start3A_177 : memref<512x16xf32, #tpu.memory_space<hbm>>) target_semaphore(%run_scoped3A_172 : memref<!tpu.dma_semaphore, #tpu.memory_space<semaphore_mem>>)
        %dma_wait3A_182 = arith.constant 0 : i32
        %dma_wait3A_183 = arith.constant 0 : i32
        %dma_wait3A_184 = tpu.memref_slice %arg6[%run_scoped3A_152, %dma_wait3A_182, %dma_wait3A_183] : memref<3x512x16xf32, #tpu.memory_space<vmem>> -> memref<1x512x16xf32, #tpu.memory_space<vmem>>
        %dma_wait3A_185 = tpu.memref_squeeze %dma_wait3A_184 : memref<1x512x16xf32, #tpu.memory_space<vmem>> -> memref<512x16xf32, #tpu.memory_space<vmem>>
        %dma_wait3A_186 = tpu.memref_slice %arg4[%add3A_151, %mul3A_12] : memref<100096x128xf32, #tpu.memory_space<hbm>> -> memref<512x16xf32, #tpu.memory_space<hbm>>
        %dma_wait3A_187 = tpu.memref_slice %arg4[%add3A_151, %mul3A_12] : memref<100096x128xf32, #tpu.memory_space<hbm>> -> memref<512x16xf32, #tpu.memory_space<hbm>>
        %dma_wait3A_188 = arith.constant 0 : i32
        %dma_wait3A_189 = arith.constant 0 : i32
        %dma_wait3A_190 = tpu.memref_slice %arg6[%run_scoped3A_152, %dma_wait3A_188, %dma_wait3A_189] : memref<3x512x16xf32, #tpu.memory_space<vmem>> -> memref<1x512x16xf32, #tpu.memory_space<vmem>>
        %dma_wait3A_191 = tpu.memref_squeeze %dma_wait3A_190 : memref<1x512x16xf32, #tpu.memory_space<vmem>> -> memref<512x16xf32, #tpu.memory_space<vmem>>
        tpu.wait_dma2 semaphore(%run_scoped3A_172 : memref<!tpu.dma_semaphore, #tpu.memory_space<semaphore_mem>>) src(%dma_wait3A_191 : memref<512x16xf32, #tpu.memory_space<vmem>>) dst(%dma_wait3A_187 : memref<512x16xf32, #tpu.memory_space<hbm>>)
        tpu.yield
      }) : () -> ()
      %add3A_153 = arith.constant 5120 : i32
      %add3A_154 = arith.addi %mul3A_14, %add3A_153 : i32
      %run_scoped3A_155 = arith.constant 0 : i32
      "tpu.region"() ({
        %run_scoped3A_172 = tpu.sem_alloc : memref<!tpu.dma_semaphore, #tpu.memory_space<semaphore_mem>>
        %dma_start3A = arith.constant 0 : i32
        %dma_start3A_173 = arith.constant 0 : i32
        %dma_start3A_174 = tpu.memref_slice %arg6[%run_scoped3A_155, %dma_start3A, %dma_start3A_173] : memref<3x512x16xf32, #tpu.memory_space<vmem>> -> memref<1x512x16xf32, #tpu.memory_space<vmem>>
        %dma_start3A_175 = tpu.memref_squeeze %dma_start3A_174 : memref<1x512x16xf32, #tpu.memory_space<vmem>> -> memref<512x16xf32, #tpu.memory_space<vmem>>
        %dma_start3A_176 = arith.constant 0 : i32
        %dma_start3A_177 = tpu.memref_slice %arg7[%add3A_154, %dma_start3A_176] : memref<100096x16xf32, #tpu.memory_space<vmem_shared>> -> memref<512x16xf32, #tpu.memory_space<vmem_shared>>
        %dma_start3A_178 = arith.constant 0 : i32
        %dma_start3A_179 = arith.constant 0 : i32
        %dma_start3A_180 = tpu.memref_slice %arg6[%run_scoped3A_155, %dma_start3A_178, %dma_start3A_179] : memref<3x512x16xf32, #tpu.memory_space<vmem>> -> memref<1x512x16xf32, #tpu.memory_space<vmem>>
        %dma_start3A_181 = tpu.memref_squeeze %dma_start3A_180 : memref<1x512x16xf32, #tpu.memory_space<vmem>> -> memref<512x16xf32, #tpu.memory_space<vmem>>
        %dma_start3A_182 = arith.constant 0 : i32
        %dma_start3A_183 = tpu.memref_slice %arg7[%add3A_154, %dma_start3A_182] : memref<100096x16xf32, #tpu.memory_space<vmem_shared>> -> memref<512x16xf32, #tpu.memory_space<vmem_shared>>
        tpu.enqueue_dma source(%dma_start3A_183 : memref<512x16xf32, #tpu.memory_space<vmem_shared>>) target(%dma_start3A_181 : memref<512x16xf32, #tpu.memory_space<vmem>>) target_semaphore(%run_scoped3A_172 : memref<!tpu.dma_semaphore, #tpu.memory_space<semaphore_mem>>)
        %dma_wait3A_184 = arith.constant 0 : i32
        %dma_wait3A_185 = arith.constant 0 : i32
        %dma_wait3A_186 = tpu.memref_slice %arg6[%run_scoped3A_155, %dma_wait3A_184, %dma_wait3A_185] : memref<3x512x16xf32, #tpu.memory_space<vmem>> -> memref<1x512x16xf32, #tpu.memory_space<vmem>>
        %dma_wait3A_187 = tpu.memref_squeeze %dma_wait3A_186 : memref<1x512x16xf32, #tpu.memory_space<vmem>> -> memref<512x16xf32, #tpu.memory_space<vmem>>
        %dma_wait3A_188 = arith.constant 0 : i32
        %dma_wait3A_189 = tpu.memref_slice %arg7[%add3A_154, %dma_wait3A_188] : memref<100096x16xf32, #tpu.memory_space<vmem_shared>> -> memref<512x16xf32, #tpu.memory_space<vmem_shared>>
        %dma_wait3A_190 = arith.constant 0 : i32
        %dma_wait3A_191 = arith.constant 0 : i32
        %dma_wait3A_192 = tpu.memref_slice %arg6[%run_scoped3A_155, %dma_wait3A_190, %dma_wait3A_191] : memref<3x512x16xf32, #tpu.memory_space<vmem>> -> memref<1x512x16xf32, #tpu.memory_space<vmem>>
        %dma_wait3A_193 = tpu.memref_squeeze %dma_wait3A_192 : memref<1x512x16xf32, #tpu.memory_space<vmem>> -> memref<512x16xf32, #tpu.memory_space<vmem>>
        %dma_wait3A_194 = arith.constant 0 : i32
        %dma_wait3A_195 = tpu.memref_slice %arg7[%add3A_154, %dma_wait3A_194] : memref<100096x16xf32, #tpu.memory_space<vmem_shared>> -> memref<512x16xf32, #tpu.memory_space<vmem_shared>>
        tpu.wait_dma2 semaphore(%run_scoped3A_172 : memref<!tpu.dma_semaphore, #tpu.memory_space<semaphore_mem>>) src(%dma_wait3A_195 : memref<512x16xf32, #tpu.memory_space<vmem_shared>>) dst(%dma_wait3A_193 : memref<512x16xf32, #tpu.memory_space<vmem>>)
        tpu.yield
      }) : () -> ()
      %add3A_156 = arith.constant 5120 : i32
      %add3A_157 = arith.addi %mul3A_14, %add3A_156 : i32
      %run_scoped3A_158 = arith.constant 0 : i32
      "tpu.region"() ({
        %run_scoped3A_172 = tpu.sem_alloc : memref<!tpu.dma_semaphore, #tpu.memory_space<semaphore_mem>>
        %dma_start3A = arith.constant 0 : i32
        %dma_start3A_173 = arith.constant 0 : i32
        %dma_start3A_174 = tpu.memref_slice %arg6[%run_scoped3A_158, %dma_start3A, %dma_start3A_173] : memref<3x512x16xf32, #tpu.memory_space<vmem>> -> memref<1x512x16xf32, #tpu.memory_space<vmem>>
        %dma_start3A_175 = tpu.memref_squeeze %dma_start3A_174 : memref<1x512x16xf32, #tpu.memory_space<vmem>> -> memref<512x16xf32, #tpu.memory_space<vmem>>
        %dma_start3A_176 = tpu.memref_slice %arg4[%add3A_157, %mul3A_12] : memref<100096x128xf32, #tpu.memory_space<hbm>> -> memref<512x16xf32, #tpu.memory_space<hbm>>
        %dma_start3A_177 = tpu.memref_slice %arg4[%add3A_157, %mul3A_12] : memref<100096x128xf32, #tpu.memory_space<hbm>> -> memref<512x16xf32, #tpu.memory_space<hbm>>
        %dma_start3A_178 = arith.constant 0 : i32
        %dma_start3A_179 = arith.constant 0 : i32
        %dma_start3A_180 = tpu.memref_slice %arg6[%run_scoped3A_158, %dma_start3A_178, %dma_start3A_179] : memref<3x512x16xf32, #tpu.memory_space<vmem>> -> memref<1x512x16xf32, #tpu.memory_space<vmem>>
        %dma_start3A_181 = tpu.memref_squeeze %dma_start3A_180 : memref<1x512x16xf32, #tpu.memory_space<vmem>> -> memref<512x16xf32, #tpu.memory_space<vmem>>
        tpu.enqueue_dma source(%dma_start3A_181 : memref<512x16xf32, #tpu.memory_space<vmem>>) target(%dma_start3A_177 : memref<512x16xf32, #tpu.memory_space<hbm>>) target_semaphore(%run_scoped3A_172 : memref<!tpu.dma_semaphore, #tpu.memory_space<semaphore_mem>>)
        %dma_wait3A_182 = arith.constant 0 : i32
        %dma_wait3A_183 = arith.constant 0 : i32
        %dma_wait3A_184 = tpu.memref_slice %arg6[%run_scoped3A_158, %dma_wait3A_182, %dma_wait3A_183] : memref<3x512x16xf32, #tpu.memory_space<vmem>> -> memref<1x512x16xf32, #tpu.memory_space<vmem>>
        %dma_wait3A_185 = tpu.memref_squeeze %dma_wait3A_184 : memref<1x512x16xf32, #tpu.memory_space<vmem>> -> memref<512x16xf32, #tpu.memory_space<vmem>>
        %dma_wait3A_186 = tpu.memref_slice %arg4[%add3A_157, %mul3A_12] : memref<100096x128xf32, #tpu.memory_space<hbm>> -> memref<512x16xf32, #tpu.memory_space<hbm>>
        %dma_wait3A_187 = tpu.memref_slice %arg4[%add3A_157, %mul3A_12] : memref<100096x128xf32, #tpu.memory_space<hbm>> -> memref<512x16xf32, #tpu.memory_space<hbm>>
        %dma_wait3A_188 = arith.constant 0 : i32
        %dma_wait3A_189 = arith.constant 0 : i32
        %dma_wait3A_190 = tpu.memref_slice %arg6[%run_scoped3A_158, %dma_wait3A_188, %dma_wait3A_189] : memref<3x512x16xf32, #tpu.memory_space<vmem>> -> memref<1x512x16xf32, #tpu.memory_space<vmem>>
        %dma_wait3A_191 = tpu.memref_squeeze %dma_wait3A_190 : memref<1x512x16xf32, #tpu.memory_space<vmem>> -> memref<512x16xf32, #tpu.memory_space<vmem>>
        tpu.wait_dma2 semaphore(%run_scoped3A_172 : memref<!tpu.dma_semaphore, #tpu.memory_space<semaphore_mem>>) src(%dma_wait3A_191 : memref<512x16xf32, #tpu.memory_space<vmem>>) dst(%dma_wait3A_187 : memref<512x16xf32, #tpu.memory_space<hbm>>)
        tpu.yield
      }) : () -> ()
      %add3A_159 = arith.constant 5632 : i32
      %add3A_160 = arith.addi %mul3A_14, %add3A_159 : i32
      %run_scoped3A_161 = arith.constant 0 : i32
      "tpu.region"() ({
        %run_scoped3A_172 = tpu.sem_alloc : memref<!tpu.dma_semaphore, #tpu.memory_space<semaphore_mem>>
        %dma_start3A = arith.constant 0 : i32
        %dma_start3A_173 = arith.constant 0 : i32
        %dma_start3A_174 = tpu.memref_slice %arg6[%run_scoped3A_161, %dma_start3A, %dma_start3A_173] : memref<3x512x16xf32, #tpu.memory_space<vmem>> -> memref<1x512x16xf32, #tpu.memory_space<vmem>>
        %dma_start3A_175 = tpu.memref_squeeze %dma_start3A_174 : memref<1x512x16xf32, #tpu.memory_space<vmem>> -> memref<512x16xf32, #tpu.memory_space<vmem>>
        %dma_start3A_176 = arith.constant 0 : i32
        %dma_start3A_177 = tpu.memref_slice %arg7[%add3A_160, %dma_start3A_176] : memref<100096x16xf32, #tpu.memory_space<vmem_shared>> -> memref<512x16xf32, #tpu.memory_space<vmem_shared>>
        %dma_start3A_178 = arith.constant 0 : i32
        %dma_start3A_179 = arith.constant 0 : i32
        %dma_start3A_180 = tpu.memref_slice %arg6[%run_scoped3A_161, %dma_start3A_178, %dma_start3A_179] : memref<3x512x16xf32, #tpu.memory_space<vmem>> -> memref<1x512x16xf32, #tpu.memory_space<vmem>>
        %dma_start3A_181 = tpu.memref_squeeze %dma_start3A_180 : memref<1x512x16xf32, #tpu.memory_space<vmem>> -> memref<512x16xf32, #tpu.memory_space<vmem>>
        %dma_start3A_182 = arith.constant 0 : i32
        %dma_start3A_183 = tpu.memref_slice %arg7[%add3A_160, %dma_start3A_182] : memref<100096x16xf32, #tpu.memory_space<vmem_shared>> -> memref<512x16xf32, #tpu.memory_space<vmem_shared>>
        tpu.enqueue_dma source(%dma_start3A_183 : memref<512x16xf32, #tpu.memory_space<vmem_shared>>) target(%dma_start3A_181 : memref<512x16xf32, #tpu.memory_space<vmem>>) target_semaphore(%run_scoped3A_172 : memref<!tpu.dma_semaphore, #tpu.memory_space<semaphore_mem>>)
        %dma_wait3A_184 = arith.constant 0 : i32
        %dma_wait3A_185 = arith.constant 0 : i32
        %dma_wait3A_186 = tpu.memref_slice %arg6[%run_scoped3A_161, %dma_wait3A_184, %dma_wait3A_185] : memref<3x512x16xf32, #tpu.memory_space<vmem>> -> memref<1x512x16xf32, #tpu.memory_space<vmem>>
        %dma_wait3A_187 = tpu.memref_squeeze %dma_wait3A_186 : memref<1x512x16xf32, #tpu.memory_space<vmem>> -> memref<512x16xf32, #tpu.memory_space<vmem>>
        %dma_wait3A_188 = arith.constant 0 : i32
        %dma_wait3A_189 = tpu.memref_slice %arg7[%add3A_160, %dma_wait3A_188] : memref<100096x16xf32, #tpu.memory_space<vmem_shared>> -> memref<512x16xf32, #tpu.memory_space<vmem_shared>>
        %dma_wait3A_190 = arith.constant 0 : i32
        %dma_wait3A_191 = arith.constant 0 : i32
        %dma_wait3A_192 = tpu.memref_slice %arg6[%run_scoped3A_161, %dma_wait3A_190, %dma_wait3A_191] : memref<3x512x16xf32, #tpu.memory_space<vmem>> -> memref<1x512x16xf32, #tpu.memory_space<vmem>>
        %dma_wait3A_193 = tpu.memref_squeeze %dma_wait3A_192 : memref<1x512x16xf32, #tpu.memory_space<vmem>> -> memref<512x16xf32, #tpu.memory_space<vmem>>
        %dma_wait3A_194 = arith.constant 0 : i32
        %dma_wait3A_195 = tpu.memref_slice %arg7[%add3A_160, %dma_wait3A_194] : memref<100096x16xf32, #tpu.memory_space<vmem_shared>> -> memref<512x16xf32, #tpu.memory_space<vmem_shared>>
        tpu.wait_dma2 semaphore(%run_scoped3A_172 : memref<!tpu.dma_semaphore, #tpu.memory_space<semaphore_mem>>) src(%dma_wait3A_195 : memref<512x16xf32, #tpu.memory_space<vmem_shared>>) dst(%dma_wait3A_193 : memref<512x16xf32, #tpu.memory_space<vmem>>)
        tpu.yield
      }) : () -> ()
      %add3A_162 = arith.constant 5632 : i32
      %add3A_163 = arith.addi %mul3A_14, %add3A_162 : i32
      %run_scoped3A_164 = arith.constant 0 : i32
      "tpu.region"() ({
        %run_scoped3A_172 = tpu.sem_alloc : memref<!tpu.dma_semaphore, #tpu.memory_space<semaphore_mem>>
        %dma_start3A = arith.constant 0 : i32
        %dma_start3A_173 = arith.constant 0 : i32
        %dma_start3A_174 = tpu.memref_slice %arg6[%run_scoped3A_164, %dma_start3A, %dma_start3A_173] : memref<3x512x16xf32, #tpu.memory_space<vmem>> -> memref<1x512x16xf32, #tpu.memory_space<vmem>>
        %dma_start3A_175 = tpu.memref_squeeze %dma_start3A_174 : memref<1x512x16xf32, #tpu.memory_space<vmem>> -> memref<512x16xf32, #tpu.memory_space<vmem>>
        %dma_start3A_176 = tpu.memref_slice %arg4[%add3A_163, %mul3A_12] : memref<100096x128xf32, #tpu.memory_space<hbm>> -> memref<512x16xf32, #tpu.memory_space<hbm>>
        %dma_start3A_177 = tpu.memref_slice %arg4[%add3A_163, %mul3A_12] : memref<100096x128xf32, #tpu.memory_space<hbm>> -> memref<512x16xf32, #tpu.memory_space<hbm>>
        %dma_start3A_178 = arith.constant 0 : i32
        %dma_start3A_179 = arith.constant 0 : i32
        %dma_start3A_180 = tpu.memref_slice %arg6[%run_scoped3A_164, %dma_start3A_178, %dma_start3A_179] : memref<3x512x16xf32, #tpu.memory_space<vmem>> -> memref<1x512x16xf32, #tpu.memory_space<vmem>>
        %dma_start3A_181 = tpu.memref_squeeze %dma_start3A_180 : memref<1x512x16xf32, #tpu.memory_space<vmem>> -> memref<512x16xf32, #tpu.memory_space<vmem>>
        tpu.enqueue_dma source(%dma_start3A_181 : memref<512x16xf32, #tpu.memory_space<vmem>>) target(%dma_start3A_177 : memref<512x16xf32, #tpu.memory_space<hbm>>) target_semaphore(%run_scoped3A_172 : memref<!tpu.dma_semaphore, #tpu.memory_space<semaphore_mem>>)
        %dma_wait3A_182 = arith.constant 0 : i32
        %dma_wait3A_183 = arith.constant 0 : i32
        %dma_wait3A_184 = tpu.memref_slice %arg6[%run_scoped3A_164, %dma_wait3A_182, %dma_wait3A_183] : memref<3x512x16xf32, #tpu.memory_space<vmem>> -> memref<1x512x16xf32, #tpu.memory_space<vmem>>
        %dma_wait3A_185 = tpu.memref_squeeze %dma_wait3A_184 : memref<1x512x16xf32, #tpu.memory_space<vmem>> -> memref<512x16xf32, #tpu.memory_space<vmem>>
        %dma_wait3A_186 = tpu.memref_slice %arg4[%add3A_163, %mul3A_12] : memref<100096x128xf32, #tpu.memory_space<hbm>> -> memref<512x16xf32, #tpu.memory_space<hbm>>
        %dma_wait3A_187 = tpu.memref_slice %arg4[%add3A_163, %mul3A_12] : memref<100096x128xf32, #tpu.memory_space<hbm>> -> memref<512x16xf32, #tpu.memory_space<hbm>>
        %dma_wait3A_188 = arith.constant 0 : i32
        %dma_wait3A_189 = arith.constant 0 : i32
        %dma_wait3A_190 = tpu.memref_slice %arg6[%run_scoped3A_164, %dma_wait3A_188, %dma_wait3A_189] : memref<3x512x16xf32, #tpu.memory_space<vmem>> -> memref<1x512x16xf32, #tpu.memory_space<vmem>>
        %dma_wait3A_191 = tpu.memref_squeeze %dma_wait3A_190 : memref<1x512x16xf32, #tpu.memory_space<vmem>> -> memref<512x16xf32, #tpu.memory_space<vmem>>
        tpu.wait_dma2 semaphore(%run_scoped3A_172 : memref<!tpu.dma_semaphore, #tpu.memory_space<semaphore_mem>>) src(%dma_wait3A_191 : memref<512x16xf32, #tpu.memory_space<vmem>>) dst(%dma_wait3A_187 : memref<512x16xf32, #tpu.memory_space<hbm>>)
        tpu.yield
      }) : () -> ()
      %add3A_165 = arith.constant 6144 : i32
      %add3A_166 = arith.addi %mul3A_14, %add3A_165 : i32
      %run_scoped3A_167 = arith.constant 0 : i32
      "tpu.region"() ({
        %run_scoped3A_172 = tpu.sem_alloc : memref<!tpu.dma_semaphore, #tpu.memory_space<semaphore_mem>>
        %dma_start3A = arith.constant 0 : i32
        %dma_start3A_173 = arith.constant 0 : i32
        %dma_start3A_174 = tpu.memref_slice %arg6[%run_scoped3A_167, %dma_start3A, %dma_start3A_173] : memref<3x512x16xf32, #tpu.memory_space<vmem>> -> memref<1x512x16xf32, #tpu.memory_space<vmem>>
        %dma_start3A_175 = tpu.memref_squeeze %dma_start3A_174 : memref<1x512x16xf32, #tpu.memory_space<vmem>> -> memref<512x16xf32, #tpu.memory_space<vmem>>
        %dma_start3A_176 = arith.constant 0 : i32
        %dma_start3A_177 = arith.constant 0 : i32
        %dma_start3A_178 = tpu.memref_slice %dma_start3A_175[%dma_start3A_176, %dma_start3A_177] : memref<512x16xf32, #tpu.memory_space<vmem>> -> memref<112x16xf32, #tpu.memory_space<vmem>>
        %dma_start3A_179 = arith.constant 0 : i32
        %dma_start3A_180 = tpu.memref_slice %arg7[%add3A_166, %dma_start3A_179] : memref<100096x16xf32, #tpu.memory_space<vmem_shared>> -> memref<112x16xf32, #tpu.memory_space<vmem_shared>>
        %dma_start3A_181 = arith.constant 0 : i32
        %dma_start3A_182 = arith.constant 0 : i32
        %dma_start3A_183 = tpu.memref_slice %arg6[%run_scoped3A_167, %dma_start3A_181, %dma_start3A_182] : memref<3x512x16xf32, #tpu.memory_space<vmem>> -> memref<1x512x16xf32, #tpu.memory_space<vmem>>
        %dma_start3A_184 = tpu.memref_squeeze %dma_start3A_183 : memref<1x512x16xf32, #tpu.memory_space<vmem>> -> memref<512x16xf32, #tpu.memory_space<vmem>>
        %dma_start3A_185 = arith.constant 0 : i32
        %dma_start3A_186 = arith.constant 0 : i32
        %dma_start3A_187 = tpu.memref_slice %dma_start3A_184[%dma_start3A_185, %dma_start3A_186] : memref<512x16xf32, #tpu.memory_space<vmem>> -> memref<112x16xf32, #tpu.memory_space<vmem>>
        %dma_start3A_188 = arith.constant 0 : i32
        %dma_start3A_189 = tpu.memref_slice %arg7[%add3A_166, %dma_start3A_188] : memref<100096x16xf32, #tpu.memory_space<vmem_shared>> -> memref<112x16xf32, #tpu.memory_space<vmem_shared>>
        tpu.enqueue_dma source(%dma_start3A_189 : memref<112x16xf32, #tpu.memory_space<vmem_shared>>) target(%dma_start3A_187 : memref<112x16xf32, #tpu.memory_space<vmem>>) target_semaphore(%run_scoped3A_172 : memref<!tpu.dma_semaphore, #tpu.memory_space<semaphore_mem>>)
        %dma_wait3A_190 = arith.constant 0 : i32
        %dma_wait3A_191 = arith.constant 0 : i32
        %dma_wait3A_192 = tpu.memref_slice %arg6[%run_scoped3A_167, %dma_wait3A_190, %dma_wait3A_191] : memref<3x512x16xf32, #tpu.memory_space<vmem>> -> memref<1x512x16xf32, #tpu.memory_space<vmem>>
        %dma_wait3A_193 = tpu.memref_squeeze %dma_wait3A_192 : memref<1x512x16xf32, #tpu.memory_space<vmem>> -> memref<512x16xf32, #tpu.memory_space<vmem>>
        %dma_wait3A_194 = arith.constant 0 : i32
        %dma_wait3A_195 = arith.constant 0 : i32
        %dma_wait3A_196 = tpu.memref_slice %dma_wait3A_193[%dma_wait3A_194, %dma_wait3A_195] : memref<512x16xf32, #tpu.memory_space<vmem>> -> memref<112x16xf32, #tpu.memory_space<vmem>>
        %dma_wait3A_197 = arith.constant 0 : i32
        %dma_wait3A_198 = tpu.memref_slice %arg7[%add3A_166, %dma_wait3A_197] : memref<100096x16xf32, #tpu.memory_space<vmem_shared>> -> memref<112x16xf32, #tpu.memory_space<vmem_shared>>
        %dma_wait3A_199 = arith.constant 0 : i32
        %dma_wait3A_200 = arith.constant 0 : i32
        %dma_wait3A_201 = tpu.memref_slice %arg6[%run_scoped3A_167, %dma_wait3A_199, %dma_wait3A_200] : memref<3x512x16xf32, #tpu.memory_space<vmem>> -> memref<1x512x16xf32, #tpu.memory_space<vmem>>
        %dma_wait3A_202 = tpu.memref_squeeze %dma_wait3A_201 : memref<1x512x16xf32, #tpu.memory_space<vmem>> -> memref<512x16xf32, #tpu.memory_space<vmem>>
        %dma_wait3A_203 = arith.constant 0 : i32
        %dma_wait3A_204 = arith.constant 0 : i32
        %dma_wait3A_205 = tpu.memref_slice %dma_wait3A_202[%dma_wait3A_203, %dma_wait3A_204] : memref<512x16xf32, #tpu.memory_space<vmem>> -> memref<112x16xf32, #tpu.memory_space<vmem>>
        %dma_wait3A_206 = arith.constant 0 : i32
        %dma_wait3A_207 = tpu.memref_slice %arg7[%add3A_166, %dma_wait3A_206] : memref<100096x16xf32, #tpu.memory_space<vmem_shared>> -> memref<112x16xf32, #tpu.memory_space<vmem_shared>>
        tpu.wait_dma2 semaphore(%run_scoped3A_172 : memref<!tpu.dma_semaphore, #tpu.memory_space<semaphore_mem>>) src(%dma_wait3A_207 : memref<112x16xf32, #tpu.memory_space<vmem_shared>>) dst(%dma_wait3A_205 : memref<112x16xf32, #tpu.memory_space<vmem>>)
        tpu.yield
      }) : () -> ()
      %add3A_168 = arith.constant 6144 : i32
      %add3A_169 = arith.addi %mul3A_14, %add3A_168 : i32
      %run_scoped3A_170 = arith.constant 0 : i32
      "tpu.region"() ({
        %run_scoped3A_172 = tpu.sem_alloc : memref<!tpu.dma_semaphore, #tpu.memory_space<semaphore_mem>>
        %dma_start3A = arith.constant 0 : i32
        %dma_start3A_173 = arith.constant 0 : i32
        %dma_start3A_174 = tpu.memref_slice %arg6[%run_scoped3A_170, %dma_start3A, %dma_start3A_173] : memref<3x512x16xf32, #tpu.memory_space<vmem>> -> memref<1x512x16xf32, #tpu.memory_space<vmem>>
        %dma_start3A_175 = tpu.memref_squeeze %dma_start3A_174 : memref<1x512x16xf32, #tpu.memory_space<vmem>> -> memref<512x16xf32, #tpu.memory_space<vmem>>
        %dma_start3A_176 = arith.constant 0 : i32
        %dma_start3A_177 = arith.constant 0 : i32
        %dma_start3A_178 = tpu.memref_slice %dma_start3A_175[%dma_start3A_176, %dma_start3A_177] : memref<512x16xf32, #tpu.memory_space<vmem>> -> memref<112x16xf32, #tpu.memory_space<vmem>>
        %dma_start3A_179 = tpu.memref_slice %arg4[%add3A_169, %mul3A_12] : memref<100096x128xf32, #tpu.memory_space<hbm>> -> memref<112x16xf32, #tpu.memory_space<hbm>>
        %dma_start3A_180 = tpu.memref_slice %arg4[%add3A_169, %mul3A_12] : memref<100096x128xf32, #tpu.memory_space<hbm>> -> memref<112x16xf32, #tpu.memory_space<hbm>>
        %dma_start3A_181 = arith.constant 0 : i32
        %dma_start3A_182 = arith.constant 0 : i32
        %dma_start3A_183 = tpu.memref_slice %arg6[%run_scoped3A_170, %dma_start3A_181, %dma_start3A_182] : memref<3x512x16xf32, #tpu.memory_space<vmem>> -> memref<1x512x16xf32, #tpu.memory_space<vmem>>
        %dma_start3A_184 = tpu.memref_squeeze %dma_start3A_183 : memref<1x512x16xf32, #tpu.memory_space<vmem>> -> memref<512x16xf32, #tpu.memory_space<vmem>>
        %dma_start3A_185 = arith.constant 0 : i32
        %dma_start3A_186 = arith.constant 0 : i32
        %dma_start3A_187 = tpu.memref_slice %dma_start3A_184[%dma_start3A_185, %dma_start3A_186] : memref<512x16xf32, #tpu.memory_space<vmem>> -> memref<112x16xf32, #tpu.memory_space<vmem>>
        tpu.enqueue_dma source(%dma_start3A_187 : memref<112x16xf32, #tpu.memory_space<vmem>>) target(%dma_start3A_180 : memref<112x16xf32, #tpu.memory_space<hbm>>) target_semaphore(%run_scoped3A_172 : memref<!tpu.dma_semaphore, #tpu.memory_space<semaphore_mem>>)
        %dma_wait3A_188 = arith.constant 0 : i32
        %dma_wait3A_189 = arith.constant 0 : i32
        %dma_wait3A_190 = tpu.memref_slice %arg6[%run_scoped3A_170, %dma_wait3A_188, %dma_wait3A_189] : memref<3x512x16xf32, #tpu.memory_space<vmem>> -> memref<1x512x16xf32, #tpu.memory_space<vmem>>
        %dma_wait3A_191 = tpu.memref_squeeze %dma_wait3A_190 : memref<1x512x16xf32, #tpu.memory_space<vmem>> -> memref<512x16xf32, #tpu.memory_space<vmem>>
        %dma_wait3A_192 = arith.constant 0 : i32
        %dma_wait3A_193 = arith.constant 0 : i32
        %dma_wait3A_194 = tpu.memref_slice %dma_wait3A_191[%dma_wait3A_192, %dma_wait3A_193] : memref<512x16xf32, #tpu.memory_space<vmem>> -> memref<112x16xf32, #tpu.memory_space<vmem>>
        %dma_wait3A_195 = tpu.memref_slice %arg4[%add3A_169, %mul3A_12] : memref<100096x128xf32, #tpu.memory_space<hbm>> -> memref<112x16xf32, #tpu.memory_space<hbm>>
        %dma_wait3A_196 = tpu.memref_slice %arg4[%add3A_169, %mul3A_12] : memref<100096x128xf32, #tpu.memory_space<hbm>> -> memref<112x16xf32, #tpu.memory_space<hbm>>
        %dma_wait3A_197 = arith.constant 0 : i32
        %dma_wait3A_198 = arith.constant 0 : i32
        %dma_wait3A_199 = tpu.memref_slice %arg6[%run_scoped3A_170, %dma_wait3A_197, %dma_wait3A_198] : memref<3x512x16xf32, #tpu.memory_space<vmem>> -> memref<1x512x16xf32, #tpu.memory_space<vmem>>
        %dma_wait3A_200 = tpu.memref_squeeze %dma_wait3A_199 : memref<1x512x16xf32, #tpu.memory_space<vmem>> -> memref<512x16xf32, #tpu.memory_space<vmem>>
        %dma_wait3A_201 = arith.constant 0 : i32
        %dma_wait3A_202 = arith.constant 0 : i32
        %dma_wait3A_203 = tpu.memref_slice %dma_wait3A_200[%dma_wait3A_201, %dma_wait3A_202] : memref<512x16xf32, #tpu.memory_space<vmem>> -> memref<112x16xf32, #tpu.memory_space<vmem>>
        tpu.wait_dma2 semaphore(%run_scoped3A_172 : memref<!tpu.dma_semaphore, #tpu.memory_space<semaphore_mem>>) src(%dma_wait3A_203 : memref<112x16xf32, #tpu.memory_space<vmem>>) dst(%dma_wait3A_196 : memref<112x16xf32, #tpu.memory_space<hbm>>)
        tpu.yield
      }) : () -> ()
      %scan3A_171 = arith.constant 0 : i32
      scf.yield %scan3A_171 : i32
    }
    %scan3A_6 = arith.constant 2 : i32
    return
  }
}

module attributes {stable_mosaic.version = 14 : i64} {
  func.func @_tcB_body(%arg0: i32, %arg1: memref<1088x128xf32, #tpu.memory_space<vmem>>, %arg2: memref<1088x128xf32, #tpu.memory_space<vmem>>, %arg3: memref<1088x3xf32, #tpu.memory_space<vmem>>, %arg4: memref<5x64xf32, #tpu.memory_space<vmem>>, %arg5: memref<64xf32, #tpu.memory_space<vmem>>, %arg6: memref<1088x128xf32, #tpu.memory_space<vmem>>) attributes {dimension_semantics = [#tpu.dimension_semantics<arbitrary>], iteration_bounds = array<i64: 92>, scalar_prefetch = 0 : i64, scratch_operands = 0 : i64, tpu.core_type = #tpu.core_type<tc>, window_params = [{transform_indices = @transform_0, window_bounds = array<i64: 1088, 128>}, {transform_indices = @transform_1, window_bounds = array<i64: 1088, 128>}, {transform_indices = @transform_2, window_bounds = array<i64: 1088, 3>}, {pipeline_mode = #tpu.pipeline_mode<synchronous>, transform_indices = @transform_3, window_bounds = array<i64: 5, 64>}, {pipeline_mode = #tpu.pipeline_mode<synchronous>, transform_indices = @transform_4, window_bounds = array<i64: 64>}, {transform_indices = @transform_5, window_bounds = array<i64: 1088, 128>}]} {
    %get3A = arith.constant 0 : index
    %get3A_0 = arith.constant 8 : index
    %get3A_1 = vector.load %arg2[%get3A, %get3A_0] : memref<1088x128xf32, #tpu.memory_space<vmem>>, vector<1088x1xf32>
    %get3A_2 = arith.constant 0 : index
    %get3A_3 = arith.constant 0 : index
    %get3A_4 = vector.load %arg1[%get3A_2, %get3A_3] : memref<1088x128xf32, #tpu.memory_space<vmem>>, vector<1088x5xf32>
    %get3A_5 = arith.constant 0 : index
    %get3A_6 = arith.constant 16 : index
    %get3A_7 = vector.load %arg1[%get3A_5, %get3A_6] : memref<1088x128xf32, #tpu.memory_space<vmem>>, vector<1088x5xf32>
    %add3A = arith.addf %get3A_4, %get3A_7 : vector<1088x5xf32>
    %get3A_8 = arith.constant 0 : index
    %get3A_9 = arith.constant 0 : index
    %get3A_10 = vector.load %arg2[%get3A_8, %get3A_9] : memref<1088x128xf32, #tpu.memory_space<vmem>>, vector<1088x5xf32>
    %add3A_11 = arith.addf %add3A, %get3A_10 : vector<1088x5xf32>
    %mul3A = vector.broadcast %get3A_1 : vector<1088x1xf32> to vector<1088x5xf32>
    %mul3A_12 = arith.mulf %mul3A, %add3A_11 : vector<1088x5xf32>
    %get3A_13 = arith.constant 0 : index
    %get3A_14 = arith.constant 0 : index
    %get3A_15 = vector.load %arg4[%get3A_13, %get3A_14] : memref<5x64xf32, #tpu.memory_space<vmem>>, vector<5x64xf32>
    %dot_general3A = arith.constant dense<0.000000e+00> : vector<1088x64xf32>
    %dot_general3A_16 = tpu.matmul %mul3A_12, %get3A_15, %dot_general3A {dimension_numbers = #tpu.dot_dimension_numbers<[1], [0], [0], [1], [0, 0, 1, 1], [], []>, transpose_lhs_hint = false} : vector<1088x5xf32>, vector<5x64xf32>, vector<1088x64xf32> -> vector<1088x64xf32>
    %get3A_17 = arith.constant 0 : index
    %get3A_18 = vector.load %arg5[%get3A_17] : memref<64xf32, #tpu.memory_space<vmem>>, vector<64xf32>
    %broadcast_in_dim3A = vector.shape_cast %get3A_18 : vector<64xf32> to vector<1x64xf32>
    %add3A_19 = vector.broadcast %broadcast_in_dim3A : vector<1x64xf32> to vector<1088x64xf32>
    %add3A_20 = arith.addf %dot_general3A_16, %add3A_19 : vector<1088x64xf32>
    %max3A = arith.constant 0.000000e+00 : f32
    %max3A_21 = vector.broadcast %max3A : f32 to vector<1088x64xf32>
    %max3A_22 = arith.maximumf %add3A_20, %max3A_21 : vector<1088x64xf32>
    %mul3A_23 = vector.broadcast %get3A_1 : vector<1088x1xf32> to vector<1088x64xf32>
    %mul3A_24 = arith.mulf %mul3A_23, %max3A_22 : vector<1088x64xf32>
    %mul3A_25 = arith.constant 1088 : i32
    %mul3A_26 = arith.muli %arg0, %mul3A_25 : i32
    %iota3A = tpu.iota {dimensions = array<i32: 0>} : vector<1088x1xi32>
    %add3A_27 = vector.broadcast %mul3A_26 : i32 to vector<1088x1xi32>
    %add3A_28 = arith.addi %add3A_27, %iota3A : vector<1088x1xi32>
    %lt3A = arith.constant 100000 : i32
    %lt3A_29 = vector.broadcast %lt3A : i32 to vector<1088x1xi32>
    %lt3A_30 = arith.cmpi slt, %add3A_28, %lt3A_29 : vector<1088x1xi32>
    %jit3A = arith.constant 0.000000e+00 : f32
    %broadcast_in_dim3A_31 = vector.shape_cast %lt3A_30 : vector<1088x1xi1> to vector<1088x1xi1>
    %broadcast_in_dim3A_32 = vector.broadcast %broadcast_in_dim3A_31 : vector<1088x1xi1> to vector<1088x64xi1>
    %broadcast_in_dim3A_33 = vector.broadcast %jit3A : f32 to vector<1088x64xf32>
    %select_n3A = arith.select %broadcast_in_dim3A_32, %mul3A_24, %broadcast_in_dim3A_33 : vector<1088x64xi1>, vector<1088x64xf32>
    %get3A_34 = arith.constant 0 : index
    %get3A_35 = arith.constant 0 : index
    %get3A_36 = vector.load %arg3[%get3A_34, %get3A_35] : memref<1088x3xf32, #tpu.memory_space<vmem>>, vector<1088x3xf32>
    %broadcast_in_dim3A_37 = arith.constant 0.000000e+00 : f32
    %broadcast_in_dim3A_38 = vector.broadcast %broadcast_in_dim3A_37 : f32 to vector<1088x60xf32>
    %concatenate3A = tpu.concatenate %select_n3A, %get3A_1, %get3A_36, %broadcast_in_dim3A_38 in 1 : vector<1088x64xf32>, vector<1088x1xf32>, vector<1088x3xf32>, vector<1088x60xf32> -> vector<1088x128xf32>
    %swap3A = arith.constant 0 : index
    %swap3A_39 = arith.constant 0 : index
    %swap3A_40 = vector.load %arg6[%swap3A, %swap3A_39] : memref<1088x128xf32, #tpu.memory_space<vmem>>, vector<1088x128xf32>
    tpu.vector_store %arg6[%swap3A, %swap3A_39], %concatenate3A {strides = array<i32>} : memref<1088x128xf32, #tpu.memory_space<vmem>>, vector<1088x128xf32>,
    return
  }
  func.func @transform_0(%arg0: i32) -> (i32, i32) {
    %c0_i32 = arith.constant 0 : i32
    %c0_i32_0 = arith.constant 0 : i32
    return %arg0, %c0_i32 : i32, i32
  }
  func.func @transform_1(%arg0: i32) -> (i32, i32) {
    %c0_i32 = arith.constant 0 : i32
    %c0_i32_0 = arith.constant 0 : i32
    return %arg0, %c0_i32 : i32, i32
  }
  func.func @transform_2(%arg0: i32) -> (i32, i32) {
    %c0_i32 = arith.constant 0 : i32
    %c0_i32_0 = arith.constant 0 : i32
    return %arg0, %c0_i32 : i32, i32
  }
  func.func @transform_3(%arg0: i32) -> (i32, i32) {
    %c0_i32 = arith.constant 0 : i32
    %c0_i32_0 = arith.constant 0 : i32
    %c0_i32_1 = arith.constant 0 : i32
    return %c0_i32, %c0_i32_0 : i32, i32
  }
  func.func @transform_4(%arg0: i32) -> i32 {
    %c0_i32 = arith.constant 0 : i32
    %c0_i32_0 = arith.constant 0 : i32
    return %c0_i32 : i32
  }
  func.func @transform_5(%arg0: i32) -> (i32, i32) {
    %c0_i32 = arith.constant 0 : i32
    %c0_i32_0 = arith.constant 0 : i32
    return %arg0, %c0_i32 : i32, i32
  }
}

module attributes {stable_mosaic.version = 14 : i64} {
  func.func @_tcC_body(%arg0: i32, %arg1: memref<1000x128xf32, #tpu.memory_space<vmem>>, %arg2: memref<1000x128xf32, #tpu.memory_space<vmem>>, %arg3: memref<64x64xf32, #tpu.memory_space<vmem>>, %arg4: memref<64xf32, #tpu.memory_space<vmem>>, %arg5: memref<67x64xf32, #tpu.memory_space<vmem>>, %arg6: memref<64xf32, #tpu.memory_space<vmem>>, %arg7: memref<64x64xf32, #tpu.memory_space<vmem>>, %arg8: memref<64xf32, #tpu.memory_space<vmem>>, %arg9: memref<64x30xf32, #tpu.memory_space<vmem>>, %arg10: memref<30xf32, #tpu.memory_space<vmem>>, %arg11: memref<1000x30xf32, #tpu.memory_space<vmem>>) attributes {dimension_semantics = [#tpu.dimension_semantics<arbitrary>], iteration_bounds = array<i64: 100>, scalar_prefetch = 0 : i64, scratch_operands = 0 : i64, tpu.core_type = #tpu.core_type<tc>, window_params = [{transform_indices = @transform_0, window_bounds = array<i64: 1000, 128>}, {transform_indices = @transform_1, window_bounds = array<i64: 1000, 128>}, {pipeline_mode = #tpu.pipeline_mode<synchronous>, transform_indices = @transform_2, window_bounds = array<i64: 64, 64>}, {pipeline_mode = #tpu.pipeline_mode<synchronous>, transform_indices = @transform_3, window_bounds = array<i64: 64>}, {pipeline_mode = #tpu.pipeline_mode<synchronous>, transform_indices = @transform_4, window_bounds = array<i64: 67, 64>}, {pipeline_mode = #tpu.pipeline_mode<synchronous>, transform_indices = @transform_5, window_bounds = array<i64: 64>}, {pipeline_mode = #tpu.pipeline_mode<synchronous>, transform_indices = @transform_6, window_bounds = array<i64: 64, 64>}, {pipeline_mode = #tpu.pipeline_mode<synchronous>, transform_indices = @transform_7, window_bounds = array<i64: 64>}, {pipeline_mode = #tpu.pipeline_mode<synchronous>, transform_indices = @transform_8, window_bounds = array<i64: 64, 30>}, {pipeline_mode = #tpu.pipeline_mode<synchronous>, transform_indices = @transform_9, window_bounds = array<i64: 30>}, {transform_indices = @transform_10, window_bounds = array<i64: 1000, 30>}]} {
    %get3A = arith.constant 0 : index
    %get3A_0 = arith.constant 64 : index
    %get3A_1 = vector.load %arg2[%get3A, %get3A_0] : memref<1000x128xf32, #tpu.memory_space<vmem>>, vector<1000x1xf32>
    %get3A_2 = arith.constant 0 : index
    %get3A_3 = arith.constant 65 : index
    %get3A_4 = vector.load %arg2[%get3A_2, %get3A_3] : memref<1000x128xf32, #tpu.memory_space<vmem>>, vector<1000x3xf32>
    %get3A_5 = arith.constant 0 : index
    %get3A_6 = arith.constant 0 : index
    %get3A_7 = vector.load %arg1[%get3A_5, %get3A_6] : memref<1000x128xf32, #tpu.memory_space<vmem>>, vector<1000x64xf32>
    %get3A_8 = arith.constant 0 : index
    %get3A_9 = arith.constant 0 : index
    %get3A_10 = vector.load %arg2[%get3A_8, %get3A_9] : memref<1000x128xf32, #tpu.memory_space<vmem>>, vector<1000x64xf32>
    %add3A = arith.addf %get3A_7, %get3A_10 : vector<1000x64xf32>
    %mul3A = vector.broadcast %get3A_1 : vector<1000x1xf32> to vector<1000x64xf32>
    %mul3A_11 = arith.mulf %mul3A, %add3A : vector<1000x64xf32>
    %get3A_12 = arith.constant 0 : index
    %get3A_13 = arith.constant 0 : index
    %get3A_14 = vector.load %arg3[%get3A_12, %get3A_13] : memref<64x64xf32, #tpu.memory_space<vmem>>, vector<64x64xf32>
    %dot_general3A = arith.constant dense<0.000000e+00> : vector<1000x64xf32>
    %dot_general3A_15 = tpu.matmul %mul3A_11, %get3A_14, %dot_general3A {dimension_numbers = #tpu.dot_dimension_numbers<[1], [0], [0], [1], [0, 0, 1, 1], [], []>, transpose_lhs_hint = false} : vector<1000x64xf32>, vector<64x64xf32>, vector<1000x64xf32> -> vector<1000x64xf32>
    %get3A_16 = arith.constant 0 : index
    %get3A_17 = vector.load %arg4[%get3A_16] : memref<64xf32, #tpu.memory_space<vmem>>, vector<64xf32>
    %broadcast_in_dim3A = vector.shape_cast %get3A_17 : vector<64xf32> to vector<1x64xf32>
    %add3A_18 = vector.broadcast %broadcast_in_dim3A : vector<1x64xf32> to vector<1000x64xf32>
    %add3A_19 = arith.addf %dot_general3A_15, %add3A_18 : vector<1000x64xf32>
    %max3A = arith.constant 0.000000e+00 : f32
    %max3A_20 = vector.broadcast %max3A : f32 to vector<1000x64xf32>
    %max3A_21 = arith.maximumf %add3A_19, %max3A_20 : vector<1000x64xf32>
    %get3A_22 = arith.constant 0 : index
    %get3A_23 = arith.constant 0 : index
    %get3A_24 = vector.load %arg5[%get3A_22, %get3A_23] : memref<67x64xf32, #tpu.memory_space<vmem>>, vector<64x64xf32>
    %dot_general3A_25 = arith.constant dense<0.000000e+00> : vector<1000x64xf32>
    %dot_general3A_26 = tpu.matmul %max3A_21, %get3A_24, %dot_general3A_25 {dimension_numbers = #tpu.dot_dimension_numbers<[1], [0], [0], [1], [0, 0, 1, 1], [], []>, transpose_lhs_hint = false} : vector<1000x64xf32>, vector<64x64xf32>, vector<1000x64xf32> -> vector<1000x64xf32>
    %get3A_27 = arith.constant 64 : index
    %get3A_28 = arith.constant 0 : index
    %get3A_29 = vector.load %arg5[%get3A_27, %get3A_28] : memref<67x64xf32, #tpu.memory_space<vmem>>, vector<3x64xf32>
    %dot_general3A_30 = arith.constant dense<0.000000e+00> : vector<1000x64xf32>
    %dot_general3A_31 = tpu.matmul %get3A_4, %get3A_29, %dot_general3A_30 {dimension_numbers = #tpu.dot_dimension_numbers<[1], [0], [0], [1], [0, 0, 1, 1], [], []>, transpose_lhs_hint = false} : vector<1000x3xf32>, vector<3x64xf32>, vector<1000x64xf32> -> vector<1000x64xf32>
    %add3A_32 = arith.addf %dot_general3A_26, %dot_general3A_31 : vector<1000x64xf32>
    %get3A_33 = arith.constant 0 : index
    %get3A_34 = vector.load %arg6[%get3A_33] : memref<64xf32, #tpu.memory_space<vmem>>, vector<64xf32>
    %broadcast_in_dim3A_35 = vector.shape_cast %get3A_34 : vector<64xf32> to vector<1x64xf32>
    %add3A_36 = vector.broadcast %broadcast_in_dim3A_35 : vector<1x64xf32> to vector<1000x64xf32>
    %add3A_37 = arith.addf %add3A_32, %add3A_36 : vector<1000x64xf32>
    %max3A_38 = arith.constant 0.000000e+00 : f32
    %max3A_39 = vector.broadcast %max3A_38 : f32 to vector<1000x64xf32>
    %max3A_40 = arith.maximumf %add3A_37, %max3A_39 : vector<1000x64xf32>
    %get3A_41 = arith.constant 0 : index
    %get3A_42 = arith.constant 0 : index
    %get3A_43 = vector.load %arg7[%get3A_41, %get3A_42] : memref<64x64xf32, #tpu.memory_space<vmem>>, vector<64x64xf32>
    %dot_general3A_44 = arith.constant dense<0.000000e+00> : vector<1000x64xf32>
    %dot_general3A_45 = tpu.matmul %max3A_40, %get3A_43, %dot_general3A_44 {dimension_numbers = #tpu.dot_dimension_numbers<[1], [0], [0], [1], [0, 0, 1, 1], [], []>, transpose_lhs_hint = false} : vector<1000x64xf32>, vector<64x64xf32>, vector<1000x64xf32> -> vector<1000x64xf32>
    %get3A_46 = arith.constant 0 : index
    %get3A_47 = vector.load %arg8[%get3A_46] : memref<64xf32, #tpu.memory_space<vmem>>, vector<64xf32>
    %broadcast_in_dim3A_48 = vector.shape_cast %get3A_47 : vector<64xf32> to vector<1x64xf32>
    %add3A_49 = vector.broadcast %broadcast_in_dim3A_48 : vector<1x64xf32> to vector<1000x64xf32>
    %add3A_50 = arith.addf %dot_general3A_45, %add3A_49 : vector<1000x64xf32>
    %max3A_51 = arith.constant 0.000000e+00 : f32
    %max3A_52 = vector.broadcast %max3A_51 : f32 to vector<1000x64xf32>
    %max3A_53 = arith.maximumf %add3A_50, %max3A_52 : vector<1000x64xf32>
    %get3A_54 = arith.constant 0 : index
    %get3A_55 = arith.constant 0 : index
    %get3A_56 = vector.load %arg9[%get3A_54, %get3A_55] : memref<64x30xf32, #tpu.memory_space<vmem>>, vector<64x30xf32>
    %dot_general3A_57 = arith.constant dense<0.000000e+00> : vector<1000x30xf32>
    %dot_general3A_58 = tpu.matmul %max3A_53, %get3A_56, %dot_general3A_57 {dimension_numbers = #tpu.dot_dimension_numbers<[1], [0], [0], [1], [0, 0, 1, 1], [], []>, transpose_lhs_hint = false} : vector<1000x64xf32>, vector<64x30xf32>, vector<1000x30xf32> -> vector<1000x30xf32>
    %get3A_59 = arith.constant 0 : index
    %get3A_60 = vector.load %arg10[%get3A_59] : memref<30xf32, #tpu.memory_space<vmem>>, vector<30xf32>
    %broadcast_in_dim3A_61 = vector.shape_cast %get3A_60 : vector<30xf32> to vector<1x30xf32>
    %add3A_62 = vector.broadcast %broadcast_in_dim3A_61 : vector<1x30xf32> to vector<1000x30xf32>
    %add3A_63 = arith.addf %dot_general3A_58, %add3A_62 : vector<1000x30xf32>
    %swap3A = arith.constant 0 : index
    %swap3A_64 = arith.constant 0 : index
    %swap3A_65 = vector.load %arg11[%swap3A, %swap3A_64] : memref<1000x30xf32, #tpu.memory_space<vmem>>, vector<1000x30xf32>
    tpu.vector_store %arg11[%swap3A, %swap3A_64], %add3A_63 {strides = array<i32>} : memref<1000x30xf32, #tpu.memory_space<vmem>>, vector<1000x30xf32>,
    return
  }
  func.func @transform_0(%arg0: i32) -> (i32, i32) {
    %c0_i32 = arith.constant 0 : i32
    %c0_i32_0 = arith.constant 0 : i32
    return %arg0, %c0_i32 : i32, i32
  }
  func.func @transform_1(%arg0: i32) -> (i32, i32) {
    %c0_i32 = arith.constant 0 : i32
    %c0_i32_0 = arith.constant 0 : i32
    return %arg0, %c0_i32 : i32, i32
  }
  func.func @transform_2(%arg0: i32) -> (i32, i32) {
    %c0_i32 = arith.constant 0 : i32
    %c0_i32_0 = arith.constant 0 : i32
    %c0_i32_1 = arith.constant 0 : i32
    return %c0_i32, %c0_i32_0 : i32, i32
  }
  func.func @transform_3(%arg0: i32) -> i32 {
    %c0_i32 = arith.constant 0 : i32
    %c0_i32_0 = arith.constant 0 : i32
    return %c0_i32 : i32
  }
  func.func @transform_4(%arg0: i32) -> (i32, i32) {
    %c0_i32 = arith.constant 0 : i32
    %c0_i32_0 = arith.constant 0 : i32
    %c0_i32_1 = arith.constant 0 : i32
    return %c0_i32, %c0_i32_0 : i32, i32
  }
  func.func @transform_5(%arg0: i32) -> i32 {
    %c0_i32 = arith.constant 0 : i32
    %c0_i32_0 = arith.constant 0 : i32
    return %c0_i32 : i32
  }
  func.func @transform_6(%arg0: i32) -> (i32, i32) {
    %c0_i32 = arith.constant 0 : i32
    %c0_i32_0 = arith.constant 0 : i32
    %c0_i32_1 = arith.constant 0 : i32
    return %c0_i32, %c0_i32_0 : i32, i32
  }
  func.func @transform_7(%arg0: i32) -> i32 {
    %c0_i32 = arith.constant 0 : i32
    %c0_i32_0 = arith.constant 0 : i32
    return %c0_i32 : i32
  }
  func.func @transform_8(%arg0: i32) -> (i32, i32) {
    %c0_i32 = arith.constant 0 : i32
    %c0_i32_0 = arith.constant 0 : i32
    %c0_i32_1 = arith.constant 0 : i32
    return %c0_i32, %c0_i32_0 : i32, i32
  }
  func.func @transform_9(%arg0: i32) -> i32 {
    %c0_i32 = arith.constant 0 : i32
    %c0_i32_0 = arith.constant 0 : i32
    return %c0_i32 : i32
  }
  func.func @transform_10(%arg0: i32) -> (i32, i32) {
    %c0_i32 = arith.constant 0 : i32
    %c0_i32_0 = arith.constant 0 : i32
    return %arg0, %c0_i32 : i32, i32
  }
}

</mosaic_0001>

<sc_bundles>
// kernel: kernel.10.cloned.1.call-start
scs
__scs_entry_jumppad:
0x0: {  	(pc) =	sbr.rel $0x88, $3  }
0x1: {  	(tag) =	ssettag $0x0;
	lr =	simm.s32 $0x1  }
0x2: {  	[smem:$0x3F94] =	sst lr;
	_ =	strace $0xD0000000  }
0x3: {  	_ = 	snop  }
0x4: {  	_ = 	snop  }
0x5: {  	_ = 	snop  }
0x6: {  	_ = 	snop  }
0x7: {  	_ = 	snop  }
__scs_overlays_trampoline_lowered:
0x8: {  	[smem:$0x3FA3] =	sst s0  }
0x9: {  	[smem:$0x3FA4] =	sst s1  }
0xa: {  	[smem:$0x3FA5] =	sst s2  }
0xb: {  	[smem:$0x3FA6] =	sst s3  }
0xc: {  	[smem:$0x3FA7] =	sst s4  }
0xd: {  	[smem:$0x3FA8] =	sst s5  }
0xe: {  	[smem:$0x3FA9] =	sst s6  }
0xf: {  	[smem:$0x3FAA] =	sst s7  }
0x10: {  	[smem:$0x3FAB] =	sst s8  }
0x11: {  	[smem:$0x3FAC] =	sst s9;
	s0 =	simm.s32 @!p0 $0x0  }
0x12: {  	s1 =	sld [smem:$0x3F92];
	s0 =	simm.s32 @p0 $0x1  }
0x13: {  	[smem:$0x3FAD] =	sst s0;
	s0 =	simm.s32 @!p1 $0x0  }
0x14: {  	s2 =	sld [smem:$0x3F91];
	s0 =	simm.s32 @p1 $0x1  }
0x15: {  	[smem:$0x3FAE] =	sst s0;
	s0 =	simm.s32 @!p2 $0x0  }
0x16: {  	s3 =	sld [smem:$0x3FDB];
	s0 =	simm.s32 @p2 $0x1  }
0x17: {  	s4 =	simm.s32 $0x1BF5;
	[smem:$0x3FB0] =	sst s0  }
0x18: {  	s0 =	sld [smem:$0x3F93];
	_ =	swait.ge [sflag:s4], $0x0  }
0x19: {  	s7 =	sld [smem:$0x3F94]  }
0x1a: {  	s8 =	sadd.s32 $0xFFFFE003, lr  }
0x1b: {  	s9 =	sadd.s32 $0xFFFFFEF7, lr;
	s5 =	simm.s32 $0xFFFFFFFF;
	p2 =	slt.u32 s8, $0xFFFFF086  }
0x1c: {  	p1 =	slt.u32 s9, $0xF7A;
	s5 =	simm.s32 @!p2 $0x0  }
0x1d: {  	s5 =	simm.s32 @p1 $0x1;
	p0 =	seq.s32 s7, s2  }
0x1e: {  	s7 =	smul.u32 @!p0 $0xF7A, s2;
	p2 =	seq.s32 @!p0 s5, $0x0  }
0x1f: {  	s9 =	smul.u32 $0xF7A, s1;
	s8 =	simm.s32 @!p0 $0x1BF5;
	p2 =	por !p2, p0  }
0x20: {  	[sflag:s8] =	ssyncset.s32 @!p0 $0xFFFFF086;
	s6 =	sadd.s32 @!p0 s3, s7;
	s7 =	simm.s32 @!p0 $0x108  }
0x21: {  	s3 =	sadd.s32 s3, s9;
	s6 =	sadd.s32 @!p0 $0x88, s6;
	s7 =	simm.s32 @p2 $0x1082  }
0x22: {  	[simem:s7], [sflag:s8] =	dma.local @!p0 [hbm:s6], $0xF7A  }
0x23: {  	s9 =	sor.u32 $0xD0000000, s2;
	s6 =	simm.s32 $0x108;
	_ =	swait.ge @!p0 [sflag:s8], $0x0  }
0x24: {  	s3 =	sadd.s32 $0x88, s3;
	s6 =	simm.s32 @!p1 $0x1082;
	[sflag:s4] =	ssyncset.s32 $0xFFFFF086  }
0x25: {  	[simem:s6], [sflag:s4] =	dma.local [hbm:s3], $0xF7A  }
0x26: {  	[smem:$0x3F94] =	sst s1;
	(tag) =	ssettag s2;
	_ =	strace s9  }
0x27: {  	s1 =	sld [smem:$0x3FA4]  }
0x28: {  	s2 =	sld [smem:$0x3FA5]  }
0x29: {  	s4 =	sld [smem:$0x3FA7]  }
0x2a: {  	p0 =	seq.s32 s5, $0x0;
	s5 =	sld [smem:$0x3FA8]  }
0x2b: {  	s6 =	sld [smem:$0x3FA9]  }
0x2c: {  	s7 =	sld [smem:$0x3FAA]  }
0x2d: {  	s3 =	simm.s32 $0x108;
	s8 =	sld [smem:$0x3FAB]  }
0x2e: {  	s3 =	simm.s32 @!p0 $0x1082;
	s9 =	sld [smem:$0x3FAC]  }
0x2f: {  	lr =	sadd.s32 s0, s3;
	s0 =	sld [smem:$0x3FA3]  }
0x30: {  	s3 =	sld [smem:$0x3FA6]  }
0x31: {  	[smem:$0x3FAF] =	sst s10  }
0x32: {  	s10 =	sld [smem:$0x3FAD];
	_ =	sdelay $0x3  }
0x33: {  	p0 =	seq.s32 s10, $0x1;
	s10 =	sld [smem:$0x3FAF];
	_ =	sdelay $0x3  }
0x34: {  	[smem:$0x3FAF] =	sst s10  }
0x35: {  	s10 =	sld [smem:$0x3FAE];
	_ =	sdelay $0x3  }
0x36: {  	p1 =	seq.s32 s10, $0x1;
	s10 =	sld [smem:$0x3FAF];
	_ =	sdelay $0x3  }
0x37: {  	[smem:$0x3FAF] =	sst s10  }
0x38: {  	s10 =	sld [smem:$0x3FB0]  }
0x39: {  	_ = 	snop;
	(pc) =	sbr.ind lr, $3  }
0x3a: {  	_ = 	snop  }
0x3b: {  	_ = 	snop  }
0x3c: {  	p2 =	seq.s32 s10, $0x1;
	s10 =	sld [smem:$0x3FAF]  }
0x3d: {  	_ =	shalt  }
0x3e: {  	_ =	shalt  }
0x3f: {  	_ =	shalt  }
0x40: {  	_ =	shalt  }
0x41: {  	_ =	shalt  }
0x42: {  	_ =	shalt  }
0x43: {  	_ =	shalt  }
0x44: {  	_ =	shalt  }
0x45: {  	_ =	shalt  }
0x46: {  	_ =	shalt  }
0x47: {  	_ =	shalt  }
0x48: {  	_ =	shalt  }
0x49: {  	_ =	shalt  }
0x4a: {  	_ =	shalt  }
0x4b: {  	_ =	shalt  }
0x4c: {  	_ =	shalt  }
0x4d: {  	_ =	shalt  }
0x4e: {  	_ =	shalt  }
0x4f: {  	_ =	shalt  }
0x50: {  	_ =	shalt  }
0x51: {  	_ =	shalt  }
0x52: {  	_ =	shalt  }
0x53: {  	_ =	shalt  }
0x54: {  	_ =	shalt  }
0x55: {  	_ =	shalt  }
0x56: {  	_ =	shalt  }
0x57: {  	_ =	shalt  }
0x58: {  	_ =	shalt  }
0x59: {  	_ =	shalt  }
0x5a: {  	_ =	shalt  }
0x5b: {  	_ =	shalt  }
0x5c: {  	_ =	shalt  }
0x5d: {  	_ =	shalt  }
0x5e: {  	_ =	shalt  }
0x5f: {  	_ =	shalt  }
0x60: {  	_ =	shalt  }
0x61: {  	_ =	shalt  }
0x62: {  	_ =	shalt  }
0x63: {  	_ =	shalt  }
0x64: {  	_ =	shalt  }
0x65: {  	_ =	shalt  }
0x66: {  	_ =	shalt  }
0x67: {  	_ =	shalt  }
0x68: {  	_ =	shalt  }
0x69: {  	_ =	shalt  }
0x6a: {  	_ =	shalt  }
0x6b: {  	_ =	shalt  }
0x6c: {  	_ =	shalt  }
0x6d: {  	_ =	shalt  }
0x6e: {  	_ =	shalt  }
0x6f: {  	_ =	shalt  }
0x70: {  	_ =	shalt  }
0x71: {  	_ =	shalt  }
0x72: {  	_ =	shalt  }
0x73: {  	_ =	shalt  }
0x74: {  	_ =	shalt  }
0x75: {  	_ =	shalt  }
0x76: {  	_ =	shalt  }
0x77: {  	_ =	shalt  }
0x78: {  	_ =	shalt  }
0x79: {  	_ =	shalt  }
0x7a: {  	_ =	shalt  }
0x7b: {  	_ =	shalt  }
0x7c: {  	_ =	shalt  }
0x7d: {  	_ =	shalt  }
0x7e: {  	_ =	shalt  }
0x7f: {  	_ =	shalt  }
0x80: {  	_ =	shalt  }
0x81: {  	_ =	shalt  }
0x82: {  	_ =	shalt  }
0x83: {  	_ =	shalt  }
0x84: {  	_ =	shalt  }
0x85: {  	_ =	shalt  }
0x86: {  	_ =	shalt  }
0x87: {  	_ =	shalt  }
.Lfunc_end0:
.L_simem_size_0:
called_computation.1_lowered:
.L_overlay_start_0:
0x88: {  	s2 =	sld [smem:$0x3FD9]  }
0x89: {  	s3 =	sld [smem:$0x3FFE];
	_ =	sdelay $0x1  }
0x8a: {  	s1 =	srdreg.scid  }
0x8b: {  	s0 =	sand.u32 $0x1, s1  }
0x8c: {  	s16 =	sshll.u32 s0, $0xA;
	s2 =	sadd.s32 s3, s2  }
0x8d: {  	s2 =	sadd.s32 s2, s16  }
0x8e: {  	[smem:$0x3FBB] =	sst s2  }
0x8f: {  	_ = 	snop  }
0x90: {  	(tm) =	ssettm $0x1  }
0x91: {  	s17 =	sld [smem:$0x3FFB];
	_ =	sdelay $0x3  }
0x92: {  	_ =	strace s17  }
0x93: {  	s2 =	sld [smem:$0x3FFC];
	_ =	sdelay $0x3  }
0x94: {  	_ =	strace s2  }
0x95: {  	s2 =	sld [smem:$0x3FFD];
	_ =	sdelay $0x3  }
0x96: {  	_ =	strace s2  }
0x97: {  	_ =	strace $0x8FFFFFFF  }
0x98: {  	s18 =	sld [smem:$0x3FDB];
	_ =	sdelay $0x1  }
0x99: {  	s19 =	simm.s32 $_scs_section_size  }
0x9a: {  	s4 =	simm.s32 $_size__tile_overlayer_lowered;
	s5 =	simm.s32 $_tile_overlayer_lowered  }
0x9b: {  	s22 =	simm.s32 $0x1BFF;
	s21 =	sshll.u32 s5, $0x1;
	s2 =	sadd.s32 s19, s18  }
0x9c: {  	s6 =	simm.s32 $0x0;
	s20 =	sshll.u32 s4, $0x1;
	s4 =	sadd.s32 s21, s2  }
0x9d: {  	[timem:s6], [sflag:s22] =	dma.local [hbm:s4], s20  }
0x9e: {  	_ =	swait.ge [sflag:s22], s20  }
0x9f: {  	s3 =	ssub.s32 $0x0, s20;
	[sflag:s22] =	ssyncset.done $0x0  }
0xa0: {  	[sflag:s22] =	ssyncadd.s32 s3;
	_ =	sdelay $0x1  }
0xa1: {  	s23 =	simm.s32 $0x1B8B  }
0xa2: {  	_ =	swait.ge [sflag:s23], $0x1  }
0xa3: {  	[sflag:s23] =	ssyncset.done $0x0  }
0xa4: {  	s25 =	simm.s32 $0x1B8E;
	s24 =	sld [smem:$0x3FFE];
	[sflag:s23] =	ssyncadd.s32 $0xFFFFFFFF  }
0xa5: {  	s26 =	simm.s32 $execute0_lowered;
	[smem:$0x3FD2] =	sst s25  }
0xa6: {  	s4 =	sshll.u32 s26, $0x1;
	_ =	strace $0x80000049;
	[dreg:$0x1] =	wrdreg $0xFFFFFFFF  }
0xa7: {  	s28 =	simm.s32 $_size_execute0_lowered;
	s2 =	sadd.s32 s2, s4;
	[dreg:$0x0] =	wrdreg $0x0  }
0xa8: {  	s4 =	sshll.u32 s28, $0x1;
	[dreg:$0x2] =	wrdreg s2  }
0xa9: {  	[dreg:$0x3] =	wrdreg s4  }
0xaa: {  	[dreg:$0x4] =	wrdreg $0xC0  }
0xab: {  	_ =	task [dreg:s6], $0x5FFFF  }
0xac: {  	[dreg:$0x1] =	wrdreg $0xFFFFFFFF  }
0xad: {  	[dreg:$0x0] =	wrdreg $0x60  }
0xae: {  	[dreg:$0x2] =	wrdreg s24  }
0xaf: {  	[dreg:$0x3] =	wrdreg $0x6C000  }
0xb0: {  	[dreg:$0x4] =	wrdreg $0x9  }
0xb1: {  	_ =	task.clear_ibuf [dreg:s6], $0x5FFFF;
	_ =	strace $0x90000049  }
0xb2: {  	s29 =	simm.s32 $0x9;
	_ =	strace $0x8000004B  }
0xb3: {  	_ =	swait.ge [sflag:s29], $0x1  }
0xb4: {  	[sflag:s29] =	ssyncadd.s32 $0xFFFFFFFF  }
0xb5: {  	_ =	strace $0x9000004B  }
0xb6: {  	_ =	sfence  }
0xb7: {  	s30 =	sld [smem:$0x0];
	_ =	sdelay $0x2  }
0xb8: {  	s31 =	sshll.u32 s1, $0xD;
	s1 =	sshrl.u32 s1, $0x2  }
0xb9: {  	s3 =	sand.u32 $0x4000, s31;
	s1 =	sadd.s32 s1, s30  }
0xba: {  	s0 =	sor.u32 s3, s0;
	s1 =	sshll.u32 s1, $0x11  }
0xbb: {  	s0 =	sor.u32 s1, s0  }
0xbc: {  	s0 =	sadd.s32 $0x8F2B, s0  }
0xbd: {  	[sflag:s0] =	ssyncadd.remote.s32 $0x1  }
0xbe: {  	_ =	sfence.sel $0xFFFF  }
0xbf: {  	[dreg:$0x0] =	wrdreg $0xFFFFFFFF;
	(pc) =	sbr.abs _section_cstart, $3  }
0xc0: {  	[dreg:$0x1] =	wrdreg $0xFFFFFFFF  }
0xc1: {  	_ =	task.clear_ibuf [dreg:s6], $0x2FFFF;
	_ =	strace $0x9FFFFFFF  }
0xc2: {  	(tm) =	ssettm $0x7FFFFFFF  }
0xc3: {  	_ =	shalt  }
tec
execute0_lowered:
.L_overlay_start_1:
0x0: {  	(tag) =	ssettag $0x1  }
0x1: {  	s1 =	srdreg.scid;
	s0 =	rddreg [dreg:$0x0]  }
0x2: {  	s2 =	rddreg [dreg:$0x1];
	s31 =	stileid.u32  }
0x3: {  	s4 =	simm.s32 $0x0;
	s1 =	sand.u32 $0x1, s1;
	s14 =	smul.u32 $0x1870, s31  }
0x4: {  	[smem:$0x7FF] =	sst s4;
	s15 =	smul.u32 $0xC3800, s31;
	s29 =	sadd.s32 $0x1F6E00, s0  }
0x5: {  	s13 =	sshll.u32 s1, $0x4;
	s1 =	ssub.s32 $0x2, s1;
	_ =	strace $0x8000004A  }
0x6: {  	s3 =	sor.u32 s31, s13;
	s25 =	sshrl.u32 s1, $0x1;
	s20 =	sadd.s32 $0x200, s14  }
0x7: {  	s21 =	sadd.s32 $0x400, s14;
	s12 =	sadd.s32 $0x600, s14;
	s10 =	sadd.s32 $0x800, s14  }
0x8: {  	s11 =	sadd.s32 $0xA00, s14;
	s9 =	sadd.s32 $0xC00, s14;
	s7 =	sadd.s32 $0xE00, s14  }
0x9: {  	s8 =	sadd.s32 $0x1000, s14;
	s6 =	sadd.s32 $0x1200, s14;
	s4 =	sadd.s32 $0x1400, s14  }
0xa: {  	s5 =	sadd.s32 $0x1600, s14;
	s26 =	sor.u32 s13, s15;
	s3 =	smul.u32 $0xC800, s3  }
0xb: {  	s1 =	ssub.s32 s1, s25;
	s28 =	sshll.u32 s20, $0x7;
	s16 =	sshll.u32 s21, $0x7  }
0xc: {  	s17 =	sshll.u32 s12, $0x7;
	s18 =	sshll.u32 s10, $0x7;
	s19 =	sshll.u32 s11, $0x7  }
0xd: {  	s22 =	sshll.u32 s9, $0x7;
	s23 =	sshll.u32 s7, $0x7;
	s24 =	sshll.u32 s8, $0x7  }
0xe: {  	s25 =	sshll.u32 s6, $0x7;
	s10 =	sshll.u32 s10, $0x4;
	s11 =	sshll.u32 s11, $0x4  }
0xf: {  	s15 =	sor.u32 s13, s28;
	s16 =	sor.u32 s13, s16;
	s17 =	sor.u32 s13, s17  }
0x10: {  	s18 =	sor.u32 s13, s18;
	s19 =	sor.u32 s13, s19;
	s22 =	sor.u32 s13, s22  }
0x11: {  	s23 =	sor.u32 s13, s23;
	s24 =	sor.u32 s13, s24;
	s25 =	sor.u32 s13, s25  }
0x12: {  	s28 =	sshll.u32 s5, $0x7;
	s1 =	smax.u32 s1, $0x1;
	[dreg:$0x3] =	wrdreg s3  }
0x13: {  	s3 =	sadd.s32 $0x1800, s14;
	s14 =	sshrl.u32 s26, $0x3;
	s26 =	sshll.u32 s4, $0x7  }
0x14: {  	s28 =	sor.u32 s13, s28;
	s15 =	sshrl.u32 s15, $0x3;
	s16 =	sshrl.u32 s16, $0x3  }
0x15: {  	s17 =	sshrl.u32 s17, $0x3;
	s23 =	sshrl.u32 s23, $0x3;
	[dreg:$0x15] =	wrdreg s1  }
0x16: {  	s26 =	sor.u32 s13, s26;
	s30 =	sshll.u32 s3, $0x7;
	s14 =	sadd.s32 s29, s14  }
0x17: {  	s13 =	sor.u32 s13, s30;
	[dreg:$0x4] =	wrdreg s14;
	s14 =	sadd.s32 s29, s15  }
0x18: {  	s15 =	sshrl.u32 s24, $0x3;
	[dreg:$0x5] =	wrdreg s14;
	s14 =	sadd.s32 s29, s16  }
0x19: {  	s16 =	sadd.s32 s29, s17;
	s17 =	sshrl.u32 s18, $0x3;
	s18 =	sshrl.u32 s19, $0x3  }
0x1a: {  	s19 =	sshrl.u32 s22, $0x3;
	s13 =	sshrl.u32 s13, $0x3;
	[dreg:$0x6] =	wrdreg s14  }
0x1b: {  	[dreg:$0x7] =	wrdreg s16;
	s14 =	sadd.s32 s29, s17;
	s22 =	sadd.s32 s29, s19  }
0x1c: {  	s16 =	sshrl.u32 s25, $0x3;
	s19 =	sshrl.u32 s28, $0x3;
	s13 =	sadd.s32 s29, s13  }
0x1d: {  	s25 =	sshll.u32 s20, $0x4;
	s28 =	sshll.u32 s12, $0x4;
	s12 =	sadd.s32 s11, s2  }
0x1e: {  	s11 =	simm.s32 $0x80;
	[dreg:$0x8] =	wrdreg s14;
	s14 =	sadd.s32 s29, s18  }
0x1f: {  	[dreg:$0xa] =	wrdreg s22;
	s17 =	sadd.s32 s29, s16;
	s18 =	sshrl.u32 s26, $0x3  }
0x20: {  	s22 =	smul.u32 $0x61C00, s31;
	[dreg:$0x10] =	wrdreg s13;
	s26 =	sshll.u32 s21, $0x4  }
0x21: {  	s21 =	sadd.s32 s28, s2;
	[dreg:$0x11] =	wrdreg s12;
	s13 =	sshll.u32 s9, $0x4  }
0x22: {  	s28 =	sshll.u32 s3, $0x4;
	s3 =	simm.s32 $0x4C00;
	s9 =	simm.s32 $0xC00  }
0x23: {  	s12 =	simm.s32 $0x0;
	[dreg:$0x9] =	wrdreg s14;
	s14 =	sadd.s32 s29, s23  }
0x24: {  	[dreg:$0xd] =	wrdreg s17;
	s23 =	sadd.s32 s29, s19;
	s17 =	sadd.s32 $0x192E00, s0  }
0x25: {  	s19 =	sadd.s32 s25, s2;
	s20 =	sadd.s32 s26, s2;
	s25 =	sshll.u32 s4, $0x4  }
0x26: {  	s26 =	sshll.u32 s5, $0x4;
	s4 =	simm.s32 $0x3;
	[dreg:$0xb] =	wrdreg s14  }
0x27: {  	s5 =	simm.s32 $0x200;
	s14 =	sadd.s32 s29, s15;
	[dreg:$0xf] =	wrdreg s23  }
0x28: {  	s24 =	sshrl.u32 s22, $0x2;
	s22 =	sadd.s32 s10, s2;
	s15 =	sshll.u32 s8, $0x4  }
0x29: {  	s30 =	sadd.s32 s25, s2;
	s31 =	sadd.s32 s26, s2;
	s8 =	simm.s32 $0x2  }
0x2a: {  	s10 =	simm.s32 $0x10;
	[dreg:$0xc] =	wrdreg s14;
	s14 =	sadd.s32 s29, s18  }
0x2b: {  	s18 =	sadd.s32 $0x2E00, s0;
	s16 =	sadd.s32 s24, s2;
	s0 =	sadd.s32 s13, s2  }
0x2c: {  	s23 =	sadd.s32 s15, s2;
	s24 =	sshll.u32 s6, $0x4;
	[dreg:$0xe] =	wrdreg s14  }
0x2d: {  	s6 =	simm.s32 $0x190000;
	[dreg:$0x12] =	wrdreg s0;
	s14 =	sshll.u32 s7, $0x4  }
0x2e: {  	[dreg:$0x14] =	wrdreg s23;
	s29 =	sadd.s32 s24, s2;
	s0 =	sadd.s32 s14, s2  }
0x2f: {  	v0 =	vimm.f32 $0.0e+00;
	v1 =	vimm.s32 $0x0;
	s7 =	simm.s32 $0x1;
	[dreg:$0x13] =	wrdreg s0;
	s0 =	sadd.s32 s28, s2  }
.LBB2_1:
0x30: {  	s1 =	simm.s32 $0x0  }
0x31: {  	s13 =	simm.s32 $0x10;
	[tilespmem:s3+$0x0] =	vst v0;
	s14 =	simm.s32 $0x4C00;
	s15 =	sand.u32 $0x1F0, s1  }
.LBB2_2:
0x32: {  	p0 =	sne.s32 s13, $0x1FF0  }
0x33: {  	[tilespmem:s15+$0xA00] =	vst v1;
	s14 =	sadd.s32 $0x10, s14;
	s15 =	smov.u32 s13;
	s13 =	sadd.s32 $0x10, s13  }
.Ltmp0:
0x34: {  	(pc) =	sbr.rel @p0 .LBB2_2-.Ltmp0, $2  }
0x35: {  	_ =	sdelay $0x2  }
0x36: {  	s15 =	sand.u32 $0x1F0, s15;
	[tilespmem:s14+$0x0] =	vst v0  }
0x37: {  	[tilespmem:s15+$0xA00] =	vst v1  }
0x38: {  	[spmem:s16] =	stream.linear.scatter [tilespmem:s3], [sflag:$0x3], $0x2000, $0x38;
	[tilespmem:$0x1F300] =	vst v63  }
0x39: {  	_ =	swait.ge [sflag:s4], $0x2000  }
0x3a: {  	[sflag:s4] =	ssyncset.done $0x0  }
0x3b: {  	[sflag:s4] =	ssyncadd.s32 $0xFFFFE000  }
0x3c: {  	[spmem:s19] =	stream.linear.scatter [tilespmem:s3], [sflag:$0x3], $0x2000, $0x38;
	[tilespmem:$0x1F300] =	vst v63  }
0x3d: {  	_ =	swait.ge [sflag:s4], $0x2000  }
0x3e: {  	[sflag:s4] =	ssyncset.done $0x0  }
0x3f: {  	[sflag:s4] =	ssyncadd.s32 $0xFFFFE000  }
0x40: {  	[spmem:s20] =	stream.linear.scatter [tilespmem:s3], [sflag:$0x3], $0x2000, $0x38;
	[tilespmem:$0x1F300] =	vst v63  }
0x41: {  	_ =	swait.ge [sflag:s4], $0x2000  }
0x42: {  	[sflag:s4] =	ssyncset.done $0x0  }
0x43: {  	[sflag:s4] =	ssyncadd.s32 $0xFFFFE000  }
0x44: {  	[spmem:s21] =	stream.linear.scatter [tilespmem:s3], [sflag:$0x3], $0x2000, $0x38;
	[tilespmem:$0x1F300] =	vst v63  }
0x45: {  	_ =	swait.ge [sflag:s4], $0x2000  }
0x46: {  	[sflag:s4] =	ssyncset.done $0x0  }
0x47: {  	[sflag:s4] =	ssyncadd.s32 $0xFFFFE000  }
0x48: {  	[spmem:s22] =	stream.linear.scatter [tilespmem:s3], [sflag:$0x3], $0x2000, $0x38;
	[tilespmem:$0x1F300] =	vst v63  }
0x49: {  	_ =	swait.ge [sflag:s4], $0x2000  }
0x4a: {  	[sflag:s4] =	ssyncset.done $0x0  }
0x4b: {  	s1 =	rddreg [dreg:$0x11];
	[sflag:s4] =	ssyncadd.s32 $0xFFFFE000  }
0x4c: {  	[spmem:s1] =	stream.linear.scatter [tilespmem:s3], [sflag:$0x3], $0x2000, $0x38;
	[tilespmem:$0x1F300] =	vst v63  }
0x4d: {  	_ =	swait.ge [sflag:s4], $0x2000  }
0x4e: {  	[sflag:s4] =	ssyncset.done $0x0  }
0x4f: {  	s14 =	rddreg [dreg:$0x12];
	[sflag:s4] =	ssyncadd.s32 $0xFFFFE000  }
0x50: {  	[spmem:s14] =	stream.linear.scatter [tilespmem:s3], [sflag:$0x3], $0x2000, $0x38;
	[tilespmem:$0x1F300] =	vst v63  }
0x51: {  	_ =	swait.ge [sflag:s4], $0x2000  }
0x52: {  	[sflag:s4] =	ssyncset.done $0x0  }
0x53: {  	s15 =	rddreg [dreg:$0x13];
	[sflag:s4] =	ssyncadd.s32 $0xFFFFE000  }
0x54: {  	[spmem:s15] =	stream.linear.scatter [tilespmem:s3], [sflag:$0x3], $0x2000, $0x38;
	[tilespmem:$0x1F300] =	vst v63  }
0x55: {  	_ =	swait.ge [sflag:s4], $0x2000  }
0x56: {  	[sflag:s4] =	ssyncset.done $0x0  }
0x57: {  	s23 =	smov.u32 s16;
	s16 =	rddreg [dreg:$0x14];
	[sflag:s4] =	ssyncadd.s32 $0xFFFFE000  }
0x58: {  	[spmem:s16] =	stream.linear.scatter [tilespmem:s3], [sflag:$0x3], $0x2000, $0x38;
	[tilespmem:$0x1F300] =	vst v63  }
0x59: {  	_ =	swait.ge [sflag:s4], $0x2000  }
0x5a: {  	[sflag:s4] =	ssyncset.done $0x0  }
0x5b: {  	[sflag:s4] =	ssyncadd.s32 $0xFFFFE000  }
0x5c: {  	[spmem:s29] =	stream.linear.scatter [tilespmem:s3], [sflag:$0x3], $0x2000, $0x38;
	[tilespmem:$0x1F300] =	vst v63  }
0x5d: {  	_ =	swait.ge [sflag:s4], $0x2000  }
0x5e: {  	[sflag:s4] =	ssyncset.done $0x0  }
0x5f: {  	[sflag:s4] =	ssyncadd.s32 $0xFFFFE000  }
0x60: {  	[spmem:s30] =	stream.linear.scatter [tilespmem:s3], [sflag:$0x3], $0x2000, $0x38;
	[tilespmem:$0x1F300] =	vst v63  }
0x61: {  	_ =	swait.ge [sflag:s4], $0x2000  }
0x62: {  	[sflag:s4] =	ssyncset.done $0x0  }
0x63: {  	[sflag:s4] =	ssyncadd.s32 $0xFFFFE000  }
0x64: {  	[spmem:s31] =	stream.linear.scatter [tilespmem:s3], [sflag:$0x3], $0x2000, $0x38;
	[tilespmem:$0x1F300] =	vst v63  }
0x65: {  	_ =	swait.ge [sflag:s4], $0x2000  }
0x66: {  	[sflag:s4] =	ssyncset.done $0x0  }
0x67: {  	s13 =	simm.s32 $0x0;
	[sflag:s4] =	ssyncadd.s32 $0xFFFFE000  }
0x68: {  	[spmem:s0] =	stream.linear.scatter [tilespmem:s3], [sflag:$0x3], $0x700, $0x38;
	[tilespmem:$0x1F300] =	vst v63  }
0x69: {  	s14 =	smul.u32 $0xAB, s13;
	_ =	swait.ge [sflag:s4], $0x700  }
0x6a: {  	s24 =	smov.u32 s19;
	s25 =	smov.u32 s20;
	[sflag:s4] =	ssyncset.done $0x0  }
0x6b: {  	p0 =	por $0x1, $0x1;
	s14 =	sshrl.u32 s14, $0x9;
	[sflag:s4] =	ssyncadd.s32 $0xFFFFF900  }
0x6c: {  	s14 =	sand.u32 $0x7F, s14;
	s15 =	simm.s32 @!p0 $0x2;
	[bflag:$0x0] =	sbarrier.arrive $0xFFFF  }
0x6d: {  	s13 =	smin.u32 s13, $0x63;
	s14 =	smul.u32 $0x3, s14;
	_ =	swait.ge @!p0 [sflag:s15], $0x2000  }
0x6e: {  	s26 =	smov.u32 s21;
	s13 =	sshll.u32 s13, $0x9;
	s19 =	rddreg [dreg:$0x3]  }
0x6f: {  	s21 =	simm.s32 $0x2;
	s14 =	ssub.s32 $0x0, s14;
	s13 =	sadd.s32 s19, s13  }
0x70: {  	s14 =	sand.u32 $0xFF, s14;
	[sflag:s15] =	ssyncset.done @!p0 $0x0;
	s13 =	sshrl.u32 s13, $0x3  }
0x71: {  	s20 =	sshll.u32 s14, $0xA;
	[sflag:s15] =	ssyncadd.s32 @!p0 $0xFFFFE000;
	s13 =	sadd.s32 s17, s13  }
0x72: {  	[tilespmem:s20], [sflag:$0x3] =	stream.strided.gather [hbm4b:s13+s5], $0x400, s6, s5, $0x38;
	[tilespmem:$0x1F300] =	vst v63  }
0x73: {  	s13 =	sand.u32 $0xFF, s21  }
0x74: {  	s13 =	smul.u32 $0xAB, s13  }
0x75: {  	_ =	swait.ge [sflag:s4], $0x400  }
0x76: {  	s14 =	sshll.u32 s14, $0xD;
	[sflag:s4] =	ssyncset.done $0x0;
	s13 =	sshrl.u32 s13, $0x9  }
0x77: {  	s14 =	sor.u32 $0xC00, s14;
	[sflag:s4] =	ssyncadd.s32 $0xFFFFFC00;
	s13 =	smul.u32 $0x3, s13  }
0x78: {  	[tilespmem:s14], [sflag:$0x1] =	stream.indirect.gather [hbm4b:s18+s5], $0x10, s20, s5, $0xb8;
	[tilespmem:$0x1F300] =	vst v63  }
0x79: {  	s13 =	ssub.s32 $0x2, s13  }
0x7a: {  	s13 =	sand.u32 $0xFF, s13  }
0x7b: {  	s28 =	smov.u32 s22;
	s22 =	sshll.u32 s13, $0xD;
	s13 =	sshll.u32 s13, $0xA  }
0x7c: {  	s14 =	sor.u32 $0xC00, s22;
	s13 =	sor.u32 $0x200, s13  }
0x7d: {  	[spmem:s2] =	stream.indirect.scatter.add.f32 [tilespmem:s14], [sflag:$0x2], $0x10, s13, s5, $0xb8;
	[tilespmem:$0x1F300] =	vst v63  }
0x7e: {  	s14 =	simm.s32 $0x1;
	s13 =	simm.s32 $0x2  }
.LBB2_4:
0x7f: {  	s15 =	smul.u32 $0xAB, s14  }
0x80: {  	p1 =	slt.u32 s14, $0x2;
	_ =	swait.ge [sflag:s7], $0x2000;
	s16 =	smov.u32 s13  }
0x81: {  	s19 =	sadd.s32 $0x2, s14;
	[sflag:s7] =	ssyncset.done $0x0;
	s15 =	sshrl.u32 s15, $0x9  }
0x82: {  	s1 =	simm.s32 @!p1 $0x2;
	[sflag:s7] =	ssyncadd.s32 $0xFFFFE000;
	s15 =	sand.u32 $0x7F, s15  }
0x83: {  	s22 =	smin.u32 s14, $0x63;
	_ =	swait.ge @!p1 [sflag:s1], $0x2000;
	s15 =	smul.u32 $0x3, s15  }
0x84: {  	s21 =	sand.u32 $0xFF, s19;
	s22 =	sshll.u32 s22, $0x9;
	s20 =	rddreg [dreg:$0x3]  }
0x85: {  	[sflag:s1] =	ssyncset.done @!p1 $0x0;
	s14 =	ssub.s32 s14, s15;
	s15 =	smul.u32 $0xAB, s21  }
0x86: {  	s13 =	sadd.s32 $0x1, s13;
	s20 =	sadd.s32 s20, s22;
	[sflag:s1] =	ssyncadd.s32 @!p1 $0xFFFFE000  }
0x87: {  	s20 =	sshrl.u32 s20, $0x3;
	s14 =	sand.u32 $0xFF, s14;
	s15 =	sshrl.u32 s15, $0x9  }
0x88: {  	s22 =	sadd.s32 s17, s20;
	s21 =	sshll.u32 s14, $0xA;
	s15 =	smul.u32 $0x3, s15  }
0x89: {  	[tilespmem:s21], [sflag:$0x3] =	stream.strided.gather [hbm4b:s22+s5], $0x400, s6, s5, $0x38;
	[tilespmem:$0x1F300] =	vst v63  }
0x8a: {  	p0 =	sne.s32 s13, $0x65;
	_ =	swait.ge [sflag:s4], $0x400  }
0x8b: {  	s14 =	sshll.u32 s14, $0xD;
	s15 =	ssub.s32 s19, s15;
	[sflag:s4] =	ssyncset.done $0x0  }
.Ltmp1:
0x8c: {  	s19 =	sor.u32 $0xC00, s14;
	s1 =	sand.u32 $0xFF, s15;
	(pc) =	sbr.rel @p0 .LBB2_4-.Ltmp1, $4  }
0x8d: {  	[sflag:s4] =	ssyncadd.s32 $0xFFFFFC00;
	s20 =	sshll.u32 s1, $0xD;
	s1 =	sshll.u32 s1, $0xA  }
0x8e: {  	[tilespmem:s19], [sflag:$0x1] =	stream.indirect.gather [hbm4b:s18+s5], $0x10, s21, s5, $0xb8;
	[tilespmem:$0x1F300] =	vst v63  }
0x8f: {  	s14 =	smov.u32 s16;
	s22 =	sor.u32 $0xC00, s20;
	s1 =	sor.u32 $0x200, s1  }
0x90: {  	[spmem:s2] =	stream.indirect.scatter.add.f32 [tilespmem:s22], [sflag:$0x2], $0x10, s1, s5, $0xb8;
	[tilespmem:$0x1F300] =	vst v63  }
0x91: {  	s1 =	smul.u32 $0xAB, s14  }
0x92: {  	_ =	swait.ge [sflag:s7], $0x2000  }
0x93: {  	p0 =	slt.u32 s14, $0x2;
	[sflag:s7] =	ssyncset.done $0x0;
	s1 =	sshrl.u32 s1, $0x9  }
0x94: {  	s13 =	simm.s32 @!p0 $0x2;
	[sflag:s7] =	ssyncadd.s32 $0xFFFFE000;
	s1 =	sand.u32 $0x7F, s1  }
0x95: {  	s16 =	smin.u32 s14, $0x63;
	_ =	swait.ge @!p0 [sflag:s13], $0x2000;
	s1 =	smul.u32 $0x3, s1  }
0x96: {  	s16 =	sshll.u32 s16, $0x9;
	s15 =	rddreg [dreg:$0x3];
	[sflag:s13] =	ssyncset.done @!p0 $0x0  }
0x97: {  	s15 =	sadd.s32 s15, s16;
	s16 =	sadd.s32 $0x2, s14;
	s1 =	ssub.s32 s14, s1  }
0x98: {  	[sflag:s13] =	ssyncadd.s32 @!p0 $0xFFFFE000;
	s15 =	sshrl.u32 s15, $0x3;
	s1 =	sand.u32 $0xFF, s1  }
0x99: {  	s20 =	sand.u32 $0xFF, s16;
	s15 =	sadd.s32 s17, s15;
	s19 =	sshll.u32 s1, $0xA  }
0x9a: {  	[tilespmem:s19], [sflag:$0x3] =	stream.strided.gather [hbm4b:s15+s5], $0x400, s6, s5, $0x38;
	[tilespmem:$0x1F300] =	vst v63  }
0x9b: {  	s15 =	smul.u32 $0xAB, s20  }
0x9c: {  	_ =	swait.ge [sflag:s4], $0x400  }
0x9d: {  	s1 =	sshll.u32 s1, $0xD;
	s15 =	sshrl.u32 s15, $0x9;
	[sflag:s4] =	ssyncset.done $0x0  }
0x9e: {  	s1 =	sor.u32 $0xC00, s1;
	s15 =	smul.u32 $0x3, s15;
	[sflag:s4] =	ssyncadd.s32 $0xFFFFFC00  }
0x9f: {  	[tilespmem:s1], [sflag:$0x1] =	stream.indirect.gather [hbm4b:s18+s5], $0x10, s19, s5, $0xb8;
	[tilespmem:$0x1F300] =	vst v63  }
0xa0: {  	s21 =	ssub.s32 s16, s15  }
0xa1: {  	s1 =	sand.u32 $0xFF, s21  }
0xa2: {  	s22 =	sshll.u32 s1, $0xD;
	s1 =	sshll.u32 s1, $0xA  }
0xa3: {  	s13 =	sor.u32 $0xC00, s22;
	s1 =	sor.u32 $0x200, s1  }
0xa4: {  	[spmem:s2] =	stream.indirect.scatter.add.f32 [tilespmem:s13], [sflag:$0x2], $0x10, s1, s5, $0xb8;
	[tilespmem:$0x1F300] =	vst v63  }
0xa5: {  	_ =	swait.ge [sflag:s7], $0x2000  }
0xa6: {  	[sflag:s7] =	ssyncset.done $0x0  }
0xa7: {  	[sflag:s7] =	ssyncadd.s32 $0xFFFFE000  }
0xa8: {  	_ =	swait.ge [sflag:s8], $0x2000  }
0xa9: {  	[sflag:s8] =	ssyncset.done $0x0  }
0xaa: {  	[sflag:s8] =	ssyncadd.s32 $0xFFFFE000  }
0xab: {  	_ =	swait.ge [sflag:s8], $0x2000  }
0xac: {  	[sflag:s8] =	ssyncset.done $0x0  }
0xad: {  	[sflag:s8] =	ssyncadd.s32 $0xFFFFE000  }
0xae: {  	[bflag:$0x0] =	sbarrier.arrive $0xFFFF  }
0xaf: {  	[tilespmem:s9], [sflag:$0x3] =	stream.linear.gather [spmem:s23], $0x2000, $0x38;
	[tilespmem:$0x1F300] =	vst v63  }
0xb0: {  	_ =	swait.ge [sflag:s4], $0x2000  }
0xb1: {  	[sflag:s4] =	ssyncset.done $0x0  }
0xb2: {  	s16 =	smov.u32 s23;
	s23 =	rddreg [dreg:$0x4];
	[sflag:s4] =	ssyncadd.s32 $0xFFFFE000  }
0xb3: {  	[hbm4b:s23+s10] =	stream.strided.scatter [tilespmem:s9], [sflag:$0x3], $0x2000, s11, s10, $0x38;
	[tilespmem:$0x1F300] =	vst v63  }
0xb4: {  	_ =	swait.ge [sflag:s4], $0x2000  }
0xb5: {  	[sflag:s4] =	ssyncset.done $0x0  }
0xb6: {  	[sflag:s4] =	ssyncadd.s32 $0xFFFFE000  }
0xb7: {  	[tilespmem:s9], [sflag:$0x3] =	stream.linear.gather [spmem:s24], $0x2000, $0x38;
	[tilespmem:$0x1F300] =	vst v63  }
0xb8: {  	_ =	swait.ge [sflag:s4], $0x2000  }
0xb9: {  	[sflag:s4] =	ssyncset.done $0x0  }
0xba: {  	s19 =	smov.u32 s24;
	s24 =	rddreg [dreg:$0x5];
	[sflag:s4] =	ssyncadd.s32 $0xFFFFE000  }
0xbb: {  	[hbm4b:s24+s10] =	stream.strided.scatter [tilespmem:s9], [sflag:$0x3], $0x2000, s11, s10, $0x38;
	[tilespmem:$0x1F300] =	vst v63  }
0xbc: {  	_ =	swait.ge [sflag:s4], $0x2000  }
0xbd: {  	[sflag:s4] =	ssyncset.done $0x0  }
0xbe: {  	[sflag:s4] =	ssyncadd.s32 $0xFFFFE000  }
0xbf: {  	[tilespmem:s9], [sflag:$0x3] =	stream.linear.gather [spmem:s25], $0x2000, $0x38;
	[tilespmem:$0x1F300] =	vst v63  }
0xc0: {  	_ =	swait.ge [sflag:s4], $0x2000  }
0xc1: {  	[sflag:s4] =	ssyncset.done $0x0  }
0xc2: {  	s13 =	rddreg [dreg:$0x6];
	[sflag:s4] =	ssyncadd.s32 $0xFFFFE000  }
0xc3: {  	[hbm4b:s13+s10] =	stream.strided.scatter [tilespmem:s9], [sflag:$0x3], $0x2000, s11, s10, $0x38;
	[tilespmem:$0x1F300] =	vst v63  }
0xc4: {  	_ =	swait.ge [sflag:s4], $0x2000  }
0xc5: {  	[sflag:s4] =	ssyncset.done $0x0  }
0xc6: {  	[sflag:s4] =	ssyncadd.s32 $0xFFFFE000  }
0xc7: {  	[tilespmem:s9], [sflag:$0x3] =	stream.linear.gather [spmem:s26], $0x2000, $0x38;
	[tilespmem:$0x1F300] =	vst v63  }
0xc8: {  	_ =	swait.ge [sflag:s4], $0x2000  }
0xc9: {  	[sflag:s4] =	ssyncset.done $0x0  }
0xca: {  	s14 =	rddreg [dreg:$0x7];
	[sflag:s4] =	ssyncadd.s32 $0xFFFFE000  }
0xcb: {  	[hbm4b:s14+s10] =	stream.strided.scatter [tilespmem:s9], [sflag:$0x3], $0x2000, s11, s10, $0x38;
	[tilespmem:$0x1F300] =	vst v63  }
0xcc: {  	_ =	swait.ge [sflag:s4], $0x2000  }
0xcd: {  	[sflag:s4] =	ssyncset.done $0x0  }
0xce: {  	[sflag:s4] =	ssyncadd.s32 $0xFFFFE000  }
0xcf: {  	[tilespmem:s9], [sflag:$0x3] =	stream.linear.gather [spmem:s28], $0x2000, $0x38;
	[tilespmem:$0x1F300] =	vst v63  }
0xd0: {  	_ =	swait.ge [sflag:s4], $0x2000  }
0xd1: {  	[sflag:s4] =	ssyncset.done $0x0  }
0xd2: {  	s15 =	rddreg [dreg:$0x8];
	[sflag:s4] =	ssyncadd.s32 $0xFFFFE000  }
0xd3: {  	[hbm4b:s15+s10] =	stream.strided.scatter [tilespmem:s9], [sflag:$0x3], $0x2000, s11, s10, $0x38;
	[tilespmem:$0x1F300] =	vst v63  }
0xd4: {  	_ =	swait.ge [sflag:s4], $0x2000  }
0xd5: {  	[sflag:s4] =	ssyncset.done $0x0  }
0xd6: {  	s23 =	rddreg [dreg:$0x11];
	[sflag:s4] =	ssyncadd.s32 $0xFFFFE000  }
0xd7: {  	[tilespmem:s9], [sflag:$0x3] =	stream.linear.gather [spmem:s23], $0x2000, $0x38;
	[tilespmem:$0x1F300] =	vst v63  }
0xd8: {  	_ =	swait.ge [sflag:s4], $0x2000  }
0xd9: {  	[sflag:s4] =	ssyncset.done $0x0  }
0xda: {  	s24 =	rddreg [dreg:$0x9];
	[sflag:s4] =	ssyncadd.s32 $0xFFFFE000  }
0xdb: {  	[hbm4b:s24+s10] =	stream.strided.scatter [tilespmem:s9], [sflag:$0x3], $0x2000, s11, s10, $0x38;
	[tilespmem:$0x1F300] =	vst v63  }
0xdc: {  	_ =	swait.ge [sflag:s4], $0x2000  }
0xdd: {  	[sflag:s4] =	ssyncset.done $0x0  }
0xde: {  	s20 =	smov.u32 s25;
	s25 =	rddreg [dreg:$0x12];
	[sflag:s4] =	ssyncadd.s32 $0xFFFFE000  }
0xdf: {  	[tilespmem:s9], [sflag:$0x3] =	stream.linear.gather [spmem:s25], $0x2000, $0x38;
	[tilespmem:$0x1F300] =	vst v63  }
0xe0: {  	_ =	swait.ge [sflag:s4], $0x2000  }
0xe1: {  	[sflag:s4] =	ssyncset.done $0x0  }
0xe2: {  	s21 =	smov.u32 s26;
	s26 =	rddreg [dreg:$0xa];
	[sflag:s4] =	ssyncadd.s32 $0xFFFFE000  }
0xe3: {  	[hbm4b:s26+s10] =	stream.strided.scatter [tilespmem:s9], [sflag:$0x3], $0x2000, s11, s10, $0x38;
	[tilespmem:$0x1F300] =	vst v63  }
0xe4: {  	_ =	swait.ge [sflag:s4], $0x2000  }
0xe5: {  	[sflag:s4] =	ssyncset.done $0x0  }
0xe6: {  	s22 =	smov.u32 s28;
	s28 =	rddreg [dreg:$0x13];
	[sflag:s4] =	ssyncadd.s32 $0xFFFFE000  }
0xe7: {  	[tilespmem:s9], [sflag:$0x3] =	stream.linear.gather [spmem:s28], $0x2000, $0x38;
	[tilespmem:$0x1F300] =	vst v63  }
0xe8: {  	_ =	swait.ge [sflag:s4], $0x2000  }
0xe9: {  	[sflag:s4] =	ssyncset.done $0x0  }
0xea: {  	s13 =	rddreg [dreg:$0xb];
	[sflag:s4] =	ssyncadd.s32 $0xFFFFE000  }
0xeb: {  	[hbm4b:s13+s10] =	stream.strided.scatter [tilespmem:s9], [sflag:$0x3], $0x2000, s11, s10, $0x38;
	[tilespmem:$0x1F300] =	vst v63  }
0xec: {  	_ =	swait.ge [sflag:s4], $0x2000  }
0xed: {  	[sflag:s4] =	ssyncset.done $0x0  }
0xee: {  	s14 =	rddreg [dreg:$0x14];
	[sflag:s4] =	ssyncadd.s32 $0xFFFFE000  }
0xef: {  	[tilespmem:s9], [sflag:$0x3] =	stream.linear.gather [spmem:s14], $0x2000, $0x38;
	[tilespmem:$0x1F300] =	vst v63  }
0xf0: {  	_ =	swait.ge [sflag:s4], $0x2000  }
0xf1: {  	[sflag:s4] =	ssyncset.done $0x0  }
0xf2: {  	s15 =	rddreg [dreg:$0xc];
	[sflag:s4] =	ssyncadd.s32 $0xFFFFE000  }
0xf3: {  	[hbm4b:s15+s10] =	stream.strided.scatter [tilespmem:s9], [sflag:$0x3], $0x2000, s11, s10, $0x38;
	[tilespmem:$0x1F300] =	vst v63  }
0xf4: {  	_ =	swait.ge [sflag:s4], $0x2000  }
0xf5: {  	[sflag:s4] =	ssyncset.done $0x0  }
0xf6: {  	[sflag:s4] =	ssyncadd.s32 $0xFFFFE000  }
0xf7: {  	[tilespmem:s9], [sflag:$0x3] =	stream.linear.gather [spmem:s29], $0x2000, $0x38;
	[tilespmem:$0x1F300] =	vst v63  }
0xf8: {  	_ =	swait.ge [sflag:s4], $0x2000  }
0xf9: {  	[sflag:s4] =	ssyncset.done $0x0  }
0xfa: {  	s23 =	rddreg [dreg:$0xd];
	[sflag:s4] =	ssyncadd.s32 $0xFFFFE000  }
0xfb: {  	[hbm4b:s23+s10] =	stream.strided.scatter [tilespmem:s9], [sflag:$0x3], $0x2000, s11, s10, $0x38;
	[tilespmem:$0x1F300] =	vst v63  }
0xfc: {  	_ =	swait.ge [sflag:s4], $0x2000  }
0xfd: {  	[sflag:s4] =	ssyncset.done $0x0  }
0xfe: {  	[sflag:s4] =	ssyncadd.s32 $0xFFFFE000  }
0xff: {  	[tilespmem:s9], [sflag:$0x3] =	stream.linear.gather [spmem:s30], $0x2000, $0x38;
	[tilespmem:$0x1F300] =	vst v63  }
0x100: {  	_ =	swait.ge [sflag:s4], $0x2000  }
0x101: {  	[sflag:s4] =	ssyncset.done $0x0  }
0x102: {  	s24 =	rddreg [dreg:$0xe];
	[sflag:s4] =	ssyncadd.s32 $0xFFFFE000  }
0x103: {  	[hbm4b:s24+s10] =	stream.strided.scatter [tilespmem:s9], [sflag:$0x3], $0x2000, s11, s10, $0x38;
	[tilespmem:$0x1F300] =	vst v63  }
0x104: {  	_ =	swait.ge [sflag:s4], $0x2000  }
0x105: {  	[sflag:s4] =	ssyncset.done $0x0  }
0x106: {  	[sflag:s4] =	ssyncadd.s32 $0xFFFFE000  }
0x107: {  	[tilespmem:s9], [sflag:$0x3] =	stream.linear.gather [spmem:s31], $0x2000, $0x38;
	[tilespmem:$0x1F300] =	vst v63  }
0x108: {  	_ =	swait.ge [sflag:s4], $0x2000  }
0x109: {  	[sflag:s4] =	ssyncset.done $0x0  }
0x10a: {  	s25 =	rddreg [dreg:$0xf];
	[sflag:s4] =	ssyncadd.s32 $0xFFFFE000  }
0x10b: {  	[hbm4b:s25+s10] =	stream.strided.scatter [tilespmem:s9], [sflag:$0x3], $0x2000, s11, s10, $0x38;
	[tilespmem:$0x1F300] =	vst v63  }
0x10c: {  	_ =	swait.ge [sflag:s4], $0x2000  }
0x10d: {  	[sflag:s4] =	ssyncset.done $0x0  }
0x10e: {  	[sflag:s4] =	ssyncadd.s32 $0xFFFFE000  }
0x10f: {  	[tilespmem:s9], [sflag:$0x3] =	stream.linear.gather [spmem:s0], $0x700, $0x38;
	[tilespmem:$0x1F300] =	vst v63  }
0x110: {  	_ =	swait.ge [sflag:s4], $0x700  }
0x111: {  	[sflag:s4] =	ssyncset.done $0x0  }
0x112: {  	s26 =	rddreg [dreg:$0x10];
	[sflag:s4] =	ssyncadd.s32 $0xFFFFF900  }
0x113: {  	[hbm4b:s26+s10] =	stream.strided.scatter [tilespmem:s9], [sflag:$0x3], $0x700, s11, s10, $0x38;
	[tilespmem:$0x1F300] =	vst v63  }
0x114: {  	_ =	swait.ge [sflag:s4], $0x700  }
0x115: {  	s12 =	sadd.s32 $0x1, s12;
	s28 =	rddreg [dreg:$0x15]  }
0x116: {  	p0 =	sne.s32 s12, s28  }
.Ltmp2:
0x117: {  	_ = 	snop;
	(pc) =	sbr.rel @p0 .LBB2_1-.Ltmp2, $3  }
0x118: {  	_ =	sdelay $0x1  }
0x119: {  	[sflag:s4] =	ssyncset.done $0x0  }
0x11a: {  	[sflag:s4] =	ssyncadd.s32 $0xFFFFF900  }
0x11b: {  	_ =	sfence.sel $0x180000  }
0x11c: {  	[bflag:$0x0] =	sbarrier.arrive $0xFFFF  }
0x11d: {  	_ =	strace $0x9000004A  }
0x11e: {  	s0 =	stileid.u32;
	[bflag:$0x2] =	sbarrier.arrive $0xFFFF  }
0x11f: {  	p0 =	sne.s32 s0, $0x0;
	s0 =	rddreg [dreg:$0x2]  }
0x120: {  	s0 =	sadd.s32 @!p0 $0x100000, s0  }
0x121: {  	[sflag:s0] =	ssyncadd.tile.s32 @!p0 $0x1;
	_ =	shalt  }
.Lfunc_end2:
_tile_overlayer_lowered:
.L_overlay_start_2:
0x122: {  	(tag) =	ssettag $0x2  }
0x123: {  	s0 =	rddreg [dreg:$0x0];
	s2 =	stileid.u32  }
0x124: {  	s1 =	rddreg [dreg:$0x1];
	p0 =	sne.s32 s2, $0x0  }
0x125: {  	s3 =	rddreg [dreg:$0x2];
	[bflag:$0x3] =	sbarrier.arrive $0xFFFF;
	s2 =	simm.s32 @!p0 $0x1C03  }
0x126: {  	[timem:s3], [sflag:s2] =	dma.local @!p0 [hbm:s0], s1  }
0x127: {  	s0 =	simm.s32 @!p0 $0x3  }
0x128: {  	_ =	swait.ge @!p0 [sflag:s0], s1  }
0x129: {  	s1 =	ssub.s32 @!p0 $0x0, s1;
	[sflag:s0] =	ssyncset.done @!p0 $0x0  }
0x12a: {  	[sflag:s0] =	ssyncadd.s32 @!p0 s1  }
0x12b: {  	[bflag:$0x3] =	sbarrier.arrive $0xFFFF  }
0x12c: {  	_ =	shalt  }

// kernel: kernel.13.cloned.1.call-start
scs
__scs_entry_jumppad:
0x0: {  	(pc) =	sbr.rel $0x88, $3  }
0x1: {  	(tag) =	ssettag $0x0;
	lr =	simm.s32 $0x1  }
0x2: {  	[smem:$0x3F94] =	sst lr;
	_ =	strace $0xD0000000  }
0x3: {  	_ = 	snop  }
0x4: {  	_ = 	snop  }
0x5: {  	_ = 	snop  }
0x6: {  	_ = 	snop  }
0x7: {  	_ = 	snop  }
__scs_overlays_trampoline_lowered:
0x8: {  	[smem:$0x3FA3] =	sst s0  }
0x9: {  	[smem:$0x3FA4] =	sst s1  }
0xa: {  	[smem:$0x3FA5] =	sst s2  }
0xb: {  	[smem:$0x3FA6] =	sst s3  }
0xc: {  	[smem:$0x3FA7] =	sst s4  }
0xd: {  	[smem:$0x3FA8] =	sst s5  }
0xe: {  	[smem:$0x3FA9] =	sst s6  }
0xf: {  	[smem:$0x3FAA] =	sst s7  }
0x10: {  	[smem:$0x3FAB] =	sst s8  }
0x11: {  	[smem:$0x3FAC] =	sst s9;
	s0 =	simm.s32 @!p0 $0x0  }
0x12: {  	s1 =	sld [smem:$0x3F92];
	s0 =	simm.s32 @p0 $0x1  }
0x13: {  	[smem:$0x3FAD] =	sst s0;
	s0 =	simm.s32 @!p1 $0x0  }
0x14: {  	s2 =	sld [smem:$0x3F91];
	s0 =	simm.s32 @p1 $0x1  }
0x15: {  	[smem:$0x3FAE] =	sst s0;
	s0 =	simm.s32 @!p2 $0x0  }
0x16: {  	s3 =	sld [smem:$0x3FDB];
	s0 =	simm.s32 @p2 $0x1  }
0x17: {  	s4 =	simm.s32 $0x1BF5;
	[smem:$0x3FB0] =	sst s0  }
0x18: {  	s0 =	sld [smem:$0x3F93];
	_ =	swait.ge [sflag:s4], $0x0  }
0x19: {  	s7 =	sld [smem:$0x3F94]  }
0x1a: {  	s8 =	sadd.s32 $0xFFFFE003, lr  }
0x1b: {  	s9 =	sadd.s32 $0xFFFFFEF7, lr;
	s5 =	simm.s32 $0xFFFFFFFF;
	p2 =	slt.u32 s8, $0xFFFFF086  }
0x1c: {  	p1 =	slt.u32 s9, $0xF7A;
	s5 =	simm.s32 @!p2 $0x0  }
0x1d: {  	s5 =	simm.s32 @p1 $0x1;
	p0 =	seq.s32 s7, s2  }
0x1e: {  	s7 =	smul.u32 @!p0 $0xF7A, s2;
	p2 =	seq.s32 @!p0 s5, $0x0  }
0x1f: {  	s9 =	smul.u32 $0xF7A, s1;
	s8 =	simm.s32 @!p0 $0x1BF5;
	p2 =	por !p2, p0  }
0x20: {  	[sflag:s8] =	ssyncset.s32 @!p0 $0xFFFFF086;
	s6 =	sadd.s32 @!p0 s3, s7;
	s7 =	simm.s32 @!p0 $0x108  }
0x21: {  	s3 =	sadd.s32 s3, s9;
	s6 =	sadd.s32 @!p0 $0x88, s6;
	s7 =	simm.s32 @p2 $0x1082  }
0x22: {  	[simem:s7], [sflag:s8] =	dma.local @!p0 [hbm:s6], $0xF7A  }
0x23: {  	s9 =	sor.u32 $0xD0000000, s2;
	s6 =	simm.s32 $0x108;
	_ =	swait.ge @!p0 [sflag:s8], $0x0  }
0x24: {  	s3 =	sadd.s32 $0x88, s3;
	s6 =	simm.s32 @!p1 $0x1082;
	[sflag:s4] =	ssyncset.s32 $0xFFFFF086  }
0x25: {  	[simem:s6], [sflag:s4] =	dma.local [hbm:s3], $0xF7A  }
0x26: {  	[smem:$0x3F94] =	sst s1;
	(tag) =	ssettag s2;
	_ =	strace s9  }
0x27: {  	s1 =	sld [smem:$0x3FA4]  }
0x28: {  	s2 =	sld [smem:$0x3FA5]  }
0x29: {  	s4 =	sld [smem:$0x3FA7]  }
0x2a: {  	p0 =	seq.s32 s5, $0x0;
	s5 =	sld [smem:$0x3FA8]  }
0x2b: {  	s6 =	sld [smem:$0x3FA9]  }
0x2c: {  	s7 =	sld [smem:$0x3FAA]  }
0x2d: {  	s3 =	simm.s32 $0x108;
	s8 =	sld [smem:$0x3FAB]  }
0x2e: {  	s3 =	simm.s32 @!p0 $0x1082;
	s9 =	sld [smem:$0x3FAC]  }
0x2f: {  	lr =	sadd.s32 s0, s3;
	s0 =	sld [smem:$0x3FA3]  }
0x30: {  	s3 =	sld [smem:$0x3FA6]  }
0x31: {  	[smem:$0x3FAF] =	sst s10  }
0x32: {  	s10 =	sld [smem:$0x3FAD];
	_ =	sdelay $0x3  }
0x33: {  	p0 =	seq.s32 s10, $0x1;
	s10 =	sld [smem:$0x3FAF];
	_ =	sdelay $0x3  }
0x34: {  	[smem:$0x3FAF] =	sst s10  }
0x35: {  	s10 =	sld [smem:$0x3FAE];
	_ =	sdelay $0x3  }
0x36: {  	p1 =	seq.s32 s10, $0x1;
	s10 =	sld [smem:$0x3FAF];
	_ =	sdelay $0x3  }
0x37: {  	[smem:$0x3FAF] =	sst s10  }
0x38: {  	s10 =	sld [smem:$0x3FB0]  }
0x39: {  	_ = 	snop;
	(pc) =	sbr.ind lr, $3  }
0x3a: {  	_ = 	snop  }
0x3b: {  	_ = 	snop  }
0x3c: {  	p2 =	seq.s32 s10, $0x1;
	s10 =	sld [smem:$0x3FAF]  }
0x3d: {  	_ =	shalt  }
0x3e: {  	_ =	shalt  }
0x3f: {  	_ =	shalt  }
0x40: {  	_ =	shalt  }
0x41: {  	_ =	shalt  }
0x42: {  	_ =	shalt  }
0x43: {  	_ =	shalt  }
0x44: {  	_ =	shalt  }
0x45: {  	_ =	shalt  }
0x46: {  	_ =	shalt  }
0x47: {  	_ =	shalt  }
0x48: {  	_ =	shalt  }
0x49: {  	_ =	shalt  }
0x4a: {  	_ =	shalt  }
0x4b: {  	_ =	shalt  }
0x4c: {  	_ =	shalt  }
0x4d: {  	_ =	shalt  }
0x4e: {  	_ =	shalt  }
0x4f: {  	_ =	shalt  }
0x50: {  	_ =	shalt  }
0x51: {  	_ =	shalt  }
0x52: {  	_ =	shalt  }
0x53: {  	_ =	shalt  }
0x54: {  	_ =	shalt  }
0x55: {  	_ =	shalt  }
0x56: {  	_ =	shalt  }
0x57: {  	_ =	shalt  }
0x58: {  	_ =	shalt  }
0x59: {  	_ =	shalt  }
0x5a: {  	_ =	shalt  }
0x5b: {  	_ =	shalt  }
0x5c: {  	_ =	shalt  }
0x5d: {  	_ =	shalt  }
0x5e: {  	_ =	shalt  }
0x5f: {  	_ =	shalt  }
0x60: {  	_ =	shalt  }
0x61: {  	_ =	shalt  }
0x62: {  	_ =	shalt  }
0x63: {  	_ =	shalt  }
0x64: {  	_ =	shalt  }
0x65: {  	_ =	shalt  }
0x66: {  	_ =	shalt  }
0x67: {  	_ =	shalt  }
0x68: {  	_ =	shalt  }
0x69: {  	_ =	shalt  }
0x6a: {  	_ =	shalt  }
0x6b: {  	_ =	shalt  }
0x6c: {  	_ =	shalt  }
0x6d: {  	_ =	shalt  }
0x6e: {  	_ =	shalt  }
0x6f: {  	_ =	shalt  }
0x70: {  	_ =	shalt  }
0x71: {  	_ =	shalt  }
0x72: {  	_ =	shalt  }
0x73: {  	_ =	shalt  }
0x74: {  	_ =	shalt  }
0x75: {  	_ =	shalt  }
0x76: {  	_ =	shalt  }
0x77: {  	_ =	shalt  }
0x78: {  	_ =	shalt  }
0x79: {  	_ =	shalt  }
0x7a: {  	_ =	shalt  }
0x7b: {  	_ =	shalt  }
0x7c: {  	_ =	shalt  }
0x7d: {  	_ =	shalt  }
0x7e: {  	_ =	shalt  }
0x7f: {  	_ =	shalt  }
0x80: {  	_ =	shalt  }
0x81: {  	_ =	shalt  }
0x82: {  	_ =	shalt  }
0x83: {  	_ =	shalt  }
0x84: {  	_ =	shalt  }
0x85: {  	_ =	shalt  }
0x86: {  	_ =	shalt  }
0x87: {  	_ =	shalt  }
.Lfunc_end0:
.L_simem_size_0:
called_computation.2_lowered:
.L_overlay_start_0:
0x88: {  	s2 =	sld [smem:$0x3FD9]  }
0x89: {  	s3 =	sld [smem:$0x3FFE];
	_ =	sdelay $0x1  }
0x8a: {  	s1 =	srdreg.scid  }
0x8b: {  	s0 =	sand.u32 $0x1, s1  }
0x8c: {  	s16 =	sshll.u32 s0, $0xA;
	s2 =	sadd.s32 s3, s2  }
0x8d: {  	s2 =	sadd.s32 s2, s16  }
0x8e: {  	[smem:$0x3FBB] =	sst s2  }
0x8f: {  	_ = 	snop  }
0x90: {  	(tm) =	ssettm $0x1  }
0x91: {  	s17 =	sld [smem:$0x3FFB];
	_ =	sdelay $0x3  }
0x92: {  	_ =	strace s17  }
0x93: {  	s2 =	sld [smem:$0x3FFC];
	_ =	sdelay $0x3  }
0x94: {  	_ =	strace s2  }
0x95: {  	s2 =	sld [smem:$0x3FFD];
	_ =	sdelay $0x3  }
0x96: {  	_ =	strace s2  }
0x97: {  	_ =	strace $0x8FFFFFFF  }
0x98: {  	s18 =	sld [smem:$0x3FDB];
	_ =	sdelay $0x1  }
0x99: {  	s19 =	simm.s32 $_scs_section_size  }
0x9a: {  	s4 =	simm.s32 $_size__tile_overlayer_lowered;
	s5 =	simm.s32 $_tile_overlayer_lowered  }
0x9b: {  	s22 =	simm.s32 $0x1BFF;
	s21 =	sshll.u32 s5, $0x1;
	s2 =	sadd.s32 s19, s18  }
0x9c: {  	s6 =	simm.s32 $0x0;
	s20 =	sshll.u32 s4, $0x1;
	s4 =	sadd.s32 s21, s2  }
0x9d: {  	[timem:s6], [sflag:s22] =	dma.local [hbm:s4], s20  }
0x9e: {  	_ =	swait.ge [sflag:s22], s20  }
0x9f: {  	s3 =	ssub.s32 $0x0, s20;
	[sflag:s22] =	ssyncset.done $0x0  }
0xa0: {  	[sflag:s22] =	ssyncadd.s32 s3;
	_ =	sdelay $0x1  }
0xa1: {  	s23 =	simm.s32 $0x1B8B  }
0xa2: {  	_ =	swait.ge [sflag:s23], $0x1  }
0xa3: {  	[sflag:s23] =	ssyncset.done $0x0  }
0xa4: {  	s25 =	simm.s32 $0x1B8E;
	s24 =	sld [smem:$0x3FFE];
	[sflag:s23] =	ssyncadd.s32 $0xFFFFFFFF  }
0xa5: {  	s26 =	simm.s32 $execute0_lowered;
	[smem:$0x3FD2] =	sst s25  }
0xa6: {  	s4 =	sshll.u32 s26, $0x1;
	_ =	strace $0x8000004C;
	[dreg:$0x1] =	wrdreg $0xFFFFFFFF  }
0xa7: {  	s28 =	simm.s32 $_size_execute0_lowered;
	s2 =	sadd.s32 s2, s4;
	[dreg:$0x0] =	wrdreg $0x0  }
0xa8: {  	s4 =	sshll.u32 s28, $0x1;
	[dreg:$0x2] =	wrdreg s2  }
0xa9: {  	[dreg:$0x3] =	wrdreg s4  }
0xaa: {  	[dreg:$0x4] =	wrdreg $0xC0  }
0xab: {  	_ =	task [dreg:s6], $0x5FFFF  }
0xac: {  	[dreg:$0x1] =	wrdreg $0xFFFFFFFF  }
0xad: {  	[dreg:$0x0] =	wrdreg $0x60  }
0xae: {  	[dreg:$0x2] =	wrdreg s24  }
0xaf: {  	[dreg:$0x3] =	wrdreg $0x6C000  }
0xb0: {  	[dreg:$0x4] =	wrdreg $0x9  }
0xb1: {  	_ =	task.clear_ibuf [dreg:s6], $0x5FFFF;
	_ =	strace $0x9000004C  }
0xb2: {  	s29 =	simm.s32 $0x9;
	_ =	strace $0x8000004E  }
0xb3: {  	_ =	swait.ge [sflag:s29], $0x1  }
0xb4: {  	[sflag:s29] =	ssyncadd.s32 $0xFFFFFFFF  }
0xb5: {  	_ =	strace $0x9000004E  }
0xb6: {  	_ =	sfence  }
0xb7: {  	s30 =	sld [smem:$0x0];
	_ =	sdelay $0x2  }
0xb8: {  	s31 =	sshll.u32 s1, $0xD;
	s1 =	sshrl.u32 s1, $0x2  }
0xb9: {  	s3 =	sand.u32 $0x4000, s31;
	s1 =	sadd.s32 s1, s30  }
0xba: {  	s0 =	sor.u32 s3, s0;
	s1 =	sshll.u32 s1, $0x11  }
0xbb: {  	s0 =	sor.u32 s1, s0  }
0xbc: {  	s0 =	sadd.s32 $0x8F2B, s0  }
0xbd: {  	[sflag:s0] =	ssyncadd.remote.s32 $0x1  }
0xbe: {  	_ =	sfence.sel $0xFFFF  }
0xbf: {  	[dreg:$0x0] =	wrdreg $0xFFFFFFFF;
	(pc) =	sbr.abs _section_cstart, $3  }
0xc0: {  	[dreg:$0x1] =	wrdreg $0xFFFFFFFF  }
0xc1: {  	_ =	task.clear_ibuf [dreg:s6], $0x2FFFF;
	_ =	strace $0x9FFFFFFF  }
0xc2: {  	(tm) =	ssettm $0x7FFFFFFF  }
0xc3: {  	_ =	shalt  }
tec
execute0_lowered:
.L_overlay_start_1:
0x0: {  	(tag) =	ssettag $0x1  }
0x1: {  	s0 =	rddreg [dreg:$0x0]  }
0x2: {  	s1 =	rddreg [dreg:$0x1];
	s9 =	simm.s32 $0x0;
	s2 =	srdreg.scid  }
0x3: {  	s8 =	stileid.u32;
	[smem:$0x7FF] =	sst s9  }
0x4: {  	s4 =	sadd.s32 $0x192E00, s0;
	s2 =	sand.u32 $0x1, s2;
	s3 =	smul.u32 $0x19000, s8  }
0x5: {  	s5 =	sadd.s32 $0x68B800, s0;
	s7 =	smul.u32 $0x61C00, s8;
	s6 =	sadd.s32 $0x2E00, s0  }
0x6: {  	s18 =	smul.u32 $0x1870, s8;
	_ =	strace $0x8000004D;
	[dreg:$0x5] =	wrdreg s5  }
0x7: {  	s24 =	ssub.s32 $0x2, s2;
	s2 =	sshll.u32 s2, $0x5;
	[dreg:$0x3] =	wrdreg s3  }
0x8: {  	s25 =	sshrl.u32 s24, $0x1;
	s26 =	sshrl.u32 s7, $0x2;
	[dreg:$0x6] =	wrdreg s2  }
0x9: {  	s0 =	sadd.s32 $0x200, s18;
	s3 =	sadd.s32 $0x400, s18;
	s7 =	sadd.s32 $0x600, s18  }
0xa: {  	s21 =	sadd.s32 $0xA00, s18;
	s22 =	sadd.s32 $0xC00, s18;
	s23 =	sadd.s32 $0xE00, s18  }
0xb: {  	s5 =	ssub.s32 s24, s25;
	s10 =	sadd.s32 s26, s1;
	s28 =	sshll.u32 s0, $0x4  }
0xc: {  	s29 =	sshll.u32 s3, $0x4;
	s11 =	sshll.u32 s7, $0x4;
	s13 =	sshll.u32 s21, $0x4  }
0xd: {  	s14 =	sshll.u32 s22, $0x4;
	s15 =	sshll.u32 s23, $0x4;
	s24 =	sadd.s32 $0x1000, s18  }
0xe: {  	s25 =	sadd.s32 $0x1200, s18;
	s26 =	sadd.s32 $0x1400, s18;
	s0 =	sshll.u32 s0, $0x7  }
0xf: {  	s3 =	sshll.u32 s3, $0x7;
	s21 =	sshll.u32 s21, $0x7;
	s22 =	sshll.u32 s22, $0x7  }
0x10: {  	s23 =	sshll.u32 s23, $0x7;
	s2 =	sadd.s32 s28, s1;
	[dreg:$0xb] =	wrdreg s0  }
0x11: {  	s11 =	sadd.s32 s11, s1;
	s30 =	sadd.s32 s13, s1;
	[dreg:$0xc] =	wrdreg s3  }
0x12: {  	s14 =	sadd.s32 s14, s1;
	s15 =	sadd.s32 s15, s1;
	[dreg:$0xf] =	wrdreg s21  }
0x13: {  	s16 =	sshll.u32 s24, $0x4;
	s17 =	sshll.u32 s25, $0x4;
	[dreg:$0x10] =	wrdreg s22  }
0x14: {  	s28 =	sadd.s32 $0x1600, s18;
	s31 =	sshll.u32 s26, $0x4;
	[dreg:$0x11] =	wrdreg s23  }
0x15: {  	s24 =	sshll.u32 s24, $0x7;
	s25 =	sshll.u32 s25, $0x7;
	s26 =	sshll.u32 s26, $0x7  }
0x16: {  	s21 =	simm.s32 $0x200;
	s22 =	simm.s32 $0x190000;
	[dreg:$0x7] =	wrdreg s2  }
0x17: {  	s23 =	simm.s32 $0x1;
	s2 =	sadd.s32 s29, s1;
	[dreg:$0xa] =	wrdreg s30  }
0x18: {  	s16 =	sadd.s32 s16, s1;
	s17 =	sadd.s32 s17, s1;
	[dreg:$0x12] =	wrdreg s24  }
0x19: {  	s29 =	sadd.s32 $0x1800, s18;
	s19 =	sshll.u32 s28, $0x4;
	[dreg:$0x13] =	wrdreg s25  }
0x1a: {  	[dreg:$0x14] =	wrdreg s26;
	s28 =	sshll.u32 s28, $0x7;
	s30 =	smax.u32 s5, $0x1  }
0x1b: {  	s5 =	simm.s32 $0x4C00;
	s24 =	simm.s32 $0x2;
	[dreg:$0x8] =	wrdreg s2  }
0x1c: {  	s2 =	sadd.s32 $0x800, s18;
	s18 =	sadd.s32 s31, s1;
	[dreg:$0x15] =	wrdreg s28  }
0x1d: {  	s20 =	sshll.u32 s29, $0x4;
	s29 =	sshll.u32 s29, $0x7;
	[dreg:$0x17] =	wrdreg s30  }
0x1e: {  	s31 =	smul.u32 $0xC3800, s8;
	s13 =	sshll.u32 s2, $0x7;
	[dreg:$0x16] =	wrdreg s29  }
0x1f: {  	s25 =	simm.s32 $0xC00;
	s12 =	sshll.u32 s2, $0x4;
	[dreg:$0xe] =	wrdreg s13  }
0x20: {  	s26 =	simm.s32 $0x80;
	s12 =	sadd.s32 s12, s1;
	[dreg:$0x18] =	wrdreg s31  }
0x21: {  	s19 =	sadd.s32 s19, s1;
	[dreg:$0x9] =	wrdreg s12;
	s12 =	sshll.u32 s7, $0x7  }
0x22: {  	v0 =	vimm.f32 $0.0e+00;
	v1 =	vimm.s32 $0x0;
	s20 =	sadd.s32 s20, s1;
	s7 =	simm.s32 $0x3;
	[dreg:$0xd] =	wrdreg s12  }
.LBB2_1:
0x23: {  	[dreg:$0x4] =	wrdreg s9;
	p1 =	por $0x1, $0x1;
	s29 =	simm.s32 $0x0  }
.LBB2_2:
0x24: {  	s31 =	simm.s32 $0x0;
	s28 =	simm.s32 $0x4C00  }
0x25: {  	p0 =	por p1, p1;
	s30 =	simm.s32 $0x10;
	[tilespmem:s28+$0x0] =	vst v0;
	s31 =	sand.u32 $0x1F0, s31  }
.LBB2_3:
0x26: {  	p1 =	sne.s32 s30, $0x1FF0  }
0x27: {  	[tilespmem:s31+$0xA00] =	vst v1;
	s28 =	sadd.s32 $0x10, s28;
	s31 =	smov.u32 s30;
	s30 =	sadd.s32 $0x10, s30  }
.Ltmp0:
0x28: {  	(pc) =	sbr.rel @p1 .LBB2_3-.Ltmp0, $2  }
0x29: {  	_ =	sdelay $0x2  }
0x2a: {  	s31 =	sand.u32 $0x1F0, s31;
	[tilespmem:s28+$0x0] =	vst v0  }
0x2b: {  	[tilespmem:s31+$0xA00] =	vst v1  }
0x2c: {  	[spmem:s10] =	stream.linear.scatter [tilespmem:s5], [sflag:$0x3], $0x2000, $0x38;
	[tilespmem:$0x1F300] =	vst v63  }
0x2d: {  	_ =	swait.ge [sflag:s7], $0x2000  }
0x2e: {  	[sflag:s7] =	ssyncset.done $0x0  }
0x2f: {  	s0 =	rddreg [dreg:$0x7];
	[sflag:s7] =	ssyncadd.s32 $0xFFFFE000  }
0x30: {  	[spmem:s0] =	stream.linear.scatter [tilespmem:s5], [sflag:$0x3], $0x2000, $0x38;
	[tilespmem:$0x1F300] =	vst v63  }
0x31: {  	_ =	swait.ge [sflag:s7], $0x2000  }
0x32: {  	[sflag:s7] =	ssyncset.done $0x0  }
0x33: {  	s9 =	rddreg [dreg:$0x8];
	[sflag:s7] =	ssyncadd.s32 $0xFFFFE000  }
0x34: {  	[spmem:s9] =	stream.linear.scatter [tilespmem:s5], [sflag:$0x3], $0x2000, $0x38;
	[tilespmem:$0x1F300] =	vst v63  }
0x35: {  	_ =	swait.ge [sflag:s7], $0x2000  }
0x36: {  	[sflag:s7] =	ssyncset.done $0x0  }
0x37: {  	[sflag:s7] =	ssyncadd.s32 $0xFFFFE000  }
0x38: {  	[spmem:s11] =	stream.linear.scatter [tilespmem:s5], [sflag:$0x3], $0x2000, $0x38;
	[tilespmem:$0x1F300] =	vst v63  }
0x39: {  	_ =	swait.ge [sflag:s7], $0x2000  }
0x3a: {  	[sflag:s7] =	ssyncset.done $0x0  }
0x3b: {  	s12 =	smov.u32 s10;
	s10 =	rddreg [dreg:$0x9];
	[sflag:s7] =	ssyncadd.s32 $0xFFFFE000  }
0x3c: {  	[spmem:s10] =	stream.linear.scatter [tilespmem:s5], [sflag:$0x3], $0x2000, $0x38;
	[tilespmem:$0x1F300] =	vst v63  }
0x3d: {  	_ =	swait.ge [sflag:s7], $0x2000  }
0x3e: {  	[sflag:s7] =	ssyncset.done $0x0  }
0x3f: {  	s13 =	smov.u32 s11;
	s11 =	rddreg [dreg:$0xa];
	[sflag:s7] =	ssyncadd.s32 $0xFFFFE000  }
0x40: {  	[spmem:s11] =	stream.linear.scatter [tilespmem:s5], [sflag:$0x3], $0x2000, $0x38;
	[tilespmem:$0x1F300] =	vst v63  }
0x41: {  	_ =	swait.ge [sflag:s7], $0x2000  }
0x42: {  	[sflag:s7] =	ssyncset.done $0x0  }
0x43: {  	[sflag:s7] =	ssyncadd.s32 $0xFFFFE000  }
0x44: {  	[spmem:s14] =	stream.linear.scatter [tilespmem:s5], [sflag:$0x3], $0x2000, $0x38;
	[tilespmem:$0x1F300] =	vst v63  }
0x45: {  	_ =	swait.ge [sflag:s7], $0x2000  }
0x46: {  	[sflag:s7] =	ssyncset.done $0x0  }
0x47: {  	[sflag:s7] =	ssyncadd.s32 $0xFFFFE000  }
0x48: {  	[spmem:s15] =	stream.linear.scatter [tilespmem:s5], [sflag:$0x3], $0x2000, $0x38;
	[tilespmem:$0x1F300] =	vst v63  }
0x49: {  	_ =	swait.ge [sflag:s7], $0x2000  }
0x4a: {  	[sflag:s7] =	ssyncset.done $0x0  }
0x4b: {  	[sflag:s7] =	ssyncadd.s32 $0xFFFFE000  }
0x4c: {  	[spmem:s16] =	stream.linear.scatter [tilespmem:s5], [sflag:$0x3], $0x2000, $0x38;
	[tilespmem:$0x1F300] =	vst v63  }
0x4d: {  	_ =	swait.ge [sflag:s7], $0x2000  }
0x4e: {  	[sflag:s7] =	ssyncset.done $0x0  }
0x4f: {  	[sflag:s7] =	ssyncadd.s32 $0xFFFFE000  }
0x50: {  	[spmem:s17] =	stream.linear.scatter [tilespmem:s5], [sflag:$0x3], $0x2000, $0x38;
	[tilespmem:$0x1F300] =	vst v63  }
0x51: {  	_ =	swait.ge [sflag:s7], $0x2000  }
0x52: {  	[sflag:s7] =	ssyncset.done $0x0  }
0x53: {  	[sflag:s7] =	ssyncadd.s32 $0xFFFFE000  }
0x54: {  	[spmem:s18] =	stream.linear.scatter [tilespmem:s5], [sflag:$0x3], $0x2000, $0x38;
	[tilespmem:$0x1F300] =	vst v63  }
0x55: {  	_ =	swait.ge [sflag:s7], $0x2000  }
0x56: {  	[sflag:s7] =	ssyncset.done $0x0  }
0x57: {  	[sflag:s7] =	ssyncadd.s32 $0xFFFFE000  }
0x58: {  	[spmem:s19] =	stream.linear.scatter [tilespmem:s5], [sflag:$0x3], $0x2000, $0x38;
	[tilespmem:$0x1F300] =	vst v63  }
0x59: {  	_ =	swait.ge [sflag:s7], $0x2000  }
0x5a: {  	[sflag:s7] =	ssyncset.done $0x0  }
0x5b: {  	[sflag:s7] =	ssyncadd.s32 $0xFFFFE000  }
0x5c: {  	[spmem:s20] =	stream.linear.scatter [tilespmem:s5], [sflag:$0x3], $0x700, $0x38;
	[tilespmem:$0x1F300] =	vst v63  }
0x5d: {  	_ =	swait.ge [sflag:s7], $0x700  }
0x5e: {  	[sflag:s7] =	ssyncset.done $0x0  }
0x5f: {  	s28 =	simm.s32 $0x0;
	p1 =	por $0x1, $0x1;
	[sflag:s7] =	ssyncadd.s32 $0xFFFFF900  }
0x60: {  	s30 =	smul.u32 $0xAB, s28;
	s31 =	simm.s32 @!p1 $0x2;
	[bflag:$0x0] =	sbarrier.arrive $0xFFFF  }
0x61: {  	_ =	swait.ge @!p1 [sflag:s31], $0x2000  }
0x62: {  	s28 =	smin.u32 s28, $0xC7;
	s30 =	sshrl.u32 s30, $0x9;
	s2 =	rddreg [dreg:$0x3]  }
0x63: {  	s28 =	sshll.u32 s28, $0x9;
	s30 =	sand.u32 $0x7F, s30;
	s3 =	rddreg [dreg:$0x6]  }
0x64: {  	s30 =	smul.u32 $0x3, s30;
	[sflag:s31] =	ssyncset.done @!p1 $0x0;
	s8 =	rddreg [dreg:$0x5]  }
0x65: {  	s0 =	sadd.s32 s2, s28;
	s2 =	simm.s32 $0x2;
	s28 =	sor.u32 s3, s29  }
0x66: {  	s29 =	ssub.s32 $0x0, s30;
	[sflag:s31] =	ssyncadd.s32 @!p1 $0xFFFFE000;
	s2 =	sand.u32 $0xFF, s2  }
0x67: {  	s30 =	sand.u32 $0xFF, s29;
	s0 =	sshrl.u32 s0, $0x3;
	s3 =	sshrl.u32 s28, $0x3  }
0x68: {  	s31 =	sshll.u32 s30, $0xA;
	s0 =	sadd.s32 s4, s0;
	s2 =	smul.u32 $0xAB, s2  }
0x69: {  	[tilespmem:s31], [sflag:$0x3] =	stream.strided.gather [hbm4b:s0+s21], $0x400, s22, s21, $0x38;
	[tilespmem:$0x1F300] =	vst v63  }
0x6a: {  	s29 =	sadd.s32 s8, s3;
	_ =	swait.ge [sflag:s7], $0x400  }
0x6b: {  	s10 =	sshll.u32 s30, $0xD;
	s9 =	sshrl.u32 s2, $0x9;
	[sflag:s7] =	ssyncset.done $0x0  }
0x6c: {  	s2 =	sor.u32 $0xC00, s10;
	s0 =	smul.u32 $0x3, s9;
	[sflag:s7] =	ssyncadd.s32 $0xFFFFFC00  }
0x6d: {  	[tilespmem:s2], [sflag:$0x1] =	stream.indirect.gather [hbm4b:s29+s21], $0x10, s31, s21, $0xb8;
	[tilespmem:$0x1F300] =	vst v63  }
0x6e: {  	s0 =	ssub.s32 $0x2, s0  }
0x6f: {  	s0 =	sand.u32 $0xFF, s0  }
0x70: {  	s30 =	simm.s32 $0x2;
	s11 =	sshll.u32 s0, $0xD;
	s0 =	sshll.u32 s0, $0xA  }
0x71: {  	s31 =	simm.s32 $0x1;
	s2 =	sor.u32 $0xC00, s11;
	s0 =	sor.u32 $0x200, s0  }
0x72: {  	[spmem:s1] =	stream.indirect.scatter.add.f32 [tilespmem:s2], [sflag:$0x2], $0x10, s0, s21, $0xb8;
	[tilespmem:$0x1F300] =	vst v63  }
.LBB2_5:
0x73: {  	s0 =	smul.u32 $0xAB, s31;
	p2 =	slt.u32 s31, $0x2;
	_ =	swait.ge [sflag:s23], $0x2000  }
0x74: {  	s2 =	smov.u32 s30;
	s30 =	sadd.s32 $0x1, s30;
	s8 =	sadd.s32 $0x2, s31  }
0x75: {  	s11 =	smin.u32 s31, $0xC7;
	s3 =	simm.s32 @!p2 $0x2;
	[sflag:s23] =	ssyncset.done $0x0  }
0x76: {  	p1 =	sne.s32 s30, $0xC9;
	s10 =	sand.u32 $0xFF, s8;
	s0 =	sshrl.u32 s0, $0x9  }
0x77: {  	[sflag:s23] =	ssyncadd.s32 $0xFFFFE000;
	s10 =	smul.u32 $0xAB, s10;
	s0 =	sand.u32 $0x7F, s0  }
0x78: {  	s11 =	sshll.u32 s11, $0x9;
	_ =	swait.ge @!p2 [sflag:s3], $0x2000;
	s0 =	smul.u32 $0x3, s0  }
0x79: {  	s9 =	rddreg [dreg:$0x3];
	[sflag:s3] =	ssyncset.done @!p2 $0x0;
	s10 =	sshrl.u32 s10, $0x9  }
0x7a: {  	s9 =	sadd.s32 s9, s11;
	s10 =	smul.u32 $0x3, s10;
	s0 =	ssub.s32 s31, s0  }
0x7b: {  	[sflag:s3] =	ssyncadd.s32 @!p2 $0xFFFFE000;
	s9 =	sshrl.u32 s9, $0x3;
	s0 =	sand.u32 $0xFF, s0  }
0x7c: {  	s9 =	sadd.s32 s4, s9;
	s11 =	sshll.u32 s0, $0xA;
	s0 =	sshll.u32 s0, $0xD  }
0x7d: {  	[tilespmem:s11], [sflag:$0x3] =	stream.strided.gather [hbm4b:s9+s21], $0x400, s22, s21, $0x38;
	[tilespmem:$0x1F300] =	vst v63  }
0x7e: {  	s9 =	ssub.s32 s8, s10;
	s0 =	sor.u32 $0xC00, s0;
	_ =	swait.ge [sflag:s7], $0x400  }
.Ltmp1:
0x7f: {  	s3 =	sand.u32 $0xFF, s9;
	[sflag:s7] =	ssyncset.done $0x0;
	(pc) =	sbr.rel @p1 .LBB2_5-.Ltmp1, $4  }
0x80: {  	s10 =	sshll.u32 s3, $0xD;
	s3 =	sshll.u32 s3, $0xA;
	[sflag:s7] =	ssyncadd.s32 $0xFFFFFC00  }
0x81: {  	[tilespmem:s0], [sflag:$0x1] =	stream.indirect.gather [hbm4b:s29+s21], $0x10, s11, s21, $0xb8;
	[tilespmem:$0x1F300] =	vst v63  }
0x82: {  	s31 =	smov.u32 s2;
	s8 =	sor.u32 $0xC00, s10;
	s3 =	sor.u32 $0x200, s3  }
0x83: {  	[spmem:s1] =	stream.indirect.scatter.add.f32 [tilespmem:s8], [sflag:$0x2], $0x10, s3, s21, $0xb8;
	[tilespmem:$0x1F300] =	vst v63  }
0x84: {  	s0 =	smul.u32 $0xAB, s31  }
0x85: {  	_ =	swait.ge [sflag:s23], $0x2000  }
0x86: {  	p1 =	slt.u32 s31, $0x2;
	[sflag:s23] =	ssyncset.done $0x0;
	s0 =	sshrl.u32 s0, $0x9  }
0x87: {  	s2 =	simm.s32 @!p1 $0x2;
	[sflag:s23] =	ssyncadd.s32 $0xFFFFE000;
	s0 =	sand.u32 $0x7F, s0  }
0x88: {  	s8 =	smin.u32 s31, $0xC7;
	_ =	swait.ge @!p1 [sflag:s2], $0x2000;
	s0 =	smul.u32 $0x3, s0  }
0x89: {  	s9 =	sadd.s32 $0x2, s31;
	s8 =	sshll.u32 s8, $0x9;
	s3 =	rddreg [dreg:$0x3]  }
0x8a: {  	s11 =	sand.u32 $0xFF, s9;
	s3 =	sadd.s32 s3, s8;
	s0 =	ssub.s32 s31, s0  }
0x8b: {  	[sflag:s2] =	ssyncset.done @!p1 $0x0;
	s3 =	sshrl.u32 s3, $0x3;
	s0 =	sand.u32 $0xFF, s0  }
0x8c: {  	[sflag:s2] =	ssyncadd.s32 @!p1 $0xFFFFE000;
	s3 =	sadd.s32 s4, s3;
	s10 =	sshll.u32 s0, $0xA  }
0x8d: {  	[tilespmem:s10], [sflag:$0x3] =	stream.strided.gather [hbm4b:s3+s21], $0x400, s22, s21, $0x38;
	[tilespmem:$0x1F300] =	vst v63  }
0x8e: {  	s3 =	smul.u32 $0xAB, s11  }
0x8f: {  	_ =	swait.ge [sflag:s7], $0x400  }
0x90: {  	s0 =	sshll.u32 s0, $0xD;
	s3 =	sshrl.u32 s3, $0x9;
	[sflag:s7] =	ssyncset.done $0x0  }
0x91: {  	s0 =	sor.u32 $0xC00, s0;
	s3 =	smul.u32 $0x3, s3;
	[sflag:s7] =	ssyncadd.s32 $0xFFFFFC00  }
0x92: {  	[tilespmem:s0], [sflag:$0x1] =	stream.indirect.gather [hbm4b:s29+s21], $0x10, s10, s21, $0xb8;
	[tilespmem:$0x1F300] =	vst v63  }
0x93: {  	s30 =	ssub.s32 s9, s3  }
0x94: {  	s0 =	sand.u32 $0xFF, s30  }
0x95: {  	s31 =	sshll.u32 s0, $0xD;
	s0 =	sshll.u32 s0, $0xA  }
0x96: {  	s2 =	sor.u32 $0xC00, s31;
	s0 =	sor.u32 $0x200, s0  }
0x97: {  	[spmem:s1] =	stream.indirect.scatter.add.f32 [tilespmem:s2], [sflag:$0x2], $0x10, s0, s21, $0xb8;
	[tilespmem:$0x1F300] =	vst v63  }
0x98: {  	_ =	swait.ge [sflag:s23], $0x2000  }
0x99: {  	[sflag:s23] =	ssyncset.done $0x0  }
0x9a: {  	[sflag:s23] =	ssyncadd.s32 $0xFFFFE000  }
0x9b: {  	_ =	swait.ge [sflag:s24], $0x2000  }
0x9c: {  	[sflag:s24] =	ssyncset.done $0x0  }
0x9d: {  	[sflag:s24] =	ssyncadd.s32 $0xFFFFE000  }
0x9e: {  	_ =	swait.ge [sflag:s24], $0x2000  }
0x9f: {  	[sflag:s24] =	ssyncset.done $0x0  }
0xa0: {  	[sflag:s24] =	ssyncadd.s32 $0xFFFFE000  }
0xa1: {  	[bflag:$0x0] =	sbarrier.arrive $0xFFFF  }
0xa2: {  	[tilespmem:s25], [sflag:$0x3] =	stream.linear.gather [spmem:s12], $0x2000, $0x38;
	[tilespmem:$0x1F300] =	vst v63  }
0xa3: {  	_ =	swait.ge [sflag:s7], $0x2000  }
0xa4: {  	s2 =	rddreg [dreg:$0x18]  }
0xa5: {  	s0 =	sor.u32 s2, s28  }
0xa6: {  	[sflag:s7] =	ssyncset.done $0x0;
	s0 =	sshrl.u32 s0, $0x3  }
0xa7: {  	s29 =	simm.s32 $0x10;
	[sflag:s7] =	ssyncadd.s32 $0xFFFFE000;
	s0 =	sadd.s32 s6, s0  }
0xa8: {  	[hbm4b:s0+s29] =	stream.strided.scatter [tilespmem:s25], [sflag:$0x3], $0x2000, s26, s29, $0x38;
	[tilespmem:$0x1F300] =	vst v63  }
0xa9: {  	_ =	swait.ge [sflag:s7], $0x2000  }
0xaa: {  	[sflag:s7] =	ssyncset.done $0x0  }
0xab: {  	s3 =	rddreg [dreg:$0x7];
	[sflag:s7] =	ssyncadd.s32 $0xFFFFE000  }
0xac: {  	[tilespmem:s25], [sflag:$0x3] =	stream.linear.gather [spmem:s3], $0x2000, $0x38;
	[tilespmem:$0x1F300] =	vst v63  }
0xad: {  	_ =	swait.ge [sflag:s7], $0x2000  }
0xae: {  	s8 =	rddreg [dreg:$0xb]  }
0xaf: {  	s0 =	sor.u32 s8, s28  }
0xb0: {  	[sflag:s7] =	ssyncset.done $0x0;
	s0 =	sshrl.u32 s0, $0x3  }
0xb1: {  	[sflag:s7] =	ssyncadd.s32 $0xFFFFE000;
	s0 =	sadd.s32 s6, s0  }
0xb2: {  	[hbm4b:s0+s29] =	stream.strided.scatter [tilespmem:s25], [sflag:$0x3], $0x2000, s26, s29, $0x38;
	[tilespmem:$0x1F300] =	vst v63  }
0xb3: {  	_ =	swait.ge [sflag:s7], $0x2000  }
0xb4: {  	[sflag:s7] =	ssyncset.done $0x0  }
0xb5: {  	s9 =	rddreg [dreg:$0x8];
	[sflag:s7] =	ssyncadd.s32 $0xFFFFE000  }
0xb6: {  	[tilespmem:s25], [sflag:$0x3] =	stream.linear.gather [spmem:s9], $0x2000, $0x38;
	[tilespmem:$0x1F300] =	vst v63  }
0xb7: {  	_ =	swait.ge [sflag:s7], $0x2000  }
0xb8: {  	s11 =	rddreg [dreg:$0xc]  }
0xb9: {  	s0 =	sor.u32 s11, s28  }
0xba: {  	[sflag:s7] =	ssyncset.done $0x0;
	s0 =	sshrl.u32 s0, $0x3  }
0xbb: {  	[sflag:s7] =	ssyncadd.s32 $0xFFFFE000;
	s0 =	sadd.s32 s6, s0  }
0xbc: {  	[hbm4b:s0+s29] =	stream.strided.scatter [tilespmem:s25], [sflag:$0x3], $0x2000, s26, s29, $0x38;
	[tilespmem:$0x1F300] =	vst v63  }
0xbd: {  	_ =	swait.ge [sflag:s7], $0x2000  }
0xbe: {  	[sflag:s7] =	ssyncset.done $0x0  }
0xbf: {  	[sflag:s7] =	ssyncadd.s32 $0xFFFFE000  }
0xc0: {  	[tilespmem:s25], [sflag:$0x3] =	stream.linear.gather [spmem:s13], $0x2000, $0x38;
	[tilespmem:$0x1F300] =	vst v63  }
0xc1: {  	_ =	swait.ge [sflag:s7], $0x2000  }
0xc2: {  	s10 =	smov.u32 s12;
	s12 =	rddreg [dreg:$0xd]  }
0xc3: {  	s0 =	sor.u32 s12, s28  }
0xc4: {  	[sflag:s7] =	ssyncset.done $0x0;
	s0 =	sshrl.u32 s0, $0x3  }
0xc5: {  	[sflag:s7] =	ssyncadd.s32 $0xFFFFE000;
	s0 =	sadd.s32 s6, s0  }
0xc6: {  	[hbm4b:s0+s29] =	stream.strided.scatter [tilespmem:s25], [sflag:$0x3], $0x2000, s26, s29, $0x38;
	[tilespmem:$0x1F300] =	vst v63  }
0xc7: {  	_ =	swait.ge [sflag:s7], $0x2000  }
0xc8: {  	[sflag:s7] =	ssyncset.done $0x0  }
0xc9: {  	s11 =	smov.u32 s13;
	s13 =	rddreg [dreg:$0x9];
	[sflag:s7] =	ssyncadd.s32 $0xFFFFE000  }
0xca: {  	[tilespmem:s25], [sflag:$0x3] =	stream.linear.gather [spmem:s13], $0x2000, $0x38;
	[tilespmem:$0x1F300] =	vst v63  }
0xcb: {  	_ =	swait.ge [sflag:s7], $0x2000  }
0xcc: {  	s30 =	rddreg [dreg:$0xe]  }
0xcd: {  	s0 =	sor.u32 s30, s28  }
0xce: {  	[sflag:s7] =	ssyncset.done $0x0;
	s0 =	sshrl.u32 s0, $0x3  }
0xcf: {  	[sflag:s7] =	ssyncadd.s32 $0xFFFFE000;
	s0 =	sadd.s32 s6, s0  }
0xd0: {  	[hbm4b:s0+s29] =	stream.strided.scatter [tilespmem:s25], [sflag:$0x3], $0x2000, s26, s29, $0x38;
	[tilespmem:$0x1F300] =	vst v63  }
0xd1: {  	_ =	swait.ge [sflag:s7], $0x2000  }
0xd2: {  	[sflag:s7] =	ssyncset.done $0x0  }
0xd3: {  	s31 =	rddreg [dreg:$0xa];
	[sflag:s7] =	ssyncadd.s32 $0xFFFFE000  }
0xd4: {  	[tilespmem:s25], [sflag:$0x3] =	stream.linear.gather [spmem:s31], $0x2000, $0x38;
	[tilespmem:$0x1F300] =	vst v63  }
0xd5: {  	_ =	swait.ge [sflag:s7], $0x2000  }
0xd6: {  	s2 =	rddreg [dreg:$0xf]  }
0xd7: {  	s0 =	sor.u32 s2, s28  }
0xd8: {  	[sflag:s7] =	ssyncset.done $0x0;
	s0 =	sshrl.u32 s0, $0x3  }
0xd9: {  	[sflag:s7] =	ssyncadd.s32 $0xFFFFE000;
	s0 =	sadd.s32 s6, s0  }
0xda: {  	[hbm4b:s0+s29] =	stream.strided.scatter [tilespmem:s25], [sflag:$0x3], $0x2000, s26, s29, $0x38;
	[tilespmem:$0x1F300] =	vst v63  }
0xdb: {  	_ =	swait.ge [sflag:s7], $0x2000  }
0xdc: {  	[sflag:s7] =	ssyncset.done $0x0  }
0xdd: {  	[sflag:s7] =	ssyncadd.s32 $0xFFFFE000  }
0xde: {  	[tilespmem:s25], [sflag:$0x3] =	stream.linear.gather [spmem:s14], $0x2000, $0x38;
	[tilespmem:$0x1F300] =	vst v63  }
0xdf: {  	_ =	swait.ge [sflag:s7], $0x2000  }
0xe0: {  	s3 =	rddreg [dreg:$0x10]  }
0xe1: {  	s0 =	sor.u32 s3, s28  }
0xe2: {  	[sflag:s7] =	ssyncset.done $0x0;
	s0 =	sshrl.u32 s0, $0x3  }
0xe3: {  	[sflag:s7] =	ssyncadd.s32 $0xFFFFE000;
	s0 =	sadd.s32 s6, s0  }
0xe4: {  	[hbm4b:s0+s29] =	stream.strided.scatter [tilespmem:s25], [sflag:$0x3], $0x2000, s26, s29, $0x38;
	[tilespmem:$0x1F300] =	vst v63  }
0xe5: {  	_ =	swait.ge [sflag:s7], $0x2000  }
0xe6: {  	[sflag:s7] =	ssyncset.done $0x0  }
0xe7: {  	[sflag:s7] =	ssyncadd.s32 $0xFFFFE000  }
0xe8: {  	[tilespmem:s25], [sflag:$0x3] =	stream.linear.gather [spmem:s15], $0x2000, $0x38;
	[tilespmem:$0x1F300] =	vst v63  }
0xe9: {  	_ =	swait.ge [sflag:s7], $0x2000  }
0xea: {  	s8 =	rddreg [dreg:$0x11]  }
0xeb: {  	s0 =	sor.u32 s8, s28  }
0xec: {  	[sflag:s7] =	ssyncset.done $0x0;
	s0 =	sshrl.u32 s0, $0x3  }
0xed: {  	[sflag:s7] =	ssyncadd.s32 $0xFFFFE000;
	s0 =	sadd.s32 s6, s0  }
0xee: {  	[hbm4b:s0+s29] =	stream.strided.scatter [tilespmem:s25], [sflag:$0x3], $0x2000, s26, s29, $0x38;
	[tilespmem:$0x1F300] =	vst v63  }
0xef: {  	_ =	swait.ge [sflag:s7], $0x2000  }
0xf0: {  	[sflag:s7] =	ssyncset.done $0x0  }
0xf1: {  	[sflag:s7] =	ssyncadd.s32 $0xFFFFE000  }
0xf2: {  	[tilespmem:s25], [sflag:$0x3] =	stream.linear.gather [spmem:s16], $0x2000, $0x38;
	[tilespmem:$0x1F300] =	vst v63  }
0xf3: {  	_ =	swait.ge [sflag:s7], $0x2000  }
0xf4: {  	s9 =	rddreg [dreg:$0x12]  }
0xf5: {  	s0 =	sor.u32 s9, s28  }
0xf6: {  	[sflag:s7] =	ssyncset.done $0x0;
	s0 =	sshrl.u32 s0, $0x3  }
0xf7: {  	[sflag:s7] =	ssyncadd.s32 $0xFFFFE000;
	s0 =	sadd.s32 s6, s0  }
0xf8: {  	[hbm4b:s0+s29] =	stream.strided.scatter [tilespmem:s25], [sflag:$0x3], $0x2000, s26, s29, $0x38;
	[tilespmem:$0x1F300] =	vst v63  }
0xf9: {  	_ =	swait.ge [sflag:s7], $0x2000  }
0xfa: {  	[sflag:s7] =	ssyncset.done $0x0  }
0xfb: {  	[sflag:s7] =	ssyncadd.s32 $0xFFFFE000  }
0xfc: {  	[tilespmem:s25], [sflag:$0x3] =	stream.linear.gather [spmem:s17], $0x2000, $0x38;
	[tilespmem:$0x1F300] =	vst v63  }
0xfd: {  	_ =	swait.ge [sflag:s7], $0x2000  }
0xfe: {  	s12 =	rddreg [dreg:$0x13]  }
0xff: {  	s0 =	sor.u32 s12, s28  }
0x100: {  	[sflag:s7] =	ssyncset.done $0x0;
	s0 =	sshrl.u32 s0, $0x3  }
0x101: {  	[sflag:s7] =	ssyncadd.s32 $0xFFFFE000;
	s0 =	sadd.s32 s6, s0  }
0x102: {  	[hbm4b:s0+s29] =	stream.strided.scatter [tilespmem:s25], [sflag:$0x3], $0x2000, s26, s29, $0x38;
	[tilespmem:$0x1F300] =	vst v63  }
0x103: {  	_ =	swait.ge [sflag:s7], $0x2000  }
0x104: {  	[sflag:s7] =	ssyncset.done $0x0  }
0x105: {  	[sflag:s7] =	ssyncadd.s32 $0xFFFFE000  }
0x106: {  	[tilespmem:s25], [sflag:$0x3] =	stream.linear.gather [spmem:s18], $0x2000, $0x38;
	[tilespmem:$0x1F300] =	vst v63  }
0x107: {  	_ =	swait.ge [sflag:s7], $0x2000  }
0x108: {  	s13 =	rddreg [dreg:$0x14]  }
0x109: {  	s0 =	sor.u32 s13, s28  }
0x10a: {  	[sflag:s7] =	ssyncset.done $0x0;
	s0 =	sshrl.u32 s0, $0x3  }
0x10b: {  	[sflag:s7] =	ssyncadd.s32 $0xFFFFE000;
	s0 =	sadd.s32 s6, s0  }
0x10c: {  	[hbm4b:s0+s29] =	stream.strided.scatter [tilespmem:s25], [sflag:$0x3], $0x2000, s26, s29, $0x38;
	[tilespmem:$0x1F300] =	vst v63  }
0x10d: {  	_ =	swait.ge [sflag:s7], $0x2000  }
0x10e: {  	[sflag:s7] =	ssyncset.done $0x0  }
0x10f: {  	[sflag:s7] =	ssyncadd.s32 $0xFFFFE000  }
0x110: {  	[tilespmem:s25], [sflag:$0x3] =	stream.linear.gather [spmem:s19], $0x2000, $0x38;
	[tilespmem:$0x1F300] =	vst v63  }
0x111: {  	_ =	swait.ge [sflag:s7], $0x2000  }
0x112: {  	s30 =	rddreg [dreg:$0x15]  }
0x113: {  	s0 =	sor.u32 s30, s28  }
0x114: {  	[sflag:s7] =	ssyncset.done $0x0;
	s0 =	sshrl.u32 s0, $0x3  }
0x115: {  	[sflag:s7] =	ssyncadd.s32 $0xFFFFE000;
	s0 =	sadd.s32 s6, s0  }
0x116: {  	[hbm4b:s0+s29] =	stream.strided.scatter [tilespmem:s25], [sflag:$0x3], $0x2000, s26, s29, $0x38;
	[tilespmem:$0x1F300] =	vst v63  }
0x117: {  	_ =	swait.ge [sflag:s7], $0x2000  }
0x118: {  	[sflag:s7] =	ssyncset.done $0x0  }
0x119: {  	[sflag:s7] =	ssyncadd.s32 $0xFFFFE000  }
0x11a: {  	[tilespmem:s25], [sflag:$0x3] =	stream.linear.gather [spmem:s20], $0x700, $0x38;
	[tilespmem:$0x1F300] =	vst v63  }
0x11b: {  	_ =	swait.ge [sflag:s7], $0x700  }
0x11c: {  	s31 =	rddreg [dreg:$0x16]  }
0x11d: {  	s0 =	sor.u32 s31, s28  }
0x11e: {  	[sflag:s7] =	ssyncset.done $0x0;
	s0 =	sshrl.u32 s0, $0x3  }
.Ltmp2:
0x11f: {  	[sflag:s7] =	ssyncadd.s32 $0xFFFFF900;
	s0 =	sadd.s32 s6, s0;
	(pc) =	sbr.rel @p0 .LBB2_2-.Ltmp2, $4  }
0x120: {  	[hbm4b:s0+s29] =	stream.strided.scatter [tilespmem:s25], [sflag:$0x3], $0x700, s26, s29, $0x38;
	[tilespmem:$0x1F300] =	vst v63  }
0x121: {  	_ =	swait.ge [sflag:s7], $0x700  }
0x122: {  	[sflag:s7] =	ssyncset.done $0x0  }
0x123: {  	p1 =	por $0x0, $0x0;
	[sflag:s7] =	ssyncadd.s32 $0xFFFFF900  }
0x124: {  	s9 =	rddreg [dreg:$0x4]  }
0x125: {  	s0 =	rddreg [dreg:$0x17];
	s9 =	sadd.s32 $0x1, s9  }
0x126: {  	p0 =	sne.s32 s9, s0  }
.Ltmp3:
0x127: {  	_ = 	snop;
	(pc) =	sbr.rel @p0 .LBB2_1-.Ltmp3, $1  }
0x128: {  	_ =	sdelay $0x3  }
0x129: {  	_ =	sfence.sel $0x180000  }
0x12a: {  	[bflag:$0x0] =	sbarrier.arrive $0xFFFF  }
0x12b: {  	_ =	strace $0x9000004D  }
0x12c: {  	s0 =	stileid.u32;
	[bflag:$0x2] =	sbarrier.arrive $0xFFFF  }
0x12d: {  	p0 =	sne.s32 s0, $0x0;
	s0 =	rddreg [dreg:$0x2]  }
0x12e: {  	s0 =	sadd.s32 @!p0 $0x100000, s0  }
0x12f: {  	[sflag:s0] =	ssyncadd.tile.s32 @!p0 $0x1;
	_ =	shalt  }
.Lfunc_end2:
_tile_overlayer_lowered:
.L_overlay_start_2:
0x130: {  	(tag) =	ssettag $0x2  }
0x131: {  	s0 =	rddreg [dreg:$0x0];
	s2 =	stileid.u32  }
0x132: {  	s1 =	rddreg [dreg:$0x1];
	p0 =	sne.s32 s2, $0x0  }
0x133: {  	s3 =	rddreg [dreg:$0x2];
	[bflag:$0x3] =	sbarrier.arrive $0xFFFF;
	s2 =	simm.s32 @!p0 $0x1C03  }
0x134: {  	[timem:s3], [sflag:s2] =	dma.local @!p0 [hbm:s0], s1  }
0x135: {  	s0 =	simm.s32 @!p0 $0x3  }
0x136: {  	_ =	swait.ge @!p0 [sflag:s0], s1  }
0x137: {  	s1 =	ssub.s32 @!p0 $0x0, s1;
	[sflag:s0] =	ssyncset.done @!p0 $0x0  }
0x138: {  	[sflag:s0] =	ssyncadd.s32 @!p0 s1  }
0x139: {  	[bflag:$0x3] =	sbarrier.arrive $0xFFFF  }
0x13a: {  	_ =	shalt  }

// kernel: kernel.7.cloned.1.call-start
scs
__scs_entry_jumppad:
0x0: {  	(pc) =	sbr.rel $0x88, $3  }
0x1: {  	(tag) =	ssettag $0x0;
	lr =	simm.s32 $0x1  }
0x2: {  	[smem:$0x3F94] =	sst lr;
	_ =	strace $0xD0000000  }
0x3: {  	_ = 	snop  }
0x4: {  	_ = 	snop  }
0x5: {  	_ = 	snop  }
0x6: {  	_ = 	snop  }
0x7: {  	_ = 	snop  }
__scs_overlays_trampoline_lowered:
0x8: {  	[smem:$0x3FA3] =	sst s0  }
0x9: {  	[smem:$0x3FA4] =	sst s1  }
0xa: {  	[smem:$0x3FA5] =	sst s2  }
0xb: {  	[smem:$0x3FA6] =	sst s3  }
0xc: {  	[smem:$0x3FA7] =	sst s4  }
0xd: {  	[smem:$0x3FA8] =	sst s5  }
0xe: {  	[smem:$0x3FA9] =	sst s6  }
0xf: {  	[smem:$0x3FAA] =	sst s7  }
0x10: {  	[smem:$0x3FAB] =	sst s8  }
0x11: {  	[smem:$0x3FAC] =	sst s9;
	s0 =	simm.s32 @!p0 $0x0  }
0x12: {  	s1 =	sld [smem:$0x3F92];
	s0 =	simm.s32 @p0 $0x1  }
0x13: {  	[smem:$0x3FAD] =	sst s0;
	s0 =	simm.s32 @!p1 $0x0  }
0x14: {  	s2 =	sld [smem:$0x3F91];
	s0 =	simm.s32 @p1 $0x1  }
0x15: {  	[smem:$0x3FAE] =	sst s0;
	s0 =	simm.s32 @!p2 $0x0  }
0x16: {  	s3 =	sld [smem:$0x3FDB];
	s0 =	simm.s32 @p2 $0x1  }
0x17: {  	s4 =	simm.s32 $0x1BF5;
	[smem:$0x3FB0] =	sst s0  }
0x18: {  	s0 =	sld [smem:$0x3F93];
	_ =	swait.ge [sflag:s4], $0x0  }
0x19: {  	s7 =	sld [smem:$0x3F94]  }
0x1a: {  	s8 =	sadd.s32 $0xFFFFE003, lr  }
0x1b: {  	s9 =	sadd.s32 $0xFFFFFEF7, lr;
	s5 =	simm.s32 $0xFFFFFFFF;
	p2 =	slt.u32 s8, $0xFFFFF086  }
0x1c: {  	p1 =	slt.u32 s9, $0xF7A;
	s5 =	simm.s32 @!p2 $0x0  }
0x1d: {  	s5 =	simm.s32 @p1 $0x1;
	p0 =	seq.s32 s7, s2  }
0x1e: {  	s7 =	smul.u32 @!p0 $0xF7A, s2;
	p2 =	seq.s32 @!p0 s5, $0x0  }
0x1f: {  	s9 =	smul.u32 $0xF7A, s1;
	s8 =	simm.s32 @!p0 $0x1BF5;
	p2 =	por !p2, p0  }
0x20: {  	[sflag:s8] =	ssyncset.s32 @!p0 $0xFFFFF086;
	s6 =	sadd.s32 @!p0 s3, s7;
	s7 =	simm.s32 @!p0 $0x108  }
0x21: {  	s3 =	sadd.s32 s3, s9;
	s6 =	sadd.s32 @!p0 $0x88, s6;
	s7 =	simm.s32 @p2 $0x1082  }
0x22: {  	[simem:s7], [sflag:s8] =	dma.local @!p0 [hbm:s6], $0xF7A  }
0x23: {  	s9 =	sor.u32 $0xD0000000, s2;
	s6 =	simm.s32 $0x108;
	_ =	swait.ge @!p0 [sflag:s8], $0x0  }
0x24: {  	s3 =	sadd.s32 $0x88, s3;
	s6 =	simm.s32 @!p1 $0x1082;
	[sflag:s4] =	ssyncset.s32 $0xFFFFF086  }
0x25: {  	[simem:s6], [sflag:s4] =	dma.local [hbm:s3], $0xF7A  }
0x26: {  	[smem:$0x3F94] =	sst s1;
	(tag) =	ssettag s2;
	_ =	strace s9  }
0x27: {  	s1 =	sld [smem:$0x3FA4]  }
0x28: {  	s2 =	sld [smem:$0x3FA5]  }
0x29: {  	s4 =	sld [smem:$0x3FA7]  }
0x2a: {  	p0 =	seq.s32 s5, $0x0;
	s5 =	sld [smem:$0x3FA8]  }
0x2b: {  	s6 =	sld [smem:$0x3FA9]  }
0x2c: {  	s7 =	sld [smem:$0x3FAA]  }
0x2d: {  	s3 =	simm.s32 $0x108;
	s8 =	sld [smem:$0x3FAB]  }
0x2e: {  	s3 =	simm.s32 @!p0 $0x1082;
	s9 =	sld [smem:$0x3FAC]  }
0x2f: {  	lr =	sadd.s32 s0, s3;
	s0 =	sld [smem:$0x3FA3]  }
0x30: {  	s3 =	sld [smem:$0x3FA6]  }
0x31: {  	[smem:$0x3FAF] =	sst s10  }
0x32: {  	s10 =	sld [smem:$0x3FAD];
	_ =	sdelay $0x3  }
0x33: {  	p0 =	seq.s32 s10, $0x1;
	s10 =	sld [smem:$0x3FAF];
	_ =	sdelay $0x3  }
0x34: {  	[smem:$0x3FAF] =	sst s10  }
0x35: {  	s10 =	sld [smem:$0x3FAE];
	_ =	sdelay $0x3  }
0x36: {  	p1 =	seq.s32 s10, $0x1;
	s10 =	sld [smem:$0x3FAF];
	_ =	sdelay $0x3  }
0x37: {  	[smem:$0x3FAF] =	sst s10  }
0x38: {  	s10 =	sld [smem:$0x3FB0]  }
0x39: {  	_ = 	snop;
	(pc) =	sbr.ind lr, $3  }
0x3a: {  	_ = 	snop  }
0x3b: {  	_ = 	snop  }
0x3c: {  	p2 =	seq.s32 s10, $0x1;
	s10 =	sld [smem:$0x3FAF]  }
0x3d: {  	_ =	shalt  }
0x3e: {  	_ =	shalt  }
0x3f: {  	_ =	shalt  }
0x40: {  	_ =	shalt  }
0x41: {  	_ =	shalt  }
0x42: {  	_ =	shalt  }
0x43: {  	_ =	shalt  }
0x44: {  	_ =	shalt  }
0x45: {  	_ =	shalt  }
0x46: {  	_ =	shalt  }
0x47: {  	_ =	shalt  }
0x48: {  	_ =	shalt  }
0x49: {  	_ =	shalt  }
0x4a: {  	_ =	shalt  }
0x4b: {  	_ =	shalt  }
0x4c: {  	_ =	shalt  }
0x4d: {  	_ =	shalt  }
0x4e: {  	_ =	shalt  }
0x4f: {  	_ =	shalt  }
0x50: {  	_ =	shalt  }
0x51: {  	_ =	shalt  }
0x52: {  	_ =	shalt  }
0x53: {  	_ =	shalt  }
0x54: {  	_ =	shalt  }
0x55: {  	_ =	shalt  }
0x56: {  	_ =	shalt  }
0x57: {  	_ =	shalt  }
0x58: {  	_ =	shalt  }
0x59: {  	_ =	shalt  }
0x5a: {  	_ =	shalt  }
0x5b: {  	_ =	shalt  }
0x5c: {  	_ =	shalt  }
0x5d: {  	_ =	shalt  }
0x5e: {  	_ =	shalt  }
0x5f: {  	_ =	shalt  }
0x60: {  	_ =	shalt  }
0x61: {  	_ =	shalt  }
0x62: {  	_ =	shalt  }
0x63: {  	_ =	shalt  }
0x64: {  	_ =	shalt  }
0x65: {  	_ =	shalt  }
0x66: {  	_ =	shalt  }
0x67: {  	_ =	shalt  }
0x68: {  	_ =	shalt  }
0x69: {  	_ =	shalt  }
0x6a: {  	_ =	shalt  }
0x6b: {  	_ =	shalt  }
0x6c: {  	_ =	shalt  }
0x6d: {  	_ =	shalt  }
0x6e: {  	_ =	shalt  }
0x6f: {  	_ =	shalt  }
0x70: {  	_ =	shalt  }
0x71: {  	_ =	shalt  }
0x72: {  	_ =	shalt  }
0x73: {  	_ =	shalt  }
0x74: {  	_ =	shalt  }
0x75: {  	_ =	shalt  }
0x76: {  	_ =	shalt  }
0x77: {  	_ =	shalt  }
0x78: {  	_ =	shalt  }
0x79: {  	_ =	shalt  }
0x7a: {  	_ =	shalt  }
0x7b: {  	_ =	shalt  }
0x7c: {  	_ =	shalt  }
0x7d: {  	_ =	shalt  }
0x7e: {  	_ =	shalt  }
0x7f: {  	_ =	shalt  }
0x80: {  	_ =	shalt  }
0x81: {  	_ =	shalt  }
0x82: {  	_ =	shalt  }
0x83: {  	_ =	shalt  }
0x84: {  	_ =	shalt  }
0x85: {  	_ =	shalt  }
0x86: {  	_ =	shalt  }
0x87: {  	_ =	shalt  }
.Lfunc_end0:
.L_simem_size_0:
called_computation_lowered:
.L_overlay_start_0:
0x88: {  	s2 =	sld [smem:$0x3FD9]  }
0x89: {  	s3 =	sld [smem:$0x3FFE];
	_ =	sdelay $0x1  }
0x8a: {  	s1 =	srdreg.scid  }
0x8b: {  	s0 =	sand.u32 $0x1, s1  }
0x8c: {  	s17 =	sshll.u32 s0, $0xA;
	s2 =	sadd.s32 s3, s2  }
0x8d: {  	s2 =	sadd.s32 s2, s17  }
0x8e: {  	[smem:$0x3FBB] =	sst s2  }
0x8f: {  	_ = 	snop  }
0x90: {  	s2 =	sld [smem:$0x3FD0];
	(tm) =	ssettm $0x1  }
0x91: {  	s18 =	sld [smem:$0x3FFB];
	_ =	sdelay $0x3  }
0x92: {  	_ =	strace s18  }
0x93: {  	s3 =	sld [smem:$0x3FFC];
	_ =	sdelay $0x3  }
0x94: {  	_ =	strace s3  }
0x95: {  	s3 =	sld [smem:$0x3FFD];
	_ =	sdelay $0x3  }
0x96: {  	_ =	strace s3  }
0x97: {  	_ =	strace $0x8FFFFFFF  }
0x98: {  	s19 =	sld [smem:$0x3FDB];
	_ =	sdelay $0x1  }
0x99: {  	s4 =	simm.s32 $_scs_section_size  }
0x9a: {  	s5 =	simm.s32 $_size__tile_overlayer_lowered;
	s6 =	simm.s32 $_tile_overlayer_lowered  }
0x9b: {  	s22 =	simm.s32 $0x1BFF;
	s21 =	sshll.u32 s6, $0x1;
	s3 =	sadd.s32 s4, s19  }
0x9c: {  	s7 =	simm.s32 $0x0;
	s20 =	sshll.u32 s5, $0x1;
	s5 =	sadd.s32 s21, s3  }
0x9d: {  	[timem:s7], [sflag:s22] =	dma.local [hbm:s5], s20  }
0x9e: {  	_ =	swait.ge [sflag:s22], s20  }
0x9f: {  	s4 =	ssub.s32 $0x0, s20;
	[sflag:s22] =	ssyncset.done $0x0  }
0xa0: {  	[sflag:s22] =	ssyncadd.s32 s4;
	_ =	sdelay $0x1  }
0xa1: {  	s23 =	simm.s32 $0x1B8B  }
0xa2: {  	_ =	swait.ge [sflag:s23], $0x1  }
0xa3: {  	[sflag:s23] =	ssyncset.done $0x0  }
0xa4: {  	s25 =	simm.s32 $0x1B8E;
	s24 =	sld [smem:$0x3FFE];
	[sflag:s23] =	ssyncadd.s32 $0xFFFFFFFF  }
0xa5: {  	s26 =	simm.s32 $execute0_lowered;
	[smem:$0x3FD2] =	sst s25  }
0xa6: {  	s5 =	sshll.u32 s26, $0x1;
	_ =	strace $0x80000046;
	[dreg:$0x1] =	wrdreg $0xFFFFFFFF  }
0xa7: {  	s28 =	simm.s32 $_size_execute0_lowered;
	s3 =	sadd.s32 s3, s5;
	[dreg:$0x0] =	wrdreg $0x0  }
0xa8: {  	s5 =	sshll.u32 s28, $0x1;
	[dreg:$0x2] =	wrdreg s3  }
0xa9: {  	[dreg:$0x3] =	wrdreg s5  }
0xaa: {  	[dreg:$0x4] =	wrdreg $0xC0  }
0xab: {  	_ =	task [dreg:s7], $0x5FFFF  }
0xac: {  	[dreg:$0x1] =	wrdreg $0xFFFFFFFF  }
0xad: {  	[dreg:$0x0] =	wrdreg $0x60  }
0xae: {  	[dreg:$0x2] =	wrdreg s2  }
0xaf: {  	[dreg:$0x3] =	wrdreg s24  }
0xb0: {  	[dreg:$0x4] =	wrdreg $0x10000  }
0xb1: {  	[dreg:$0x5] =	wrdreg $0x9  }
0xb2: {  	_ =	task.clear_ibuf [dreg:s7], $0x6FFFF;
	_ =	strace $0x90000046  }
0xb3: {  	s29 =	simm.s32 $0x9;
	_ =	strace $0x80000048  }
0xb4: {  	_ =	swait.ge [sflag:s29], $0x1  }
0xb5: {  	[sflag:s29] =	ssyncadd.s32 $0xFFFFFFFF  }
0xb6: {  	_ =	strace $0x90000048  }
0xb7: {  	_ =	sfence  }
0xb8: {  	s30 =	sld [smem:$0x0];
	_ =	sdelay $0x2  }
0xb9: {  	s31 =	sshll.u32 s1, $0xD;
	s1 =	sshrl.u32 s1, $0x2  }
0xba: {  	s3 =	sand.u32 $0x4000, s31;
	s1 =	sadd.s32 s1, s30  }
0xbb: {  	s0 =	sor.u32 s3, s0;
	s1 =	sshll.u32 s1, $0x11  }
0xbc: {  	s0 =	sor.u32 s1, s0  }
0xbd: {  	s0 =	sadd.s32 $0x8F2B, s0  }
0xbe: {  	[sflag:s0] =	ssyncadd.remote.s32 $0x1  }
0xbf: {  	_ =	sfence.sel $0xFFFF  }
0xc0: {  	[dreg:$0x0] =	wrdreg $0xFFFFFFFF;
	(pc) =	sbr.abs _section_cstart, $3  }
0xc1: {  	[dreg:$0x1] =	wrdreg $0xFFFFFFFF  }
0xc2: {  	_ =	task.clear_ibuf [dreg:s7], $0x2FFFF;
	_ =	strace $0x9FFFFFFF  }
0xc3: {  	(tm) =	ssettm $0x7FFFFFFF  }
tec
execute0_lowered:
.L_overlay_start_1:
0x0: {  	(tag) =	ssettag $0x1  }
0x1: {  	s13 =	rddreg [dreg:$0x0]  }
0x2: {  	s11 =	rddreg [dreg:$0x1]  }
0x3: {  	s2 =	rddreg [dreg:$0x2];
	s0 =	stileid.u32  }
0x4: {  	s5 =	srdreg.scid;
	s1 =	rddreg [dreg:$0x3]  }
0x5: {  	s3 =	simm.s32 $0x0;
	s17 =	simm.s32 $0x1;
	s18 =	simm.s32 $0x800  }
0x6: {  	s21 =	simm.s32 $0x0;
	s4 =	smul.u32 $0x1880, s0;
	s8 =	sand.u32 $0x1, s5  }
0x7: {  	[smem:$0x7FF] =	sst s3;
	s15 =	smul.u32 $0xC800, s0;
	s7 =	sadd.s32 $0x5BF0, s11  }
0x8: {  	s9 =	sadd.s32 $0x8DF0, s11;
	p0 =	seq.s32 s0, $0xF;
	s6 =	ssub.s32 $0x2, s8  }
0x9: {  	_ =	strace $0x80000047;
	s14 =	smul.u32 $0xC8000, s8;
	p4 =	seq.s32 s8, $0x1  }
0xa: {  	s30 =	sshrl.u32 s4, $0x3;
	s31 =	sshrl.u32 s6, $0x1;
	s4 =	sadd.s32 s4, s2  }
0xb: {  	p2 =	seq.s32 @p4 s0, $0xF;
	p5 =	seq.s32 @!p4 s0, $0xF;
	s10 =	sadd.s32 s30, s11  }
0xc: {  	s12 =	ssub.s32 s6, s31;
	s6 =	sadd.s32 $0x16F80, s2;
	s14 =	sadd.s32 s15, s14  }
0xd: {  	s11 =	sadd.s32 $0xBFF0, s11;
	s15 =	sshll.u32 @!p0 s0, $0x6;
	s16 =	sshrl.u32 @!p0 s4, $0x3  }
0xe: {  	p1 =	por p2, !p4;
	p2 =	por !p2, !p4;
	p3 =	por !p5, p4  }
0xf: {  	p4 =	por p5, p4;
	s5 =	sadd.s32 $0x2E00, s10;
	s8 =	sadd.s32 $0x6000, s10  }
0x10: {  	s10 =	sadd.s32 $0x9200, s10;
	s14 =	sshrl.u32 s14, $0x3;
	s12 =	smax.u32 s12, $0x1  }
0x11: {  	s15 =	sor.u32 @!p0 $0x1C01, s15;
	s20 =	sshll.u32 @!p1 s0, $0x6;
	s19 =	sshrl.u32 @!p2 s6, $0x3  }
0x12: {  	v0 =	vimm.f32 $1.000000000e+00;
	s13 =	sadd.s32 s14, s13;
	s14 =	sshrl.u32 @p0 s6, $0x3;
	s20 =	sor.u32 @!p1 $0x1C01, s20  }
.LBB2_1:
0x13: {  	s22 =	simm.s32 $0x40;
	s23 =	simm.s32 $0x0  }
.LBB2_2:
0x14: {  	p5 =	sne.s32 s22, $0x1FC0;
	[tilespmem:s23+$0x800] =	vst v0;
	s23 =	smov.u32 s22;
	s22 =	sadd.s32 $0x40, s22  }
.Ltmp0:
0x15: {  	(pc) =	sbr.rel @p5 .LBB2_2-.Ltmp0, $2  }
0x16: {  	_ =	sdelay $0x2  }
0x17: {  	s23 =	sshra.s32 s23, $0x2  }
0x18: {  	[tilespmem:s23+$0x800] =	vst v0;
	s22 =	simm.s32 @p0 $0x1FC1  }
0x19: {  	[spmem:s14], [sflag:s22] =	dma.local @p0 [hbm:s7], $0x2F0  }
0x1a: {  	s22 =	simm.s32 @p0 $0x1  }
0x1b: {  	_ =	swait.ge @p0 [sflag:s22], $0x2F0  }
0x1c: {  	[sflag:s22] =	ssyncset.done @p0 $0x0  }
0x1d: {  	[sflag:s22] =	ssyncadd.s32 @p0 $0xFFFFFD10;
	s22 =	simm.s32 @!p0 $0x1  }
0x1e: {  	[spmem:s16], [sflag:s15] =	dma.local @!p0 [hbm:s5], $0x310  }
0x1f: {  	_ =	swait.ge @!p0 [sflag:s22], $0x310  }
0x20: {  	[sflag:s22] =	ssyncset.done @!p0 $0x0  }
0x21: {  	[sflag:s22] =	ssyncadd.s32 @!p0 $0xFFFFFCF0  }
0x22: {  	s31 =	sadd.s32 $0x0, s13;
	[bflag:$0x0] =	sbarrier.arrive $0xFFFF  }
0x23: {  	[tilespmem:s3], [sflag:$0x1] =	stream.linear.gather [hbm4b:s31+s3], $0x800, $0x38;
	[tilespmem:$0x2870] =	vst v63  }
0x24: {  	_ =	swait.ge [sflag:s17], $0x800  }
0x25: {  	[sflag:s17] =	ssyncset.done $0x0  }
0x26: {  	[sflag:s17] =	ssyncadd.s32 $0xFFFFF800  }
0x27: {  	[spmem:s2] =	stream.indirect.scatter.add.f32 [tilespmem:s18], [sflag:$0x1], $0x1, s3, s18, $0xb8;
	[tilespmem:$0x2870] =	vst v63  }
0x28: {  	_ =	swait.ge [sflag:s17], $0x800  }
0x29: {  	s23 =	simm.s32 $0x200;
	s22 =	simm.s32 $0x100;
	[sflag:s17] =	ssyncset.done $0x0  }
.LBB2_4:
0x2a: {  	s24 =	sadd.s32 s22, s13  }
0x2b: {  	[sflag:s17] =	ssyncadd.s32 $0xFFFFF800;
	s22 =	smov.u32 s23;
	s25 =	sadd.s32 $0x100, s23  }
0x2c: {  	[tilespmem:s3], [sflag:$0x1] =	stream.linear.gather [hbm4b:s24+s3], $0x800, $0x38;
	[tilespmem:$0x2870] =	vst v63  }
0x2d: {  	p5 =	sne.s32 s23, $0x1800;
	_ =	swait.ge [sflag:s17], $0x800  }
.Ltmp1:
0x2e: {  	[sflag:s17] =	ssyncset.done $0x0;
	(pc) =	sbr.rel @p5 .LBB2_4-.Ltmp1, $4  }
0x2f: {  	[sflag:s17] =	ssyncadd.s32 $0xFFFFF800  }
0x30: {  	[spmem:s2] =	stream.indirect.scatter.add.f32 [tilespmem:s18], [sflag:$0x1], $0x1, s3, s18, $0xb8;
	[tilespmem:$0x2870] =	vst v63  }
0x31: {  	_ =	swait.ge [sflag:s17], $0x800  }
0x32: {  	s23 =	smov.u32 s25;
	[sflag:s17] =	ssyncset.done $0x0  }
0x33: {  	s22 =	sadd.s32 s22, s13;
	[sflag:s17] =	ssyncadd.s32 $0xFFFFF800  }
0x34: {  	[tilespmem:s3], [sflag:$0x1] =	stream.linear.gather [hbm4b:s22+s3], $0x800, $0x38;
	[tilespmem:$0x2870] =	vst v63  }
0x35: {  	_ =	swait.ge [sflag:s17], $0x800  }
0x36: {  	[sflag:s17] =	ssyncset.done $0x0  }
0x37: {  	[sflag:s17] =	ssyncadd.s32 $0xFFFFF800  }
0x38: {  	[spmem:s2] =	stream.indirect.scatter.add.f32 [tilespmem:s18], [sflag:$0x1], $0x1, s3, s18, $0xb8;
	[tilespmem:$0x2870] =	vst v63  }
0x39: {  	_ =	swait.ge [sflag:s17], $0x800  }
0x3a: {  	[sflag:s17] =	ssyncset.done $0x0  }
0x3b: {  	[sflag:s17] =	ssyncadd.s32 $0xFFFFF800  }
0x3c: {  	s22 =	simm.s32 @!p2 $0x1FC1;
	[bflag:$0x0] =	sbarrier.arrive $0xFFFF  }
0x3d: {  	[hbm:s11], [sflag:s22] =	dma.local @!p2 [spmem:s19], $0x2F0  }
0x3e: {  	s22 =	simm.s32 @!p2 $0x1  }
0x3f: {  	_ =	swait.ge @!p2 [sflag:s22], $0x2F0  }
0x40: {  	[sflag:s22] =	ssyncset.done @!p2 $0x0  }
0x41: {  	[sflag:s22] =	ssyncadd.s32 @!p2 $0xFFFFFD10;
	s22 =	sshrl.u32 @!p1 s4, $0x3  }
0x42: {  	[hbm:s10], [sflag:s20] =	dma.local @!p1 [spmem:s22], $0x310  }
0x43: {  	s22 =	simm.s32 @!p1 $0x1  }
0x44: {  	_ =	swait.ge @!p1 [sflag:s22], $0x310  }
0x45: {  	[sflag:s22] =	ssyncset.done @!p1 $0x0  }
0x46: {  	s23 =	simm.s32 @!p3 $0x1FC1;
	[sflag:s22] =	ssyncadd.s32 @!p1 $0xFFFFFCF0;
	s22 =	sshrl.u32 @!p3 s6, $0x3  }
0x47: {  	[hbm:s9], [sflag:s23] =	dma.local @!p3 [spmem:s22], $0x2F0  }
0x48: {  	s22 =	simm.s32 @!p3 $0x1  }
0x49: {  	s21 =	sadd.s32 $0x1, s21;
	_ =	swait.ge @!p3 [sflag:s22], $0x2F0  }
0x4a: {  	p5 =	sne.s32 s21, s12;
	s23 =	sshll.u32 @!p4 s0, $0x6;
	[sflag:s22] =	ssyncset.done @!p3 $0x0  }
0x4b: {  	[sflag:s22] =	ssyncadd.s32 @!p3 $0xFFFFFD10;
	s22 =	sor.u32 @!p4 $0x1C01, s23;
	s23 =	sshrl.u32 @!p4 s4, $0x3  }
0x4c: {  	[hbm:s8], [sflag:s22] =	dma.local @!p4 [spmem:s23], $0x310  }
.Ltmp2:
0x4d: {  	_ = 	snop;
	(pc) =	sbr.rel @p5 .LBB2_1-.Ltmp2, $4  }
0x4e: {  	s22 =	simm.s32 @!p4 $0x1  }
0x4f: {  	_ =	swait.ge @!p4 [sflag:s22], $0x310  }
0x50: {  	[sflag:s22] =	ssyncset.done @!p4 $0x0  }
0x51: {  	[sflag:s22] =	ssyncadd.s32 @!p4 $0xFFFFFCF0  }
0x52: {  	_ =	sfence.sel $0x180000  }
0x53: {  	[bflag:$0x0] =	sbarrier.arrive $0xFFFF  }
0x54: {  	p0 =	sne.s32 s0, $0x0;
	_ =	strace $0x90000047  }
0x55: {  	s0 =	sadd.s32 @!p0 $0x100000, s1;
	[bflag:$0x2] =	sbarrier.arrive $0xFFFF  }
0x56: {  	[sflag:s0] =	ssyncadd.tile.s32 @!p0 $0x1;
	_ =	shalt  }
.Lfunc_end2:
_tile_overlayer_lowered:
.L_overlay_start_2:
0x57: {  	(tag) =	ssettag $0x2  }
0x58: {  	s0 =	rddreg [dreg:$0x0];
	s2 =	stileid.u32  }
0x59: {  	s1 =	rddreg [dreg:$0x1];
	p0 =	sne.s32 s2, $0x0  }
0x5a: {  	s3 =	rddreg [dreg:$0x2];
	[bflag:$0x3] =	sbarrier.arrive $0xFFFF;
	s2 =	simm.s32 @!p0 $0x1C01  }
0x5b: {  	[timem:s3], [sflag:s2] =	dma.local @!p0 [hbm:s0], s1  }
0x5c: {  	s0 =	simm.s32 @!p0 $0x1  }
0x5d: {  	_ =	swait.ge @!p0 [sflag:s0], s1  }
0x5e: {  	s1 =	ssub.s32 @!p0 $0x0, s1;
	[sflag:s0] =	ssyncset.done @!p0 $0x0  }
0x5f: {  	[sflag:s0] =	ssyncadd.s32 @!p0 s1  }
0x60: {  	[bflag:$0x3] =	sbarrier.arrive $0xFFFF  }
0x61: {  	_ =	shalt  }

</sc_bundles>
